<compile_context>
chip_gen: v7x
topology: tpu7x:2x2x1
jax: 0.10.2.dev20260603
libtpu: 0.0.44.dev20260713+nightly
codegen_flags: <defaults>
</compile_context>

<pallas_src>
import functools

import jax
import jax.numpy as jnp
from jax import lax
from jax.experimental import pallas as pl
from jax.experimental.pallas import tpu as pltpu
from jax.experimental.pallas import tpu_sc as plsc

B = 16
T_LEN = 4096
OUT_LEN = 2048
C = 128
NW = 32
ROWS_PER_W = (B * OUT_LEN) // NW
K = 128
N_CHUNKS = ROWS_PER_W // K
LANE = jnp.int32


def _bcast(vec, i):
    return jnp.full((16,), vec[i])


def _stn_body(ab_hbm, lin_hbm, sig_hbm, out_hbm,
              ab_v, lin_v, idx0_v, idx1_v, w0_v, w1_v,
              rows0_v, rows1_v, sem0, sem1):
    cid = lax.axis_index("c")
    sid = lax.axis_index("s")
    wid = cid * 16 + sid
    b = wid // 2
    jbase = (wid % 2) * ROWS_PER_W

    pltpu.sync_copy(ab_hbm.at[pl.ds(pl.multiple_of(wid * 32, 32), 32)], ab_v)
    a_vec = ab_v[pl.ds(0, 16)]
    c_vec = ab_v[pl.ds(16, 16)]
    row_base = b * T_LEN

    def chunk_fn(k, carry):
        j0 = pl.multiple_of(jbase + k * K, K)
        pltpu.sync_copy(lin_hbm.at[pl.ds(j0, K)], lin_v)

        def idx_fn(g, c2):
            s16 = pl.ds(g * 16, 16)
            lv = lin_v[s16]
            x = (a_vec * lv + c_vec) * jnp.float32(OUT_LEN)
            xt = x.astype(jnp.int32)
            xtf = xt.astype(jnp.float32)
            x0 = jnp.where(xtf > x, xt - 1, xt)
            x1 = x0 + 1
            x0c = jnp.clip(x0, 0, T_LEN - 1)
            x1c = jnp.clip(x1, 0, T_LEN - 1)
            idx0_v[s16] = row_base + x0c
            idx1_v[s16] = row_base + x1c
            w0_v[s16] = x1c.astype(jnp.float32) - x
            w1_v[s16] = x - x0c.astype(jnp.float32)
            return c2

        lax.fori_loop(0, K // 16, idx_fn, 0)

        cp0 = pltpu.async_copy(sig_hbm.at[idx0_v], rows0_v, sem0)
        cp1 = pltpu.async_copy(sig_hbm.at[idx1_v], rows1_v, sem1)
        cp0.wait()
        cp1.wait()

        def group_fn(g, c2):
            w0g = w0_v[pl.ds(g * 16, 16)]
            w1g = w1_v[pl.ds(g * 16, 16)]
            r0 = g * 16
            for i in range(16):
                w0b = _bcast(w0g, i)
                w1b = _bcast(w1g, i)
                r = r0 + i
                for sl in range(C // 16):
                    s = pl.ds(sl * 16, 16)
                    rows0_v[r, s] = w0b * rows0_v[r, s] + w1b * rows1_v[r, s]
            return c2

        lax.fori_loop(0, K // 16, group_fn, 0)

        out_r0 = pl.multiple_of(wid * ROWS_PER_W + k * K, K)
        pltpu.sync_copy(rows0_v, out_hbm.at[pl.ds(out_r0, K)])
        return carry

    lax.fori_loop(0, N_CHUNKS, chunk_fn, 0)


_stn_call = functools.partial(
    pl.kernel,
    mesh=plsc.VectorSubcoreMesh(core_axis_name="c", subcore_axis_name="s"),
    out_type=jax.ShapeDtypeStruct((B * OUT_LEN, C), jnp.float32),
    scratch_types=[
        pltpu.VMEM((32,), jnp.float32),
        pltpu.VMEM((K,), jnp.float32),
        pltpu.VMEM((K,), jnp.int32),
        pltpu.VMEM((K,), jnp.int32),
        pltpu.VMEM((K,), jnp.float32),
        pltpu.VMEM((K,), jnp.float32),
        pltpu.VMEM((K, C), jnp.float32),
        pltpu.VMEM((K, C), jnp.float32),
        pltpu.SemaphoreType.DMA,
        pltpu.SemaphoreType.DMA,
    ],
)(_stn_body)


def _round_bf16(v):
    u = lax.bitcast_convert_type(v.astype(jnp.float32), jnp.uint32)
    u = (u + jnp.uint32(0x7FFF) + ((u >> 16) & jnp.uint32(1))) & jnp.uint32(0xFFFF0000)
    return lax.bitcast_convert_type(u, jnp.float32)


def kernel(transformation, sig):
    lin = _round_bf16(jnp.linspace(0.0, 1.0, OUT_LEN, dtype=jnp.float32))
    transformation = _round_bf16(transformation)
    ab = jnp.repeat(transformation.astype(jnp.float32), 16, axis=0)
    ab = ab.reshape(B, 16, 2).transpose(0, 2, 1).reshape(-1)
    ab = ab.reshape(B, 32)
    ab = jnp.repeat(ab, 2, axis=0).reshape(-1)
    sig_flat = sig.reshape(B * T_LEN, C).astype(jnp.float32)
    out = _stn_call(ab, lin, sig_flat)
    return out.reshape(B, OUT_LEN, C)

# --- scband reference (transcript-rebuilt; emitter-appended) ---
"""Pipeline reference for scband-stn-1-d-noweights-75617194213394 (READ-ONLY COPY).

The authoritative reference and input builder live on the scoring server;
editing this copy changes nothing except your own understanding.
"""

import jax, jax.numpy as jnp
import numpy as np

OUTPUT_SIZE = (2048, 128)

def setup_inputs(seed: int = 0) -> dict:
    key = jax.random.key(seed)
    k1, k2 = jax.random.split(key)
    transformation = jax.random.normal(k1, (16, 2), dtype=jnp.float32)
    sig = jax.random.normal(k2, (16, 4096, 128), dtype=jnp.float32)
    return {"transformation": transformation, "sig": sig}

def reference(transformation, sig):
    out_len, out_ch = OUTPUT_SIZE
    B = sig.shape[0]
    t_len = sig.shape[1]
    C = sig.shape[2]
    # meshgrid: linspace [0,1] of length out_len concatenated with ones
    x_lin = jnp.linspace(0.0, 1.0, out_len)
    ones = jnp.ones_like(x_lin)
    indices_grid = jnp.concatenate([x_lin, ones], axis=0)  # (2*out_len,)
    indices_grid = jnp.tile(indices_grid, B).reshape(B, 2, out_len)
    aff = transformation.reshape(-1, 1, 2).astype(jnp.float32)
    transformed_grid = jnp.matmul(aff, indices_grid)  # (B, 1, out_len)
    x = transformed_grid.reshape(-1)
    # interpolate
    x = x.astype(jnp.float32) * jnp.float32(out_len)
    x0 = jnp.floor(x).astype(jnp.int32)
    x1 = x0 + 1
    max_x = t_len - 1
    x0c = jnp.clip(x0, 0, max_x)
    x1c = jnp.clip(x1, 0, max_x)
    pts_batch = jnp.arange(B, dtype=jnp.int32) * t_len
    base = jnp.repeat(pts_batch, out_len)
    ind_0 = base + x0c
    ind_1 = base + x1c
    flat_signal = sig.reshape(-1, C).astype(jnp.float32)
    pts_values_0 = jnp.take(flat_signal, ind_0, axis=0)
    pts_values_1 = jnp.take(flat_signal, ind_1, axis=0)
    x0f = x0c.astype(jnp.float32)
    x1f = x1c.astype(jnp.float32)
    w_0 = jnp.expand_dims(x1f - x, 1)
    w_1 = jnp.expand_dims(x - x0f, 1)
    output = w_0 * pts_values_0 + w_1 * pts_values_1
    output = output.reshape(-1, out_len, out_ch)
    return output

if __name__ == "__main__":
    import jax
    _d = setup_inputs()
    print(jax.jit(kernel)(*tuple(_d.values())))

</pallas_src>

<mosaic_0001>
#map = affine_map<(d0, d1) -> (0)>
#map1 = affine_map<(d0, d1) -> (0, 0)>
module attributes {stable_mosaic.version = 14 : i64} {
  func.func @_stn_body(%arg0: i32, %arg1: i32, %arg2: memref<1024xf32, #tpu.memory_space<hbm>>, %arg3: memref<2048xf32, #tpu.memory_space<hbm>>, %arg4: memref<65536x128xf32, #tpu.memory_space<hbm>>, %arg5: memref<32768x128xf32, #tpu.memory_space<hbm>>, %arg6: memref<32xf32, #tpu.memory_space<vmem>>, %arg7: memref<128xf32, #tpu.memory_space<vmem>>, %arg8: memref<128xi32, #tpu.memory_space<vmem>>, %arg9: memref<128xi32, #tpu.memory_space<vmem>>, %arg10: memref<128xf32, #tpu.memory_space<vmem>>, %arg11: memref<128xf32, #tpu.memory_space<vmem>>, %arg12: memref<128x128xf32, #tpu.memory_space<vmem>>, %arg13: memref<128x128xf32, #tpu.memory_space<vmem>>, %arg14: memref<!tpu.dma_semaphore, #tpu.memory_space<semaphore_mem>>, %arg15: memref<!tpu.dma_semaphore, #tpu.memory_space<semaphore_mem>>) attributes {dimension_semantics = [#tpu.dimension_semantics<core_parallel>, #tpu.dimension_semantics<subcore_parallel>], iteration_bounds = array<i64: 2, 16>, scalar_prefetch = 0 : i64, scratch_operands = 10 : i64, tpu.core_type = #tpu.core_type<sc_vector_subcore>, window_params = [{transform_indices = #map}, {transform_indices = #map}, {transform_indices = #map1}, {transform_indices = #map1}]} {
    %mul3A = arith.constant 16 : i32
    %mul3A_0 = arith.muli %arg0, %mul3A : i32
    %add3A = arith.addi %mul3A_0, %arg1 : i32
    %jit3A = arith.constant 2 : i32
    %div3A = arith.divsi %add3A, %jit3A : i32
    %sign3A = arith.constant 0 : i32
    %sign3A_1 = arith.cmpi sgt, %add3A, %sign3A : i32
    %sign3A_2 = arith.extui %sign3A_1 : i1 to i32
    %sign3A_3 = arith.constant 0 : i32
    %sign3A_4 = arith.cmpi slt, %add3A, %sign3A_3 : i32
    %sign3A_5 = arith.extui %sign3A_4 : i1 to i32
    %sign3A_6 = arith.subi %sign3A_2, %sign3A_5 : i32
    %sign3A_7 = arith.constant 0 : i32
    %sign3A_8 = arith.cmpi sgt, %jit3A, %sign3A_7 : i32
    %sign3A_9 = arith.extui %sign3A_8 : i1 to i32
    %sign3A_10 = arith.constant 0 : i32
    %sign3A_11 = arith.cmpi slt, %jit3A, %sign3A_10 : i32
    %sign3A_12 = arith.extui %sign3A_11 : i1 to i32
    %sign3A_13 = arith.subi %sign3A_9, %sign3A_12 : i32
    %ne3A = arith.cmpi ne, %sign3A_6, %sign3A_13 : i32
    %rem3A = arith.remsi %add3A, %jit3A : i32
    %ne3A_14 = arith.constant 0 : i32
    %ne3A_15 = arith.cmpi ne, %rem3A, %ne3A_14 : i32
    %and3A = arith.andi %ne3A, %ne3A_15 : i1
    %sub3A = arith.constant 1 : i32
    %sub3A_16 = arith.subi %div3A, %sub3A : i32
    %select_n3A = arith.select %and3A, %sub3A_16, %div3A : i32
    %jit3A_17 = arith.constant 2 : i32
    %eq3A = arith.constant 0 : i32
    %eq3A_18 = arith.cmpi eq, %jit3A_17, %eq3A : i32
    %jit3A_19 = arith.constant 1 : i32
    %select_n3A_20 = arith.select %eq3A_18, %jit3A_19, %jit3A_17 : i32
    %rem3A_21 = arith.remsi %add3A, %select_n3A_20 : i32
    %ne3A_22 = arith.constant 0 : i32
    %ne3A_23 = arith.cmpi ne, %rem3A_21, %ne3A_22 : i32
    %lt3A = arith.constant 0 : i32
    %lt3A_24 = arith.cmpi slt, %rem3A_21, %lt3A : i32
    %lt3A_25 = arith.constant 0 : i32
    %lt3A_26 = arith.cmpi slt, %select_n3A_20, %lt3A_25 : i32
    %ne3A_27 = arith.xori %lt3A_24, %lt3A_26 : i1
    %and3A_28 = arith.andi %ne3A_27, %ne3A_23 : i1
    %add3A_29 = arith.addi %rem3A_21, %select_n3A_20 : i32
    %select_n3A_30 = arith.select %and3A_28, %add3A_29, %rem3A_21 : i32
    %mul3A_31 = arith.constant 1024 : i32
    %mul3A_32 = arith.muli %select_n3A_30, %mul3A_31 : i32
    %mul3A_33 = arith.constant 32 : i32
    %mul3A_34 = arith.muli %add3A, %mul3A_33 : i32
    %multiple_of3A = tpu.assume_multiple %mul3A_34, 32 : i32
    "tpu.region"() ({
      %run_scoped3A = tpu.sem_alloc : memref<!tpu.dma_semaphore, #tpu.memory_space<semaphore_mem>>
      %dma_start3A = tpu.memref_slice %arg2[%multiple_of3A] : memref<1024xf32, #tpu.memory_space<hbm>> -> memref<32xf32, #tpu.memory_space<hbm>>
      %dma_start3A_47 = tpu.memref_slice %arg2[%multiple_of3A] : memref<1024xf32, #tpu.memory_space<hbm>> -> memref<32xf32, #tpu.memory_space<hbm>>
      tpu.enqueue_dma source(%dma_start3A_47 : memref<32xf32, #tpu.memory_space<hbm>>) target(%arg6 : memref<32xf32, #tpu.memory_space<vmem>>) target_semaphore(%run_scoped3A : memref<!tpu.dma_semaphore, #tpu.memory_space<semaphore_mem>>)
      %dma_wait3A = tpu.memref_slice %arg2[%multiple_of3A] : memref<1024xf32, #tpu.memory_space<hbm>> -> memref<32xf32, #tpu.memory_space<hbm>>
      %dma_wait3A_48 = tpu.memref_slice %arg2[%multiple_of3A] : memref<1024xf32, #tpu.memory_space<hbm>> -> memref<32xf32, #tpu.memory_space<hbm>>
      tpu.wait_dma2 semaphore(%run_scoped3A : memref<!tpu.dma_semaphore, #tpu.memory_space<semaphore_mem>>) src(%dma_wait3A_48 : memref<32xf32, #tpu.memory_space<hbm>>) dst(%arg6 : memref<32xf32, #tpu.memory_space<vmem>>)
      tpu.yield
    }) : () -> ()
    %get3A = arith.constant 0 : index
    %get3A_35 = tpu.vector_load %arg6[%get3A] {strides = array<i32>} : memref<32xf32, #tpu.memory_space<vmem>>, vector<16xf32>,
    %get3A_36 = vector.shape_cast %get3A_35 : vector<16xf32> to vector<16xf32>
    %get3A_37 = arith.constant 16 : index
    %get3A_38 = tpu.vector_load %arg6[%get3A_37] {strides = array<i32>} : memref<32xf32, #tpu.memory_space<vmem>>, vector<16xf32>,
    %get3A_39 = vector.shape_cast %get3A_38 : vector<16xf32> to vector<16xf32>
    %mul3A_40 = arith.constant 4096 : i32
    %mul3A_41 = arith.muli %select_n3A, %mul3A_40 : i32
    %scan3A = arith.constant 0 : i32
    %scan3A_42 = arith.constant 0 : i32
    %scan3A_43 = arith.constant 8 : i32
    %scan3A_44 = arith.addi %scan3A_42, %scan3A_43 : i32
    %scan3A_45 = arith.constant 1 : i32
    scf.for %scan3A_47 = %scan3A_42 to %scan3A_44 step %scan3A_45  : i32 {
      %mul3A_48 = arith.constant 128 : i32
      %mul3A_49 = arith.muli %scan3A_47, %mul3A_48 : i32
      %add3A_50 = arith.addi %mul3A_32, %mul3A_49 : i32
      %multiple_of3A_51 = tpu.assume_multiple %add3A_50, 128 : i32
      "tpu.region"() ({
        %run_scoped3A = tpu.sem_alloc : memref<!tpu.dma_semaphore, #tpu.memory_space<semaphore_mem>>
        %dma_start3A_80 = tpu.memref_slice %arg3[%multiple_of3A_51] : memref<2048xf32, #tpu.memory_space<hbm>> -> memref<128xf32, #tpu.memory_space<hbm>>
        %dma_start3A_81 = tpu.memref_slice %arg3[%multiple_of3A_51] : memref<2048xf32, #tpu.memory_space<hbm>> -> memref<128xf32, #tpu.memory_space<hbm>>
        tpu.enqueue_dma source(%dma_start3A_81 : memref<128xf32, #tpu.memory_space<hbm>>) target(%arg7 : memref<128xf32, #tpu.memory_space<vmem>>) target_semaphore(%run_scoped3A : memref<!tpu.dma_semaphore, #tpu.memory_space<semaphore_mem>>)
        %dma_wait3A_82 = tpu.memref_slice %arg3[%multiple_of3A_51] : memref<2048xf32, #tpu.memory_space<hbm>> -> memref<128xf32, #tpu.memory_space<hbm>>
        %dma_wait3A_83 = tpu.memref_slice %arg3[%multiple_of3A_51] : memref<2048xf32, #tpu.memory_space<hbm>> -> memref<128xf32, #tpu.memory_space<hbm>>
        tpu.wait_dma2 semaphore(%run_scoped3A : memref<!tpu.dma_semaphore, #tpu.memory_space<semaphore_mem>>) src(%dma_wait3A_83 : memref<128xf32, #tpu.memory_space<hbm>>) dst(%arg7 : memref<128xf32, #tpu.memory_space<vmem>>)
        tpu.yield
      }) : () -> ()
      %scan3A_52 = arith.constant 0 : i32
      %scan3A_53 = arith.constant 0 : i32
      %scan3A_54 = arith.constant 8 : i32
      %scan3A_55 = arith.addi %scan3A_53, %scan3A_54 : i32
      %scan3A_56 = arith.constant 1 : i32
      scf.for %scan3A_80 = %scan3A_53 to %scan3A_55 step %scan3A_56  : i32 {
        %mul3A_81 = arith.constant 16 : i32
        %mul3A_82 = arith.muli %scan3A_80, %mul3A_81 : i32
        %get3A_83 = arith.index_cast %mul3A_82 : i32 to index
        %get3A_84 = tpu.vector_load %arg7[%get3A_83] {strides = array<i32>} : memref<128xf32, #tpu.memory_space<vmem>>, vector<16xf32>,
        %get3A_85 = vector.shape_cast %get3A_84 : vector<16xf32> to vector<16xf32>
        %mul3A_86 = arith.mulf %get3A_36, %get3A_85 : vector<16xf32>
        %add3A_87 = arith.addf %mul3A_86, %get3A_39 : vector<16xf32>
        %mul3A_88 = arith.constant 2.048000e+03 : f32
        %mul3A_89 = vector.broadcast %mul3A_88 : f32 to vector<16xf32>
        %mul3A_90 = arith.mulf %add3A_87, %mul3A_89 : vector<16xf32>
        %convert_element_type3A = arith.fptosi %mul3A_90 : vector<16xf32> to vector<16xi32>
        %convert_element_type3A_91 = arith.sitofp %convert_element_type3A : vector<16xi32> to vector<16xf32>
        %gt3A = arith.cmpf ogt, %convert_element_type3A_91, %mul3A_90 : vector<16xf32>
        %sub3A_92 = arith.constant 1 : i32
        %sub3A_93 = vector.broadcast %sub3A_92 : i32 to vector<16xi32>
        %sub3A_94 = arith.subi %convert_element_type3A, %sub3A_93 : vector<16xi32>
        %select_n3A_95 = arith.select %gt3A, %sub3A_94, %convert_element_type3A : vector<16xi1>, vector<16xi32>
        %add3A_96 = arith.constant 1 : i32
        %add3A_97 = vector.broadcast %add3A_96 : i32 to vector<16xi32>
        %add3A_98 = arith.addi %select_n3A_95, %add3A_97 : vector<16xi32>
        %jit3A_99 = arith.constant 0 : i32
        %jit3A_100 = arith.constant 4095 : i32
        %max3A = vector.broadcast %jit3A_99 : i32 to vector<16xi32>
        %max3A_101 = arith.maxsi %max3A, %select_n3A_95 : vector<16xi32>
        %min3A = vector.broadcast %jit3A_100 : i32 to vector<16xi32>
        %min3A_102 = arith.minsi %min3A, %max3A_101 : vector<16xi32>
        %jit3A_103 = arith.constant 0 : i32
        %jit3A_104 = arith.constant 4095 : i32
        %max3A_105 = vector.broadcast %jit3A_103 : i32 to vector<16xi32>
        %max3A_106 = arith.maxsi %max3A_105, %add3A_98 : vector<16xi32>
        %min3A_107 = vector.broadcast %jit3A_104 : i32 to vector<16xi32>
        %min3A_108 = arith.minsi %min3A_107, %max3A_106 : vector<16xi32>
        %add3A_109 = vector.broadcast %mul3A_41 : i32 to vector<16xi32>
        %add3A_110 = arith.addi %add3A_109, %min3A_102 : vector<16xi32>
        %swap3A = arith.index_cast %mul3A_82 : i32 to index
        %swap3A_111 = tpu.vector_load %arg8[%swap3A] {strides = array<i32>} : memref<128xi32, #tpu.memory_space<vmem>>, vector<16xi32>,
        %swap3A_112 = vector.shape_cast %swap3A_111 : vector<16xi32> to vector<16xi32>
        %swap3A_113 = vector.shape_cast %add3A_110 : vector<16xi32> to vector<16xi32>
        tpu.vector_store %arg8[%swap3A], %swap3A_113 {strides = array<i32>} : memref<128xi32, #tpu.memory_space<vmem>>, vector<16xi32>,
        %add3A_114 = vector.broadcast %mul3A_41 : i32 to vector<16xi32>
        %add3A_115 = arith.addi %add3A_114, %min3A_108 : vector<16xi32>
        %swap3A_116 = arith.index_cast %mul3A_82 : i32 to index
        %swap3A_117 = tpu.vector_load %arg9[%swap3A_116] {strides = array<i32>} : memref<128xi32, #tpu.memory_space<vmem>>, vector<16xi32>,
        %swap3A_118 = vector.shape_cast %swap3A_117 : vector<16xi32> to vector<16xi32>
        %swap3A_119 = vector.shape_cast %add3A_115 : vector<16xi32> to vector<16xi32>
        tpu.vector_store %arg9[%swap3A_116], %swap3A_119 {strides = array<i32>} : memref<128xi32, #tpu.memory_space<vmem>>, vector<16xi32>,
        %convert_element_type3A_120 = arith.sitofp %min3A_108 : vector<16xi32> to vector<16xf32>
        %sub3A_121 = arith.subf %convert_element_type3A_120, %mul3A_90 : vector<16xf32>
        %swap3A_122 = arith.index_cast %mul3A_82 : i32 to index
        %swap3A_123 = tpu.vector_load %arg10[%swap3A_122] {strides = array<i32>} : memref<128xf32, #tpu.memory_space<vmem>>, vector<16xf32>,
        %swap3A_124 = vector.shape_cast %swap3A_123 : vector<16xf32> to vector<16xf32>
        %swap3A_125 = vector.shape_cast %sub3A_121 : vector<16xf32> to vector<16xf32>
        tpu.vector_store %arg10[%swap3A_122], %swap3A_125 {strides = array<i32>} : memref<128xf32, #tpu.memory_space<vmem>>, vector<16xf32>,
        %convert_element_type3A_126 = arith.sitofp %min3A_102 : vector<16xi32> to vector<16xf32>
        %sub3A_127 = arith.subf %mul3A_90, %convert_element_type3A_126 : vector<16xf32>
        %swap3A_128 = arith.index_cast %mul3A_82 : i32 to index
        %swap3A_129 = tpu.vector_load %arg11[%swap3A_128] {strides = array<i32>} : memref<128xf32, #tpu.memory_space<vmem>>, vector<16xf32>,
        %swap3A_130 = vector.shape_cast %swap3A_129 : vector<16xf32> to vector<16xf32>
        %swap3A_131 = vector.shape_cast %sub3A_127 : vector<16xf32> to vector<16xf32>
        tpu.vector_store %arg11[%swap3A_128], %swap3A_131 {strides = array<i32>} : memref<128xf32, #tpu.memory_space<vmem>>, vector<16xf32>,
      }
      %scan3A_57 = arith.constant 8 : i32
      %dma_start3A = arith.constant 0 : i32
      %dma_start3A_58 = arith.constant 0 : i32
      %dma_start3A_59 = tpu.memref_slice %arg4[%dma_start3A, %dma_start3A_58] : memref<65536x128xf32, #tpu.memory_space<hbm>> -> memref<65536x128xf32, #tpu.memory_space<hbm>>
      tpu.enqueue_indirect_dma source(%dma_start3A_59 : memref<65536x128xf32, #tpu.memory_space<hbm>>) target(%arg12 : memref<128x128xf32, #tpu.memory_space<vmem>>) offsets(%arg8 : memref<128xi32, #tpu.memory_space<vmem>>) semaphore(%arg14 : memref<!tpu.dma_semaphore, #tpu.memory_space<semaphore_mem>>)
      %dma_start3A_60 = arith.constant 0 : i32
      %dma_start3A_61 = arith.constant 0 : i32
      %dma_start3A_62 = tpu.memref_slice %arg4[%dma_start3A_60, %dma_start3A_61] : memref<65536x128xf32, #tpu.memory_space<hbm>> -> memref<65536x128xf32, #tpu.memory_space<hbm>>
      tpu.enqueue_indirect_dma source(%dma_start3A_62 : memref<65536x128xf32, #tpu.memory_space<hbm>>) target(%arg13 : memref<128x128xf32, #tpu.memory_space<vmem>>) offsets(%arg9 : memref<128xi32, #tpu.memory_space<vmem>>) semaphore(%arg15 : memref<!tpu.dma_semaphore, #tpu.memory_space<semaphore_mem>>)
      %dma_wait3A = arith.constant 0 : i32
      %dma_wait3A_63 = arith.constant 0 : i32
      %dma_wait3A_64 = tpu.memref_slice %arg4[%dma_wait3A, %dma_wait3A_63] : memref<65536x128xf32, #tpu.memory_space<hbm>> -> memref<65536x128xf32, #tpu.memory_space<hbm>>
      tpu.wait_indirect_dma semaphore(%arg14 : memref<!tpu.dma_semaphore, #tpu.memory_space<semaphore_mem>>) src(%dma_wait3A_64 : memref<65536x128xf32, #tpu.memory_space<hbm>>) dst(%arg12 : memref<128x128xf32, #tpu.memory_space<vmem>>)
      %dma_wait3A_65 = arith.constant 0 : i32
      %dma_wait3A_66 = arith.constant 0 : i32
      %dma_wait3A_67 = tpu.memref_slice %arg4[%dma_wait3A_65, %dma_wait3A_66] : memref<65536x128xf32, #tpu.memory_space<hbm>> -> memref<65536x128xf32, #tpu.memory_space<hbm>>
      tpu.wait_indirect_dma semaphore(%arg15 : memref<!tpu.dma_semaphore, #tpu.memory_space<semaphore_mem>>) src(%dma_wait3A_67 : memref<65536x128xf32, #tpu.memory_space<hbm>>) dst(%arg13 : memref<128x128xf32, #tpu.memory_space<vmem>>)
      %scan3A_68 = arith.constant 0 : i32
      %scan3A_69 = arith.constant 0 : i32
      %scan3A_70 = arith.constant 8 : i32
      %scan3A_71 = arith.addi %scan3A_69, %scan3A_70 : i32
      %scan3A_72 = arith.constant 1 : i32
      scf.for %scan3A_80 = %scan3A_69 to %scan3A_71 step %scan3A_72  : i32 {
        %mul3A_81 = arith.constant 16 : i32
        %mul3A_82 = arith.muli %scan3A_80, %mul3A_81 : i32
        %get3A_83 = arith.index_cast %mul3A_82 : i32 to index
        %get3A_84 = tpu.vector_load %arg10[%get3A_83] {strides = array<i32>} : memref<128xf32, #tpu.memory_space<vmem>>, vector<16xf32>,
        %get3A_85 = vector.shape_cast %get3A_84 : vector<16xf32> to vector<16xf32>
        %mul3A_86 = arith.constant 16 : i32
        %mul3A_87 = arith.muli %scan3A_80, %mul3A_86 : i32
        %get3A_88 = arith.index_cast %mul3A_87 : i32 to index
        %get3A_89 = tpu.vector_load %arg11[%get3A_88] {strides = array<i32>} : memref<128xf32, #tpu.memory_space<vmem>>, vector<16xf32>,
        %get3A_90 = vector.shape_cast %get3A_89 : vector<16xf32> to vector<16xf32>
        %mul3A_91 = arith.constant 16 : i32
        %mul3A_92 = arith.muli %scan3A_80, %mul3A_91 : i32
        %slice3A = vector.extract_strided_slice %get3A_85 {offsets = [0], sizes = [1], strides = [1]} : vector<16xf32> to vector<1xf32>
        %squeeze3A = vector.extract %slice3A[0] : f32 from vector<1xf32>
        %broadcast_in_dim3A = vector.broadcast %squeeze3A : f32 to vector<16xf32>
        %slice3A_93 = vector.extract_strided_slice %get3A_90 {offsets = [0], sizes = [1], strides = [1]} : vector<16xf32> to vector<1xf32>
        %squeeze3A_94 = vector.extract %slice3A_93[0] : f32 from vector<1xf32>
        %broadcast_in_dim3A_95 = vector.broadcast %squeeze3A_94 : f32 to vector<16xf32>
        %add3A_96 = arith.constant 0 : i32
        %add3A_97 = arith.addi %mul3A_92, %add3A_96 : i32
        %get3A_98 = arith.index_cast %add3A_97 : i32 to index
        %get3A_99 = arith.constant 0 : index
        %get3A_100 = tpu.vector_load %arg12[%get3A_98, %get3A_99] {strides = array<i32>} : memref<128x128xf32, #tpu.memory_space<vmem>>, vector<1x16xf32>,
        %get3A_101 = vector.shape_cast %get3A_100 : vector<1x16xf32> to vector<16xf32>
        %mul3A_102 = arith.mulf %broadcast_in_dim3A, %get3A_101 : vector<16xf32>
        %get3A_103 = arith.index_cast %add3A_97 : i32 to index
        %get3A_104 = arith.constant 0 : index
        %get3A_105 = tpu.vector_load %arg13[%get3A_103, %get3A_104] {strides = array<i32>} : memref<128x128xf32, #tpu.memory_space<vmem>>, vector<1x16xf32>,
        %get3A_106 = vector.shape_cast %get3A_105 : vector<1x16xf32> to vector<16xf32>
        %mul3A_107 = arith.mulf %broadcast_in_dim3A_95, %get3A_106 : vector<16xf32>
        %add3A_108 = arith.addf %mul3A_102, %mul3A_107 : vector<16xf32>
        %swap3A = arith.index_cast %add3A_97 : i32 to index
        %swap3A_109 = arith.constant 0 : index
        %swap3A_110 = tpu.vector_load %arg12[%swap3A, %swap3A_109] {strides = array<i32>} : memref<128x128xf32, #tpu.memory_space<vmem>>, vector<1x16xf32>,
        %swap3A_111 = vector.shape_cast %swap3A_110 : vector<1x16xf32> to vector<16xf32>
        %swap3A_112 = vector.shape_cast %add3A_108 : vector<16xf32> to vector<1x16xf32>
        tpu.vector_store %arg12[%swap3A, %swap3A_109], %swap3A_112 {strides = array<i32>} : memref<128x128xf32, #tpu.memory_space<vmem>>, vector<1x16xf32>,
        %get3A_113 = arith.index_cast %add3A_97 : i32 to index
        %get3A_114 = arith.constant 16 : index
        %get3A_115 = tpu.vector_load %arg12[%get3A_113, %get3A_114] {strides = array<i32>} : memref<128x128xf32, #tpu.memory_space<vmem>>, vector<1x16xf32>,
        %get3A_116 = vector.shape_cast %get3A_115 : vector<1x16xf32> to vector<16xf32>
        %mul3A_117 = arith.mulf %broadcast_in_dim3A, %get3A_116 : vector<16xf32>
        %get3A_118 = arith.index_cast %add3A_97 : i32 to index
        %get3A_119 = arith.constant 16 : index
        %get3A_120 = tpu.vector_load %arg13[%get3A_118, %get3A_119] {strides = array<i32>} : memref<128x128xf32, #tpu.memory_space<vmem>>, vector<1x16xf32>,
        %get3A_121 = vector.shape_cast %get3A_120 : vector<1x16xf32> to vector<16xf32>
        %mul3A_122 = arith.mulf %broadcast_in_dim3A_95, %get3A_121 : vector<16xf32>
        %add3A_123 = arith.addf %mul3A_117, %mul3A_122 : vector<16xf32>
        %swap3A_124 = arith.index_cast %add3A_97 : i32 to index
        %swap3A_125 = arith.constant 16 : index
        %swap3A_126 = tpu.vector_load %arg12[%swap3A_124, %swap3A_125] {strides = array<i32>} : memref<128x128xf32, #tpu.memory_space<vmem>>, vector<1x16xf32>,
        %swap3A_127 = vector.shape_cast %swap3A_126 : vector<1x16xf32> to vector<16xf32>
        %swap3A_128 = vector.shape_cast %add3A_123 : vector<16xf32> to vector<1x16xf32>
        tpu.vector_store %arg12[%swap3A_124, %swap3A_125], %swap3A_128 {strides = array<i32>} : memref<128x128xf32, #tpu.memory_space<vmem>>, vector<1x16xf32>,
        %get3A_129 = arith.index_cast %add3A_97 : i32 to index
        %get3A_130 = arith.constant 32 : index
        %get3A_131 = tpu.vector_load %arg12[%get3A_129, %get3A_130] {strides = array<i32>} : memref<128x128xf32, #tpu.memory_space<vmem>>, vector<1x16xf32>,
        %get3A_132 = vector.shape_cast %get3A_131 : vector<1x16xf32> to vector<16xf32>
        %mul3A_133 = arith.mulf %broadcast_in_dim3A, %get3A_132 : vector<16xf32>
        %get3A_134 = arith.index_cast %add3A_97 : i32 to index
        %get3A_135 = arith.constant 32 : index
        %get3A_136 = tpu.vector_load %arg13[%get3A_134, %get3A_135] {strides = array<i32>} : memref<128x128xf32, #tpu.memory_space<vmem>>, vector<1x16xf32>,
        %get3A_137 = vector.shape_cast %get3A_136 : vector<1x16xf32> to vector<16xf32>
        %mul3A_138 = arith.mulf %broadcast_in_dim3A_95, %get3A_137 : vector<16xf32>
        %add3A_139 = arith.addf %mul3A_133, %mul3A_138 : vector<16xf32>
        %swap3A_140 = arith.index_cast %add3A_97 : i32 to index
        %swap3A_141 = arith.constant 32 : index
        %swap3A_142 = tpu.vector_load %arg12[%swap3A_140, %swap3A_141] {strides = array<i32>} : memref<128x128xf32, #tpu.memory_space<vmem>>, vector<1x16xf32>,
        %swap3A_143 = vector.shape_cast %swap3A_142 : vector<1x16xf32> to vector<16xf32>
        %swap3A_144 = vector.shape_cast %add3A_139 : vector<16xf32> to vector<1x16xf32>
        tpu.vector_store %arg12[%swap3A_140, %swap3A_141], %swap3A_144 {strides = array<i32>} : memref<128x128xf32, #tpu.memory_space<vmem>>, vector<1x16xf32>,
        %get3A_145 = arith.index_cast %add3A_97 : i32 to index
        %get3A_146 = arith.constant 48 : index
        %get3A_147 = tpu.vector_load %arg12[%get3A_145, %get3A_146] {strides = array<i32>} : memref<128x128xf32, #tpu.memory_space<vmem>>, vector<1x16xf32>,
        %get3A_148 = vector.shape_cast %get3A_147 : vector<1x16xf32> to vector<16xf32>
        %mul3A_149 = arith.mulf %broadcast_in_dim3A, %get3A_148 : vector<16xf32>
        %get3A_150 = arith.index_cast %add3A_97 : i32 to index
        %get3A_151 = arith.constant 48 : index
        %get3A_152 = tpu.vector_load %arg13[%get3A_150, %get3A_151] {strides = array<i32>} : memref<128x128xf32, #tpu.memory_space<vmem>>, vector<1x16xf32>,
        %get3A_153 = vector.shape_cast %get3A_152 : vector<1x16xf32> to vector<16xf32>
        %mul3A_154 = arith.mulf %broadcast_in_dim3A_95, %get3A_153 : vector<16xf32>
        %add3A_155 = arith.addf %mul3A_149, %mul3A_154 : vector<16xf32>
        %swap3A_156 = arith.index_cast %add3A_97 : i32 to index
        %swap3A_157 = arith.constant 48 : index
        %swap3A_158 = tpu.vector_load %arg12[%swap3A_156, %swap3A_157] {strides = array<i32>} : memref<128x128xf32, #tpu.memory_space<vmem>>, vector<1x16xf32>,
        %swap3A_159 = vector.shape_cast %swap3A_158 : vector<1x16xf32> to vector<16xf32>
        %swap3A_160 = vector.shape_cast %add3A_155 : vector<16xf32> to vector<1x16xf32>
        tpu.vector_store %arg12[%swap3A_156, %swap3A_157], %swap3A_160 {strides = array<i32>} : memref<128x128xf32, #tpu.memory_space<vmem>>, vector<1x16xf32>,
        %get3A_161 = arith.index_cast %add3A_97 : i32 to index
        %get3A_162 = arith.constant 64 : index
        %get3A_163 = tpu.vector_load %arg12[%get3A_161, %get3A_162] {strides = array<i32>} : memref<128x128xf32, #tpu.memory_space<vmem>>, vector<1x16xf32>,
        %get3A_164 = vector.shape_cast %get3A_163 : vector<1x16xf32> to vector<16xf32>
        %mul3A_165 = arith.mulf %broadcast_in_dim3A, %get3A_164 : vector<16xf32>
        %get3A_166 = arith.index_cast %add3A_97 : i32 to index
        %get3A_167 = arith.constant 64 : index
        %get3A_168 = tpu.vector_load %arg13[%get3A_166, %get3A_167] {strides = array<i32>} : memref<128x128xf32, #tpu.memory_space<vmem>>, vector<1x16xf32>,
        %get3A_169 = vector.shape_cast %get3A_168 : vector<1x16xf32> to vector<16xf32>
        %mul3A_170 = arith.mulf %broadcast_in_dim3A_95, %get3A_169 : vector<16xf32>
        %add3A_171 = arith.addf %mul3A_165, %mul3A_170 : vector<16xf32>
        %swap3A_172 = arith.index_cast %add3A_97 : i32 to index
        %swap3A_173 = arith.constant 64 : index
        %swap3A_174 = tpu.vector_load %arg12[%swap3A_172, %swap3A_173] {strides = array<i32>} : memref<128x128xf32, #tpu.memory_space<vmem>>, vector<1x16xf32>,
        %swap3A_175 = vector.shape_cast %swap3A_174 : vector<1x16xf32> to vector<16xf32>
        %swap3A_176 = vector.shape_cast %add3A_171 : vector<16xf32> to vector<1x16xf32>
        tpu.vector_store %arg12[%swap3A_172, %swap3A_173], %swap3A_176 {strides = array<i32>} : memref<128x128xf32, #tpu.memory_space<vmem>>, vector<1x16xf32>,
        %get3A_177 = arith.index_cast %add3A_97 : i32 to index
        %get3A_178 = arith.constant 80 : index
        %get3A_179 = tpu.vector_load %arg12[%get3A_177, %get3A_178] {strides = array<i32>} : memref<128x128xf32, #tpu.memory_space<vmem>>, vector<1x16xf32>,
        %get3A_180 = vector.shape_cast %get3A_179 : vector<1x16xf32> to vector<16xf32>
        %mul3A_181 = arith.mulf %broadcast_in_dim3A, %get3A_180 : vector<16xf32>
        %get3A_182 = arith.index_cast %add3A_97 : i32 to index
        %get3A_183 = arith.constant 80 : index
        %get3A_184 = tpu.vector_load %arg13[%get3A_182, %get3A_183] {strides = array<i32>} : memref<128x128xf32, #tpu.memory_space<vmem>>, vector<1x16xf32>,
        %get3A_185 = vector.shape_cast %get3A_184 : vector<1x16xf32> to vector<16xf32>
        %mul3A_186 = arith.mulf %broadcast_in_dim3A_95, %get3A_185 : vector<16xf32>
        %add3A_187 = arith.addf %mul3A_181, %mul3A_186 : vector<16xf32>
        %swap3A_188 = arith.index_cast %add3A_97 : i32 to index
        %swap3A_189 = arith.constant 80 : index
        %swap3A_190 = tpu.vector_load %arg12[%swap3A_188, %swap3A_189] {strides = array<i32>} : memref<128x128xf32, #tpu.memory_space<vmem>>, vector<1x16xf32>,
        %swap3A_191 = vector.shape_cast %swap3A_190 : vector<1x16xf32> to vector<16xf32>
        %swap3A_192 = vector.shape_cast %add3A_187 : vector<16xf32> to vector<1x16xf32>
        tpu.vector_store %arg12[%swap3A_188, %swap3A_189], %swap3A_192 {strides = array<i32>} : memref<128x128xf32, #tpu.memory_space<vmem>>, vector<1x16xf32>,
        %get3A_193 = arith.index_cast %add3A_97 : i32 to index
        %get3A_194 = arith.constant 96 : index
        %get3A_195 = tpu.vector_load %arg12[%get3A_193, %get3A_194] {strides = array<i32>} : memref<128x128xf32, #tpu.memory_space<vmem>>, vector<1x16xf32>,
        %get3A_196 = vector.shape_cast %get3A_195 : vector<1x16xf32> to vector<16xf32>
        %mul3A_197 = arith.mulf %broadcast_in_dim3A, %get3A_196 : vector<16xf32>
        %get3A_198 = arith.index_cast %add3A_97 : i32 to index
        %get3A_199 = arith.constant 96 : index
        %get3A_200 = tpu.vector_load %arg13[%get3A_198, %get3A_199] {strides = array<i32>} : memref<128x128xf32, #tpu.memory_space<vmem>>, vector<1x16xf32>,
        %get3A_201 = vector.shape_cast %get3A_200 : vector<1x16xf32> to vector<16xf32>
        %mul3A_202 = arith.mulf %broadcast_in_dim3A_95, %get3A_201 : vector<16xf32>
        %add3A_203 = arith.addf %mul3A_197, %mul3A_202 : vector<16xf32>
        %swap3A_204 = arith.index_cast %add3A_97 : i32 to index
        %swap3A_205 = arith.constant 96 : index
        %swap3A_206 = tpu.vector_load %arg12[%swap3A_204, %swap3A_205] {strides = array<i32>} : memref<128x128xf32, #tpu.memory_space<vmem>>, vector<1x16xf32>,
        %swap3A_207 = vector.shape_cast %swap3A_206 : vector<1x16xf32> to vector<16xf32>
        %swap3A_208 = vector.shape_cast %add3A_203 : vector<16xf32> to vector<1x16xf32>
        tpu.vector_store %arg12[%swap3A_204, %swap3A_205], %swap3A_208 {strides = array<i32>} : memref<128x128xf32, #tpu.memory_space<vmem>>, vector<1x16xf32>,
        %get3A_209 = arith.index_cast %add3A_97 : i32 to index
        %get3A_210 = arith.constant 112 : index
        %get3A_211 = tpu.vector_load %arg12[%get3A_209, %get3A_210] {strides = array<i32>} : memref<128x128xf32, #tpu.memory_space<vmem>>, vector<1x16xf32>,
        %get3A_212 = vector.shape_cast %get3A_211 : vector<1x16xf32> to vector<16xf32>
        %mul3A_213 = arith.mulf %broadcast_in_dim3A, %get3A_212 : vector<16xf32>
        %get3A_214 = arith.index_cast %add3A_97 : i32 to index
        %get3A_215 = arith.constant 112 : index
        %get3A_216 = tpu.vector_load %arg13[%get3A_214, %get3A_215] {strides = array<i32>} : memref<128x128xf32, #tpu.memory_space<vmem>>, vector<1x16xf32>,
        %get3A_217 = vector.shape_cast %get3A_216 : vector<1x16xf32> to vector<16xf32>
        %mul3A_218 = arith.mulf %broadcast_in_dim3A_95, %get3A_217 : vector<16xf32>
        %add3A_219 = arith.addf %mul3A_213, %mul3A_218 : vector<16xf32>
        %swap3A_220 = arith.index_cast %add3A_97 : i32 to index
        %swap3A_221 = arith.constant 112 : index
        %swap3A_222 = tpu.vector_load %arg12[%swap3A_220, %swap3A_221] {strides = array<i32>} : memref<128x128xf32, #tpu.memory_space<vmem>>, vector<1x16xf32>,
        %swap3A_223 = vector.shape_cast %swap3A_222 : vector<1x16xf32> to vector<16xf32>
        %swap3A_224 = vector.shape_cast %add3A_219 : vector<16xf32> to vector<1x16xf32>
        tpu.vector_store %arg12[%swap3A_220, %swap3A_221], %swap3A_224 {strides = array<i32>} : memref<128x128xf32, #tpu.memory_space<vmem>>, vector<1x16xf32>,
        %slice3A_225 = vector.extract_strided_slice %get3A_85 {offsets = [1], sizes = [1], strides = [1]} : vector<16xf32> to vector<1xf32>
        %squeeze3A_226 = vector.extract %slice3A_225[0] : f32 from vector<1xf32>
        %broadcast_in_dim3A_227 = vector.broadcast %squeeze3A_226 : f32 to vector<16xf32>
        %slice3A_228 = vector.extract_strided_slice %get3A_90 {offsets = [1], sizes = [1], strides = [1]} : vector<16xf32> to vector<1xf32>
        %squeeze3A_229 = vector.extract %slice3A_228[0] : f32 from vector<1xf32>
        %broadcast_in_dim3A_230 = vector.broadcast %squeeze3A_229 : f32 to vector<16xf32>
        %add3A_231 = arith.constant 1 : i32
        %add3A_232 = arith.addi %mul3A_92, %add3A_231 : i32
        %get3A_233 = arith.index_cast %add3A_232 : i32 to index
        %get3A_234 = arith.constant 0 : index
        %get3A_235 = tpu.vector_load %arg12[%get3A_233, %get3A_234] {strides = array<i32>} : memref<128x128xf32, #tpu.memory_space<vmem>>, vector<1x16xf32>,
        %get3A_236 = vector.shape_cast %get3A_235 : vector<1x16xf32> to vector<16xf32>
        %mul3A_237 = arith.mulf %broadcast_in_dim3A_227, %get3A_236 : vector<16xf32>
        %get3A_238 = arith.index_cast %add3A_232 : i32 to index
        %get3A_239 = arith.constant 0 : index
        %get3A_240 = tpu.vector_load %arg13[%get3A_238, %get3A_239] {strides = array<i32>} : memref<128x128xf32, #tpu.memory_space<vmem>>, vector<1x16xf32>,
        %get3A_241 = vector.shape_cast %get3A_240 : vector<1x16xf32> to vector<16xf32>
        %mul3A_242 = arith.mulf %broadcast_in_dim3A_230, %get3A_241 : vector<16xf32>
        %add3A_243 = arith.addf %mul3A_237, %mul3A_242 : vector<16xf32>
        %swap3A_244 = arith.index_cast %add3A_232 : i32 to index
        %swap3A_245 = arith.constant 0 : index
        %swap3A_246 = tpu.vector_load %arg12[%swap3A_244, %swap3A_245] {strides = array<i32>} : memref<128x128xf32, #tpu.memory_space<vmem>>, vector<1x16xf32>,
        %swap3A_247 = vector.shape_cast %swap3A_246 : vector<1x16xf32> to vector<16xf32>
        %swap3A_248 = vector.shape_cast %add3A_243 : vector<16xf32> to vector<1x16xf32>
        tpu.vector_store %arg12[%swap3A_244, %swap3A_245], %swap3A_248 {strides = array<i32>} : memref<128x128xf32, #tpu.memory_space<vmem>>, vector<1x16xf32>,
        %get3A_249 = arith.index_cast %add3A_232 : i32 to index
        %get3A_250 = arith.constant 16 : index
        %get3A_251 = tpu.vector_load %arg12[%get3A_249, %get3A_250] {strides = array<i32>} : memref<128x128xf32, #tpu.memory_space<vmem>>, vector<1x16xf32>,
        %get3A_252 = vector.shape_cast %get3A_251 : vector<1x16xf32> to vector<16xf32>
        %mul3A_253 = arith.mulf %broadcast_in_dim3A_227, %get3A_252 : vector<16xf32>
        %get3A_254 = arith.index_cast %add3A_232 : i32 to index
        %get3A_255 = arith.constant 16 : index
        %get3A_256 = tpu.vector_load %arg13[%get3A_254, %get3A_255] {strides = array<i32>} : memref<128x128xf32, #tpu.memory_space<vmem>>, vector<1x16xf32>,
        %get3A_257 = vector.shape_cast %get3A_256 : vector<1x16xf32> to vector<16xf32>
        %mul3A_258 = arith.mulf %broadcast_in_dim3A_230, %get3A_257 : vector<16xf32>
        %add3A_259 = arith.addf %mul3A_253, %mul3A_258 : vector<16xf32>
        %swap3A_260 = arith.index_cast %add3A_232 : i32 to index
        %swap3A_261 = arith.constant 16 : index
        %swap3A_262 = tpu.vector_load %arg12[%swap3A_260, %swap3A_261] {strides = array<i32>} : memref<128x128xf32, #tpu.memory_space<vmem>>, vector<1x16xf32>,
        %swap3A_263 = vector.shape_cast %swap3A_262 : vector<1x16xf32> to vector<16xf32>
        %swap3A_264 = vector.shape_cast %add3A_259 : vector<16xf32> to vector<1x16xf32>
        tpu.vector_store %arg12[%swap3A_260, %swap3A_261], %swap3A_264 {strides = array<i32>} : memref<128x128xf32, #tpu.memory_space<vmem>>, vector<1x16xf32>,
        %get3A_265 = arith.index_cast %add3A_232 : i32 to index
        %get3A_266 = arith.constant 32 : index
        %get3A_267 = tpu.vector_load %arg12[%get3A_265, %get3A_266] {strides = array<i32>} : memref<128x128xf32, #tpu.memory_space<vmem>>, vector<1x16xf32>,
        %get3A_268 = vector.shape_cast %get3A_267 : vector<1x16xf32> to vector<16xf32>
        %mul3A_269 = arith.mulf %broadcast_in_dim3A_227, %get3A_268 : vector<16xf32>
        %get3A_270 = arith.index_cast %add3A_232 : i32 to index
        %get3A_271 = arith.constant 32 : index
        %get3A_272 = tpu.vector_load %arg13[%get3A_270, %get3A_271] {strides = array<i32>} : memref<128x128xf32, #tpu.memory_space<vmem>>, vector<1x16xf32>,
        %get3A_273 = vector.shape_cast %get3A_272 : vector<1x16xf32> to vector<16xf32>
        %mul3A_274 = arith.mulf %broadcast_in_dim3A_230, %get3A_273 : vector<16xf32>
        %add3A_275 = arith.addf %mul3A_269, %mul3A_274 : vector<16xf32>
        %swap3A_276 = arith.index_cast %add3A_232 : i32 to index
        %swap3A_277 = arith.constant 32 : index
        %swap3A_278 = tpu.vector_load %arg12[%swap3A_276, %swap3A_277] {strides = array<i32>} : memref<128x128xf32, #tpu.memory_space<vmem>>, vector<1x16xf32>,
        %swap3A_279 = vector.shape_cast %swap3A_278 : vector<1x16xf32> to vector<16xf32>
        %swap3A_280 = vector.shape_cast %add3A_275 : vector<16xf32> to vector<1x16xf32>
        tpu.vector_store %arg12[%swap3A_276, %swap3A_277], %swap3A_280 {strides = array<i32>} : memref<128x128xf32, #tpu.memory_space<vmem>>, vector<1x16xf32>,
        %get3A_281 = arith.index_cast %add3A_232 : i32 to index
        %get3A_282 = arith.constant 48 : index
        %get3A_283 = tpu.vector_load %arg12[%get3A_281, %get3A_282] {strides = array<i32>} : memref<128x128xf32, #tpu.memory_space<vmem>>, vector<1x16xf32>,
        %get3A_284 = vector.shape_cast %get3A_283 : vector<1x16xf32> to vector<16xf32>
        %mul3A_285 = arith.mulf %broadcast_in_dim3A_227, %get3A_284 : vector<16xf32>
        %get3A_286 = arith.index_cast %add3A_232 : i32 to index
        %get3A_287 = arith.constant 48 : index
        %get3A_288 = tpu.vector_load %arg13[%get3A_286, %get3A_287] {strides = array<i32>} : memref<128x128xf32, #tpu.memory_space<vmem>>, vector<1x16xf32>,
        %get3A_289 = vector.shape_cast %get3A_288 : vector<1x16xf32> to vector<16xf32>
        %mul3A_290 = arith.mulf %broadcast_in_dim3A_230, %get3A_289 : vector<16xf32>
        %add3A_291 = arith.addf %mul3A_285, %mul3A_290 : vector<16xf32>
        %swap3A_292 = arith.index_cast %add3A_232 : i32 to index
        %swap3A_293 = arith.constant 48 : index
        %swap3A_294 = tpu.vector_load %arg12[%swap3A_292, %swap3A_293] {strides = array<i32>} : memref<128x128xf32, #tpu.memory_space<vmem>>, vector<1x16xf32>,
        %swap3A_295 = vector.shape_cast %swap3A_294 : vector<1x16xf32> to vector<16xf32>
        %swap3A_296 = vector.shape_cast %add3A_291 : vector<16xf32> to vector<1x16xf32>
        tpu.vector_store %arg12[%swap3A_292, %swap3A_293], %swap3A_296 {strides = array<i32>} : memref<128x128xf32, #tpu.memory_space<vmem>>, vector<1x16xf32>,
        %get3A_297 = arith.index_cast %add3A_232 : i32 to index
        %get3A_298 = arith.constant 64 : index
        %get3A_299 = tpu.vector_load %arg12[%get3A_297, %get3A_298] {strides = array<i32>} : memref<128x128xf32, #tpu.memory_space<vmem>>, vector<1x16xf32>,
        %get3A_300 = vector.shape_cast %get3A_299 : vector<1x16xf32> to vector<16xf32>
        %mul3A_301 = arith.mulf %broadcast_in_dim3A_227, %get3A_300 : vector<16xf32>
        %get3A_302 = arith.index_cast %add3A_232 : i32 to index
        %get3A_303 = arith.constant 64 : index
        %get3A_304 = tpu.vector_load %arg13[%get3A_302, %get3A_303] {strides = array<i32>} : memref<128x128xf32, #tpu.memory_space<vmem>>, vector<1x16xf32>,
        %get3A_305 = vector.shape_cast %get3A_304 : vector<1x16xf32> to vector<16xf32>
        %mul3A_306 = arith.mulf %broadcast_in_dim3A_230, %get3A_305 : vector<16xf32>
        %add3A_307 = arith.addf %mul3A_301, %mul3A_306 : vector<16xf32>
        %swap3A_308 = arith.index_cast %add3A_232 : i32 to index
        %swap3A_309 = arith.constant 64 : index
        %swap3A_310 = tpu.vector_load %arg12[%swap3A_308, %swap3A_309] {strides = array<i32>} : memref<128x128xf32, #tpu.memory_space<vmem>>, vector<1x16xf32>,
        %swap3A_311 = vector.shape_cast %swap3A_310 : vector<1x16xf32> to vector<16xf32>
        %swap3A_312 = vector.shape_cast %add3A_307 : vector<16xf32> to vector<1x16xf32>
        tpu.vector_store %arg12[%swap3A_308, %swap3A_309], %swap3A_312 {strides = array<i32>} : memref<128x128xf32, #tpu.memory_space<vmem>>, vector<1x16xf32>,
        %get3A_313 = arith.index_cast %add3A_232 : i32 to index
        %get3A_314 = arith.constant 80 : index
        %get3A_315 = tpu.vector_load %arg12[%get3A_313, %get3A_314] {strides = array<i32>} : memref<128x128xf32, #tpu.memory_space<vmem>>, vector<1x16xf32>,
        %get3A_316 = vector.shape_cast %get3A_315 : vector<1x16xf32> to vector<16xf32>
        %mul3A_317 = arith.mulf %broadcast_in_dim3A_227, %get3A_316 : vector<16xf32>
        %get3A_318 = arith.index_cast %add3A_232 : i32 to index
        %get3A_319 = arith.constant 80 : index
        %get3A_320 = tpu.vector_load %arg13[%get3A_318, %get3A_319] {strides = array<i32>} : memref<128x128xf32, #tpu.memory_space<vmem>>, vector<1x16xf32>,
        %get3A_321 = vector.shape_cast %get3A_320 : vector<1x16xf32> to vector<16xf32>
        %mul3A_322 = arith.mulf %broadcast_in_dim3A_230, %get3A_321 : vector<16xf32>
        %add3A_323 = arith.addf %mul3A_317, %mul3A_322 : vector<16xf32>
        %swap3A_324 = arith.index_cast %add3A_232 : i32 to index
        %swap3A_325 = arith.constant 80 : index
        %swap3A_326 = tpu.vector_load %arg12[%swap3A_324, %swap3A_325] {strides = array<i32>} : memref<128x128xf32, #tpu.memory_space<vmem>>, vector<1x16xf32>,
        %swap3A_327 = vector.shape_cast %swap3A_326 : vector<1x16xf32> to vector<16xf32>
        %swap3A_328 = vector.shape_cast %add3A_323 : vector<16xf32> to vector<1x16xf32>
        tpu.vector_store %arg12[%swap3A_324, %swap3A_325], %swap3A_328 {strides = array<i32>} : memref<128x128xf32, #tpu.memory_space<vmem>>, vector<1x16xf32>,
        %get3A_329 = arith.index_cast %add3A_232 : i32 to index
        %get3A_330 = arith.constant 96 : index
        %get3A_331 = tpu.vector_load %arg12[%get3A_329, %get3A_330] {strides = array<i32>} : memref<128x128xf32, #tpu.memory_space<vmem>>, vector<1x16xf32>,
        %get3A_332 = vector.shape_cast %get3A_331 : vector<1x16xf32> to vector<16xf32>
        %mul3A_333 = arith.mulf %broadcast_in_dim3A_227, %get3A_332 : vector<16xf32>
        %get3A_334 = arith.index_cast %add3A_232 : i32 to index
        %get3A_335 = arith.constant 96 : index
        %get3A_336 = tpu.vector_load %arg13[%get3A_334, %get3A_335] {strides = array<i32>} : memref<128x128xf32, #tpu.memory_space<vmem>>, vector<1x16xf32>,
        %get3A_337 = vector.shape_cast %get3A_336 : vector<1x16xf32> to vector<16xf32>
        %mul3A_338 = arith.mulf %broadcast_in_dim3A_230, %get3A_337 : vector<16xf32>
        %add3A_339 = arith.addf %mul3A_333, %mul3A_338 : vector<16xf32>
        %swap3A_340 = arith.index_cast %add3A_232 : i32 to index
        %swap3A_341 = arith.constant 96 : index
        %swap3A_342 = tpu.vector_load %arg12[%swap3A_340, %swap3A_341] {strides = array<i32>} : memref<128x128xf32, #tpu.memory_space<vmem>>, vector<1x16xf32>,
        %swap3A_343 = vector.shape_cast %swap3A_342 : vector<1x16xf32> to vector<16xf32>
        %swap3A_344 = vector.shape_cast %add3A_339 : vector<16xf32> to vector<1x16xf32>
        tpu.vector_store %arg12[%swap3A_340, %swap3A_341], %swap3A_344 {strides = array<i32>} : memref<128x128xf32, #tpu.memory_space<vmem>>, vector<1x16xf32>,
        %get3A_345 = arith.index_cast %add3A_232 : i32 to index
        %get3A_346 = arith.constant 112 : index
        %get3A_347 = tpu.vector_load %arg12[%get3A_345, %get3A_346] {strides = array<i32>} : memref<128x128xf32, #tpu.memory_space<vmem>>, vector<1x16xf32>,
        %get3A_348 = vector.shape_cast %get3A_347 : vector<1x16xf32> to vector<16xf32>
        %mul3A_349 = arith.mulf %broadcast_in_dim3A_227, %get3A_348 : vector<16xf32>
        %get3A_350 = arith.index_cast %add3A_232 : i32 to index
        %get3A_351 = arith.constant 112 : index
        %get3A_352 = tpu.vector_load %arg13[%get3A_350, %get3A_351] {strides = array<i32>} : memref<128x128xf32, #tpu.memory_space<vmem>>, vector<1x16xf32>,
        %get3A_353 = vector.shape_cast %get3A_352 : vector<1x16xf32> to vector<16xf32>
        %mul3A_354 = arith.mulf %broadcast_in_dim3A_230, %get3A_353 : vector<16xf32>
        %add3A_355 = arith.addf %mul3A_349, %mul3A_354 : vector<16xf32>
        %swap3A_356 = arith.index_cast %add3A_232 : i32 to index
        %swap3A_357 = arith.constant 112 : index
        %swap3A_358 = tpu.vector_load %arg12[%swap3A_356, %swap3A_357] {strides = array<i32>} : memref<128x128xf32, #tpu.memory_space<vmem>>, vector<1x16xf32>,
        %swap3A_359 = vector.shape_cast %swap3A_358 : vector<1x16xf32> to vector<16xf32>
        %swap3A_360 = vector.shape_cast %add3A_355 : vector<16xf32> to vector<1x16xf32>
        tpu.vector_store %arg12[%swap3A_356, %swap3A_357], %swap3A_360 {strides = array<i32>} : memref<128x128xf32, #tpu.memory_space<vmem>>, vector<1x16xf32>,
        %slice3A_361 = vector.extract_strided_slice %get3A_85 {offsets = [2], sizes = [1], strides = [1]} : vector<16xf32> to vector<1xf32>
        %squeeze3A_362 = vector.extract %slice3A_361[0] : f32 from vector<1xf32>
        %broadcast_in_dim3A_363 = vector.broadcast %squeeze3A_362 : f32 to vector<16xf32>
        %slice3A_364 = vector.extract_strided_slice %get3A_90 {offsets = [2], sizes = [1], strides = [1]} : vector<16xf32> to vector<1xf32>
        %squeeze3A_365 = vector.extract %slice3A_364[0] : f32 from vector<1xf32>
        %broadcast_in_dim3A_366 = vector.broadcast %squeeze3A_365 : f32 to vector<16xf32>
        %add3A_367 = arith.constant 2 : i32
        %add3A_368 = arith.addi %mul3A_92, %add3A_367 : i32
        %get3A_369 = arith.index_cast %add3A_368 : i32 to index
        %get3A_370 = arith.constant 0 : index
        %get3A_371 = tpu.vector_load %arg12[%get3A_369, %get3A_370] {strides = array<i32>} : memref<128x128xf32, #tpu.memory_space<vmem>>, vector<1x16xf32>,
        %get3A_372 = vector.shape_cast %get3A_371 : vector<1x16xf32> to vector<16xf32>
        %mul3A_373 = arith.mulf %broadcast_in_dim3A_363, %get3A_372 : vector<16xf32>
        %get3A_374 = arith.index_cast %add3A_368 : i32 to index
        %get3A_375 = arith.constant 0 : index
        %get3A_376 = tpu.vector_load %arg13[%get3A_374, %get3A_375] {strides = array<i32>} : memref<128x128xf32, #tpu.memory_space<vmem>>, vector<1x16xf32>,
        %get3A_377 = vector.shape_cast %get3A_376 : vector<1x16xf32> to vector<16xf32>
        %mul3A_378 = arith.mulf %broadcast_in_dim3A_366, %get3A_377 : vector<16xf32>
        %add3A_379 = arith.addf %mul3A_373, %mul3A_378 : vector<16xf32>
        %swap3A_380 = arith.index_cast %add3A_368 : i32 to index
        %swap3A_381 = arith.constant 0 : index
        %swap3A_382 = tpu.vector_load %arg12[%swap3A_380, %swap3A_381] {strides = array<i32>} : memref<128x128xf32, #tpu.memory_space<vmem>>, vector<1x16xf32>,
        %swap3A_383 = vector.shape_cast %swap3A_382 : vector<1x16xf32> to vector<16xf32>
        %swap3A_384 = vector.shape_cast %add3A_379 : vector<16xf32> to vector<1x16xf32>
        tpu.vector_store %arg12[%swap3A_380, %swap3A_381], %swap3A_384 {strides = array<i32>} : memref<128x128xf32, #tpu.memory_space<vmem>>, vector<1x16xf32>,
        %get3A_385 = arith.index_cast %add3A_368 : i32 to index
        %get3A_386 = arith.constant 16 : index
        %get3A_387 = tpu.vector_load %arg12[%get3A_385, %get3A_386] {strides = array<i32>} : memref<128x128xf32, #tpu.memory_space<vmem>>, vector<1x16xf32>,
        %get3A_388 = vector.shape_cast %get3A_387 : vector<1x16xf32> to vector<16xf32>
        %mul3A_389 = arith.mulf %broadcast_in_dim3A_363, %get3A_388 : vector<16xf32>
        %get3A_390 = arith.index_cast %add3A_368 : i32 to index
        %get3A_391 = arith.constant 16 : index
        %get3A_392 = tpu.vector_load %arg13[%get3A_390, %get3A_391] {strides = array<i32>} : memref<128x128xf32, #tpu.memory_space<vmem>>, vector<1x16xf32>,
        %get3A_393 = vector.shape_cast %get3A_392 : vector<1x16xf32> to vector<16xf32>
        %mul3A_394 = arith.mulf %broadcast_in_dim3A_366, %get3A_393 : vector<16xf32>
        %add3A_395 = arith.addf %mul3A_389, %mul3A_394 : vector<16xf32>
        %swap3A_396 = arith.index_cast %add3A_368 : i32 to index
        %swap3A_397 = arith.constant 16 : index
        %swap3A_398 = tpu.vector_load %arg12[%swap3A_396, %swap3A_397] {strides = array<i32>} : memref<128x128xf32, #tpu.memory_space<vmem>>, vector<1x16xf32>,
        %swap3A_399 = vector.shape_cast %swap3A_398 : vector<1x16xf32> to vector<16xf32>
        %swap3A_400 = vector.shape_cast %add3A_395 : vector<16xf32> to vector<1x16xf32>
        tpu.vector_store %arg12[%swap3A_396, %swap3A_397], %swap3A_400 {strides = array<i32>} : memref<128x128xf32, #tpu.memory_space<vmem>>, vector<1x16xf32>,
        %get3A_401 = arith.index_cast %add3A_368 : i32 to index
        %get3A_402 = arith.constant 32 : index
        %get3A_403 = tpu.vector_load %arg12[%get3A_401, %get3A_402] {strides = array<i32>} : memref<128x128xf32, #tpu.memory_space<vmem>>, vector<1x16xf32>,
        %get3A_404 = vector.shape_cast %get3A_403 : vector<1x16xf32> to vector<16xf32>
        %mul3A_405 = arith.mulf %broadcast_in_dim3A_363, %get3A_404 : vector<16xf32>
        %get3A_406 = arith.index_cast %add3A_368 : i32 to index
        %get3A_407 = arith.constant 32 : index
        %get3A_408 = tpu.vector_load %arg13[%get3A_406, %get3A_407] {strides = array<i32>} : memref<128x128xf32, #tpu.memory_space<vmem>>, vector<1x16xf32>,
        %get3A_409 = vector.shape_cast %get3A_408 : vector<1x16xf32> to vector<16xf32>
        %mul3A_410 = arith.mulf %broadcast_in_dim3A_366, %get3A_409 : vector<16xf32>
        %add3A_411 = arith.addf %mul3A_405, %mul3A_410 : vector<16xf32>
        %swap3A_412 = arith.index_cast %add3A_368 : i32 to index
        %swap3A_413 = arith.constant 32 : index
        %swap3A_414 = tpu.vector_load %arg12[%swap3A_412, %swap3A_413] {strides = array<i32>} : memref<128x128xf32, #tpu.memory_space<vmem>>, vector<1x16xf32>,
        %swap3A_415 = vector.shape_cast %swap3A_414 : vector<1x16xf32> to vector<16xf32>
        %swap3A_416 = vector.shape_cast %add3A_411 : vector<16xf32> to vector<1x16xf32>
        tpu.vector_store %arg12[%swap3A_412, %swap3A_413], %swap3A_416 {strides = array<i32>} : memref<128x128xf32, #tpu.memory_space<vmem>>, vector<1x16xf32>,
        %get3A_417 = arith.index_cast %add3A_368 : i32 to index
        %get3A_418 = arith.constant 48 : index
        %get3A_419 = tpu.vector_load %arg12[%get3A_417, %get3A_418] {strides = array<i32>} : memref<128x128xf32, #tpu.memory_space<vmem>>, vector<1x16xf32>,
        %get3A_420 = vector.shape_cast %get3A_419 : vector<1x16xf32> to vector<16xf32>
        %mul3A_421 = arith.mulf %broadcast_in_dim3A_363, %get3A_420 : vector<16xf32>
        %get3A_422 = arith.index_cast %add3A_368 : i32 to index
        %get3A_423 = arith.constant 48 : index
        %get3A_424 = tpu.vector_load %arg13[%get3A_422, %get3A_423] {strides = array<i32>} : memref<128x128xf32, #tpu.memory_space<vmem>>, vector<1x16xf32>,
        %get3A_425 = vector.shape_cast %get3A_424 : vector<1x16xf32> to vector<16xf32>
        %mul3A_426 = arith.mulf %broadcast_in_dim3A_366, %get3A_425 : vector<16xf32>
        %add3A_427 = arith.addf %mul3A_421, %mul3A_426 : vector<16xf32>
        %swap3A_428 = arith.index_cast %add3A_368 : i32 to index
        %swap3A_429 = arith.constant 48 : index
        %swap3A_430 = tpu.vector_load %arg12[%swap3A_428, %swap3A_429] {strides = array<i32>} : memref<128x128xf32, #tpu.memory_space<vmem>>, vector<1x16xf32>,
        %swap3A_431 = vector.shape_cast %swap3A_430 : vector<1x16xf32> to vector<16xf32>
        %swap3A_432 = vector.shape_cast %add3A_427 : vector<16xf32> to vector<1x16xf32>
        tpu.vector_store %arg12[%swap3A_428, %swap3A_429], %swap3A_432 {strides = array<i32>} : memref<128x128xf32, #tpu.memory_space<vmem>>, vector<1x16xf32>,
        %get3A_433 = arith.index_cast %add3A_368 : i32 to index
        %get3A_434 = arith.constant 64 : index
        %get3A_435 = tpu.vector_load %arg12[%get3A_433, %get3A_434] {strides = array<i32>} : memref<128x128xf32, #tpu.memory_space<vmem>>, vector<1x16xf32>,
        %get3A_436 = vector.shape_cast %get3A_435 : vector<1x16xf32> to vector<16xf32>
        %mul3A_437 = arith.mulf %broadcast_in_dim3A_363, %get3A_436 : vector<16xf32>
        %get3A_438 = arith.index_cast %add3A_368 : i32 to index
        %get3A_439 = arith.constant 64 : index
        %get3A_440 = tpu.vector_load %arg13[%get3A_438, %get3A_439] {strides = array<i32>} : memref<128x128xf32, #tpu.memory_space<vmem>>, vector<1x16xf32>,
        %get3A_441 = vector.shape_cast %get3A_440 : vector<1x16xf32> to vector<16xf32>
        %mul3A_442 = arith.mulf %broadcast_in_dim3A_366, %get3A_441 : vector<16xf32>
        %add3A_443 = arith.addf %mul3A_437, %mul3A_442 : vector<16xf32>
        %swap3A_444 = arith.index_cast %add3A_368 : i32 to index
        %swap3A_445 = arith.constant 64 : index
        %swap3A_446 = tpu.vector_load %arg12[%swap3A_444, %swap3A_445] {strides = array<i32>} : memref<128x128xf32, #tpu.memory_space<vmem>>, vector<1x16xf32>,
        %swap3A_447 = vector.shape_cast %swap3A_446 : vector<1x16xf32> to vector<16xf32>
        %swap3A_448 = vector.shape_cast %add3A_443 : vector<16xf32> to vector<1x16xf32>
        tpu.vector_store %arg12[%swap3A_444, %swap3A_445], %swap3A_448 {strides = array<i32>} : memref<128x128xf32, #tpu.memory_space<vmem>>, vector<1x16xf32>,
        %get3A_449 = arith.index_cast %add3A_368 : i32 to index
        %get3A_450 = arith.constant 80 : index
        %get3A_451 = tpu.vector_load %arg12[%get3A_449, %get3A_450] {strides = array<i32>} : memref<128x128xf32, #tpu.memory_space<vmem>>, vector<1x16xf32>,
        %get3A_452 = vector.shape_cast %get3A_451 : vector<1x16xf32> to vector<16xf32>
        %mul3A_453 = arith.mulf %broadcast_in_dim3A_363, %get3A_452 : vector<16xf32>
        %get3A_454 = arith.index_cast %add3A_368 : i32 to index
        %get3A_455 = arith.constant 80 : index
        %get3A_456 = tpu.vector_load %arg13[%get3A_454, %get3A_455] {strides = array<i32>} : memref<128x128xf32, #tpu.memory_space<vmem>>, vector<1x16xf32>,
        %get3A_457 = vector.shape_cast %get3A_456 : vector<1x16xf32> to vector<16xf32>
        %mul3A_458 = arith.mulf %broadcast_in_dim3A_366, %get3A_457 : vector<16xf32>
        %add3A_459 = arith.addf %mul3A_453, %mul3A_458 : vector<16xf32>
        %swap3A_460 = arith.index_cast %add3A_368 : i32 to index
        %swap3A_461 = arith.constant 80 : index
        %swap3A_462 = tpu.vector_load %arg12[%swap3A_460, %swap3A_461] {strides = array<i32>} : memref<128x128xf32, #tpu.memory_space<vmem>>, vector<1x16xf32>,
        %swap3A_463 = vector.shape_cast %swap3A_462 : vector<1x16xf32> to vector<16xf32>
        %swap3A_464 = vector.shape_cast %add3A_459 : vector<16xf32> to vector<1x16xf32>
        tpu.vector_store %arg12[%swap3A_460, %swap3A_461], %swap3A_464 {strides = array<i32>} : memref<128x128xf32, #tpu.memory_space<vmem>>, vector<1x16xf32>,
        %get3A_465 = arith.index_cast %add3A_368 : i32 to index
        %get3A_466 = arith.constant 96 : index
        %get3A_467 = tpu.vector_load %arg12[%get3A_465, %get3A_466] {strides = array<i32>} : memref<128x128xf32, #tpu.memory_space<vmem>>, vector<1x16xf32>,
        %get3A_468 = vector.shape_cast %get3A_467 : vector<1x16xf32> to vector<16xf32>
        %mul3A_469 = arith.mulf %broadcast_in_dim3A_363, %get3A_468 : vector<16xf32>
        %get3A_470 = arith.index_cast %add3A_368 : i32 to index
        %get3A_471 = arith.constant 96 : index
        %get3A_472 = tpu.vector_load %arg13[%get3A_470, %get3A_471] {strides = array<i32>} : memref<128x128xf32, #tpu.memory_space<vmem>>, vector<1x16xf32>,
        %get3A_473 = vector.shape_cast %get3A_472 : vector<1x16xf32> to vector<16xf32>
        %mul3A_474 = arith.mulf %broadcast_in_dim3A_366, %get3A_473 : vector<16xf32>
        %add3A_475 = arith.addf %mul3A_469, %mul3A_474 : vector<16xf32>
        %swap3A_476 = arith.index_cast %add3A_368 : i32 to index
        %swap3A_477 = arith.constant 96 : index
        %swap3A_478 = tpu.vector_load %arg12[%swap3A_476, %swap3A_477] {strides = array<i32>} : memref<128x128xf32, #tpu.memory_space<vmem>>, vector<1x16xf32>,
        %swap3A_479 = vector.shape_cast %swap3A_478 : vector<1x16xf32> to vector<16xf32>
        %swap3A_480 = vector.shape_cast %add3A_475 : vector<16xf32> to vector<1x16xf32>
        tpu.vector_store %arg12[%swap3A_476, %swap3A_477], %swap3A_480 {strides = array<i32>} : memref<128x128xf32, #tpu.memory_space<vmem>>, vector<1x16xf32>,
        %get3A_481 = arith.index_cast %add3A_368 : i32 to index
        %get3A_482 = arith.constant 112 : index
        %get3A_483 = tpu.vector_load %arg12[%get3A_481, %get3A_482] {strides = array<i32>} : memref<128x128xf32, #tpu.memory_space<vmem>>, vector<1x16xf32>,
        %get3A_484 = vector.shape_cast %get3A_483 : vector<1x16xf32> to vector<16xf32>
        %mul3A_485 = arith.mulf %broadcast_in_dim3A_363, %get3A_484 : vector<16xf32>
        %get3A_486 = arith.index_cast %add3A_368 : i32 to index
        %get3A_487 = arith.constant 112 : index
        %get3A_488 = tpu.vector_load %arg13[%get3A_486, %get3A_487] {strides = array<i32>} : memref<128x128xf32, #tpu.memory_space<vmem>>, vector<1x16xf32>,
        %get3A_489 = vector.shape_cast %get3A_488 : vector<1x16xf32> to vector<16xf32>
        %mul3A_490 = arith.mulf %broadcast_in_dim3A_366, %get3A_489 : vector<16xf32>
        %add3A_491 = arith.addf %mul3A_485, %mul3A_490 : vector<16xf32>
        %swap3A_492 = arith.index_cast %add3A_368 : i32 to index
        %swap3A_493 = arith.constant 112 : index
        %swap3A_494 = tpu.vector_load %arg12[%swap3A_492, %swap3A_493] {strides = array<i32>} : memref<128x128xf32, #tpu.memory_space<vmem>>, vector<1x16xf32>,
        %swap3A_495 = vector.shape_cast %swap3A_494 : vector<1x16xf32> to vector<16xf32>
        %swap3A_496 = vector.shape_cast %add3A_491 : vector<16xf32> to vector<1x16xf32>
        tpu.vector_store %arg12[%swap3A_492, %swap3A_493], %swap3A_496 {strides = array<i32>} : memref<128x128xf32, #tpu.memory_space<vmem>>, vector<1x16xf32>,
        %slice3A_497 = vector.extract_strided_slice %get3A_85 {offsets = [3], sizes = [1], strides = [1]} : vector<16xf32> to vector<1xf32>
        %squeeze3A_498 = vector.extract %slice3A_497[0] : f32 from vector<1xf32>
        %broadcast_in_dim3A_499 = vector.broadcast %squeeze3A_498 : f32 to vector<16xf32>
        %slice3A_500 = vector.extract_strided_slice %get3A_90 {offsets = [3], sizes = [1], strides = [1]} : vector<16xf32> to vector<1xf32>
        %squeeze3A_501 = vector.extract %slice3A_500[0] : f32 from vector<1xf32>
        %broadcast_in_dim3A_502 = vector.broadcast %squeeze3A_501 : f32 to vector<16xf32>
        %add3A_503 = arith.constant 3 : i32
        %add3A_504 = arith.addi %mul3A_92, %add3A_503 : i32
        %get3A_505 = arith.index_cast %add3A_504 : i32 to index
        %get3A_506 = arith.constant 0 : index
        %get3A_507 = tpu.vector_load %arg12[%get3A_505, %get3A_506] {strides = array<i32>} : memref<128x128xf32, #tpu.memory_space<vmem>>, vector<1x16xf32>,
        %get3A_508 = vector.shape_cast %get3A_507 : vector<1x16xf32> to vector<16xf32>
        %mul3A_509 = arith.mulf %broadcast_in_dim3A_499, %get3A_508 : vector<16xf32>
        %get3A_510 = arith.index_cast %add3A_504 : i32 to index
        %get3A_511 = arith.constant 0 : index
        %get3A_512 = tpu.vector_load %arg13[%get3A_510, %get3A_511] {strides = array<i32>} : memref<128x128xf32, #tpu.memory_space<vmem>>, vector<1x16xf32>,
        %get3A_513 = vector.shape_cast %get3A_512 : vector<1x16xf32> to vector<16xf32>
        %mul3A_514 = arith.mulf %broadcast_in_dim3A_502, %get3A_513 : vector<16xf32>
        %add3A_515 = arith.addf %mul3A_509, %mul3A_514 : vector<16xf32>
        %swap3A_516 = arith.index_cast %add3A_504 : i32 to index
        %swap3A_517 = arith.constant 0 : index
        %swap3A_518 = tpu.vector_load %arg12[%swap3A_516, %swap3A_517] {strides = array<i32>} : memref<128x128xf32, #tpu.memory_space<vmem>>, vector<1x16xf32>,
        %swap3A_519 = vector.shape_cast %swap3A_518 : vector<1x16xf32> to vector<16xf32>
        %swap3A_520 = vector.shape_cast %add3A_515 : vector<16xf32> to vector<1x16xf32>
        tpu.vector_store %arg12[%swap3A_516, %swap3A_517], %swap3A_520 {strides = array<i32>} : memref<128x128xf32, #tpu.memory_space<vmem>>, vector<1x16xf32>,
        %get3A_521 = arith.index_cast %add3A_504 : i32 to index
        %get3A_522 = arith.constant 16 : index
        %get3A_523 = tpu.vector_load %arg12[%get3A_521, %get3A_522] {strides = array<i32>} : memref<128x128xf32, #tpu.memory_space<vmem>>, vector<1x16xf32>,
        %get3A_524 = vector.shape_cast %get3A_523 : vector<1x16xf32> to vector<16xf32>
        %mul3A_525 = arith.mulf %broadcast_in_dim3A_499, %get3A_524 : vector<16xf32>
        %get3A_526 = arith.index_cast %add3A_504 : i32 to index
        %get3A_527 = arith.constant 16 : index
        %get3A_528 = tpu.vector_load %arg13[%get3A_526, %get3A_527] {strides = array<i32>} : memref<128x128xf32, #tpu.memory_space<vmem>>, vector<1x16xf32>,
        %get3A_529 = vector.shape_cast %get3A_528 : vector<1x16xf32> to vector<16xf32>
        %mul3A_530 = arith.mulf %broadcast_in_dim3A_502, %get3A_529 : vector<16xf32>
        %add3A_531 = arith.addf %mul3A_525, %mul3A_530 : vector<16xf32>
        %swap3A_532 = arith.index_cast %add3A_504 : i32 to index
        %swap3A_533 = arith.constant 16 : index
        %swap3A_534 = tpu.vector_load %arg12[%swap3A_532, %swap3A_533] {strides = array<i32>} : memref<128x128xf32, #tpu.memory_space<vmem>>, vector<1x16xf32>,
        %swap3A_535 = vector.shape_cast %swap3A_534 : vector<1x16xf32> to vector<16xf32>
        %swap3A_536 = vector.shape_cast %add3A_531 : vector<16xf32> to vector<1x16xf32>
        tpu.vector_store %arg12[%swap3A_532, %swap3A_533], %swap3A_536 {strides = array<i32>} : memref<128x128xf32, #tpu.memory_space<vmem>>, vector<1x16xf32>,
        %get3A_537 = arith.index_cast %add3A_504 : i32 to index
        %get3A_538 = arith.constant 32 : index
        %get3A_539 = tpu.vector_load %arg12[%get3A_537, %get3A_538] {strides = array<i32>} : memref<128x128xf32, #tpu.memory_space<vmem>>, vector<1x16xf32>,
        %get3A_540 = vector.shape_cast %get3A_539 : vector<1x16xf32> to vector<16xf32>
        %mul3A_541 = arith.mulf %broadcast_in_dim3A_499, %get3A_540 : vector<16xf32>
        %get3A_542 = arith.index_cast %add3A_504 : i32 to index
        %get3A_543 = arith.constant 32 : index
        %get3A_544 = tpu.vector_load %arg13[%get3A_542, %get3A_543] {strides = array<i32>} : memref<128x128xf32, #tpu.memory_space<vmem>>, vector<1x16xf32>,
        %get3A_545 = vector.shape_cast %get3A_544 : vector<1x16xf32> to vector<16xf32>
        %mul3A_546 = arith.mulf %broadcast_in_dim3A_502, %get3A_545 : vector<16xf32>
        %add3A_547 = arith.addf %mul3A_541, %mul3A_546 : vector<16xf32>
        %swap3A_548 = arith.index_cast %add3A_504 : i32 to index
        %swap3A_549 = arith.constant 32 : index
        %swap3A_550 = tpu.vector_load %arg12[%swap3A_548, %swap3A_549] {strides = array<i32>} : memref<128x128xf32, #tpu.memory_space<vmem>>, vector<1x16xf32>,
        %swap3A_551 = vector.shape_cast %swap3A_550 : vector<1x16xf32> to vector<16xf32>
        %swap3A_552 = vector.shape_cast %add3A_547 : vector<16xf32> to vector<1x16xf32>
        tpu.vector_store %arg12[%swap3A_548, %swap3A_549], %swap3A_552 {strides = array<i32>} : memref<128x128xf32, #tpu.memory_space<vmem>>, vector<1x16xf32>,
        %get3A_553 = arith.index_cast %add3A_504 : i32 to index
        %get3A_554 = arith.constant 48 : index
        %get3A_555 = tpu.vector_load %arg12[%get3A_553, %get3A_554] {strides = array<i32>} : memref<128x128xf32, #tpu.memory_space<vmem>>, vector<1x16xf32>,
        %get3A_556 = vector.shape_cast %get3A_555 : vector<1x16xf32> to vector<16xf32>
        %mul3A_557 = arith.mulf %broadcast_in_dim3A_499, %get3A_556 : vector<16xf32>
        %get3A_558 = arith.index_cast %add3A_504 : i32 to index
        %get3A_559 = arith.constant 48 : index
        %get3A_560 = tpu.vector_load %arg13[%get3A_558, %get3A_559] {strides = array<i32>} : memref<128x128xf32, #tpu.memory_space<vmem>>, vector<1x16xf32>,
        %get3A_561 = vector.shape_cast %get3A_560 : vector<1x16xf32> to vector<16xf32>
        %mul3A_562 = arith.mulf %broadcast_in_dim3A_502, %get3A_561 : vector<16xf32>
        %add3A_563 = arith.addf %mul3A_557, %mul3A_562 : vector<16xf32>
        %swap3A_564 = arith.index_cast %add3A_504 : i32 to index
        %swap3A_565 = arith.constant 48 : index
        %swap3A_566 = tpu.vector_load %arg12[%swap3A_564, %swap3A_565] {strides = array<i32>} : memref<128x128xf32, #tpu.memory_space<vmem>>, vector<1x16xf32>,
        %swap3A_567 = vector.shape_cast %swap3A_566 : vector<1x16xf32> to vector<16xf32>
        %swap3A_568 = vector.shape_cast %add3A_563 : vector<16xf32> to vector<1x16xf32>
        tpu.vector_store %arg12[%swap3A_564, %swap3A_565], %swap3A_568 {strides = array<i32>} : memref<128x128xf32, #tpu.memory_space<vmem>>, vector<1x16xf32>,
        %get3A_569 = arith.index_cast %add3A_504 : i32 to index
        %get3A_570 = arith.constant 64 : index
        %get3A_571 = tpu.vector_load %arg12[%get3A_569, %get3A_570] {strides = array<i32>} : memref<128x128xf32, #tpu.memory_space<vmem>>, vector<1x16xf32>,
        %get3A_572 = vector.shape_cast %get3A_571 : vector<1x16xf32> to vector<16xf32>
        %mul3A_573 = arith.mulf %broadcast_in_dim3A_499, %get3A_572 : vector<16xf32>
        %get3A_574 = arith.index_cast %add3A_504 : i32 to index
        %get3A_575 = arith.constant 64 : index
        %get3A_576 = tpu.vector_load %arg13[%get3A_574, %get3A_575] {strides = array<i32>} : memref<128x128xf32, #tpu.memory_space<vmem>>, vector<1x16xf32>,
        %get3A_577 = vector.shape_cast %get3A_576 : vector<1x16xf32> to vector<16xf32>
        %mul3A_578 = arith.mulf %broadcast_in_dim3A_502, %get3A_577 : vector<16xf32>
        %add3A_579 = arith.addf %mul3A_573, %mul3A_578 : vector<16xf32>
        %swap3A_580 = arith.index_cast %add3A_504 : i32 to index
        %swap3A_581 = arith.constant 64 : index
        %swap3A_582 = tpu.vector_load %arg12[%swap3A_580, %swap3A_581] {strides = array<i32>} : memref<128x128xf32, #tpu.memory_space<vmem>>, vector<1x16xf32>,
        %swap3A_583 = vector.shape_cast %swap3A_582 : vector<1x16xf32> to vector<16xf32>
        %swap3A_584 = vector.shape_cast %add3A_579 : vector<16xf32> to vector<1x16xf32>
        tpu.vector_store %arg12[%swap3A_580, %swap3A_581], %swap3A_584 {strides = array<i32>} : memref<128x128xf32, #tpu.memory_space<vmem>>, vector<1x16xf32>,
        %get3A_585 = arith.index_cast %add3A_504 : i32 to index
        %get3A_586 = arith.constant 80 : index
        %get3A_587 = tpu.vector_load %arg12[%get3A_585, %get3A_586] {strides = array<i32>} : memref<128x128xf32, #tpu.memory_space<vmem>>, vector<1x16xf32>,
        %get3A_588 = vector.shape_cast %get3A_587 : vector<1x16xf32> to vector<16xf32>
        %mul3A_589 = arith.mulf %broadcast_in_dim3A_499, %get3A_588 : vector<16xf32>
        %get3A_590 = arith.index_cast %add3A_504 : i32 to index
        %get3A_591 = arith.constant 80 : index
        %get3A_592 = tpu.vector_load %arg13[%get3A_590, %get3A_591] {strides = array<i32>} : memref<128x128xf32, #tpu.memory_space<vmem>>, vector<1x16xf32>,
        %get3A_593 = vector.shape_cast %get3A_592 : vector<1x16xf32> to vector<16xf32>
        %mul3A_594 = arith.mulf %broadcast_in_dim3A_502, %get3A_593 : vector<16xf32>
        %add3A_595 = arith.addf %mul3A_589, %mul3A_594 : vector<16xf32>
        %swap3A_596 = arith.index_cast %add3A_504 : i32 to index
        %swap3A_597 = arith.constant 80 : index
        %swap3A_598 = tpu.vector_load %arg12[%swap3A_596, %swap3A_597] {strides = array<i32>} : memref<128x128xf32, #tpu.memory_space<vmem>>, vector<1x16xf32>,
        %swap3A_599 = vector.shape_cast %swap3A_598 : vector<1x16xf32> to vector<16xf32>
        %swap3A_600 = vector.shape_cast %add3A_595 : vector<16xf32> to vector<1x16xf32>
        tpu.vector_store %arg12[%swap3A_596, %swap3A_597], %swap3A_600 {strides = array<i32>} : memref<128x128xf32, #tpu.memory_space<vmem>>, vector<1x16xf32>,
        %get3A_601 = arith.index_cast %add3A_504 : i32 to index
        %get3A_602 = arith.constant 96 : index
        %get3A_603 = tpu.vector_load %arg12[%get3A_601, %get3A_602] {strides = array<i32>} : memref<128x128xf32, #tpu.memory_space<vmem>>, vector<1x16xf32>,
        %get3A_604 = vector.shape_cast %get3A_603 : vector<1x16xf32> to vector<16xf32>
        %mul3A_605 = arith.mulf %broadcast_in_dim3A_499, %get3A_604 : vector<16xf32>
        %get3A_606 = arith.index_cast %add3A_504 : i32 to index
        %get3A_607 = arith.constant 96 : index
        %get3A_608 = tpu.vector_load %arg13[%get3A_606, %get3A_607] {strides = array<i32>} : memref<128x128xf32, #tpu.memory_space<vmem>>, vector<1x16xf32>,
        %get3A_609 = vector.shape_cast %get3A_608 : vector<1x16xf32> to vector<16xf32>
        %mul3A_610 = arith.mulf %broadcast_in_dim3A_502, %get3A_609 : vector<16xf32>
        %add3A_611 = arith.addf %mul3A_605, %mul3A_610 : vector<16xf32>
        %swap3A_612 = arith.index_cast %add3A_504 : i32 to index
        %swap3A_613 = arith.constant 96 : index
        %swap3A_614 = tpu.vector_load %arg12[%swap3A_612, %swap3A_613] {strides = array<i32>} : memref<128x128xf32, #tpu.memory_space<vmem>>, vector<1x16xf32>,
        %swap3A_615 = vector.shape_cast %swap3A_614 : vector<1x16xf32> to vector<16xf32>
        %swap3A_616 = vector.shape_cast %add3A_611 : vector<16xf32> to vector<1x16xf32>
        tpu.vector_store %arg12[%swap3A_612, %swap3A_613], %swap3A_616 {strides = array<i32>} : memref<128x128xf32, #tpu.memory_space<vmem>>, vector<1x16xf32>,
        %get3A_617 = arith.index_cast %add3A_504 : i32 to index
        %get3A_618 = arith.constant 112 : index
        %get3A_619 = tpu.vector_load %arg12[%get3A_617, %get3A_618] {strides = array<i32>} : memref<128x128xf32, #tpu.memory_space<vmem>>, vector<1x16xf32>,
        %get3A_620 = vector.shape_cast %get3A_619 : vector<1x16xf32> to vector<16xf32>
        %mul3A_621 = arith.mulf %broadcast_in_dim3A_499, %get3A_620 : vector<16xf32>
        %get3A_622 = arith.index_cast %add3A_504 : i32 to index
        %get3A_623 = arith.constant 112 : index
        %get3A_624 = tpu.vector_load %arg13[%get3A_622, %get3A_623] {strides = array<i32>} : memref<128x128xf32, #tpu.memory_space<vmem>>, vector<1x16xf32>,
        %get3A_625 = vector.shape_cast %get3A_624 : vector<1x16xf32> to vector<16xf32>
        %mul3A_626 = arith.mulf %broadcast_in_dim3A_502, %get3A_625 : vector<16xf32>
        %add3A_627 = arith.addf %mul3A_621, %mul3A_626 : vector<16xf32>
        %swap3A_628 = arith.index_cast %add3A_504 : i32 to index
        %swap3A_629 = arith.constant 112 : index
        %swap3A_630 = tpu.vector_load %arg12[%swap3A_628, %swap3A_629] {strides = array<i32>} : memref<128x128xf32, #tpu.memory_space<vmem>>, vector<1x16xf32>,
        %swap3A_631 = vector.shape_cast %swap3A_630 : vector<1x16xf32> to vector<16xf32>
        %swap3A_632 = vector.shape_cast %add3A_627 : vector<16xf32> to vector<1x16xf32>
        tpu.vector_store %arg12[%swap3A_628, %swap3A_629], %swap3A_632 {strides = array<i32>} : memref<128x128xf32, #tpu.memory_space<vmem>>, vector<1x16xf32>,
        %slice3A_633 = vector.extract_strided_slice %get3A_85 {offsets = [4], sizes = [1], strides = [1]} : vector<16xf32> to vector<1xf32>
        %squeeze3A_634 = vector.extract %slice3A_633[0] : f32 from vector<1xf32>
        %broadcast_in_dim3A_635 = vector.broadcast %squeeze3A_634 : f32 to vector<16xf32>
        %slice3A_636 = vector.extract_strided_slice %get3A_90 {offsets = [4], sizes = [1], strides = [1]} : vector<16xf32> to vector<1xf32>
        %squeeze3A_637 = vector.extract %slice3A_636[0] : f32 from vector<1xf32>
        %broadcast_in_dim3A_638 = vector.broadcast %squeeze3A_637 : f32 to vector<16xf32>
        %add3A_639 = arith.constant 4 : i32
        %add3A_640 = arith.addi %mul3A_92, %add3A_639 : i32
        %get3A_641 = arith.index_cast %add3A_640 : i32 to index
        %get3A_642 = arith.constant 0 : index
        %get3A_643 = tpu.vector_load %arg12[%get3A_641, %get3A_642] {strides = array<i32>} : memref<128x128xf32, #tpu.memory_space<vmem>>, vector<1x16xf32>,
        %get3A_644 = vector.shape_cast %get3A_643 : vector<1x16xf32> to vector<16xf32>
        %mul3A_645 = arith.mulf %broadcast_in_dim3A_635, %get3A_644 : vector<16xf32>
        %get3A_646 = arith.index_cast %add3A_640 : i32 to index
        %get3A_647 = arith.constant 0 : index
        %get3A_648 = tpu.vector_load %arg13[%get3A_646, %get3A_647] {strides = array<i32>} : memref<128x128xf32, #tpu.memory_space<vmem>>, vector<1x16xf32>,
        %get3A_649 = vector.shape_cast %get3A_648 : vector<1x16xf32> to vector<16xf32>
        %mul3A_650 = arith.mulf %broadcast_in_dim3A_638, %get3A_649 : vector<16xf32>
        %add3A_651 = arith.addf %mul3A_645, %mul3A_650 : vector<16xf32>
        %swap3A_652 = arith.index_cast %add3A_640 : i32 to index
        %swap3A_653 = arith.constant 0 : index
        %swap3A_654 = tpu.vector_load %arg12[%swap3A_652, %swap3A_653] {strides = array<i32>} : memref<128x128xf32, #tpu.memory_space<vmem>>, vector<1x16xf32>,
        %swap3A_655 = vector.shape_cast %swap3A_654 : vector<1x16xf32> to vector<16xf32>
        %swap3A_656 = vector.shape_cast %add3A_651 : vector<16xf32> to vector<1x16xf32>
        tpu.vector_store %arg12[%swap3A_652, %swap3A_653], %swap3A_656 {strides = array<i32>} : memref<128x128xf32, #tpu.memory_space<vmem>>, vector<1x16xf32>,
        %get3A_657 = arith.index_cast %add3A_640 : i32 to index
        %get3A_658 = arith.constant 16 : index
        %get3A_659 = tpu.vector_load %arg12[%get3A_657, %get3A_658] {strides = array<i32>} : memref<128x128xf32, #tpu.memory_space<vmem>>, vector<1x16xf32>,
        %get3A_660 = vector.shape_cast %get3A_659 : vector<1x16xf32> to vector<16xf32>
        %mul3A_661 = arith.mulf %broadcast_in_dim3A_635, %get3A_660 : vector<16xf32>
        %get3A_662 = arith.index_cast %add3A_640 : i32 to index
        %get3A_663 = arith.constant 16 : index
        %get3A_664 = tpu.vector_load %arg13[%get3A_662, %get3A_663] {strides = array<i32>} : memref<128x128xf32, #tpu.memory_space<vmem>>, vector<1x16xf32>,
        %get3A_665 = vector.shape_cast %get3A_664 : vector<1x16xf32> to vector<16xf32>
        %mul3A_666 = arith.mulf %broadcast_in_dim3A_638, %get3A_665 : vector<16xf32>
        %add3A_667 = arith.addf %mul3A_661, %mul3A_666 : vector<16xf32>
        %swap3A_668 = arith.index_cast %add3A_640 : i32 to index
        %swap3A_669 = arith.constant 16 : index
        %swap3A_670 = tpu.vector_load %arg12[%swap3A_668, %swap3A_669] {strides = array<i32>} : memref<128x128xf32, #tpu.memory_space<vmem>>, vector<1x16xf32>,
        %swap3A_671 = vector.shape_cast %swap3A_670 : vector<1x16xf32> to vector<16xf32>
        %swap3A_672 = vector.shape_cast %add3A_667 : vector<16xf32> to vector<1x16xf32>
        tpu.vector_store %arg12[%swap3A_668, %swap3A_669], %swap3A_672 {strides = array<i32>} : memref<128x128xf32, #tpu.memory_space<vmem>>, vector<1x16xf32>,
        %get3A_673 = arith.index_cast %add3A_640 : i32 to index
        %get3A_674 = arith.constant 32 : index
        %get3A_675 = tpu.vector_load %arg12[%get3A_673, %get3A_674] {strides = array<i32>} : memref<128x128xf32, #tpu.memory_space<vmem>>, vector<1x16xf32>,
        %get3A_676 = vector.shape_cast %get3A_675 : vector<1x16xf32> to vector<16xf32>
        %mul3A_677 = arith.mulf %broadcast_in_dim3A_635, %get3A_676 : vector<16xf32>
        %get3A_678 = arith.index_cast %add3A_640 : i32 to index
        %get3A_679 = arith.constant 32 : index
        %get3A_680 = tpu.vector_load %arg13[%get3A_678, %get3A_679] {strides = array<i32>} : memref<128x128xf32, #tpu.memory_space<vmem>>, vector<1x16xf32>,
        %get3A_681 = vector.shape_cast %get3A_680 : vector<1x16xf32> to vector<16xf32>
        %mul3A_682 = arith.mulf %broadcast_in_dim3A_638, %get3A_681 : vector<16xf32>
        %add3A_683 = arith.addf %mul3A_677, %mul3A_682 : vector<16xf32>
        %swap3A_684 = arith.index_cast %add3A_640 : i32 to index
        %swap3A_685 = arith.constant 32 : index
        %swap3A_686 = tpu.vector_load %arg12[%swap3A_684, %swap3A_685] {strides = array<i32>} : memref<128x128xf32, #tpu.memory_space<vmem>>, vector<1x16xf32>,
        %swap3A_687 = vector.shape_cast %swap3A_686 : vector<1x16xf32> to vector<16xf32>
        %swap3A_688 = vector.shape_cast %add3A_683 : vector<16xf32> to vector<1x16xf32>
        tpu.vector_store %arg12[%swap3A_684, %swap3A_685], %swap3A_688 {strides = array<i32>} : memref<128x128xf32, #tpu.memory_space<vmem>>, vector<1x16xf32>,
        %get3A_689 = arith.index_cast %add3A_640 : i32 to index
        %get3A_690 = arith.constant 48 : index
        %get3A_691 = tpu.vector_load %arg12[%get3A_689, %get3A_690] {strides = array<i32>} : memref<128x128xf32, #tpu.memory_space<vmem>>, vector<1x16xf32>,
        %get3A_692 = vector.shape_cast %get3A_691 : vector<1x16xf32> to vector<16xf32>
        %mul3A_693 = arith.mulf %broadcast_in_dim3A_635, %get3A_692 : vector<16xf32>
        %get3A_694 = arith.index_cast %add3A_640 : i32 to index
        %get3A_695 = arith.constant 48 : index
        %get3A_696 = tpu.vector_load %arg13[%get3A_694, %get3A_695] {strides = array<i32>} : memref<128x128xf32, #tpu.memory_space<vmem>>, vector<1x16xf32>,
        %get3A_697 = vector.shape_cast %get3A_696 : vector<1x16xf32> to vector<16xf32>
        %mul3A_698 = arith.mulf %broadcast_in_dim3A_638, %get3A_697 : vector<16xf32>
        %add3A_699 = arith.addf %mul3A_693, %mul3A_698 : vector<16xf32>
        %swap3A_700 = arith.index_cast %add3A_640 : i32 to index
        %swap3A_701 = arith.constant 48 : index
        %swap3A_702 = tpu.vector_load %arg12[%swap3A_700, %swap3A_701] {strides = array<i32>} : memref<128x128xf32, #tpu.memory_space<vmem>>, vector<1x16xf32>,
        %swap3A_703 = vector.shape_cast %swap3A_702 : vector<1x16xf32> to vector<16xf32>
        %swap3A_704 = vector.shape_cast %add3A_699 : vector<16xf32> to vector<1x16xf32>
        tpu.vector_store %arg12[%swap3A_700, %swap3A_701], %swap3A_704 {strides = array<i32>} : memref<128x128xf32, #tpu.memory_space<vmem>>, vector<1x16xf32>,
        %get3A_705 = arith.index_cast %add3A_640 : i32 to index
        %get3A_706 = arith.constant 64 : index
        %get3A_707 = tpu.vector_load %arg12[%get3A_705, %get3A_706] {strides = array<i32>} : memref<128x128xf32, #tpu.memory_space<vmem>>, vector<1x16xf32>,
        %get3A_708 = vector.shape_cast %get3A_707 : vector<1x16xf32> to vector<16xf32>
        %mul3A_709 = arith.mulf %broadcast_in_dim3A_635, %get3A_708 : vector<16xf32>
        %get3A_710 = arith.index_cast %add3A_640 : i32 to index
        %get3A_711 = arith.constant 64 : index
        %get3A_712 = tpu.vector_load %arg13[%get3A_710, %get3A_711] {strides = array<i32>} : memref<128x128xf32, #tpu.memory_space<vmem>>, vector<1x16xf32>,
        %get3A_713 = vector.shape_cast %get3A_712 : vector<1x16xf32> to vector<16xf32>
        %mul3A_714 = arith.mulf %broadcast_in_dim3A_638, %get3A_713 : vector<16xf32>
        %add3A_715 = arith.addf %mul3A_709, %mul3A_714 : vector<16xf32>
        %swap3A_716 = arith.index_cast %add3A_640 : i32 to index
        %swap3A_717 = arith.constant 64 : index
        %swap3A_718 = tpu.vector_load %arg12[%swap3A_716, %swap3A_717] {strides = array<i32>} : memref<128x128xf32, #tpu.memory_space<vmem>>, vector<1x16xf32>,
        %swap3A_719 = vector.shape_cast %swap3A_718 : vector<1x16xf32> to vector<16xf32>
        %swap3A_720 = vector.shape_cast %add3A_715 : vector<16xf32> to vector<1x16xf32>
        tpu.vector_store %arg12[%swap3A_716, %swap3A_717], %swap3A_720 {strides = array<i32>} : memref<128x128xf32, #tpu.memory_space<vmem>>, vector<1x16xf32>,
        %get3A_721 = arith.index_cast %add3A_640 : i32 to index
        %get3A_722 = arith.constant 80 : index
        %get3A_723 = tpu.vector_load %arg12[%get3A_721, %get3A_722] {strides = array<i32>} : memref<128x128xf32, #tpu.memory_space<vmem>>, vector<1x16xf32>,
        %get3A_724 = vector.shape_cast %get3A_723 : vector<1x16xf32> to vector<16xf32>
        %mul3A_725 = arith.mulf %broadcast_in_dim3A_635, %get3A_724 : vector<16xf32>
        %get3A_726 = arith.index_cast %add3A_640 : i32 to index
        %get3A_727 = arith.constant 80 : index
        %get3A_728 = tpu.vector_load %arg13[%get3A_726, %get3A_727] {strides = array<i32>} : memref<128x128xf32, #tpu.memory_space<vmem>>, vector<1x16xf32>,
        %get3A_729 = vector.shape_cast %get3A_728 : vector<1x16xf32> to vector<16xf32>
        %mul3A_730 = arith.mulf %broadcast_in_dim3A_638, %get3A_729 : vector<16xf32>
        %add3A_731 = arith.addf %mul3A_725, %mul3A_730 : vector<16xf32>
        %swap3A_732 = arith.index_cast %add3A_640 : i32 to index
        %swap3A_733 = arith.constant 80 : index
        %swap3A_734 = tpu.vector_load %arg12[%swap3A_732, %swap3A_733] {strides = array<i32>} : memref<128x128xf32, #tpu.memory_space<vmem>>, vector<1x16xf32>,
        %swap3A_735 = vector.shape_cast %swap3A_734 : vector<1x16xf32> to vector<16xf32>
        %swap3A_736 = vector.shape_cast %add3A_731 : vector<16xf32> to vector<1x16xf32>
        tpu.vector_store %arg12[%swap3A_732, %swap3A_733], %swap3A_736 {strides = array<i32>} : memref<128x128xf32, #tpu.memory_space<vmem>>, vector<1x16xf32>,
        %get3A_737 = arith.index_cast %add3A_640 : i32 to index
        %get3A_738 = arith.constant 96 : index
        %get3A_739 = tpu.vector_load %arg12[%get3A_737, %get3A_738] {strides = array<i32>} : memref<128x128xf32, #tpu.memory_space<vmem>>, vector<1x16xf32>,
        %get3A_740 = vector.shape_cast %get3A_739 : vector<1x16xf32> to vector<16xf32>
        %mul3A_741 = arith.mulf %broadcast_in_dim3A_635, %get3A_740 : vector<16xf32>
        %get3A_742 = arith.index_cast %add3A_640 : i32 to index
        %get3A_743 = arith.constant 96 : index
        %get3A_744 = tpu.vector_load %arg13[%get3A_742, %get3A_743] {strides = array<i32>} : memref<128x128xf32, #tpu.memory_space<vmem>>, vector<1x16xf32>,
        %get3A_745 = vector.shape_cast %get3A_744 : vector<1x16xf32> to vector<16xf32>
        %mul3A_746 = arith.mulf %broadcast_in_dim3A_638, %get3A_745 : vector<16xf32>
        %add3A_747 = arith.addf %mul3A_741, %mul3A_746 : vector<16xf32>
        %swap3A_748 = arith.index_cast %add3A_640 : i32 to index
        %swap3A_749 = arith.constant 96 : index
        %swap3A_750 = tpu.vector_load %arg12[%swap3A_748, %swap3A_749] {strides = array<i32>} : memref<128x128xf32, #tpu.memory_space<vmem>>, vector<1x16xf32>,
        %swap3A_751 = vector.shape_cast %swap3A_750 : vector<1x16xf32> to vector<16xf32>
        %swap3A_752 = vector.shape_cast %add3A_747 : vector<16xf32> to vector<1x16xf32>
        tpu.vector_store %arg12[%swap3A_748, %swap3A_749], %swap3A_752 {strides = array<i32>} : memref<128x128xf32, #tpu.memory_space<vmem>>, vector<1x16xf32>,
        %get3A_753 = arith.index_cast %add3A_640 : i32 to index
        %get3A_754 = arith.constant 112 : index
        %get3A_755 = tpu.vector_load %arg12[%get3A_753, %get3A_754] {strides = array<i32>} : memref<128x128xf32, #tpu.memory_space<vmem>>, vector<1x16xf32>,
        %get3A_756 = vector.shape_cast %get3A_755 : vector<1x16xf32> to vector<16xf32>
        %mul3A_757 = arith.mulf %broadcast_in_dim3A_635, %get3A_756 : vector<16xf32>
        %get3A_758 = arith.index_cast %add3A_640 : i32 to index
        %get3A_759 = arith.constant 112 : index
        %get3A_760 = tpu.vector_load %arg13[%get3A_758, %get3A_759] {strides = array<i32>} : memref<128x128xf32, #tpu.memory_space<vmem>>, vector<1x16xf32>,
        %get3A_761 = vector.shape_cast %get3A_760 : vector<1x16xf32> to vector<16xf32>
        %mul3A_762 = arith.mulf %broadcast_in_dim3A_638, %get3A_761 : vector<16xf32>
        %add3A_763 = arith.addf %mul3A_757, %mul3A_762 : vector<16xf32>
        %swap3A_764 = arith.index_cast %add3A_640 : i32 to index
        %swap3A_765 = arith.constant 112 : index
        %swap3A_766 = tpu.vector_load %arg12[%swap3A_764, %swap3A_765] {strides = array<i32>} : memref<128x128xf32, #tpu.memory_space<vmem>>, vector<1x16xf32>,
        %swap3A_767 = vector.shape_cast %swap3A_766 : vector<1x16xf32> to vector<16xf32>
        %swap3A_768 = vector.shape_cast %add3A_763 : vector<16xf32> to vector<1x16xf32>
        tpu.vector_store %arg12[%swap3A_764, %swap3A_765], %swap3A_768 {strides = array<i32>} : memref<128x128xf32, #tpu.memory_space<vmem>>, vector<1x16xf32>,
        %slice3A_769 = vector.extract_strided_slice %get3A_85 {offsets = [5], sizes = [1], strides = [1]} : vector<16xf32> to vector<1xf32>
        %squeeze3A_770 = vector.extract %slice3A_769[0] : f32 from vector<1xf32>
        %broadcast_in_dim3A_771 = vector.broadcast %squeeze3A_770 : f32 to vector<16xf32>
        %slice3A_772 = vector.extract_strided_slice %get3A_90 {offsets = [5], sizes = [1], strides = [1]} : vector<16xf32> to vector<1xf32>
        %squeeze3A_773 = vector.extract %slice3A_772[0] : f32 from vector<1xf32>
        %broadcast_in_dim3A_774 = vector.broadcast %squeeze3A_773 : f32 to vector<16xf32>
        %add3A_775 = arith.constant 5 : i32
        %add3A_776 = arith.addi %mul3A_92, %add3A_775 : i32
        %get3A_777 = arith.index_cast %add3A_776 : i32 to index
        %get3A_778 = arith.constant 0 : index
        %get3A_779 = tpu.vector_load %arg12[%get3A_777, %get3A_778] {strides = array<i32>} : memref<128x128xf32, #tpu.memory_space<vmem>>, vector<1x16xf32>,
        %get3A_780 = vector.shape_cast %get3A_779 : vector<1x16xf32> to vector<16xf32>
        %mul3A_781 = arith.mulf %broadcast_in_dim3A_771, %get3A_780 : vector<16xf32>
        %get3A_782 = arith.index_cast %add3A_776 : i32 to index
        %get3A_783 = arith.constant 0 : index
        %get3A_784 = tpu.vector_load %arg13[%get3A_782, %get3A_783] {strides = array<i32>} : memref<128x128xf32, #tpu.memory_space<vmem>>, vector<1x16xf32>,
        %get3A_785 = vector.shape_cast %get3A_784 : vector<1x16xf32> to vector<16xf32>
        %mul3A_786 = arith.mulf %broadcast_in_dim3A_774, %get3A_785 : vector<16xf32>
        %add3A_787 = arith.addf %mul3A_781, %mul3A_786 : vector<16xf32>
        %swap3A_788 = arith.index_cast %add3A_776 : i32 to index
        %swap3A_789 = arith.constant 0 : index
        %swap3A_790 = tpu.vector_load %arg12[%swap3A_788, %swap3A_789] {strides = array<i32>} : memref<128x128xf32, #tpu.memory_space<vmem>>, vector<1x16xf32>,
        %swap3A_791 = vector.shape_cast %swap3A_790 : vector<1x16xf32> to vector<16xf32>
        %swap3A_792 = vector.shape_cast %add3A_787 : vector<16xf32> to vector<1x16xf32>
        tpu.vector_store %arg12[%swap3A_788, %swap3A_789], %swap3A_792 {strides = array<i32>} : memref<128x128xf32, #tpu.memory_space<vmem>>, vector<1x16xf32>,
        %get3A_793 = arith.index_cast %add3A_776 : i32 to index
        %get3A_794 = arith.constant 16 : index
        %get3A_795 = tpu.vector_load %arg12[%get3A_793, %get3A_794] {strides = array<i32>} : memref<128x128xf32, #tpu.memory_space<vmem>>, vector<1x16xf32>,
        %get3A_796 = vector.shape_cast %get3A_795 : vector<1x16xf32> to vector<16xf32>
        %mul3A_797 = arith.mulf %broadcast_in_dim3A_771, %get3A_796 : vector<16xf32>
        %get3A_798 = arith.index_cast %add3A_776 : i32 to index
        %get3A_799 = arith.constant 16 : index
        %get3A_800 = tpu.vector_load %arg13[%get3A_798, %get3A_799] {strides = array<i32>} : memref<128x128xf32, #tpu.memory_space<vmem>>, vector<1x16xf32>,
        %get3A_801 = vector.shape_cast %get3A_800 : vector<1x16xf32> to vector<16xf32>
        %mul3A_802 = arith.mulf %broadcast_in_dim3A_774, %get3A_801 : vector<16xf32>
        %add3A_803 = arith.addf %mul3A_797, %mul3A_802 : vector<16xf32>
        %swap3A_804 = arith.index_cast %add3A_776 : i32 to index
        %swap3A_805 = arith.constant 16 : index
        %swap3A_806 = tpu.vector_load %arg12[%swap3A_804, %swap3A_805] {strides = array<i32>} : memref<128x128xf32, #tpu.memory_space<vmem>>, vector<1x16xf32>,
        %swap3A_807 = vector.shape_cast %swap3A_806 : vector<1x16xf32> to vector<16xf32>
        %swap3A_808 = vector.shape_cast %add3A_803 : vector<16xf32> to vector<1x16xf32>
        tpu.vector_store %arg12[%swap3A_804, %swap3A_805], %swap3A_808 {strides = array<i32>} : memref<128x128xf32, #tpu.memory_space<vmem>>, vector<1x16xf32>,
        %get3A_809 = arith.index_cast %add3A_776 : i32 to index
        %get3A_810 = arith.constant 32 : index
        %get3A_811 = tpu.vector_load %arg12[%get3A_809, %get3A_810] {strides = array<i32>} : memref<128x128xf32, #tpu.memory_space<vmem>>, vector<1x16xf32>,
        %get3A_812 = vector.shape_cast %get3A_811 : vector<1x16xf32> to vector<16xf32>
        %mul3A_813 = arith.mulf %broadcast_in_dim3A_771, %get3A_812 : vector<16xf32>
        %get3A_814 = arith.index_cast %add3A_776 : i32 to index
        %get3A_815 = arith.constant 32 : index
        %get3A_816 = tpu.vector_load %arg13[%get3A_814, %get3A_815] {strides = array<i32>} : memref<128x128xf32, #tpu.memory_space<vmem>>, vector<1x16xf32>,
        %get3A_817 = vector.shape_cast %get3A_816 : vector<1x16xf32> to vector<16xf32>
        %mul3A_818 = arith.mulf %broadcast_in_dim3A_774, %get3A_817 : vector<16xf32>
        %add3A_819 = arith.addf %mul3A_813, %mul3A_818 : vector<16xf32>
        %swap3A_820 = arith.index_cast %add3A_776 : i32 to index
        %swap3A_821 = arith.constant 32 : index
        %swap3A_822 = tpu.vector_load %arg12[%swap3A_820, %swap3A_821] {strides = array<i32>} : memref<128x128xf32, #tpu.memory_space<vmem>>, vector<1x16xf32>,
        %swap3A_823 = vector.shape_cast %swap3A_822 : vector<1x16xf32> to vector<16xf32>
        %swap3A_824 = vector.shape_cast %add3A_819 : vector<16xf32> to vector<1x16xf32>
        tpu.vector_store %arg12[%swap3A_820, %swap3A_821], %swap3A_824 {strides = array<i32>} : memref<128x128xf32, #tpu.memory_space<vmem>>, vector<1x16xf32>,
        %get3A_825 = arith.index_cast %add3A_776 : i32 to index
        %get3A_826 = arith.constant 48 : index
        %get3A_827 = tpu.vector_load %arg12[%get3A_825, %get3A_826] {strides = array<i32>} : memref<128x128xf32, #tpu.memory_space<vmem>>, vector<1x16xf32>,
        %get3A_828 = vector.shape_cast %get3A_827 : vector<1x16xf32> to vector<16xf32>
        %mul3A_829 = arith.mulf %broadcast_in_dim3A_771, %get3A_828 : vector<16xf32>
        %get3A_830 = arith.index_cast %add3A_776 : i32 to index
        %get3A_831 = arith.constant 48 : index
        %get3A_832 = tpu.vector_load %arg13[%get3A_830, %get3A_831] {strides = array<i32>} : memref<128x128xf32, #tpu.memory_space<vmem>>, vector<1x16xf32>,
        %get3A_833 = vector.shape_cast %get3A_832 : vector<1x16xf32> to vector<16xf32>
        %mul3A_834 = arith.mulf %broadcast_in_dim3A_774, %get3A_833 : vector<16xf32>
        %add3A_835 = arith.addf %mul3A_829, %mul3A_834 : vector<16xf32>
        %swap3A_836 = arith.index_cast %add3A_776 : i32 to index
        %swap3A_837 = arith.constant 48 : index
        %swap3A_838 = tpu.vector_load %arg12[%swap3A_836, %swap3A_837] {strides = array<i32>} : memref<128x128xf32, #tpu.memory_space<vmem>>, vector<1x16xf32>,
        %swap3A_839 = vector.shape_cast %swap3A_838 : vector<1x16xf32> to vector<16xf32>
        %swap3A_840 = vector.shape_cast %add3A_835 : vector<16xf32> to vector<1x16xf32>
        tpu.vector_store %arg12[%swap3A_836, %swap3A_837], %swap3A_840 {strides = array<i32>} : memref<128x128xf32, #tpu.memory_space<vmem>>, vector<1x16xf32>,
        %get3A_841 = arith.index_cast %add3A_776 : i32 to index
        %get3A_842 = arith.constant 64 : index
        %get3A_843 = tpu.vector_load %arg12[%get3A_841, %get3A_842] {strides = array<i32>} : memref<128x128xf32, #tpu.memory_space<vmem>>, vector<1x16xf32>,
        %get3A_844 = vector.shape_cast %get3A_843 : vector<1x16xf32> to vector<16xf32>
        %mul3A_845 = arith.mulf %broadcast_in_dim3A_771, %get3A_844 : vector<16xf32>
        %get3A_846 = arith.index_cast %add3A_776 : i32 to index
        %get3A_847 = arith.constant 64 : index
        %get3A_848 = tpu.vector_load %arg13[%get3A_846, %get3A_847] {strides = array<i32>} : memref<128x128xf32, #tpu.memory_space<vmem>>, vector<1x16xf32>,
        %get3A_849 = vector.shape_cast %get3A_848 : vector<1x16xf32> to vector<16xf32>
        %mul3A_850 = arith.mulf %broadcast_in_dim3A_774, %get3A_849 : vector<16xf32>
        %add3A_851 = arith.addf %mul3A_845, %mul3A_850 : vector<16xf32>
        %swap3A_852 = arith.index_cast %add3A_776 : i32 to index
        %swap3A_853 = arith.constant 64 : index
        %swap3A_854 = tpu.vector_load %arg12[%swap3A_852, %swap3A_853] {strides = array<i32>} : memref<128x128xf32, #tpu.memory_space<vmem>>, vector<1x16xf32>,
        %swap3A_855 = vector.shape_cast %swap3A_854 : vector<1x16xf32> to vector<16xf32>
        %swap3A_856 = vector.shape_cast %add3A_851 : vector<16xf32> to vector<1x16xf32>
        tpu.vector_store %arg12[%swap3A_852, %swap3A_853], %swap3A_856 {strides = array<i32>} : memref<128x128xf32, #tpu.memory_space<vmem>>, vector<1x16xf32>,
        %get3A_857 = arith.index_cast %add3A_776 : i32 to index
        %get3A_858 = arith.constant 80 : index
        %get3A_859 = tpu.vector_load %arg12[%get3A_857, %get3A_858] {strides = array<i32>} : memref<128x128xf32, #tpu.memory_space<vmem>>, vector<1x16xf32>,
        %get3A_860 = vector.shape_cast %get3A_859 : vector<1x16xf32> to vector<16xf32>
        %mul3A_861 = arith.mulf %broadcast_in_dim3A_771, %get3A_860 : vector<16xf32>
        %get3A_862 = arith.index_cast %add3A_776 : i32 to index
        %get3A_863 = arith.constant 80 : index
        %get3A_864 = tpu.vector_load %arg13[%get3A_862, %get3A_863] {strides = array<i32>} : memref<128x128xf32, #tpu.memory_space<vmem>>, vector<1x16xf32>,
        %get3A_865 = vector.shape_cast %get3A_864 : vector<1x16xf32> to vector<16xf32>
        %mul3A_866 = arith.mulf %broadcast_in_dim3A_774, %get3A_865 : vector<16xf32>
        %add3A_867 = arith.addf %mul3A_861, %mul3A_866 : vector<16xf32>
        %swap3A_868 = arith.index_cast %add3A_776 : i32 to index
        %swap3A_869 = arith.constant 80 : index
        %swap3A_870 = tpu.vector_load %arg12[%swap3A_868, %swap3A_869] {strides = array<i32>} : memref<128x128xf32, #tpu.memory_space<vmem>>, vector<1x16xf32>,
        %swap3A_871 = vector.shape_cast %swap3A_870 : vector<1x16xf32> to vector<16xf32>
        %swap3A_872 = vector.shape_cast %add3A_867 : vector<16xf32> to vector<1x16xf32>
        tpu.vector_store %arg12[%swap3A_868, %swap3A_869], %swap3A_872 {strides = array<i32>} : memref<128x128xf32, #tpu.memory_space<vmem>>, vector<1x16xf32>,
        %get3A_873 = arith.index_cast %add3A_776 : i32 to index
        %get3A_874 = arith.constant 96 : index
        %get3A_875 = tpu.vector_load %arg12[%get3A_873, %get3A_874] {strides = array<i32>} : memref<128x128xf32, #tpu.memory_space<vmem>>, vector<1x16xf32>,
        %get3A_876 = vector.shape_cast %get3A_875 : vector<1x16xf32> to vector<16xf32>
        %mul3A_877 = arith.mulf %broadcast_in_dim3A_771, %get3A_876 : vector<16xf32>
        %get3A_878 = arith.index_cast %add3A_776 : i32 to index
        %get3A_879 = arith.constant 96 : index
        %get3A_880 = tpu.vector_load %arg13[%get3A_878, %get3A_879] {strides = array<i32>} : memref<128x128xf32, #tpu.memory_space<vmem>>, vector<1x16xf32>,
        %get3A_881 = vector.shape_cast %get3A_880 : vector<1x16xf32> to vector<16xf32>
        %mul3A_882 = arith.mulf %broadcast_in_dim3A_774, %get3A_881 : vector<16xf32>
        %add3A_883 = arith.addf %mul3A_877, %mul3A_882 : vector<16xf32>
        %swap3A_884 = arith.index_cast %add3A_776 : i32 to index
        %swap3A_885 = arith.constant 96 : index
        %swap3A_886 = tpu.vector_load %arg12[%swap3A_884, %swap3A_885] {strides = array<i32>} : memref<128x128xf32, #tpu.memory_space<vmem>>, vector<1x16xf32>,
        %swap3A_887 = vector.shape_cast %swap3A_886 : vector<1x16xf32> to vector<16xf32>
        %swap3A_888 = vector.shape_cast %add3A_883 : vector<16xf32> to vector<1x16xf32>
        tpu.vector_store %arg12[%swap3A_884, %swap3A_885], %swap3A_888 {strides = array<i32>} : memref<128x128xf32, #tpu.memory_space<vmem>>, vector<1x16xf32>,
        %get3A_889 = arith.index_cast %add3A_776 : i32 to index
        %get3A_890 = arith.constant 112 : index
        %get3A_891 = tpu.vector_load %arg12[%get3A_889, %get3A_890] {strides = array<i32>} : memref<128x128xf32, #tpu.memory_space<vmem>>, vector<1x16xf32>,
        %get3A_892 = vector.shape_cast %get3A_891 : vector<1x16xf32> to vector<16xf32>
        %mul3A_893 = arith.mulf %broadcast_in_dim3A_771, %get3A_892 : vector<16xf32>
        %get3A_894 = arith.index_cast %add3A_776 : i32 to index
        %get3A_895 = arith.constant 112 : index
        %get3A_896 = tpu.vector_load %arg13[%get3A_894, %get3A_895] {strides = array<i32>} : memref<128x128xf32, #tpu.memory_space<vmem>>, vector<1x16xf32>,
        %get3A_897 = vector.shape_cast %get3A_896 : vector<1x16xf32> to vector<16xf32>
        %mul3A_898 = arith.mulf %broadcast_in_dim3A_774, %get3A_897 : vector<16xf32>
        %add3A_899 = arith.addf %mul3A_893, %mul3A_898 : vector<16xf32>
        %swap3A_900 = arith.index_cast %add3A_776 : i32 to index
        %swap3A_901 = arith.constant 112 : index
        %swap3A_902 = tpu.vector_load %arg12[%swap3A_900, %swap3A_901] {strides = array<i32>} : memref<128x128xf32, #tpu.memory_space<vmem>>, vector<1x16xf32>,
        %swap3A_903 = vector.shape_cast %swap3A_902 : vector<1x16xf32> to vector<16xf32>
        %swap3A_904 = vector.shape_cast %add3A_899 : vector<16xf32> to vector<1x16xf32>
        tpu.vector_store %arg12[%swap3A_900, %swap3A_901], %swap3A_904 {strides = array<i32>} : memref<128x128xf32, #tpu.memory_space<vmem>>, vector<1x16xf32>,
        %slice3A_905 = vector.extract_strided_slice %get3A_85 {offsets = [6], sizes = [1], strides = [1]} : vector<16xf32> to vector<1xf32>
        %squeeze3A_906 = vector.extract %slice3A_905[0] : f32 from vector<1xf32>
        %broadcast_in_dim3A_907 = vector.broadcast %squeeze3A_906 : f32 to vector<16xf32>
        %slice3A_908 = vector.extract_strided_slice %get3A_90 {offsets = [6], sizes = [1], strides = [1]} : vector<16xf32> to vector<1xf32>
        %squeeze3A_909 = vector.extract %slice3A_908[0] : f32 from vector<1xf32>
        %broadcast_in_dim3A_910 = vector.broadcast %squeeze3A_909 : f32 to vector<16xf32>
        %add3A_911 = arith.constant 6 : i32
        %add3A_912 = arith.addi %mul3A_92, %add3A_911 : i32
        %get3A_913 = arith.index_cast %add3A_912 : i32 to index
        %get3A_914 = arith.constant 0 : index
        %get3A_915 = tpu.vector_load %arg12[%get3A_913, %get3A_914] {strides = array<i32>} : memref<128x128xf32, #tpu.memory_space<vmem>>, vector<1x16xf32>,
        %get3A_916 = vector.shape_cast %get3A_915 : vector<1x16xf32> to vector<16xf32>
        %mul3A_917 = arith.mulf %broadcast_in_dim3A_907, %get3A_916 : vector<16xf32>
        %get3A_918 = arith.index_cast %add3A_912 : i32 to index
        %get3A_919 = arith.constant 0 : index
        %get3A_920 = tpu.vector_load %arg13[%get3A_918, %get3A_919] {strides = array<i32>} : memref<128x128xf32, #tpu.memory_space<vmem>>, vector<1x16xf32>,
        %get3A_921 = vector.shape_cast %get3A_920 : vector<1x16xf32> to vector<16xf32>
        %mul3A_922 = arith.mulf %broadcast_in_dim3A_910, %get3A_921 : vector<16xf32>
        %add3A_923 = arith.addf %mul3A_917, %mul3A_922 : vector<16xf32>
        %swap3A_924 = arith.index_cast %add3A_912 : i32 to index
        %swap3A_925 = arith.constant 0 : index
        %swap3A_926 = tpu.vector_load %arg12[%swap3A_924, %swap3A_925] {strides = array<i32>} : memref<128x128xf32, #tpu.memory_space<vmem>>, vector<1x16xf32>,
        %swap3A_927 = vector.shape_cast %swap3A_926 : vector<1x16xf32> to vector<16xf32>
        %swap3A_928 = vector.shape_cast %add3A_923 : vector<16xf32> to vector<1x16xf32>
        tpu.vector_store %arg12[%swap3A_924, %swap3A_925], %swap3A_928 {strides = array<i32>} : memref<128x128xf32, #tpu.memory_space<vmem>>, vector<1x16xf32>,
        %get3A_929 = arith.index_cast %add3A_912 : i32 to index
        %get3A_930 = arith.constant 16 : index
        %get3A_931 = tpu.vector_load %arg12[%get3A_929, %get3A_930] {strides = array<i32>} : memref<128x128xf32, #tpu.memory_space<vmem>>, vector<1x16xf32>,
        %get3A_932 = vector.shape_cast %get3A_931 : vector<1x16xf32> to vector<16xf32>
        %mul3A_933 = arith.mulf %broadcast_in_dim3A_907, %get3A_932 : vector<16xf32>
        %get3A_934 = arith.index_cast %add3A_912 : i32 to index
        %get3A_935 = arith.constant 16 : index
        %get3A_936 = tpu.vector_load %arg13[%get3A_934, %get3A_935] {strides = array<i32>} : memref<128x128xf32, #tpu.memory_space<vmem>>, vector<1x16xf32>,
        %get3A_937 = vector.shape_cast %get3A_936 : vector<1x16xf32> to vector<16xf32>
        %mul3A_938 = arith.mulf %broadcast_in_dim3A_910, %get3A_937 : vector<16xf32>
        %add3A_939 = arith.addf %mul3A_933, %mul3A_938 : vector<16xf32>
        %swap3A_940 = arith.index_cast %add3A_912 : i32 to index
        %swap3A_941 = arith.constant 16 : index
        %swap3A_942 = tpu.vector_load %arg12[%swap3A_940, %swap3A_941] {strides = array<i32>} : memref<128x128xf32, #tpu.memory_space<vmem>>, vector<1x16xf32>,
        %swap3A_943 = vector.shape_cast %swap3A_942 : vector<1x16xf32> to vector<16xf32>
        %swap3A_944 = vector.shape_cast %add3A_939 : vector<16xf32> to vector<1x16xf32>
        tpu.vector_store %arg12[%swap3A_940, %swap3A_941], %swap3A_944 {strides = array<i32>} : memref<128x128xf32, #tpu.memory_space<vmem>>, vector<1x16xf32>,
        %get3A_945 = arith.index_cast %add3A_912 : i32 to index
        %get3A_946 = arith.constant 32 : index
        %get3A_947 = tpu.vector_load %arg12[%get3A_945, %get3A_946] {strides = array<i32>} : memref<128x128xf32, #tpu.memory_space<vmem>>, vector<1x16xf32>,
        %get3A_948 = vector.shape_cast %get3A_947 : vector<1x16xf32> to vector<16xf32>
        %mul3A_949 = arith.mulf %broadcast_in_dim3A_907, %get3A_948 : vector<16xf32>
        %get3A_950 = arith.index_cast %add3A_912 : i32 to index
        %get3A_951 = arith.constant 32 : index
        %get3A_952 = tpu.vector_load %arg13[%get3A_950, %get3A_951] {strides = array<i32>} : memref<128x128xf32, #tpu.memory_space<vmem>>, vector<1x16xf32>,
        %get3A_953 = vector.shape_cast %get3A_952 : vector<1x16xf32> to vector<16xf32>
        %mul3A_954 = arith.mulf %broadcast_in_dim3A_910, %get3A_953 : vector<16xf32>
        %add3A_955 = arith.addf %mul3A_949, %mul3A_954 : vector<16xf32>
        %swap3A_956 = arith.index_cast %add3A_912 : i32 to index
        %swap3A_957 = arith.constant 32 : index
        %swap3A_958 = tpu.vector_load %arg12[%swap3A_956, %swap3A_957] {strides = array<i32>} : memref<128x128xf32, #tpu.memory_space<vmem>>, vector<1x16xf32>,
        %swap3A_959 = vector.shape_cast %swap3A_958 : vector<1x16xf32> to vector<16xf32>
        %swap3A_960 = vector.shape_cast %add3A_955 : vector<16xf32> to vector<1x16xf32>
        tpu.vector_store %arg12[%swap3A_956, %swap3A_957], %swap3A_960 {strides = array<i32>} : memref<128x128xf32, #tpu.memory_space<vmem>>, vector<1x16xf32>,
        %get3A_961 = arith.index_cast %add3A_912 : i32 to index
        %get3A_962 = arith.constant 48 : index
        %get3A_963 = tpu.vector_load %arg12[%get3A_961, %get3A_962] {strides = array<i32>} : memref<128x128xf32, #tpu.memory_space<vmem>>, vector<1x16xf32>,
        %get3A_964 = vector.shape_cast %get3A_963 : vector<1x16xf32> to vector<16xf32>
        %mul3A_965 = arith.mulf %broadcast_in_dim3A_907, %get3A_964 : vector<16xf32>
        %get3A_966 = arith.index_cast %add3A_912 : i32 to index
        %get3A_967 = arith.constant 48 : index
        %get3A_968 = tpu.vector_load %arg13[%get3A_966, %get3A_967] {strides = array<i32>} : memref<128x128xf32, #tpu.memory_space<vmem>>, vector<1x16xf32>,
        %get3A_969 = vector.shape_cast %get3A_968 : vector<1x16xf32> to vector<16xf32>
        %mul3A_970 = arith.mulf %broadcast_in_dim3A_910, %get3A_969 : vector<16xf32>
        %add3A_971 = arith.addf %mul3A_965, %mul3A_970 : vector<16xf32>
        %swap3A_972 = arith.index_cast %add3A_912 : i32 to index
        %swap3A_973 = arith.constant 48 : index
        %swap3A_974 = tpu.vector_load %arg12[%swap3A_972, %swap3A_973] {strides = array<i32>} : memref<128x128xf32, #tpu.memory_space<vmem>>, vector<1x16xf32>,
        %swap3A_975 = vector.shape_cast %swap3A_974 : vector<1x16xf32> to vector<16xf32>
        %swap3A_976 = vector.shape_cast %add3A_971 : vector<16xf32> to vector<1x16xf32>
        tpu.vector_store %arg12[%swap3A_972, %swap3A_973], %swap3A_976 {strides = array<i32>} : memref<128x128xf32, #tpu.memory_space<vmem>>, vector<1x16xf32>,
        %get3A_977 = arith.index_cast %add3A_912 : i32 to index
        %get3A_978 = arith.constant 64 : index
        %get3A_979 = tpu.vector_load %arg12[%get3A_977, %get3A_978] {strides = array<i32>} : memref<128x128xf32, #tpu.memory_space<vmem>>, vector<1x16xf32>,
        %get3A_980 = vector.shape_cast %get3A_979 : vector<1x16xf32> to vector<16xf32>
        %mul3A_981 = arith.mulf %broadcast_in_dim3A_907, %get3A_980 : vector<16xf32>
        %get3A_982 = arith.index_cast %add3A_912 : i32 to index
        %get3A_983 = arith.constant 64 : index
        %get3A_984 = tpu.vector_load %arg13[%get3A_982, %get3A_983] {strides = array<i32>} : memref<128x128xf32, #tpu.memory_space<vmem>>, vector<1x16xf32>,
        %get3A_985 = vector.shape_cast %get3A_984 : vector<1x16xf32> to vector<16xf32>
        %mul3A_986 = arith.mulf %broadcast_in_dim3A_910, %get3A_985 : vector<16xf32>
        %add3A_987 = arith.addf %mul3A_981, %mul3A_986 : vector<16xf32>
        %swap3A_988 = arith.index_cast %add3A_912 : i32 to index
        %swap3A_989 = arith.constant 64 : index
        %swap3A_990 = tpu.vector_load %arg12[%swap3A_988, %swap3A_989] {strides = array<i32>} : memref<128x128xf32, #tpu.memory_space<vmem>>, vector<1x16xf32>,
        %swap3A_991 = vector.shape_cast %swap3A_990 : vector<1x16xf32> to vector<16xf32>
        %swap3A_992 = vector.shape_cast %add3A_987 : vector<16xf32> to vector<1x16xf32>
        tpu.vector_store %arg12[%swap3A_988, %swap3A_989], %swap3A_992 {strides = array<i32>} : memref<128x128xf32, #tpu.memory_space<vmem>>, vector<1x16xf32>,
        %get3A_993 = arith.index_cast %add3A_912 : i32 to index
        %get3A_994 = arith.constant 80 : index
        %get3A_995 = tpu.vector_load %arg12[%get3A_993, %get3A_994] {strides = array<i32>} : memref<128x128xf32, #tpu.memory_space<vmem>>, vector<1x16xf32>,
        %get3A_996 = vector.shape_cast %get3A_995 : vector<1x16xf32> to vector<16xf32>
        %mul3A_997 = arith.mulf %broadcast_in_dim3A_907, %get3A_996 : vector<16xf32>
        %get3A_998 = arith.index_cast %add3A_912 : i32 to index
        %get3A_999 = arith.constant 80 : index
        %get3A_1000 = tpu.vector_load %arg13[%get3A_998, %get3A_999] {strides = array<i32>} : memref<128x128xf32, #tpu.memory_space<vmem>>, vector<1x16xf32>,
        %get3A_1001 = vector.shape_cast %get3A_1000 : vector<1x16xf32> to vector<16xf32>
        %mul3A_1002 = arith.mulf %broadcast_in_dim3A_910, %get3A_1001 : vector<16xf32>
        %add3A_1003 = arith.addf %mul3A_997, %mul3A_1002 : vector<16xf32>
        %swap3A_1004 = arith.index_cast %add3A_912 : i32 to index
        %swap3A_1005 = arith.constant 80 : index
        %swap3A_1006 = tpu.vector_load %arg12[%swap3A_1004, %swap3A_1005] {strides = array<i32>} : memref<128x128xf32, #tpu.memory_space<vmem>>, vector<1x16xf32>,
        %swap3A_1007 = vector.shape_cast %swap3A_1006 : vector<1x16xf32> to vector<16xf32>
        %swap3A_1008 = vector.shape_cast %add3A_1003 : vector<16xf32> to vector<1x16xf32>
        tpu.vector_store %arg12[%swap3A_1004, %swap3A_1005], %swap3A_1008 {strides = array<i32>} : memref<128x128xf32, #tpu.memory_space<vmem>>, vector<1x16xf32>,
        %get3A_1009 = arith.index_cast %add3A_912 : i32 to index
        %get3A_1010 = arith.constant 96 : index
        %get3A_1011 = tpu.vector_load %arg12[%get3A_1009, %get3A_1010] {strides = array<i32>} : memref<128x128xf32, #tpu.memory_space<vmem>>, vector<1x16xf32>,
        %get3A_1012 = vector.shape_cast %get3A_1011 : vector<1x16xf32> to vector<16xf32>
        %mul3A_1013 = arith.mulf %broadcast_in_dim3A_907, %get3A_1012 : vector<16xf32>
        %get3A_1014 = arith.index_cast %add3A_912 : i32 to index
        %get3A_1015 = arith.constant 96 : index
        %get3A_1016 = tpu.vector_load %arg13[%get3A_1014, %get3A_1015] {strides = array<i32>} : memref<128x128xf32, #tpu.memory_space<vmem>>, vector<1x16xf32>,
        %get3A_1017 = vector.shape_cast %get3A_1016 : vector<1x16xf32> to vector<16xf32>
        %mul3A_1018 = arith.mulf %broadcast_in_dim3A_910, %get3A_1017 : vector<16xf32>
        %add3A_1019 = arith.addf %mul3A_1013, %mul3A_1018 : vector<16xf32>
        %swap3A_1020 = arith.index_cast %add3A_912 : i32 to index
        %swap3A_1021 = arith.constant 96 : index
        %swap3A_1022 = tpu.vector_load %arg12[%swap3A_1020, %swap3A_1021] {strides = array<i32>} : memref<128x128xf32, #tpu.memory_space<vmem>>, vector<1x16xf32>,
        %swap3A_1023 = vector.shape_cast %swap3A_1022 : vector<1x16xf32> to vector<16xf32>
        %swap3A_1024 = vector.shape_cast %add3A_1019 : vector<16xf32> to vector<1x16xf32>
        tpu.vector_store %arg12[%swap3A_1020, %swap3A_1021], %swap3A_1024 {strides = array<i32>} : memref<128x128xf32, #tpu.memory_space<vmem>>, vector<1x16xf32>,
        %get3A_1025 = arith.index_cast %add3A_912 : i32 to index
        %get3A_1026 = arith.constant 112 : index
        %get3A_1027 = tpu.vector_load %arg12[%get3A_1025, %get3A_1026] {strides = array<i32>} : memref<128x128xf32, #tpu.memory_space<vmem>>, vector<1x16xf32>,
        %get3A_1028 = vector.shape_cast %get3A_1027 : vector<1x16xf32> to vector<16xf32>
        %mul3A_1029 = arith.mulf %broadcast_in_dim3A_907, %get3A_1028 : vector<16xf32>
        %get3A_1030 = arith.index_cast %add3A_912 : i32 to index
        %get3A_1031 = arith.constant 112 : index
        %get3A_1032 = tpu.vector_load %arg13[%get3A_1030, %get3A_1031] {strides = array<i32>} : memref<128x128xf32, #tpu.memory_space<vmem>>, vector<1x16xf32>,
        %get3A_1033 = vector.shape_cast %get3A_1032 : vector<1x16xf32> to vector<16xf32>
        %mul3A_1034 = arith.mulf %broadcast_in_dim3A_910, %get3A_1033 : vector<16xf32>
        %add3A_1035 = arith.addf %mul3A_1029, %mul3A_1034 : vector<16xf32>
        %swap3A_1036 = arith.index_cast %add3A_912 : i32 to index
        %swap3A_1037 = arith.constant 112 : index
        %swap3A_1038 = tpu.vector_load %arg12[%swap3A_1036, %swap3A_1037] {strides = array<i32>} : memref<128x128xf32, #tpu.memory_space<vmem>>, vector<1x16xf32>,
        %swap3A_1039 = vector.shape_cast %swap3A_1038 : vector<1x16xf32> to vector<16xf32>
        %swap3A_1040 = vector.shape_cast %add3A_1035 : vector<16xf32> to vector<1x16xf32>
        tpu.vector_store %arg12[%swap3A_1036, %swap3A_1037], %swap3A_1040 {strides = array<i32>} : memref<128x128xf32, #tpu.memory_space<vmem>>, vector<1x16xf32>,
        %slice3A_1041 = vector.extract_strided_slice %get3A_85 {offsets = [7], sizes = [1], strides = [1]} : vector<16xf32> to vector<1xf32>
        %squeeze3A_1042 = vector.extract %slice3A_1041[0] : f32 from vector<1xf32>
        %broadcast_in_dim3A_1043 = vector.broadcast %squeeze3A_1042 : f32 to vector<16xf32>
        %slice3A_1044 = vector.extract_strided_slice %get3A_90 {offsets = [7], sizes = [1], strides = [1]} : vector<16xf32> to vector<1xf32>
        %squeeze3A_1045 = vector.extract %slice3A_1044[0] : f32 from vector<1xf32>
        %broadcast_in_dim3A_1046 = vector.broadcast %squeeze3A_1045 : f32 to vector<16xf32>
        %add3A_1047 = arith.constant 7 : i32
        %add3A_1048 = arith.addi %mul3A_92, %add3A_1047 : i32
        %get3A_1049 = arith.index_cast %add3A_1048 : i32 to index
        %get3A_1050 = arith.constant 0 : index
        %get3A_1051 = tpu.vector_load %arg12[%get3A_1049, %get3A_1050] {strides = array<i32>} : memref<128x128xf32, #tpu.memory_space<vmem>>, vector<1x16xf32>,
        %get3A_1052 = vector.shape_cast %get3A_1051 : vector<1x16xf32> to vector<16xf32>
        %mul3A_1053 = arith.mulf %broadcast_in_dim3A_1043, %get3A_1052 : vector<16xf32>
        %get3A_1054 = arith.index_cast %add3A_1048 : i32 to index
        %get3A_1055 = arith.constant 0 : index
        %get3A_1056 = tpu.vector_load %arg13[%get3A_1054, %get3A_1055] {strides = array<i32>} : memref<128x128xf32, #tpu.memory_space<vmem>>, vector<1x16xf32>,
        %get3A_1057 = vector.shape_cast %get3A_1056 : vector<1x16xf32> to vector<16xf32>
        %mul3A_1058 = arith.mulf %broadcast_in_dim3A_1046, %get3A_1057 : vector<16xf32>
        %add3A_1059 = arith.addf %mul3A_1053, %mul3A_1058 : vector<16xf32>
        %swap3A_1060 = arith.index_cast %add3A_1048 : i32 to index
        %swap3A_1061 = arith.constant 0 : index
        %swap3A_1062 = tpu.vector_load %arg12[%swap3A_1060, %swap3A_1061] {strides = array<i32>} : memref<128x128xf32, #tpu.memory_space<vmem>>, vector<1x16xf32>,
        %swap3A_1063 = vector.shape_cast %swap3A_1062 : vector<1x16xf32> to vector<16xf32>
        %swap3A_1064 = vector.shape_cast %add3A_1059 : vector<16xf32> to vector<1x16xf32>
        tpu.vector_store %arg12[%swap3A_1060, %swap3A_1061], %swap3A_1064 {strides = array<i32>} : memref<128x128xf32, #tpu.memory_space<vmem>>, vector<1x16xf32>,
        %get3A_1065 = arith.index_cast %add3A_1048 : i32 to index
        %get3A_1066 = arith.constant 16 : index
        %get3A_1067 = tpu.vector_load %arg12[%get3A_1065, %get3A_1066] {strides = array<i32>} : memref<128x128xf32, #tpu.memory_space<vmem>>, vector<1x16xf32>,
        %get3A_1068 = vector.shape_cast %get3A_1067 : vector<1x16xf32> to vector<16xf32>
        %mul3A_1069 = arith.mulf %broadcast_in_dim3A_1043, %get3A_1068 : vector<16xf32>
        %get3A_1070 = arith.index_cast %add3A_1048 : i32 to index
        %get3A_1071 = arith.constant 16 : index
        %get3A_1072 = tpu.vector_load %arg13[%get3A_1070, %get3A_1071] {strides = array<i32>} : memref<128x128xf32, #tpu.memory_space<vmem>>, vector<1x16xf32>,
        %get3A_1073 = vector.shape_cast %get3A_1072 : vector<1x16xf32> to vector<16xf32>
        %mul3A_1074 = arith.mulf %broadcast_in_dim3A_1046, %get3A_1073 : vector<16xf32>
        %add3A_1075 = arith.addf %mul3A_1069, %mul3A_1074 : vector<16xf32>
        %swap3A_1076 = arith.index_cast %add3A_1048 : i32 to index
        %swap3A_1077 = arith.constant 16 : index
        %swap3A_1078 = tpu.vector_load %arg12[%swap3A_1076, %swap3A_1077] {strides = array<i32>} : memref<128x128xf32, #tpu.memory_space<vmem>>, vector<1x16xf32>,
        %swap3A_1079 = vector.shape_cast %swap3A_1078 : vector<1x16xf32> to vector<16xf32>
        %swap3A_1080 = vector.shape_cast %add3A_1075 : vector<16xf32> to vector<1x16xf32>
        tpu.vector_store %arg12[%swap3A_1076, %swap3A_1077], %swap3A_1080 {strides = array<i32>} : memref<128x128xf32, #tpu.memory_space<vmem>>, vector<1x16xf32>,
        %get3A_1081 = arith.index_cast %add3A_1048 : i32 to index
        %get3A_1082 = arith.constant 32 : index
        %get3A_1083 = tpu.vector_load %arg12[%get3A_1081, %get3A_1082] {strides = array<i32>} : memref<128x128xf32, #tpu.memory_space<vmem>>, vector<1x16xf32>,
        %get3A_1084 = vector.shape_cast %get3A_1083 : vector<1x16xf32> to vector<16xf32>
        %mul3A_1085 = arith.mulf %broadcast_in_dim3A_1043, %get3A_1084 : vector<16xf32>
        %get3A_1086 = arith.index_cast %add3A_1048 : i32 to index
        %get3A_1087 = arith.constant 32 : index
        %get3A_1088 = tpu.vector_load %arg13[%get3A_1086, %get3A_1087] {strides = array<i32>} : memref<128x128xf32, #tpu.memory_space<vmem>>, vector<1x16xf32>,
        %get3A_1089 = vector.shape_cast %get3A_1088 : vector<1x16xf32> to vector<16xf32>
        %mul3A_1090 = arith.mulf %broadcast_in_dim3A_1046, %get3A_1089 : vector<16xf32>
        %add3A_1091 = arith.addf %mul3A_1085, %mul3A_1090 : vector<16xf32>
        %swap3A_1092 = arith.index_cast %add3A_1048 : i32 to index
        %swap3A_1093 = arith.constant 32 : index
        %swap3A_1094 = tpu.vector_load %arg12[%swap3A_1092, %swap3A_1093] {strides = array<i32>} : memref<128x128xf32, #tpu.memory_space<vmem>>, vector<1x16xf32>,
        %swap3A_1095 = vector.shape_cast %swap3A_1094 : vector<1x16xf32> to vector<16xf32>
        %swap3A_1096 = vector.shape_cast %add3A_1091 : vector<16xf32> to vector<1x16xf32>
        tpu.vector_store %arg12[%swap3A_1092, %swap3A_1093], %swap3A_1096 {strides = array<i32>} : memref<128x128xf32, #tpu.memory_space<vmem>>, vector<1x16xf32>,
        %get3A_1097 = arith.index_cast %add3A_1048 : i32 to index
        %get3A_1098 = arith.constant 48 : index
        %get3A_1099 = tpu.vector_load %arg12[%get3A_1097, %get3A_1098] {strides = array<i32>} : memref<128x128xf32, #tpu.memory_space<vmem>>, vector<1x16xf32>,
        %get3A_1100 = vector.shape_cast %get3A_1099 : vector<1x16xf32> to vector<16xf32>
        %mul3A_1101 = arith.mulf %broadcast_in_dim3A_1043, %get3A_1100 : vector<16xf32>
        %get3A_1102 = arith.index_cast %add3A_1048 : i32 to index
        %get3A_1103 = arith.constant 48 : index
        %get3A_1104 = tpu.vector_load %arg13[%get3A_1102, %get3A_1103] {strides = array<i32>} : memref<128x128xf32, #tpu.memory_space<vmem>>, vector<1x16xf32>,
        %get3A_1105 = vector.shape_cast %get3A_1104 : vector<1x16xf32> to vector<16xf32>
        %mul3A_1106 = arith.mulf %broadcast_in_dim3A_1046, %get3A_1105 : vector<16xf32>
        %add3A_1107 = arith.addf %mul3A_1101, %mul3A_1106 : vector<16xf32>
        %swap3A_1108 = arith.index_cast %add3A_1048 : i32 to index
        %swap3A_1109 = arith.constant 48 : index
        %swap3A_1110 = tpu.vector_load %arg12[%swap3A_1108, %swap3A_1109] {strides = array<i32>} : memref<128x128xf32, #tpu.memory_space<vmem>>, vector<1x16xf32>,
        %swap3A_1111 = vector.shape_cast %swap3A_1110 : vector<1x16xf32> to vector<16xf32>
        %swap3A_1112 = vector.shape_cast %add3A_1107 : vector<16xf32> to vector<1x16xf32>
        tpu.vector_store %arg12[%swap3A_1108, %swap3A_1109], %swap3A_1112 {strides = array<i32>} : memref<128x128xf32, #tpu.memory_space<vmem>>, vector<1x16xf32>,
        %get3A_1113 = arith.index_cast %add3A_1048 : i32 to index
        %get3A_1114 = arith.constant 64 : index
        %get3A_1115 = tpu.vector_load %arg12[%get3A_1113, %get3A_1114] {strides = array<i32>} : memref<128x128xf32, #tpu.memory_space<vmem>>, vector<1x16xf32>,
        %get3A_1116 = vector.shape_cast %get3A_1115 : vector<1x16xf32> to vector<16xf32>
        %mul3A_1117 = arith.mulf %broadcast_in_dim3A_1043, %get3A_1116 : vector<16xf32>
        %get3A_1118 = arith.index_cast %add3A_1048 : i32 to index
        %get3A_1119 = arith.constant 64 : index
        %get3A_1120 = tpu.vector_load %arg13[%get3A_1118, %get3A_1119] {strides = array<i32>} : memref<128x128xf32, #tpu.memory_space<vmem>>, vector<1x16xf32>,
        %get3A_1121 = vector.shape_cast %get3A_1120 : vector<1x16xf32> to vector<16xf32>
        %mul3A_1122 = arith.mulf %broadcast_in_dim3A_1046, %get3A_1121 : vector<16xf32>
        %add3A_1123 = arith.addf %mul3A_1117, %mul3A_1122 : vector<16xf32>
        %swap3A_1124 = arith.index_cast %add3A_1048 : i32 to index
        %swap3A_1125 = arith.constant 64 : index
        %swap3A_1126 = tpu.vector_load %arg12[%swap3A_1124, %swap3A_1125] {strides = array<i32>} : memref<128x128xf32, #tpu.memory_space<vmem>>, vector<1x16xf32>,
        %swap3A_1127 = vector.shape_cast %swap3A_1126 : vector<1x16xf32> to vector<16xf32>
        %swap3A_1128 = vector.shape_cast %add3A_1123 : vector<16xf32> to vector<1x16xf32>
        tpu.vector_store %arg12[%swap3A_1124, %swap3A_1125], %swap3A_1128 {strides = array<i32>} : memref<128x128xf32, #tpu.memory_space<vmem>>, vector<1x16xf32>,
        %get3A_1129 = arith.index_cast %add3A_1048 : i32 to index
        %get3A_1130 = arith.constant 80 : index
        %get3A_1131 = tpu.vector_load %arg12[%get3A_1129, %get3A_1130] {strides = array<i32>} : memref<128x128xf32, #tpu.memory_space<vmem>>, vector<1x16xf32>,
        %get3A_1132 = vector.shape_cast %get3A_1131 : vector<1x16xf32> to vector<16xf32>
        %mul3A_1133 = arith.mulf %broadcast_in_dim3A_1043, %get3A_1132 : vector<16xf32>
        %get3A_1134 = arith.index_cast %add3A_1048 : i32 to index
        %get3A_1135 = arith.constant 80 : index
        %get3A_1136 = tpu.vector_load %arg13[%get3A_1134, %get3A_1135] {strides = array<i32>} : memref<128x128xf32, #tpu.memory_space<vmem>>, vector<1x16xf32>,
        %get3A_1137 = vector.shape_cast %get3A_1136 : vector<1x16xf32> to vector<16xf32>
        %mul3A_1138 = arith.mulf %broadcast_in_dim3A_1046, %get3A_1137 : vector<16xf32>
        %add3A_1139 = arith.addf %mul3A_1133, %mul3A_1138 : vector<16xf32>
        %swap3A_1140 = arith.index_cast %add3A_1048 : i32 to index
        %swap3A_1141 = arith.constant 80 : index
        %swap3A_1142 = tpu.vector_load %arg12[%swap3A_1140, %swap3A_1141] {strides = array<i32>} : memref<128x128xf32, #tpu.memory_space<vmem>>, vector<1x16xf32>,
        %swap3A_1143 = vector.shape_cast %swap3A_1142 : vector<1x16xf32> to vector<16xf32>
        %swap3A_1144 = vector.shape_cast %add3A_1139 : vector<16xf32> to vector<1x16xf32>
        tpu.vector_store %arg12[%swap3A_1140, %swap3A_1141], %swap3A_1144 {strides = array<i32>} : memref<128x128xf32, #tpu.memory_space<vmem>>, vector<1x16xf32>,
        %get3A_1145 = arith.index_cast %add3A_1048 : i32 to index
        %get3A_1146 = arith.constant 96 : index
        %get3A_1147 = tpu.vector_load %arg12[%get3A_1145, %get3A_1146] {strides = array<i32>} : memref<128x128xf32, #tpu.memory_space<vmem>>, vector<1x16xf32>,
        %get3A_1148 = vector.shape_cast %get3A_1147 : vector<1x16xf32> to vector<16xf32>
        %mul3A_1149 = arith.mulf %broadcast_in_dim3A_1043, %get3A_1148 : vector<16xf32>
        %get3A_1150 = arith.index_cast %add3A_1048 : i32 to index
        %get3A_1151 = arith.constant 96 : index
        %get3A_1152 = tpu.vector_load %arg13[%get3A_1150, %get3A_1151] {strides = array<i32>} : memref<128x128xf32, #tpu.memory_space<vmem>>, vector<1x16xf32>,
        %get3A_1153 = vector.shape_cast %get3A_1152 : vector<1x16xf32> to vector<16xf32>
        %mul3A_1154 = arith.mulf %broadcast_in_dim3A_1046, %get3A_1153 : vector<16xf32>
        %add3A_1155 = arith.addf %mul3A_1149, %mul3A_1154 : vector<16xf32>
        %swap3A_1156 = arith.index_cast %add3A_1048 : i32 to index
        %swap3A_1157 = arith.constant 96 : index
        %swap3A_1158 = tpu.vector_load %arg12[%swap3A_1156, %swap3A_1157] {strides = array<i32>} : memref<128x128xf32, #tpu.memory_space<vmem>>, vector<1x16xf32>,
        %swap3A_1159 = vector.shape_cast %swap3A_1158 : vector<1x16xf32> to vector<16xf32>
        %swap3A_1160 = vector.shape_cast %add3A_1155 : vector<16xf32> to vector<1x16xf32>
        tpu.vector_store %arg12[%swap3A_1156, %swap3A_1157], %swap3A_1160 {strides = array<i32>} : memref<128x128xf32, #tpu.memory_space<vmem>>, vector<1x16xf32>,
        %get3A_1161 = arith.index_cast %add3A_1048 : i32 to index
        %get3A_1162 = arith.constant 112 : index
        %get3A_1163 = tpu.vector_load %arg12[%get3A_1161, %get3A_1162] {strides = array<i32>} : memref<128x128xf32, #tpu.memory_space<vmem>>, vector<1x16xf32>,
        %get3A_1164 = vector.shape_cast %get3A_1163 : vector<1x16xf32> to vector<16xf32>
        %mul3A_1165 = arith.mulf %broadcast_in_dim3A_1043, %get3A_1164 : vector<16xf32>
        %get3A_1166 = arith.index_cast %add3A_1048 : i32 to index
        %get3A_1167 = arith.constant 112 : index
        %get3A_1168 = tpu.vector_load %arg13[%get3A_1166, %get3A_1167] {strides = array<i32>} : memref<128x128xf32, #tpu.memory_space<vmem>>, vector<1x16xf32>,
        %get3A_1169 = vector.shape_cast %get3A_1168 : vector<1x16xf32> to vector<16xf32>
        %mul3A_1170 = arith.mulf %broadcast_in_dim3A_1046, %get3A_1169 : vector<16xf32>
        %add3A_1171 = arith.addf %mul3A_1165, %mul3A_1170 : vector<16xf32>
        %swap3A_1172 = arith.index_cast %add3A_1048 : i32 to index
        %swap3A_1173 = arith.constant 112 : index
        %swap3A_1174 = tpu.vector_load %arg12[%swap3A_1172, %swap3A_1173] {strides = array<i32>} : memref<128x128xf32, #tpu.memory_space<vmem>>, vector<1x16xf32>,
        %swap3A_1175 = vector.shape_cast %swap3A_1174 : vector<1x16xf32> to vector<16xf32>
        %swap3A_1176 = vector.shape_cast %add3A_1171 : vector<16xf32> to vector<1x16xf32>
        tpu.vector_store %arg12[%swap3A_1172, %swap3A_1173], %swap3A_1176 {strides = array<i32>} : memref<128x128xf32, #tpu.memory_space<vmem>>, vector<1x16xf32>,
        %slice3A_1177 = vector.extract_strided_slice %get3A_85 {offsets = [8], sizes = [1], strides = [1]} : vector<16xf32> to vector<1xf32>
        %squeeze3A_1178 = vector.extract %slice3A_1177[0] : f32 from vector<1xf32>
        %broadcast_in_dim3A_1179 = vector.broadcast %squeeze3A_1178 : f32 to vector<16xf32>
        %slice3A_1180 = vector.extract_strided_slice %get3A_90 {offsets = [8], sizes = [1], strides = [1]} : vector<16xf32> to vector<1xf32>
        %squeeze3A_1181 = vector.extract %slice3A_1180[0] : f32 from vector<1xf32>
        %broadcast_in_dim3A_1182 = vector.broadcast %squeeze3A_1181 : f32 to vector<16xf32>
        %add3A_1183 = arith.constant 8 : i32
        %add3A_1184 = arith.addi %mul3A_92, %add3A_1183 : i32
        %get3A_1185 = arith.index_cast %add3A_1184 : i32 to index
        %get3A_1186 = arith.constant 0 : index
        %get3A_1187 = tpu.vector_load %arg12[%get3A_1185, %get3A_1186] {strides = array<i32>} : memref<128x128xf32, #tpu.memory_space<vmem>>, vector<1x16xf32>,
        %get3A_1188 = vector.shape_cast %get3A_1187 : vector<1x16xf32> to vector<16xf32>
        %mul3A_1189 = arith.mulf %broadcast_in_dim3A_1179, %get3A_1188 : vector<16xf32>
        %get3A_1190 = arith.index_cast %add3A_1184 : i32 to index
        %get3A_1191 = arith.constant 0 : index
        %get3A_1192 = tpu.vector_load %arg13[%get3A_1190, %get3A_1191] {strides = array<i32>} : memref<128x128xf32, #tpu.memory_space<vmem>>, vector<1x16xf32>,
        %get3A_1193 = vector.shape_cast %get3A_1192 : vector<1x16xf32> to vector<16xf32>
        %mul3A_1194 = arith.mulf %broadcast_in_dim3A_1182, %get3A_1193 : vector<16xf32>
        %add3A_1195 = arith.addf %mul3A_1189, %mul3A_1194 : vector<16xf32>
        %swap3A_1196 = arith.index_cast %add3A_1184 : i32 to index
        %swap3A_1197 = arith.constant 0 : index
        %swap3A_1198 = tpu.vector_load %arg12[%swap3A_1196, %swap3A_1197] {strides = array<i32>} : memref<128x128xf32, #tpu.memory_space<vmem>>, vector<1x16xf32>,
        %swap3A_1199 = vector.shape_cast %swap3A_1198 : vector<1x16xf32> to vector<16xf32>
        %swap3A_1200 = vector.shape_cast %add3A_1195 : vector<16xf32> to vector<1x16xf32>
        tpu.vector_store %arg12[%swap3A_1196, %swap3A_1197], %swap3A_1200 {strides = array<i32>} : memref<128x128xf32, #tpu.memory_space<vmem>>, vector<1x16xf32>,
        %get3A_1201 = arith.index_cast %add3A_1184 : i32 to index
        %get3A_1202 = arith.constant 16 : index
        %get3A_1203 = tpu.vector_load %arg12[%get3A_1201, %get3A_1202] {strides = array<i32>} : memref<128x128xf32, #tpu.memory_space<vmem>>, vector<1x16xf32>,
        %get3A_1204 = vector.shape_cast %get3A_1203 : vector<1x16xf32> to vector<16xf32>
        %mul3A_1205 = arith.mulf %broadcast_in_dim3A_1179, %get3A_1204 : vector<16xf32>
        %get3A_1206 = arith.index_cast %add3A_1184 : i32 to index
        %get3A_1207 = arith.constant 16 : index
        %get3A_1208 = tpu.vector_load %arg13[%get3A_1206, %get3A_1207] {strides = array<i32>} : memref<128x128xf32, #tpu.memory_space<vmem>>, vector<1x16xf32>,
        %get3A_1209 = vector.shape_cast %get3A_1208 : vector<1x16xf32> to vector<16xf32>
        %mul3A_1210 = arith.mulf %broadcast_in_dim3A_1182, %get3A_1209 : vector<16xf32>
        %add3A_1211 = arith.addf %mul3A_1205, %mul3A_1210 : vector<16xf32>
        %swap3A_1212 = arith.index_cast %add3A_1184 : i32 to index
        %swap3A_1213 = arith.constant 16 : index
        %swap3A_1214 = tpu.vector_load %arg12[%swap3A_1212, %swap3A_1213] {strides = array<i32>} : memref<128x128xf32, #tpu.memory_space<vmem>>, vector<1x16xf32>,
        %swap3A_1215 = vector.shape_cast %swap3A_1214 : vector<1x16xf32> to vector<16xf32>
        %swap3A_1216 = vector.shape_cast %add3A_1211 : vector<16xf32> to vector<1x16xf32>
        tpu.vector_store %arg12[%swap3A_1212, %swap3A_1213], %swap3A_1216 {strides = array<i32>} : memref<128x128xf32, #tpu.memory_space<vmem>>, vector<1x16xf32>,
        %get3A_1217 = arith.index_cast %add3A_1184 : i32 to index
        %get3A_1218 = arith.constant 32 : index
        %get3A_1219 = tpu.vector_load %arg12[%get3A_1217, %get3A_1218] {strides = array<i32>} : memref<128x128xf32, #tpu.memory_space<vmem>>, vector<1x16xf32>,
        %get3A_1220 = vector.shape_cast %get3A_1219 : vector<1x16xf32> to vector<16xf32>
        %mul3A_1221 = arith.mulf %broadcast_in_dim3A_1179, %get3A_1220 : vector<16xf32>
        %get3A_1222 = arith.index_cast %add3A_1184 : i32 to index
        %get3A_1223 = arith.constant 32 : index
        %get3A_1224 = tpu.vector_load %arg13[%get3A_1222, %get3A_1223] {strides = array<i32>} : memref<128x128xf32, #tpu.memory_space<vmem>>, vector<1x16xf32>,
        %get3A_1225 = vector.shape_cast %get3A_1224 : vector<1x16xf32> to vector<16xf32>
        %mul3A_1226 = arith.mulf %broadcast_in_dim3A_1182, %get3A_1225 : vector<16xf32>
        %add3A_1227 = arith.addf %mul3A_1221, %mul3A_1226 : vector<16xf32>
        %swap3A_1228 = arith.index_cast %add3A_1184 : i32 to index
        %swap3A_1229 = arith.constant 32 : index
        %swap3A_1230 = tpu.vector_load %arg12[%swap3A_1228, %swap3A_1229] {strides = array<i32>} : memref<128x128xf32, #tpu.memory_space<vmem>>, vector<1x16xf32>,
        %swap3A_1231 = vector.shape_cast %swap3A_1230 : vector<1x16xf32> to vector<16xf32>
        %swap3A_1232 = vector.shape_cast %add3A_1227 : vector<16xf32> to vector<1x16xf32>
        tpu.vector_store %arg12[%swap3A_1228, %swap3A_1229], %swap3A_1232 {strides = array<i32>} : memref<128x128xf32, #tpu.memory_space<vmem>>, vector<1x16xf32>,
        %get3A_1233 = arith.index_cast %add3A_1184 : i32 to index
        %get3A_1234 = arith.constant 48 : index
        %get3A_1235 = tpu.vector_load %arg12[%get3A_1233, %get3A_1234] {strides = array<i32>} : memref<128x128xf32, #tpu.memory_space<vmem>>, vector<1x16xf32>,
        %get3A_1236 = vector.shape_cast %get3A_1235 : vector<1x16xf32> to vector<16xf32>
        %mul3A_1237 = arith.mulf %broadcast_in_dim3A_1179, %get3A_1236 : vector<16xf32>
        %get3A_1238 = arith.index_cast %add3A_1184 : i32 to index
        %get3A_1239 = arith.constant 48 : index
        %get3A_1240 = tpu.vector_load %arg13[%get3A_1238, %get3A_1239] {strides = array<i32>} : memref<128x128xf32, #tpu.memory_space<vmem>>, vector<1x16xf32>,
        %get3A_1241 = vector.shape_cast %get3A_1240 : vector<1x16xf32> to vector<16xf32>
        %mul3A_1242 = arith.mulf %broadcast_in_dim3A_1182, %get3A_1241 : vector<16xf32>
        %add3A_1243 = arith.addf %mul3A_1237, %mul3A_1242 : vector<16xf32>
        %swap3A_1244 = arith.index_cast %add3A_1184 : i32 to index
        %swap3A_1245 = arith.constant 48 : index
        %swap3A_1246 = tpu.vector_load %arg12[%swap3A_1244, %swap3A_1245] {strides = array<i32>} : memref<128x128xf32, #tpu.memory_space<vmem>>, vector<1x16xf32>,
        %swap3A_1247 = vector.shape_cast %swap3A_1246 : vector<1x16xf32> to vector<16xf32>
        %swap3A_1248 = vector.shape_cast %add3A_1243 : vector<16xf32> to vector<1x16xf32>
        tpu.vector_store %arg12[%swap3A_1244, %swap3A_1245], %swap3A_1248 {strides = array<i32>} : memref<128x128xf32, #tpu.memory_space<vmem>>, vector<1x16xf32>,
        %get3A_1249 = arith.index_cast %add3A_1184 : i32 to index
        %get3A_1250 = arith.constant 64 : index
        %get3A_1251 = tpu.vector_load %arg12[%get3A_1249, %get3A_1250] {strides = array<i32>} : memref<128x128xf32, #tpu.memory_space<vmem>>, vector<1x16xf32>,
        %get3A_1252 = vector.shape_cast %get3A_1251 : vector<1x16xf32> to vector<16xf32>
        %mul3A_1253 = arith.mulf %broadcast_in_dim3A_1179, %get3A_1252 : vector<16xf32>
        %get3A_1254 = arith.index_cast %add3A_1184 : i32 to index
        %get3A_1255 = arith.constant 64 : index
        %get3A_1256 = tpu.vector_load %arg13[%get3A_1254, %get3A_1255] {strides = array<i32>} : memref<128x128xf32, #tpu.memory_space<vmem>>, vector<1x16xf32>,
        %get3A_1257 = vector.shape_cast %get3A_1256 : vector<1x16xf32> to vector<16xf32>
        %mul3A_1258 = arith.mulf %broadcast_in_dim3A_1182, %get3A_1257 : vector<16xf32>
        %add3A_1259 = arith.addf %mul3A_1253, %mul3A_1258 : vector<16xf32>
        %swap3A_1260 = arith.index_cast %add3A_1184 : i32 to index
        %swap3A_1261 = arith.constant 64 : index
        %swap3A_1262 = tpu.vector_load %arg12[%swap3A_1260, %swap3A_1261] {strides = array<i32>} : memref<128x128xf32, #tpu.memory_space<vmem>>, vector<1x16xf32>,
        %swap3A_1263 = vector.shape_cast %swap3A_1262 : vector<1x16xf32> to vector<16xf32>
        %swap3A_1264 = vector.shape_cast %add3A_1259 : vector<16xf32> to vector<1x16xf32>
        tpu.vector_store %arg12[%swap3A_1260, %swap3A_1261], %swap3A_1264 {strides = array<i32>} : memref<128x128xf32, #tpu.memory_space<vmem>>, vector<1x16xf32>,
        %get3A_1265 = arith.index_cast %add3A_1184 : i32 to index
        %get3A_1266 = arith.constant 80 : index
        %get3A_1267 = tpu.vector_load %arg12[%get3A_1265, %get3A_1266] {strides = array<i32>} : memref<128x128xf32, #tpu.memory_space<vmem>>, vector<1x16xf32>,
        %get3A_1268 = vector.shape_cast %get3A_1267 : vector<1x16xf32> to vector<16xf32>
        %mul3A_1269 = arith.mulf %broadcast_in_dim3A_1179, %get3A_1268 : vector<16xf32>
        %get3A_1270 = arith.index_cast %add3A_1184 : i32 to index
        %get3A_1271 = arith.constant 80 : index
        %get3A_1272 = tpu.vector_load %arg13[%get3A_1270, %get3A_1271] {strides = array<i32>} : memref<128x128xf32, #tpu.memory_space<vmem>>, vector<1x16xf32>,
        %get3A_1273 = vector.shape_cast %get3A_1272 : vector<1x16xf32> to vector<16xf32>
        %mul3A_1274 = arith.mulf %broadcast_in_dim3A_1182, %get3A_1273 : vector<16xf32>
        %add3A_1275 = arith.addf %mul3A_1269, %mul3A_1274 : vector<16xf32>
        %swap3A_1276 = arith.index_cast %add3A_1184 : i32 to index
        %swap3A_1277 = arith.constant 80 : index
        %swap3A_1278 = tpu.vector_load %arg12[%swap3A_1276, %swap3A_1277] {strides = array<i32>} : memref<128x128xf32, #tpu.memory_space<vmem>>, vector<1x16xf32>,
        %swap3A_1279 = vector.shape_cast %swap3A_1278 : vector<1x16xf32> to vector<16xf32>
        %swap3A_1280 = vector.shape_cast %add3A_1275 : vector<16xf32> to vector<1x16xf32>
        tpu.vector_store %arg12[%swap3A_1276, %swap3A_1277], %swap3A_1280 {strides = array<i32>} : memref<128x128xf32, #tpu.memory_space<vmem>>, vector<1x16xf32>,
        %get3A_1281 = arith.index_cast %add3A_1184 : i32 to index
        %get3A_1282 = arith.constant 96 : index
        %get3A_1283 = tpu.vector_load %arg12[%get3A_1281, %get3A_1282] {strides = array<i32>} : memref<128x128xf32, #tpu.memory_space<vmem>>, vector<1x16xf32>,
        %get3A_1284 = vector.shape_cast %get3A_1283 : vector<1x16xf32> to vector<16xf32>
        %mul3A_1285 = arith.mulf %broadcast_in_dim3A_1179, %get3A_1284 : vector<16xf32>
        %get3A_1286 = arith.index_cast %add3A_1184 : i32 to index
        %get3A_1287 = arith.constant 96 : index
        %get3A_1288 = tpu.vector_load %arg13[%get3A_1286, %get3A_1287] {strides = array<i32>} : memref<128x128xf32, #tpu.memory_space<vmem>>, vector<1x16xf32>,
        %get3A_1289 = vector.shape_cast %get3A_1288 : vector<1x16xf32> to vector<16xf32>
        %mul3A_1290 = arith.mulf %broadcast_in_dim3A_1182, %get3A_1289 : vector<16xf32>
        %add3A_1291 = arith.addf %mul3A_1285, %mul3A_1290 : vector<16xf32>
        %swap3A_1292 = arith.index_cast %add3A_1184 : i32 to index
        %swap3A_1293 = arith.constant 96 : index
        %swap3A_1294 = tpu.vector_load %arg12[%swap3A_1292, %swap3A_1293] {strides = array<i32>} : memref<128x128xf32, #tpu.memory_space<vmem>>, vector<1x16xf32>,
        %swap3A_1295 = vector.shape_cast %swap3A_1294 : vector<1x16xf32> to vector<16xf32>
        %swap3A_1296 = vector.shape_cast %add3A_1291 : vector<16xf32> to vector<1x16xf32>
        tpu.vector_store %arg12[%swap3A_1292, %swap3A_1293], %swap3A_1296 {strides = array<i32>} : memref<128x128xf32, #tpu.memory_space<vmem>>, vector<1x16xf32>,
        %get3A_1297 = arith.index_cast %add3A_1184 : i32 to index
        %get3A_1298 = arith.constant 112 : index
        %get3A_1299 = tpu.vector_load %arg12[%get3A_1297, %get3A_1298] {strides = array<i32>} : memref<128x128xf32, #tpu.memory_space<vmem>>, vector<1x16xf32>,
        %get3A_1300 = vector.shape_cast %get3A_1299 : vector<1x16xf32> to vector<16xf32>
        %mul3A_1301 = arith.mulf %broadcast_in_dim3A_1179, %get3A_1300 : vector<16xf32>
        %get3A_1302 = arith.index_cast %add3A_1184 : i32 to index
        %get3A_1303 = arith.constant 112 : index
        %get3A_1304 = tpu.vector_load %arg13[%get3A_1302, %get3A_1303] {strides = array<i32>} : memref<128x128xf32, #tpu.memory_space<vmem>>, vector<1x16xf32>,
        %get3A_1305 = vector.shape_cast %get3A_1304 : vector<1x16xf32> to vector<16xf32>
        %mul3A_1306 = arith.mulf %broadcast_in_dim3A_1182, %get3A_1305 : vector<16xf32>
        %add3A_1307 = arith.addf %mul3A_1301, %mul3A_1306 : vector<16xf32>
        %swap3A_1308 = arith.index_cast %add3A_1184 : i32 to index
        %swap3A_1309 = arith.constant 112 : index
        %swap3A_1310 = tpu.vector_load %arg12[%swap3A_1308, %swap3A_1309] {strides = array<i32>} : memref<128x128xf32, #tpu.memory_space<vmem>>, vector<1x16xf32>,
        %swap3A_1311 = vector.shape_cast %swap3A_1310 : vector<1x16xf32> to vector<16xf32>
        %swap3A_1312 = vector.shape_cast %add3A_1307 : vector<16xf32> to vector<1x16xf32>
        tpu.vector_store %arg12[%swap3A_1308, %swap3A_1309], %swap3A_1312 {strides = array<i32>} : memref<128x128xf32, #tpu.memory_space<vmem>>, vector<1x16xf32>,
        %slice3A_1313 = vector.extract_strided_slice %get3A_85 {offsets = [9], sizes = [1], strides = [1]} : vector<16xf32> to vector<1xf32>
        %squeeze3A_1314 = vector.extract %slice3A_1313[0] : f32 from vector<1xf32>
        %broadcast_in_dim3A_1315 = vector.broadcast %squeeze3A_1314 : f32 to vector<16xf32>
        %slice3A_1316 = vector.extract_strided_slice %get3A_90 {offsets = [9], sizes = [1], strides = [1]} : vector<16xf32> to vector<1xf32>
        %squeeze3A_1317 = vector.extract %slice3A_1316[0] : f32 from vector<1xf32>
        %broadcast_in_dim3A_1318 = vector.broadcast %squeeze3A_1317 : f32 to vector<16xf32>
        %add3A_1319 = arith.constant 9 : i32
        %add3A_1320 = arith.addi %mul3A_92, %add3A_1319 : i32
        %get3A_1321 = arith.index_cast %add3A_1320 : i32 to index
        %get3A_1322 = arith.constant 0 : index
        %get3A_1323 = tpu.vector_load %arg12[%get3A_1321, %get3A_1322] {strides = array<i32>} : memref<128x128xf32, #tpu.memory_space<vmem>>, vector<1x16xf32>,
        %get3A_1324 = vector.shape_cast %get3A_1323 : vector<1x16xf32> to vector<16xf32>
        %mul3A_1325 = arith.mulf %broadcast_in_dim3A_1315, %get3A_1324 : vector<16xf32>
        %get3A_1326 = arith.index_cast %add3A_1320 : i32 to index
        %get3A_1327 = arith.constant 0 : index
        %get3A_1328 = tpu.vector_load %arg13[%get3A_1326, %get3A_1327] {strides = array<i32>} : memref<128x128xf32, #tpu.memory_space<vmem>>, vector<1x16xf32>,
        %get3A_1329 = vector.shape_cast %get3A_1328 : vector<1x16xf32> to vector<16xf32>
        %mul3A_1330 = arith.mulf %broadcast_in_dim3A_1318, %get3A_1329 : vector<16xf32>
        %add3A_1331 = arith.addf %mul3A_1325, %mul3A_1330 : vector<16xf32>
        %swap3A_1332 = arith.index_cast %add3A_1320 : i32 to index
        %swap3A_1333 = arith.constant 0 : index
        %swap3A_1334 = tpu.vector_load %arg12[%swap3A_1332, %swap3A_1333] {strides = array<i32>} : memref<128x128xf32, #tpu.memory_space<vmem>>, vector<1x16xf32>,
        %swap3A_1335 = vector.shape_cast %swap3A_1334 : vector<1x16xf32> to vector<16xf32>
        %swap3A_1336 = vector.shape_cast %add3A_1331 : vector<16xf32> to vector<1x16xf32>
        tpu.vector_store %arg12[%swap3A_1332, %swap3A_1333], %swap3A_1336 {strides = array<i32>} : memref<128x128xf32, #tpu.memory_space<vmem>>, vector<1x16xf32>,
        %get3A_1337 = arith.index_cast %add3A_1320 : i32 to index
        %get3A_1338 = arith.constant 16 : index
        %get3A_1339 = tpu.vector_load %arg12[%get3A_1337, %get3A_1338] {strides = array<i32>} : memref<128x128xf32, #tpu.memory_space<vmem>>, vector<1x16xf32>,
        %get3A_1340 = vector.shape_cast %get3A_1339 : vector<1x16xf32> to vector<16xf32>
        %mul3A_1341 = arith.mulf %broadcast_in_dim3A_1315, %get3A_1340 : vector<16xf32>
        %get3A_1342 = arith.index_cast %add3A_1320 : i32 to index
        %get3A_1343 = arith.constant 16 : index
        %get3A_1344 = tpu.vector_load %arg13[%get3A_1342, %get3A_1343] {strides = array<i32>} : memref<128x128xf32, #tpu.memory_space<vmem>>, vector<1x16xf32>,
        %get3A_1345 = vector.shape_cast %get3A_1344 : vector<1x16xf32> to vector<16xf32>
        %mul3A_1346 = arith.mulf %broadcast_in_dim3A_1318, %get3A_1345 : vector<16xf32>
        %add3A_1347 = arith.addf %mul3A_1341, %mul3A_1346 : vector<16xf32>
        %swap3A_1348 = arith.index_cast %add3A_1320 : i32 to index
        %swap3A_1349 = arith.constant 16 : index
        %swap3A_1350 = tpu.vector_load %arg12[%swap3A_1348, %swap3A_1349] {strides = array<i32>} : memref<128x128xf32, #tpu.memory_space<vmem>>, vector<1x16xf32>,
        %swap3A_1351 = vector.shape_cast %swap3A_1350 : vector<1x16xf32> to vector<16xf32>
        %swap3A_1352 = vector.shape_cast %add3A_1347 : vector<16xf32> to vector<1x16xf32>
        tpu.vector_store %arg12[%swap3A_1348, %swap3A_1349], %swap3A_1352 {strides = array<i32>} : memref<128x128xf32, #tpu.memory_space<vmem>>, vector<1x16xf32>,
        %get3A_1353 = arith.index_cast %add3A_1320 : i32 to index
        %get3A_1354 = arith.constant 32 : index
        %get3A_1355 = tpu.vector_load %arg12[%get3A_1353, %get3A_1354] {strides = array<i32>} : memref<128x128xf32, #tpu.memory_space<vmem>>, vector<1x16xf32>,
        %get3A_1356 = vector.shape_cast %get3A_1355 : vector<1x16xf32> to vector<16xf32>
        %mul3A_1357 = arith.mulf %broadcast_in_dim3A_1315, %get3A_1356 : vector<16xf32>
        %get3A_1358 = arith.index_cast %add3A_1320 : i32 to index
        %get3A_1359 = arith.constant 32 : index
        %get3A_1360 = tpu.vector_load %arg13[%get3A_1358, %get3A_1359] {strides = array<i32>} : memref<128x128xf32, #tpu.memory_space<vmem>>, vector<1x16xf32>,
        %get3A_1361 = vector.shape_cast %get3A_1360 : vector<1x16xf32> to vector<16xf32>
        %mul3A_1362 = arith.mulf %broadcast_in_dim3A_1318, %get3A_1361 : vector<16xf32>
        %add3A_1363 = arith.addf %mul3A_1357, %mul3A_1362 : vector<16xf32>
        %swap3A_1364 = arith.index_cast %add3A_1320 : i32 to index
        %swap3A_1365 = arith.constant 32 : index
        %swap3A_1366 = tpu.vector_load %arg12[%swap3A_1364, %swap3A_1365] {strides = array<i32>} : memref<128x128xf32, #tpu.memory_space<vmem>>, vector<1x16xf32>,
        %swap3A_1367 = vector.shape_cast %swap3A_1366 : vector<1x16xf32> to vector<16xf32>
        %swap3A_1368 = vector.shape_cast %add3A_1363 : vector<16xf32> to vector<1x16xf32>
        tpu.vector_store %arg12[%swap3A_1364, %swap3A_1365], %swap3A_1368 {strides = array<i32>} : memref<128x128xf32, #tpu.memory_space<vmem>>, vector<1x16xf32>,
        %get3A_1369 = arith.index_cast %add3A_1320 : i32 to index
        %get3A_1370 = arith.constant 48 : index
        %get3A_1371 = tpu.vector_load %arg12[%get3A_1369, %get3A_1370] {strides = array<i32>} : memref<128x128xf32, #tpu.memory_space<vmem>>, vector<1x16xf32>,
        %get3A_1372 = vector.shape_cast %get3A_1371 : vector<1x16xf32> to vector<16xf32>
        %mul3A_1373 = arith.mulf %broadcast_in_dim3A_1315, %get3A_1372 : vector<16xf32>
        %get3A_1374 = arith.index_cast %add3A_1320 : i32 to index
        %get3A_1375 = arith.constant 48 : index
        %get3A_1376 = tpu.vector_load %arg13[%get3A_1374, %get3A_1375] {strides = array<i32>} : memref<128x128xf32, #tpu.memory_space<vmem>>, vector<1x16xf32>,
        %get3A_1377 = vector.shape_cast %get3A_1376 : vector<1x16xf32> to vector<16xf32>
        %mul3A_1378 = arith.mulf %broadcast_in_dim3A_1318, %get3A_1377 : vector<16xf32>
        %add3A_1379 = arith.addf %mul3A_1373, %mul3A_1378 : vector<16xf32>
        %swap3A_1380 = arith.index_cast %add3A_1320 : i32 to index
        %swap3A_1381 = arith.constant 48 : index
        %swap3A_1382 = tpu.vector_load %arg12[%swap3A_1380, %swap3A_1381] {strides = array<i32>} : memref<128x128xf32, #tpu.memory_space<vmem>>, vector<1x16xf32>,
        %swap3A_1383 = vector.shape_cast %swap3A_1382 : vector<1x16xf32> to vector<16xf32>
        %swap3A_1384 = vector.shape_cast %add3A_1379 : vector<16xf32> to vector<1x16xf32>
        tpu.vector_store %arg12[%swap3A_1380, %swap3A_1381], %swap3A_1384 {strides = array<i32>} : memref<128x128xf32, #tpu.memory_space<vmem>>, vector<1x16xf32>,
        %get3A_1385 = arith.index_cast %add3A_1320 : i32 to index
        %get3A_1386 = arith.constant 64 : index
        %get3A_1387 = tpu.vector_load %arg12[%get3A_1385, %get3A_1386] {strides = array<i32>} : memref<128x128xf32, #tpu.memory_space<vmem>>, vector<1x16xf32>,
        %get3A_1388 = vector.shape_cast %get3A_1387 : vector<1x16xf32> to vector<16xf32>
        %mul3A_1389 = arith.mulf %broadcast_in_dim3A_1315, %get3A_1388 : vector<16xf32>
        %get3A_1390 = arith.index_cast %add3A_1320 : i32 to index
        %get3A_1391 = arith.constant 64 : index
        %get3A_1392 = tpu.vector_load %arg13[%get3A_1390, %get3A_1391] {strides = array<i32>} : memref<128x128xf32, #tpu.memory_space<vmem>>, vector<1x16xf32>,
        %get3A_1393 = vector.shape_cast %get3A_1392 : vector<1x16xf32> to vector<16xf32>
        %mul3A_1394 = arith.mulf %broadcast_in_dim3A_1318, %get3A_1393 : vector<16xf32>
        %add3A_1395 = arith.addf %mul3A_1389, %mul3A_1394 : vector<16xf32>
        %swap3A_1396 = arith.index_cast %add3A_1320 : i32 to index
        %swap3A_1397 = arith.constant 64 : index
        %swap3A_1398 = tpu.vector_load %arg12[%swap3A_1396, %swap3A_1397] {strides = array<i32>} : memref<128x128xf32, #tpu.memory_space<vmem>>, vector<1x16xf32>,
        %swap3A_1399 = vector.shape_cast %swap3A_1398 : vector<1x16xf32> to vector<16xf32>
        %swap3A_1400 = vector.shape_cast %add3A_1395 : vector<16xf32> to vector<1x16xf32>
        tpu.vector_store %arg12[%swap3A_1396, %swap3A_1397], %swap3A_1400 {strides = array<i32>} : memref<128x128xf32, #tpu.memory_space<vmem>>, vector<1x16xf32>,
        %get3A_1401 = arith.index_cast %add3A_1320 : i32 to index
        %get3A_1402 = arith.constant 80 : index
        %get3A_1403 = tpu.vector_load %arg12[%get3A_1401, %get3A_1402] {strides = array<i32>} : memref<128x128xf32, #tpu.memory_space<vmem>>, vector<1x16xf32>,
        %get3A_1404 = vector.shape_cast %get3A_1403 : vector<1x16xf32> to vector<16xf32>
        %mul3A_1405 = arith.mulf %broadcast_in_dim3A_1315, %get3A_1404 : vector<16xf32>
        %get3A_1406 = arith.index_cast %add3A_1320 : i32 to index
        %get3A_1407 = arith.constant 80 : index
        %get3A_1408 = tpu.vector_load %arg13[%get3A_1406, %get3A_1407] {strides = array<i32>} : memref<128x128xf32, #tpu.memory_space<vmem>>, vector<1x16xf32>,
        %get3A_1409 = vector.shape_cast %get3A_1408 : vector<1x16xf32> to vector<16xf32>
        %mul3A_1410 = arith.mulf %broadcast_in_dim3A_1318, %get3A_1409 : vector<16xf32>
        %add3A_1411 = arith.addf %mul3A_1405, %mul3A_1410 : vector<16xf32>
        %swap3A_1412 = arith.index_cast %add3A_1320 : i32 to index
        %swap3A_1413 = arith.constant 80 : index
        %swap3A_1414 = tpu.vector_load %arg12[%swap3A_1412, %swap3A_1413] {strides = array<i32>} : memref<128x128xf32, #tpu.memory_space<vmem>>, vector<1x16xf32>,
        %swap3A_1415 = vector.shape_cast %swap3A_1414 : vector<1x16xf32> to vector<16xf32>
        %swap3A_1416 = vector.shape_cast %add3A_1411 : vector<16xf32> to vector<1x16xf32>
        tpu.vector_store %arg12[%swap3A_1412, %swap3A_1413], %swap3A_1416 {strides = array<i32>} : memref<128x128xf32, #tpu.memory_space<vmem>>, vector<1x16xf32>,
        %get3A_1417 = arith.index_cast %add3A_1320 : i32 to index
        %get3A_1418 = arith.constant 96 : index
        %get3A_1419 = tpu.vector_load %arg12[%get3A_1417, %get3A_1418] {strides = array<i32>} : memref<128x128xf32, #tpu.memory_space<vmem>>, vector<1x16xf32>,
        %get3A_1420 = vector.shape_cast %get3A_1419 : vector<1x16xf32> to vector<16xf32>
        %mul3A_1421 = arith.mulf %broadcast_in_dim3A_1315, %get3A_1420 : vector<16xf32>
        %get3A_1422 = arith.index_cast %add3A_1320 : i32 to index
        %get3A_1423 = arith.constant 96 : index
        %get3A_1424 = tpu.vector_load %arg13[%get3A_1422, %get3A_1423] {strides = array<i32>} : memref<128x128xf32, #tpu.memory_space<vmem>>, vector<1x16xf32>,
        %get3A_1425 = vector.shape_cast %get3A_1424 : vector<1x16xf32> to vector<16xf32>
        %mul3A_1426 = arith.mulf %broadcast_in_dim3A_1318, %get3A_1425 : vector<16xf32>
        %add3A_1427 = arith.addf %mul3A_1421, %mul3A_1426 : vector<16xf32>
        %swap3A_1428 = arith.index_cast %add3A_1320 : i32 to index
        %swap3A_1429 = arith.constant 96 : index
        %swap3A_1430 = tpu.vector_load %arg12[%swap3A_1428, %swap3A_1429] {strides = array<i32>} : memref<128x128xf32, #tpu.memory_space<vmem>>, vector<1x16xf32>,
        %swap3A_1431 = vector.shape_cast %swap3A_1430 : vector<1x16xf32> to vector<16xf32>
        %swap3A_1432 = vector.shape_cast %add3A_1427 : vector<16xf32> to vector<1x16xf32>
        tpu.vector_store %arg12[%swap3A_1428, %swap3A_1429], %swap3A_1432 {strides = array<i32>} : memref<128x128xf32, #tpu.memory_space<vmem>>, vector<1x16xf32>,
        %get3A_1433 = arith.index_cast %add3A_1320 : i32 to index
        %get3A_1434 = arith.constant 112 : index
        %get3A_1435 = tpu.vector_load %arg12[%get3A_1433, %get3A_1434] {strides = array<i32>} : memref<128x128xf32, #tpu.memory_space<vmem>>, vector<1x16xf32>,
        %get3A_1436 = vector.shape_cast %get3A_1435 : vector<1x16xf32> to vector<16xf32>
        %mul3A_1437 = arith.mulf %broadcast_in_dim3A_1315, %get3A_1436 : vector<16xf32>
        %get3A_1438 = arith.index_cast %add3A_1320 : i32 to index
        %get3A_1439 = arith.constant 112 : index
        %get3A_1440 = tpu.vector_load %arg13[%get3A_1438, %get3A_1439] {strides = array<i32>} : memref<128x128xf32, #tpu.memory_space<vmem>>, vector<1x16xf32>,
        %get3A_1441 = vector.shape_cast %get3A_1440 : vector<1x16xf32> to vector<16xf32>
        %mul3A_1442 = arith.mulf %broadcast_in_dim3A_1318, %get3A_1441 : vector<16xf32>
        %add3A_1443 = arith.addf %mul3A_1437, %mul3A_1442 : vector<16xf32>
        %swap3A_1444 = arith.index_cast %add3A_1320 : i32 to index
        %swap3A_1445 = arith.constant 112 : index
        %swap3A_1446 = tpu.vector_load %arg12[%swap3A_1444, %swap3A_1445] {strides = array<i32>} : memref<128x128xf32, #tpu.memory_space<vmem>>, vector<1x16xf32>,
        %swap3A_1447 = vector.shape_cast %swap3A_1446 : vector<1x16xf32> to vector<16xf32>
        %swap3A_1448 = vector.shape_cast %add3A_1443 : vector<16xf32> to vector<1x16xf32>
        tpu.vector_store %arg12[%swap3A_1444, %swap3A_1445], %swap3A_1448 {strides = array<i32>} : memref<128x128xf32, #tpu.memory_space<vmem>>, vector<1x16xf32>,
        %slice3A_1449 = vector.extract_strided_slice %get3A_85 {offsets = [10], sizes = [1], strides = [1]} : vector<16xf32> to vector<1xf32>
        %squeeze3A_1450 = vector.extract %slice3A_1449[0] : f32 from vector<1xf32>
        %broadcast_in_dim3A_1451 = vector.broadcast %squeeze3A_1450 : f32 to vector<16xf32>
        %slice3A_1452 = vector.extract_strided_slice %get3A_90 {offsets = [10], sizes = [1], strides = [1]} : vector<16xf32> to vector<1xf32>
        %squeeze3A_1453 = vector.extract %slice3A_1452[0] : f32 from vector<1xf32>
        %broadcast_in_dim3A_1454 = vector.broadcast %squeeze3A_1453 : f32 to vector<16xf32>
        %add3A_1455 = arith.constant 10 : i32
        %add3A_1456 = arith.addi %mul3A_92, %add3A_1455 : i32
        %get3A_1457 = arith.index_cast %add3A_1456 : i32 to index
        %get3A_1458 = arith.constant 0 : index
        %get3A_1459 = tpu.vector_load %arg12[%get3A_1457, %get3A_1458] {strides = array<i32>} : memref<128x128xf32, #tpu.memory_space<vmem>>, vector<1x16xf32>,
        %get3A_1460 = vector.shape_cast %get3A_1459 : vector<1x16xf32> to vector<16xf32>
        %mul3A_1461 = arith.mulf %broadcast_in_dim3A_1451, %get3A_1460 : vector<16xf32>
        %get3A_1462 = arith.index_cast %add3A_1456 : i32 to index
        %get3A_1463 = arith.constant 0 : index
        %get3A_1464 = tpu.vector_load %arg13[%get3A_1462, %get3A_1463] {strides = array<i32>} : memref<128x128xf32, #tpu.memory_space<vmem>>, vector<1x16xf32>,
        %get3A_1465 = vector.shape_cast %get3A_1464 : vector<1x16xf32> to vector<16xf32>
        %mul3A_1466 = arith.mulf %broadcast_in_dim3A_1454, %get3A_1465 : vector<16xf32>
        %add3A_1467 = arith.addf %mul3A_1461, %mul3A_1466 : vector<16xf32>
        %swap3A_1468 = arith.index_cast %add3A_1456 : i32 to index
        %swap3A_1469 = arith.constant 0 : index
        %swap3A_1470 = tpu.vector_load %arg12[%swap3A_1468, %swap3A_1469] {strides = array<i32>} : memref<128x128xf32, #tpu.memory_space<vmem>>, vector<1x16xf32>,
        %swap3A_1471 = vector.shape_cast %swap3A_1470 : vector<1x16xf32> to vector<16xf32>
        %swap3A_1472 = vector.shape_cast %add3A_1467 : vector<16xf32> to vector<1x16xf32>
        tpu.vector_store %arg12[%swap3A_1468, %swap3A_1469], %swap3A_1472 {strides = array<i32>} : memref<128x128xf32, #tpu.memory_space<vmem>>, vector<1x16xf32>,
        %get3A_1473 = arith.index_cast %add3A_1456 : i32 to index
        %get3A_1474 = arith.constant 16 : index
        %get3A_1475 = tpu.vector_load %arg12[%get3A_1473, %get3A_1474] {strides = array<i32>} : memref<128x128xf32, #tpu.memory_space<vmem>>, vector<1x16xf32>,
        %get3A_1476 = vector.shape_cast %get3A_1475 : vector<1x16xf32> to vector<16xf32>
        %mul3A_1477 = arith.mulf %broadcast_in_dim3A_1451, %get3A_1476 : vector<16xf32>
        %get3A_1478 = arith.index_cast %add3A_1456 : i32 to index
        %get3A_1479 = arith.constant 16 : index
        %get3A_1480 = tpu.vector_load %arg13[%get3A_1478, %get3A_1479] {strides = array<i32>} : memref<128x128xf32, #tpu.memory_space<vmem>>, vector<1x16xf32>,
        %get3A_1481 = vector.shape_cast %get3A_1480 : vector<1x16xf32> to vector<16xf32>
        %mul3A_1482 = arith.mulf %broadcast_in_dim3A_1454, %get3A_1481 : vector<16xf32>
        %add3A_1483 = arith.addf %mul3A_1477, %mul3A_1482 : vector<16xf32>
        %swap3A_1484 = arith.index_cast %add3A_1456 : i32 to index
        %swap3A_1485 = arith.constant 16 : index
        %swap3A_1486 = tpu.vector_load %arg12[%swap3A_1484, %swap3A_1485] {strides = array<i32>} : memref<128x128xf32, #tpu.memory_space<vmem>>, vector<1x16xf32>,
        %swap3A_1487 = vector.shape_cast %swap3A_1486 : vector<1x16xf32> to vector<16xf32>
        %swap3A_1488 = vector.shape_cast %add3A_1483 : vector<16xf32> to vector<1x16xf32>
        tpu.vector_store %arg12[%swap3A_1484, %swap3A_1485], %swap3A_1488 {strides = array<i32>} : memref<128x128xf32, #tpu.memory_space<vmem>>, vector<1x16xf32>,
        %get3A_1489 = arith.index_cast %add3A_1456 : i32 to index
        %get3A_1490 = arith.constant 32 : index
        %get3A_1491 = tpu.vector_load %arg12[%get3A_1489, %get3A_1490] {strides = array<i32>} : memref<128x128xf32, #tpu.memory_space<vmem>>, vector<1x16xf32>,
        %get3A_1492 = vector.shape_cast %get3A_1491 : vector<1x16xf32> to vector<16xf32>
        %mul3A_1493 = arith.mulf %broadcast_in_dim3A_1451, %get3A_1492 : vector<16xf32>
        %get3A_1494 = arith.index_cast %add3A_1456 : i32 to index
        %get3A_1495 = arith.constant 32 : index
        %get3A_1496 = tpu.vector_load %arg13[%get3A_1494, %get3A_1495] {strides = array<i32>} : memref<128x128xf32, #tpu.memory_space<vmem>>, vector<1x16xf32>,
        %get3A_1497 = vector.shape_cast %get3A_1496 : vector<1x16xf32> to vector<16xf32>
        %mul3A_1498 = arith.mulf %broadcast_in_dim3A_1454, %get3A_1497 : vector<16xf32>
        %add3A_1499 = arith.addf %mul3A_1493, %mul3A_1498 : vector<16xf32>
        %swap3A_1500 = arith.index_cast %add3A_1456 : i32 to index
        %swap3A_1501 = arith.constant 32 : index
        %swap3A_1502 = tpu.vector_load %arg12[%swap3A_1500, %swap3A_1501] {strides = array<i32>} : memref<128x128xf32, #tpu.memory_space<vmem>>, vector<1x16xf32>,
        %swap3A_1503 = vector.shape_cast %swap3A_1502 : vector<1x16xf32> to vector<16xf32>
        %swap3A_1504 = vector.shape_cast %add3A_1499 : vector<16xf32> to vector<1x16xf32>
        tpu.vector_store %arg12[%swap3A_1500, %swap3A_1501], %swap3A_1504 {strides = array<i32>} : memref<128x128xf32, #tpu.memory_space<vmem>>, vector<1x16xf32>,
        %get3A_1505 = arith.index_cast %add3A_1456 : i32 to index
        %get3A_1506 = arith.constant 48 : index
        %get3A_1507 = tpu.vector_load %arg12[%get3A_1505, %get3A_1506] {strides = array<i32>} : memref<128x128xf32, #tpu.memory_space<vmem>>, vector<1x16xf32>,
        %get3A_1508 = vector.shape_cast %get3A_1507 : vector<1x16xf32> to vector<16xf32>
        %mul3A_1509 = arith.mulf %broadcast_in_dim3A_1451, %get3A_1508 : vector<16xf32>
        %get3A_1510 = arith.index_cast %add3A_1456 : i32 to index
        %get3A_1511 = arith.constant 48 : index
        %get3A_1512 = tpu.vector_load %arg13[%get3A_1510, %get3A_1511] {strides = array<i32>} : memref<128x128xf32, #tpu.memory_space<vmem>>, vector<1x16xf32>,
        %get3A_1513 = vector.shape_cast %get3A_1512 : vector<1x16xf32> to vector<16xf32>
        %mul3A_1514 = arith.mulf %broadcast_in_dim3A_1454, %get3A_1513 : vector<16xf32>
        %add3A_1515 = arith.addf %mul3A_1509, %mul3A_1514 : vector<16xf32>
        %swap3A_1516 = arith.index_cast %add3A_1456 : i32 to index
        %swap3A_1517 = arith.constant 48 : index
        %swap3A_1518 = tpu.vector_load %arg12[%swap3A_1516, %swap3A_1517] {strides = array<i32>} : memref<128x128xf32, #tpu.memory_space<vmem>>, vector<1x16xf32>,
        %swap3A_1519 = vector.shape_cast %swap3A_1518 : vector<1x16xf32> to vector<16xf32>
        %swap3A_1520 = vector.shape_cast %add3A_1515 : vector<16xf32> to vector<1x16xf32>
        tpu.vector_store %arg12[%swap3A_1516, %swap3A_1517], %swap3A_1520 {strides = array<i32>} : memref<128x128xf32, #tpu.memory_space<vmem>>, vector<1x16xf32>,
        %get3A_1521 = arith.index_cast %add3A_1456 : i32 to index
        %get3A_1522 = arith.constant 64 : index
        %get3A_1523 = tpu.vector_load %arg12[%get3A_1521, %get3A_1522] {strides = array<i32>} : memref<128x128xf32, #tpu.memory_space<vmem>>, vector<1x16xf32>,
        %get3A_1524 = vector.shape_cast %get3A_1523 : vector<1x16xf32> to vector<16xf32>
        %mul3A_1525 = arith.mulf %broadcast_in_dim3A_1451, %get3A_1524 : vector<16xf32>
        %get3A_1526 = arith.index_cast %add3A_1456 : i32 to index
        %get3A_1527 = arith.constant 64 : index
        %get3A_1528 = tpu.vector_load %arg13[%get3A_1526, %get3A_1527] {strides = array<i32>} : memref<128x128xf32, #tpu.memory_space<vmem>>, vector<1x16xf32>,
        %get3A_1529 = vector.shape_cast %get3A_1528 : vector<1x16xf32> to vector<16xf32>
        %mul3A_1530 = arith.mulf %broadcast_in_dim3A_1454, %get3A_1529 : vector<16xf32>
        %add3A_1531 = arith.addf %mul3A_1525, %mul3A_1530 : vector<16xf32>
        %swap3A_1532 = arith.index_cast %add3A_1456 : i32 to index
        %swap3A_1533 = arith.constant 64 : index
        %swap3A_1534 = tpu.vector_load %arg12[%swap3A_1532, %swap3A_1533] {strides = array<i32>} : memref<128x128xf32, #tpu.memory_space<vmem>>, vector<1x16xf32>,
        %swap3A_1535 = vector.shape_cast %swap3A_1534 : vector<1x16xf32> to vector<16xf32>
        %swap3A_1536 = vector.shape_cast %add3A_1531 : vector<16xf32> to vector<1x16xf32>
        tpu.vector_store %arg12[%swap3A_1532, %swap3A_1533], %swap3A_1536 {strides = array<i32>} : memref<128x128xf32, #tpu.memory_space<vmem>>, vector<1x16xf32>,
        %get3A_1537 = arith.index_cast %add3A_1456 : i32 to index
        %get3A_1538 = arith.constant 80 : index
        %get3A_1539 = tpu.vector_load %arg12[%get3A_1537, %get3A_1538] {strides = array<i32>} : memref<128x128xf32, #tpu.memory_space<vmem>>, vector<1x16xf32>,
        %get3A_1540 = vector.shape_cast %get3A_1539 : vector<1x16xf32> to vector<16xf32>
        %mul3A_1541 = arith.mulf %broadcast_in_dim3A_1451, %get3A_1540 : vector<16xf32>
        %get3A_1542 = arith.index_cast %add3A_1456 : i32 to index
        %get3A_1543 = arith.constant 80 : index
        %get3A_1544 = tpu.vector_load %arg13[%get3A_1542, %get3A_1543] {strides = array<i32>} : memref<128x128xf32, #tpu.memory_space<vmem>>, vector<1x16xf32>,
        %get3A_1545 = vector.shape_cast %get3A_1544 : vector<1x16xf32> to vector<16xf32>
        %mul3A_1546 = arith.mulf %broadcast_in_dim3A_1454, %get3A_1545 : vector<16xf32>
        %add3A_1547 = arith.addf %mul3A_1541, %mul3A_1546 : vector<16xf32>
        %swap3A_1548 = arith.index_cast %add3A_1456 : i32 to index
        %swap3A_1549 = arith.constant 80 : index
        %swap3A_1550 = tpu.vector_load %arg12[%swap3A_1548, %swap3A_1549] {strides = array<i32>} : memref<128x128xf32, #tpu.memory_space<vmem>>, vector<1x16xf32>,
        %swap3A_1551 = vector.shape_cast %swap3A_1550 : vector<1x16xf32> to vector<16xf32>
        %swap3A_1552 = vector.shape_cast %add3A_1547 : vector<16xf32> to vector<1x16xf32>
        tpu.vector_store %arg12[%swap3A_1548, %swap3A_1549], %swap3A_1552 {strides = array<i32>} : memref<128x128xf32, #tpu.memory_space<vmem>>, vector<1x16xf32>,
        %get3A_1553 = arith.index_cast %add3A_1456 : i32 to index
        %get3A_1554 = arith.constant 96 : index
        %get3A_1555 = tpu.vector_load %arg12[%get3A_1553, %get3A_1554] {strides = array<i32>} : memref<128x128xf32, #tpu.memory_space<vmem>>, vector<1x16xf32>,
        %get3A_1556 = vector.shape_cast %get3A_1555 : vector<1x16xf32> to vector<16xf32>
        %mul3A_1557 = arith.mulf %broadcast_in_dim3A_1451, %get3A_1556 : vector<16xf32>
        %get3A_1558 = arith.index_cast %add3A_1456 : i32 to index
        %get3A_1559 = arith.constant 96 : index
        %get3A_1560 = tpu.vector_load %arg13[%get3A_1558, %get3A_1559] {strides = array<i32>} : memref<128x128xf32, #tpu.memory_space<vmem>>, vector<1x16xf32>,
        %get3A_1561 = vector.shape_cast %get3A_1560 : vector<1x16xf32> to vector<16xf32>
        %mul3A_1562 = arith.mulf %broadcast_in_dim3A_1454, %get3A_1561 : vector<16xf32>
        %add3A_1563 = arith.addf %mul3A_1557, %mul3A_1562 : vector<16xf32>
        %swap3A_1564 = arith.index_cast %add3A_1456 : i32 to index
        %swap3A_1565 = arith.constant 96 : index
        %swap3A_1566 = tpu.vector_load %arg12[%swap3A_1564, %swap3A_1565] {strides = array<i32>} : memref<128x128xf32, #tpu.memory_space<vmem>>, vector<1x16xf32>,
        %swap3A_1567 = vector.shape_cast %swap3A_1566 : vector<1x16xf32> to vector<16xf32>
        %swap3A_1568 = vector.shape_cast %add3A_1563 : vector<16xf32> to vector<1x16xf32>
        tpu.vector_store %arg12[%swap3A_1564, %swap3A_1565], %swap3A_1568 {strides = array<i32>} : memref<128x128xf32, #tpu.memory_space<vmem>>, vector<1x16xf32>,
        %get3A_1569 = arith.index_cast %add3A_1456 : i32 to index
        %get3A_1570 = arith.constant 112 : index
        %get3A_1571 = tpu.vector_load %arg12[%get3A_1569, %get3A_1570] {strides = array<i32>} : memref<128x128xf32, #tpu.memory_space<vmem>>, vector<1x16xf32>,
        %get3A_1572 = vector.shape_cast %get3A_1571 : vector<1x16xf32> to vector<16xf32>
        %mul3A_1573 = arith.mulf %broadcast_in_dim3A_1451, %get3A_1572 : vector<16xf32>
        %get3A_1574 = arith.index_cast %add3A_1456 : i32 to index
        %get3A_1575 = arith.constant 112 : index
        %get3A_1576 = tpu.vector_load %arg13[%get3A_1574, %get3A_1575] {strides = array<i32>} : memref<128x128xf32, #tpu.memory_space<vmem>>, vector<1x16xf32>,
        %get3A_1577 = vector.shape_cast %get3A_1576 : vector<1x16xf32> to vector<16xf32>
        %mul3A_1578 = arith.mulf %broadcast_in_dim3A_1454, %get3A_1577 : vector<16xf32>
        %add3A_1579 = arith.addf %mul3A_1573, %mul3A_1578 : vector<16xf32>
        %swap3A_1580 = arith.index_cast %add3A_1456 : i32 to index
        %swap3A_1581 = arith.constant 112 : index
        %swap3A_1582 = tpu.vector_load %arg12[%swap3A_1580, %swap3A_1581] {strides = array<i32>} : memref<128x128xf32, #tpu.memory_space<vmem>>, vector<1x16xf32>,
        %swap3A_1583 = vector.shape_cast %swap3A_1582 : vector<1x16xf32> to vector<16xf32>
        %swap3A_1584 = vector.shape_cast %add3A_1579 : vector<16xf32> to vector<1x16xf32>
        tpu.vector_store %arg12[%swap3A_1580, %swap3A_1581], %swap3A_1584 {strides = array<i32>} : memref<128x128xf32, #tpu.memory_space<vmem>>, vector<1x16xf32>,
        %slice3A_1585 = vector.extract_strided_slice %get3A_85 {offsets = [11], sizes = [1], strides = [1]} : vector<16xf32> to vector<1xf32>
        %squeeze3A_1586 = vector.extract %slice3A_1585[0] : f32 from vector<1xf32>
        %broadcast_in_dim3A_1587 = vector.broadcast %squeeze3A_1586 : f32 to vector<16xf32>
        %slice3A_1588 = vector.extract_strided_slice %get3A_90 {offsets = [11], sizes = [1], strides = [1]} : vector<16xf32> to vector<1xf32>
        %squeeze3A_1589 = vector.extract %slice3A_1588[0] : f32 from vector<1xf32>
        %broadcast_in_dim3A_1590 = vector.broadcast %squeeze3A_1589 : f32 to vector<16xf32>
        %add3A_1591 = arith.constant 11 : i32
        %add3A_1592 = arith.addi %mul3A_92, %add3A_1591 : i32
        %get3A_1593 = arith.index_cast %add3A_1592 : i32 to index
        %get3A_1594 = arith.constant 0 : index
        %get3A_1595 = tpu.vector_load %arg12[%get3A_1593, %get3A_1594] {strides = array<i32>} : memref<128x128xf32, #tpu.memory_space<vmem>>, vector<1x16xf32>,
        %get3A_1596 = vector.shape_cast %get3A_1595 : vector<1x16xf32> to vector<16xf32>
        %mul3A_1597 = arith.mulf %broadcast_in_dim3A_1587, %get3A_1596 : vector<16xf32>
        %get3A_1598 = arith.index_cast %add3A_1592 : i32 to index
        %get3A_1599 = arith.constant 0 : index
        %get3A_1600 = tpu.vector_load %arg13[%get3A_1598, %get3A_1599] {strides = array<i32>} : memref<128x128xf32, #tpu.memory_space<vmem>>, vector<1x16xf32>,
        %get3A_1601 = vector.shape_cast %get3A_1600 : vector<1x16xf32> to vector<16xf32>
        %mul3A_1602 = arith.mulf %broadcast_in_dim3A_1590, %get3A_1601 : vector<16xf32>
        %add3A_1603 = arith.addf %mul3A_1597, %mul3A_1602 : vector<16xf32>
        %swap3A_1604 = arith.index_cast %add3A_1592 : i32 to index
        %swap3A_1605 = arith.constant 0 : index
        %swap3A_1606 = tpu.vector_load %arg12[%swap3A_1604, %swap3A_1605] {strides = array<i32>} : memref<128x128xf32, #tpu.memory_space<vmem>>, vector<1x16xf32>,
        %swap3A_1607 = vector.shape_cast %swap3A_1606 : vector<1x16xf32> to vector<16xf32>
        %swap3A_1608 = vector.shape_cast %add3A_1603 : vector<16xf32> to vector<1x16xf32>
        tpu.vector_store %arg12[%swap3A_1604, %swap3A_1605], %swap3A_1608 {strides = array<i32>} : memref<128x128xf32, #tpu.memory_space<vmem>>, vector<1x16xf32>,
        %get3A_1609 = arith.index_cast %add3A_1592 : i32 to index
        %get3A_1610 = arith.constant 16 : index
        %get3A_1611 = tpu.vector_load %arg12[%get3A_1609, %get3A_1610] {strides = array<i32>} : memref<128x128xf32, #tpu.memory_space<vmem>>, vector<1x16xf32>,
        %get3A_1612 = vector.shape_cast %get3A_1611 : vector<1x16xf32> to vector<16xf32>
        %mul3A_1613 = arith.mulf %broadcast_in_dim3A_1587, %get3A_1612 : vector<16xf32>
        %get3A_1614 = arith.index_cast %add3A_1592 : i32 to index
        %get3A_1615 = arith.constant 16 : index
        %get3A_1616 = tpu.vector_load %arg13[%get3A_1614, %get3A_1615] {strides = array<i32>} : memref<128x128xf32, #tpu.memory_space<vmem>>, vector<1x16xf32>,
        %get3A_1617 = vector.shape_cast %get3A_1616 : vector<1x16xf32> to vector<16xf32>
        %mul3A_1618 = arith.mulf %broadcast_in_dim3A_1590, %get3A_1617 : vector<16xf32>
        %add3A_1619 = arith.addf %mul3A_1613, %mul3A_1618 : vector<16xf32>
        %swap3A_1620 = arith.index_cast %add3A_1592 : i32 to index
        %swap3A_1621 = arith.constant 16 : index
        %swap3A_1622 = tpu.vector_load %arg12[%swap3A_1620, %swap3A_1621] {strides = array<i32>} : memref<128x128xf32, #tpu.memory_space<vmem>>, vector<1x16xf32>,
        %swap3A_1623 = vector.shape_cast %swap3A_1622 : vector<1x16xf32> to vector<16xf32>
        %swap3A_1624 = vector.shape_cast %add3A_1619 : vector<16xf32> to vector<1x16xf32>
        tpu.vector_store %arg12[%swap3A_1620, %swap3A_1621], %swap3A_1624 {strides = array<i32>} : memref<128x128xf32, #tpu.memory_space<vmem>>, vector<1x16xf32>,
        %get3A_1625 = arith.index_cast %add3A_1592 : i32 to index
        %get3A_1626 = arith.constant 32 : index
        %get3A_1627 = tpu.vector_load %arg12[%get3A_1625, %get3A_1626] {strides = array<i32>} : memref<128x128xf32, #tpu.memory_space<vmem>>, vector<1x16xf32>,
        %get3A_1628 = vector.shape_cast %get3A_1627 : vector<1x16xf32> to vector<16xf32>
        %mul3A_1629 = arith.mulf %broadcast_in_dim3A_1587, %get3A_1628 : vector<16xf32>
        %get3A_1630 = arith.index_cast %add3A_1592 : i32 to index
        %get3A_1631 = arith.constant 32 : index
        %get3A_1632 = tpu.vector_load %arg13[%get3A_1630, %get3A_1631] {strides = array<i32>} : memref<128x128xf32, #tpu.memory_space<vmem>>, vector<1x16xf32>,
        %get3A_1633 = vector.shape_cast %get3A_1632 : vector<1x16xf32> to vector<16xf32>
        %mul3A_1634 = arith.mulf %broadcast_in_dim3A_1590, %get3A_1633 : vector<16xf32>
        %add3A_1635 = arith.addf %mul3A_1629, %mul3A_1634 : vector<16xf32>
        %swap3A_1636 = arith.index_cast %add3A_1592 : i32 to index
        %swap3A_1637 = arith.constant 32 : index
        %swap3A_1638 = tpu.vector_load %arg12[%swap3A_1636, %swap3A_1637] {strides = array<i32>} : memref<128x128xf32, #tpu.memory_space<vmem>>, vector<1x16xf32>,
        %swap3A_1639 = vector.shape_cast %swap3A_1638 : vector<1x16xf32> to vector<16xf32>
        %swap3A_1640 = vector.shape_cast %add3A_1635 : vector<16xf32> to vector<1x16xf32>
        tpu.vector_store %arg12[%swap3A_1636, %swap3A_1637], %swap3A_1640 {strides = array<i32>} : memref<128x128xf32, #tpu.memory_space<vmem>>, vector<1x16xf32>,
        %get3A_1641 = arith.index_cast %add3A_1592 : i32 to index
        %get3A_1642 = arith.constant 48 : index
        %get3A_1643 = tpu.vector_load %arg12[%get3A_1641, %get3A_1642] {strides = array<i32>} : memref<128x128xf32, #tpu.memory_space<vmem>>, vector<1x16xf32>,
        %get3A_1644 = vector.shape_cast %get3A_1643 : vector<1x16xf32> to vector<16xf32>
        %mul3A_1645 = arith.mulf %broadcast_in_dim3A_1587, %get3A_1644 : vector<16xf32>
        %get3A_1646 = arith.index_cast %add3A_1592 : i32 to index
        %get3A_1647 = arith.constant 48 : index
        %get3A_1648 = tpu.vector_load %arg13[%get3A_1646, %get3A_1647] {strides = array<i32>} : memref<128x128xf32, #tpu.memory_space<vmem>>, vector<1x16xf32>,
        %get3A_1649 = vector.shape_cast %get3A_1648 : vector<1x16xf32> to vector<16xf32>
        %mul3A_1650 = arith.mulf %broadcast_in_dim3A_1590, %get3A_1649 : vector<16xf32>
        %add3A_1651 = arith.addf %mul3A_1645, %mul3A_1650 : vector<16xf32>
        %swap3A_1652 = arith.index_cast %add3A_1592 : i32 to index
        %swap3A_1653 = arith.constant 48 : index
        %swap3A_1654 = tpu.vector_load %arg12[%swap3A_1652, %swap3A_1653] {strides = array<i32>} : memref<128x128xf32, #tpu.memory_space<vmem>>, vector<1x16xf32>,
        %swap3A_1655 = vector.shape_cast %swap3A_1654 : vector<1x16xf32> to vector<16xf32>
        %swap3A_1656 = vector.shape_cast %add3A_1651 : vector<16xf32> to vector<1x16xf32>
        tpu.vector_store %arg12[%swap3A_1652, %swap3A_1653], %swap3A_1656 {strides = array<i32>} : memref<128x128xf32, #tpu.memory_space<vmem>>, vector<1x16xf32>,
        %get3A_1657 = arith.index_cast %add3A_1592 : i32 to index
        %get3A_1658 = arith.constant 64 : index
        %get3A_1659 = tpu.vector_load %arg12[%get3A_1657, %get3A_1658] {strides = array<i32>} : memref<128x128xf32, #tpu.memory_space<vmem>>, vector<1x16xf32>,
        %get3A_1660 = vector.shape_cast %get3A_1659 : vector<1x16xf32> to vector<16xf32>
        %mul3A_1661 = arith.mulf %broadcast_in_dim3A_1587, %get3A_1660 : vector<16xf32>
        %get3A_1662 = arith.index_cast %add3A_1592 : i32 to index
        %get3A_1663 = arith.constant 64 : index
        %get3A_1664 = tpu.vector_load %arg13[%get3A_1662, %get3A_1663] {strides = array<i32>} : memref<128x128xf32, #tpu.memory_space<vmem>>, vector<1x16xf32>,
        %get3A_1665 = vector.shape_cast %get3A_1664 : vector<1x16xf32> to vector<16xf32>
        %mul3A_1666 = arith.mulf %broadcast_in_dim3A_1590, %get3A_1665 : vector<16xf32>
        %add3A_1667 = arith.addf %mul3A_1661, %mul3A_1666 : vector<16xf32>
        %swap3A_1668 = arith.index_cast %add3A_1592 : i32 to index
        %swap3A_1669 = arith.constant 64 : index
        %swap3A_1670 = tpu.vector_load %arg12[%swap3A_1668, %swap3A_1669] {strides = array<i32>} : memref<128x128xf32, #tpu.memory_space<vmem>>, vector<1x16xf32>,
        %swap3A_1671 = vector.shape_cast %swap3A_1670 : vector<1x16xf32> to vector<16xf32>
        %swap3A_1672 = vector.shape_cast %add3A_1667 : vector<16xf32> to vector<1x16xf32>
        tpu.vector_store %arg12[%swap3A_1668, %swap3A_1669], %swap3A_1672 {strides = array<i32>} : memref<128x128xf32, #tpu.memory_space<vmem>>, vector<1x16xf32>,
        %get3A_1673 = arith.index_cast %add3A_1592 : i32 to index
        %get3A_1674 = arith.constant 80 : index
        %get3A_1675 = tpu.vector_load %arg12[%get3A_1673, %get3A_1674] {strides = array<i32>} : memref<128x128xf32, #tpu.memory_space<vmem>>, vector<1x16xf32>,
        %get3A_1676 = vector.shape_cast %get3A_1675 : vector<1x16xf32> to vector<16xf32>
        %mul3A_1677 = arith.mulf %broadcast_in_dim3A_1587, %get3A_1676 : vector<16xf32>
        %get3A_1678 = arith.index_cast %add3A_1592 : i32 to index
        %get3A_1679 = arith.constant 80 : index
        %get3A_1680 = tpu.vector_load %arg13[%get3A_1678, %get3A_1679] {strides = array<i32>} : memref<128x128xf32, #tpu.memory_space<vmem>>, vector<1x16xf32>,
        %get3A_1681 = vector.shape_cast %get3A_1680 : vector<1x16xf32> to vector<16xf32>
        %mul3A_1682 = arith.mulf %broadcast_in_dim3A_1590, %get3A_1681 : vector<16xf32>
        %add3A_1683 = arith.addf %mul3A_1677, %mul3A_1682 : vector<16xf32>
        %swap3A_1684 = arith.index_cast %add3A_1592 : i32 to index
        %swap3A_1685 = arith.constant 80 : index
        %swap3A_1686 = tpu.vector_load %arg12[%swap3A_1684, %swap3A_1685] {strides = array<i32>} : memref<128x128xf32, #tpu.memory_space<vmem>>, vector<1x16xf32>,
        %swap3A_1687 = vector.shape_cast %swap3A_1686 : vector<1x16xf32> to vector<16xf32>
        %swap3A_1688 = vector.shape_cast %add3A_1683 : vector<16xf32> to vector<1x16xf32>
        tpu.vector_store %arg12[%swap3A_1684, %swap3A_1685], %swap3A_1688 {strides = array<i32>} : memref<128x128xf32, #tpu.memory_space<vmem>>, vector<1x16xf32>,
        %get3A_1689 = arith.index_cast %add3A_1592 : i32 to index
        %get3A_1690 = arith.constant 96 : index
        %get3A_1691 = tpu.vector_load %arg12[%get3A_1689, %get3A_1690] {strides = array<i32>} : memref<128x128xf32, #tpu.memory_space<vmem>>, vector<1x16xf32>,
        %get3A_1692 = vector.shape_cast %get3A_1691 : vector<1x16xf32> to vector<16xf32>
        %mul3A_1693 = arith.mulf %broadcast_in_dim3A_1587, %get3A_1692 : vector<16xf32>
        %get3A_1694 = arith.index_cast %add3A_1592 : i32 to index
        %get3A_1695 = arith.constant 96 : index
        %get3A_1696 = tpu.vector_load %arg13[%get3A_1694, %get3A_1695] {strides = array<i32>} : memref<128x128xf32, #tpu.memory_space<vmem>>, vector<1x16xf32>,
        %get3A_1697 = vector.shape_cast %get3A_1696 : vector<1x16xf32> to vector<16xf32>
        %mul3A_1698 = arith.mulf %broadcast_in_dim3A_1590, %get3A_1697 : vector<16xf32>
        %add3A_1699 = arith.addf %mul3A_1693, %mul3A_1698 : vector<16xf32>
        %swap3A_1700 = arith.index_cast %add3A_1592 : i32 to index
        %swap3A_1701 = arith.constant 96 : index
        %swap3A_1702 = tpu.vector_load %arg12[%swap3A_1700, %swap3A_1701] {strides = array<i32>} : memref<128x128xf32, #tpu.memory_space<vmem>>, vector<1x16xf32>,
        %swap3A_1703 = vector.shape_cast %swap3A_1702 : vector<1x16xf32> to vector<16xf32>
        %swap3A_1704 = vector.shape_cast %add3A_1699 : vector<16xf32> to vector<1x16xf32>
        tpu.vector_store %arg12[%swap3A_1700, %swap3A_1701], %swap3A_1704 {strides = array<i32>} : memref<128x128xf32, #tpu.memory_space<vmem>>, vector<1x16xf32>,
        %get3A_1705 = arith.index_cast %add3A_1592 : i32 to index
        %get3A_1706 = arith.constant 112 : index
        %get3A_1707 = tpu.vector_load %arg12[%get3A_1705, %get3A_1706] {strides = array<i32>} : memref<128x128xf32, #tpu.memory_space<vmem>>, vector<1x16xf32>,
        %get3A_1708 = vector.shape_cast %get3A_1707 : vector<1x16xf32> to vector<16xf32>
        %mul3A_1709 = arith.mulf %broadcast_in_dim3A_1587, %get3A_1708 : vector<16xf32>
        %get3A_1710 = arith.index_cast %add3A_1592 : i32 to index
        %get3A_1711 = arith.constant 112 : index
        %get3A_1712 = tpu.vector_load %arg13[%get3A_1710, %get3A_1711] {strides = array<i32>} : memref<128x128xf32, #tpu.memory_space<vmem>>, vector<1x16xf32>,
        %get3A_1713 = vector.shape_cast %get3A_1712 : vector<1x16xf32> to vector<16xf32>
        %mul3A_1714 = arith.mulf %broadcast_in_dim3A_1590, %get3A_1713 : vector<16xf32>
        %add3A_1715 = arith.addf %mul3A_1709, %mul3A_1714 : vector<16xf32>
        %swap3A_1716 = arith.index_cast %add3A_1592 : i32 to index
        %swap3A_1717 = arith.constant 112 : index
        %swap3A_1718 = tpu.vector_load %arg12[%swap3A_1716, %swap3A_1717] {strides = array<i32>} : memref<128x128xf32, #tpu.memory_space<vmem>>, vector<1x16xf32>,
        %swap3A_1719 = vector.shape_cast %swap3A_1718 : vector<1x16xf32> to vector<16xf32>
        %swap3A_1720 = vector.shape_cast %add3A_1715 : vector<16xf32> to vector<1x16xf32>
        tpu.vector_store %arg12[%swap3A_1716, %swap3A_1717], %swap3A_1720 {strides = array<i32>} : memref<128x128xf32, #tpu.memory_space<vmem>>, vector<1x16xf32>,
        %slice3A_1721 = vector.extract_strided_slice %get3A_85 {offsets = [12], sizes = [1], strides = [1]} : vector<16xf32> to vector<1xf32>
        %squeeze3A_1722 = vector.extract %slice3A_1721[0] : f32 from vector<1xf32>
        %broadcast_in_dim3A_1723 = vector.broadcast %squeeze3A_1722 : f32 to vector<16xf32>
        %slice3A_1724 = vector.extract_strided_slice %get3A_90 {offsets = [12], sizes = [1], strides = [1]} : vector<16xf32> to vector<1xf32>
        %squeeze3A_1725 = vector.extract %slice3A_1724[0] : f32 from vector<1xf32>
        %broadcast_in_dim3A_1726 = vector.broadcast %squeeze3A_1725 : f32 to vector<16xf32>
        %add3A_1727 = arith.constant 12 : i32
        %add3A_1728 = arith.addi %mul3A_92, %add3A_1727 : i32
        %get3A_1729 = arith.index_cast %add3A_1728 : i32 to index
        %get3A_1730 = arith.constant 0 : index
        %get3A_1731 = tpu.vector_load %arg12[%get3A_1729, %get3A_1730] {strides = array<i32>} : memref<128x128xf32, #tpu.memory_space<vmem>>, vector<1x16xf32>,
        %get3A_1732 = vector.shape_cast %get3A_1731 : vector<1x16xf32> to vector<16xf32>
        %mul3A_1733 = arith.mulf %broadcast_in_dim3A_1723, %get3A_1732 : vector<16xf32>
        %get3A_1734 = arith.index_cast %add3A_1728 : i32 to index
        %get3A_1735 = arith.constant 0 : index
        %get3A_1736 = tpu.vector_load %arg13[%get3A_1734, %get3A_1735] {strides = array<i32>} : memref<128x128xf32, #tpu.memory_space<vmem>>, vector<1x16xf32>,
        %get3A_1737 = vector.shape_cast %get3A_1736 : vector<1x16xf32> to vector<16xf32>
        %mul3A_1738 = arith.mulf %broadcast_in_dim3A_1726, %get3A_1737 : vector<16xf32>
        %add3A_1739 = arith.addf %mul3A_1733, %mul3A_1738 : vector<16xf32>
        %swap3A_1740 = arith.index_cast %add3A_1728 : i32 to index
        %swap3A_1741 = arith.constant 0 : index
        %swap3A_1742 = tpu.vector_load %arg12[%swap3A_1740, %swap3A_1741] {strides = array<i32>} : memref<128x128xf32, #tpu.memory_space<vmem>>, vector<1x16xf32>,
        %swap3A_1743 = vector.shape_cast %swap3A_1742 : vector<1x16xf32> to vector<16xf32>
        %swap3A_1744 = vector.shape_cast %add3A_1739 : vector<16xf32> to vector<1x16xf32>
        tpu.vector_store %arg12[%swap3A_1740, %swap3A_1741], %swap3A_1744 {strides = array<i32>} : memref<128x128xf32, #tpu.memory_space<vmem>>, vector<1x16xf32>,
        %get3A_1745 = arith.index_cast %add3A_1728 : i32 to index
        %get3A_1746 = arith.constant 16 : index
        %get3A_1747 = tpu.vector_load %arg12[%get3A_1745, %get3A_1746] {strides = array<i32>} : memref<128x128xf32, #tpu.memory_space<vmem>>, vector<1x16xf32>,
        %get3A_1748 = vector.shape_cast %get3A_1747 : vector<1x16xf32> to vector<16xf32>
        %mul3A_1749 = arith.mulf %broadcast_in_dim3A_1723, %get3A_1748 : vector<16xf32>
        %get3A_1750 = arith.index_cast %add3A_1728 : i32 to index
        %get3A_1751 = arith.constant 16 : index
        %get3A_1752 = tpu.vector_load %arg13[%get3A_1750, %get3A_1751] {strides = array<i32>} : memref<128x128xf32, #tpu.memory_space<vmem>>, vector<1x16xf32>,
        %get3A_1753 = vector.shape_cast %get3A_1752 : vector<1x16xf32> to vector<16xf32>
        %mul3A_1754 = arith.mulf %broadcast_in_dim3A_1726, %get3A_1753 : vector<16xf32>
        %add3A_1755 = arith.addf %mul3A_1749, %mul3A_1754 : vector<16xf32>
        %swap3A_1756 = arith.index_cast %add3A_1728 : i32 to index
        %swap3A_1757 = arith.constant 16 : index
        %swap3A_1758 = tpu.vector_load %arg12[%swap3A_1756, %swap3A_1757] {strides = array<i32>} : memref<128x128xf32, #tpu.memory_space<vmem>>, vector<1x16xf32>,
        %swap3A_1759 = vector.shape_cast %swap3A_1758 : vector<1x16xf32> to vector<16xf32>
        %swap3A_1760 = vector.shape_cast %add3A_1755 : vector<16xf32> to vector<1x16xf32>
        tpu.vector_store %arg12[%swap3A_1756, %swap3A_1757], %swap3A_1760 {strides = array<i32>} : memref<128x128xf32, #tpu.memory_space<vmem>>, vector<1x16xf32>,
        %get3A_1761 = arith.index_cast %add3A_1728 : i32 to index
        %get3A_1762 = arith.constant 32 : index
        %get3A_1763 = tpu.vector_load %arg12[%get3A_1761, %get3A_1762] {strides = array<i32>} : memref<128x128xf32, #tpu.memory_space<vmem>>, vector<1x16xf32>,
        %get3A_1764 = vector.shape_cast %get3A_1763 : vector<1x16xf32> to vector<16xf32>
        %mul3A_1765 = arith.mulf %broadcast_in_dim3A_1723, %get3A_1764 : vector<16xf32>
        %get3A_1766 = arith.index_cast %add3A_1728 : i32 to index
        %get3A_1767 = arith.constant 32 : index
        %get3A_1768 = tpu.vector_load %arg13[%get3A_1766, %get3A_1767] {strides = array<i32>} : memref<128x128xf32, #tpu.memory_space<vmem>>, vector<1x16xf32>,
        %get3A_1769 = vector.shape_cast %get3A_1768 : vector<1x16xf32> to vector<16xf32>
        %mul3A_1770 = arith.mulf %broadcast_in_dim3A_1726, %get3A_1769 : vector<16xf32>
        %add3A_1771 = arith.addf %mul3A_1765, %mul3A_1770 : vector<16xf32>
        %swap3A_1772 = arith.index_cast %add3A_1728 : i32 to index
        %swap3A_1773 = arith.constant 32 : index
        %swap3A_1774 = tpu.vector_load %arg12[%swap3A_1772, %swap3A_1773] {strides = array<i32>} : memref<128x128xf32, #tpu.memory_space<vmem>>, vector<1x16xf32>,
        %swap3A_1775 = vector.shape_cast %swap3A_1774 : vector<1x16xf32> to vector<16xf32>
        %swap3A_1776 = vector.shape_cast %add3A_1771 : vector<16xf32> to vector<1x16xf32>
        tpu.vector_store %arg12[%swap3A_1772, %swap3A_1773], %swap3A_1776 {strides = array<i32>} : memref<128x128xf32, #tpu.memory_space<vmem>>, vector<1x16xf32>,
        %get3A_1777 = arith.index_cast %add3A_1728 : i32 to index
        %get3A_1778 = arith.constant 48 : index
        %get3A_1779 = tpu.vector_load %arg12[%get3A_1777, %get3A_1778] {strides = array<i32>} : memref<128x128xf32, #tpu.memory_space<vmem>>, vector<1x16xf32>,
        %get3A_1780 = vector.shape_cast %get3A_1779 : vector<1x16xf32> to vector<16xf32>
        %mul3A_1781 = arith.mulf %broadcast_in_dim3A_1723, %get3A_1780 : vector<16xf32>
        %get3A_1782 = arith.index_cast %add3A_1728 : i32 to index
        %get3A_1783 = arith.constant 48 : index
        %get3A_1784 = tpu.vector_load %arg13[%get3A_1782, %get3A_1783] {strides = array<i32>} : memref<128x128xf32, #tpu.memory_space<vmem>>, vector<1x16xf32>,
        %get3A_1785 = vector.shape_cast %get3A_1784 : vector<1x16xf32> to vector<16xf32>
        %mul3A_1786 = arith.mulf %broadcast_in_dim3A_1726, %get3A_1785 : vector<16xf32>
        %add3A_1787 = arith.addf %mul3A_1781, %mul3A_1786 : vector<16xf32>
        %swap3A_1788 = arith.index_cast %add3A_1728 : i32 to index
        %swap3A_1789 = arith.constant 48 : index
        %swap3A_1790 = tpu.vector_load %arg12[%swap3A_1788, %swap3A_1789] {strides = array<i32>} : memref<128x128xf32, #tpu.memory_space<vmem>>, vector<1x16xf32>,
        %swap3A_1791 = vector.shape_cast %swap3A_1790 : vector<1x16xf32> to vector<16xf32>
        %swap3A_1792 = vector.shape_cast %add3A_1787 : vector<16xf32> to vector<1x16xf32>
        tpu.vector_store %arg12[%swap3A_1788, %swap3A_1789], %swap3A_1792 {strides = array<i32>} : memref<128x128xf32, #tpu.memory_space<vmem>>, vector<1x16xf32>,
        %get3A_1793 = arith.index_cast %add3A_1728 : i32 to index
        %get3A_1794 = arith.constant 64 : index
        %get3A_1795 = tpu.vector_load %arg12[%get3A_1793, %get3A_1794] {strides = array<i32>} : memref<128x128xf32, #tpu.memory_space<vmem>>, vector<1x16xf32>,
        %get3A_1796 = vector.shape_cast %get3A_1795 : vector<1x16xf32> to vector<16xf32>
        %mul3A_1797 = arith.mulf %broadcast_in_dim3A_1723, %get3A_1796 : vector<16xf32>
        %get3A_1798 = arith.index_cast %add3A_1728 : i32 to index
        %get3A_1799 = arith.constant 64 : index
        %get3A_1800 = tpu.vector_load %arg13[%get3A_1798, %get3A_1799] {strides = array<i32>} : memref<128x128xf32, #tpu.memory_space<vmem>>, vector<1x16xf32>,
        %get3A_1801 = vector.shape_cast %get3A_1800 : vector<1x16xf32> to vector<16xf32>
        %mul3A_1802 = arith.mulf %broadcast_in_dim3A_1726, %get3A_1801 : vector<16xf32>
        %add3A_1803 = arith.addf %mul3A_1797, %mul3A_1802 : vector<16xf32>
        %swap3A_1804 = arith.index_cast %add3A_1728 : i32 to index
        %swap3A_1805 = arith.constant 64 : index
        %swap3A_1806 = tpu.vector_load %arg12[%swap3A_1804, %swap3A_1805] {strides = array<i32>} : memref<128x128xf32, #tpu.memory_space<vmem>>, vector<1x16xf32>,
        %swap3A_1807 = vector.shape_cast %swap3A_1806 : vector<1x16xf32> to vector<16xf32>
        %swap3A_1808 = vector.shape_cast %add3A_1803 : vector<16xf32> to vector<1x16xf32>
        tpu.vector_store %arg12[%swap3A_1804, %swap3A_1805], %swap3A_1808 {strides = array<i32>} : memref<128x128xf32, #tpu.memory_space<vmem>>, vector<1x16xf32>,
        %get3A_1809 = arith.index_cast %add3A_1728 : i32 to index
        %get3A_1810 = arith.constant 80 : index
        %get3A_1811 = tpu.vector_load %arg12[%get3A_1809, %get3A_1810] {strides = array<i32>} : memref<128x128xf32, #tpu.memory_space<vmem>>, vector<1x16xf32>,
        %get3A_1812 = vector.shape_cast %get3A_1811 : vector<1x16xf32> to vector<16xf32>
        %mul3A_1813 = arith.mulf %broadcast_in_dim3A_1723, %get3A_1812 : vector<16xf32>
        %get3A_1814 = arith.index_cast %add3A_1728 : i32 to index
        %get3A_1815 = arith.constant 80 : index
        %get3A_1816 = tpu.vector_load %arg13[%get3A_1814, %get3A_1815] {strides = array<i32>} : memref<128x128xf32, #tpu.memory_space<vmem>>, vector<1x16xf32>,
        %get3A_1817 = vector.shape_cast %get3A_1816 : vector<1x16xf32> to vector<16xf32>
        %mul3A_1818 = arith.mulf %broadcast_in_dim3A_1726, %get3A_1817 : vector<16xf32>
        %add3A_1819 = arith.addf %mul3A_1813, %mul3A_1818 : vector<16xf32>
        %swap3A_1820 = arith.index_cast %add3A_1728 : i32 to index
        %swap3A_1821 = arith.constant 80 : index
        %swap3A_1822 = tpu.vector_load %arg12[%swap3A_1820, %swap3A_1821] {strides = array<i32>} : memref<128x128xf32, #tpu.memory_space<vmem>>, vector<1x16xf32>,
        %swap3A_1823 = vector.shape_cast %swap3A_1822 : vector<1x16xf32> to vector<16xf32>
        %swap3A_1824 = vector.shape_cast %add3A_1819 : vector<16xf32> to vector<1x16xf32>
        tpu.vector_store %arg12[%swap3A_1820, %swap3A_1821], %swap3A_1824 {strides = array<i32>} : memref<128x128xf32, #tpu.memory_space<vmem>>, vector<1x16xf32>,
        %get3A_1825 = arith.index_cast %add3A_1728 : i32 to index
        %get3A_1826 = arith.constant 96 : index
        %get3A_1827 = tpu.vector_load %arg12[%get3A_1825, %get3A_1826] {strides = array<i32>} : memref<128x128xf32, #tpu.memory_space<vmem>>, vector<1x16xf32>,
        %get3A_1828 = vector.shape_cast %get3A_1827 : vector<1x16xf32> to vector<16xf32>
        %mul3A_1829 = arith.mulf %broadcast_in_dim3A_1723, %get3A_1828 : vector<16xf32>
        %get3A_1830 = arith.index_cast %add3A_1728 : i32 to index
        %get3A_1831 = arith.constant 96 : index
        %get3A_1832 = tpu.vector_load %arg13[%get3A_1830, %get3A_1831] {strides = array<i32>} : memref<128x128xf32, #tpu.memory_space<vmem>>, vector<1x16xf32>,
        %get3A_1833 = vector.shape_cast %get3A_1832 : vector<1x16xf32> to vector<16xf32>
        %mul3A_1834 = arith.mulf %broadcast_in_dim3A_1726, %get3A_1833 : vector<16xf32>
        %add3A_1835 = arith.addf %mul3A_1829, %mul3A_1834 : vector<16xf32>
        %swap3A_1836 = arith.index_cast %add3A_1728 : i32 to index
        %swap3A_1837 = arith.constant 96 : index
        %swap3A_1838 = tpu.vector_load %arg12[%swap3A_1836, %swap3A_1837] {strides = array<i32>} : memref<128x128xf32, #tpu.memory_space<vmem>>, vector<1x16xf32>,
        %swap3A_1839 = vector.shape_cast %swap3A_1838 : vector<1x16xf32> to vector<16xf32>
        %swap3A_1840 = vector.shape_cast %add3A_1835 : vector<16xf32> to vector<1x16xf32>
        tpu.vector_store %arg12[%swap3A_1836, %swap3A_1837], %swap3A_1840 {strides = array<i32>} : memref<128x128xf32, #tpu.memory_space<vmem>>, vector<1x16xf32>,
        %get3A_1841 = arith.index_cast %add3A_1728 : i32 to index
        %get3A_1842 = arith.constant 112 : index
        %get3A_1843 = tpu.vector_load %arg12[%get3A_1841, %get3A_1842] {strides = array<i32>} : memref<128x128xf32, #tpu.memory_space<vmem>>, vector<1x16xf32>,
        %get3A_1844 = vector.shape_cast %get3A_1843 : vector<1x16xf32> to vector<16xf32>
        %mul3A_1845 = arith.mulf %broadcast_in_dim3A_1723, %get3A_1844 : vector<16xf32>
        %get3A_1846 = arith.index_cast %add3A_1728 : i32 to index
        %get3A_1847 = arith.constant 112 : index
        %get3A_1848 = tpu.vector_load %arg13[%get3A_1846, %get3A_1847] {strides = array<i32>} : memref<128x128xf32, #tpu.memory_space<vmem>>, vector<1x16xf32>,
        %get3A_1849 = vector.shape_cast %get3A_1848 : vector<1x16xf32> to vector<16xf32>
        %mul3A_1850 = arith.mulf %broadcast_in_dim3A_1726, %get3A_1849 : vector<16xf32>
        %add3A_1851 = arith.addf %mul3A_1845, %mul3A_1850 : vector<16xf32>
        %swap3A_1852 = arith.index_cast %add3A_1728 : i32 to index
        %swap3A_1853 = arith.constant 112 : index
        %swap3A_1854 = tpu.vector_load %arg12[%swap3A_1852, %swap3A_1853] {strides = array<i32>} : memref<128x128xf32, #tpu.memory_space<vmem>>, vector<1x16xf32>,
        %swap3A_1855 = vector.shape_cast %swap3A_1854 : vector<1x16xf32> to vector<16xf32>
        %swap3A_1856 = vector.shape_cast %add3A_1851 : vector<16xf32> to vector<1x16xf32>
        tpu.vector_store %arg12[%swap3A_1852, %swap3A_1853], %swap3A_1856 {strides = array<i32>} : memref<128x128xf32, #tpu.memory_space<vmem>>, vector<1x16xf32>,
        %slice3A_1857 = vector.extract_strided_slice %get3A_85 {offsets = [13], sizes = [1], strides = [1]} : vector<16xf32> to vector<1xf32>
        %squeeze3A_1858 = vector.extract %slice3A_1857[0] : f32 from vector<1xf32>
        %broadcast_in_dim3A_1859 = vector.broadcast %squeeze3A_1858 : f32 to vector<16xf32>
        %slice3A_1860 = vector.extract_strided_slice %get3A_90 {offsets = [13], sizes = [1], strides = [1]} : vector<16xf32> to vector<1xf32>
        %squeeze3A_1861 = vector.extract %slice3A_1860[0] : f32 from vector<1xf32>
        %broadcast_in_dim3A_1862 = vector.broadcast %squeeze3A_1861 : f32 to vector<16xf32>
        %add3A_1863 = arith.constant 13 : i32
        %add3A_1864 = arith.addi %mul3A_92, %add3A_1863 : i32
        %get3A_1865 = arith.index_cast %add3A_1864 : i32 to index
        %get3A_1866 = arith.constant 0 : index
        %get3A_1867 = tpu.vector_load %arg12[%get3A_1865, %get3A_1866] {strides = array<i32>} : memref<128x128xf32, #tpu.memory_space<vmem>>, vector<1x16xf32>,
        %get3A_1868 = vector.shape_cast %get3A_1867 : vector<1x16xf32> to vector<16xf32>
        %mul3A_1869 = arith.mulf %broadcast_in_dim3A_1859, %get3A_1868 : vector<16xf32>
        %get3A_1870 = arith.index_cast %add3A_1864 : i32 to index
        %get3A_1871 = arith.constant 0 : index
        %get3A_1872 = tpu.vector_load %arg13[%get3A_1870, %get3A_1871] {strides = array<i32>} : memref<128x128xf32, #tpu.memory_space<vmem>>, vector<1x16xf32>,
        %get3A_1873 = vector.shape_cast %get3A_1872 : vector<1x16xf32> to vector<16xf32>
        %mul3A_1874 = arith.mulf %broadcast_in_dim3A_1862, %get3A_1873 : vector<16xf32>
        %add3A_1875 = arith.addf %mul3A_1869, %mul3A_1874 : vector<16xf32>
        %swap3A_1876 = arith.index_cast %add3A_1864 : i32 to index
        %swap3A_1877 = arith.constant 0 : index
        %swap3A_1878 = tpu.vector_load %arg12[%swap3A_1876, %swap3A_1877] {strides = array<i32>} : memref<128x128xf32, #tpu.memory_space<vmem>>, vector<1x16xf32>,
        %swap3A_1879 = vector.shape_cast %swap3A_1878 : vector<1x16xf32> to vector<16xf32>
        %swap3A_1880 = vector.shape_cast %add3A_1875 : vector<16xf32> to vector<1x16xf32>
        tpu.vector_store %arg12[%swap3A_1876, %swap3A_1877], %swap3A_1880 {strides = array<i32>} : memref<128x128xf32, #tpu.memory_space<vmem>>, vector<1x16xf32>,
        %get3A_1881 = arith.index_cast %add3A_1864 : i32 to index
        %get3A_1882 = arith.constant 16 : index
        %get3A_1883 = tpu.vector_load %arg12[%get3A_1881, %get3A_1882] {strides = array<i32>} : memref<128x128xf32, #tpu.memory_space<vmem>>, vector<1x16xf32>,
        %get3A_1884 = vector.shape_cast %get3A_1883 : vector<1x16xf32> to vector<16xf32>
        %mul3A_1885 = arith.mulf %broadcast_in_dim3A_1859, %get3A_1884 : vector<16xf32>
        %get3A_1886 = arith.index_cast %add3A_1864 : i32 to index
        %get3A_1887 = arith.constant 16 : index
        %get3A_1888 = tpu.vector_load %arg13[%get3A_1886, %get3A_1887] {strides = array<i32>} : memref<128x128xf32, #tpu.memory_space<vmem>>, vector<1x16xf32>,
        %get3A_1889 = vector.shape_cast %get3A_1888 : vector<1x16xf32> to vector<16xf32>
        %mul3A_1890 = arith.mulf %broadcast_in_dim3A_1862, %get3A_1889 : vector<16xf32>
        %add3A_1891 = arith.addf %mul3A_1885, %mul3A_1890 : vector<16xf32>
        %swap3A_1892 = arith.index_cast %add3A_1864 : i32 to index
        %swap3A_1893 = arith.constant 16 : index
        %swap3A_1894 = tpu.vector_load %arg12[%swap3A_1892, %swap3A_1893] {strides = array<i32>} : memref<128x128xf32, #tpu.memory_space<vmem>>, vector<1x16xf32>,
        %swap3A_1895 = vector.shape_cast %swap3A_1894 : vector<1x16xf32> to vector<16xf32>
        %swap3A_1896 = vector.shape_cast %add3A_1891 : vector<16xf32> to vector<1x16xf32>
        tpu.vector_store %arg12[%swap3A_1892, %swap3A_1893], %swap3A_1896 {strides = array<i32>} : memref<128x128xf32, #tpu.memory_space<vmem>>, vector<1x16xf32>,
        %get3A_1897 = arith.index_cast %add3A_1864 : i32 to index
        %get3A_1898 = arith.constant 32 : index
        %get3A_1899 = tpu.vector_load %arg12[%get3A_1897, %get3A_1898] {strides = array<i32>} : memref<128x128xf32, #tpu.memory_space<vmem>>, vector<1x16xf32>,
        %get3A_1900 = vector.shape_cast %get3A_1899 : vector<1x16xf32> to vector<16xf32>
        %mul3A_1901 = arith.mulf %broadcast_in_dim3A_1859, %get3A_1900 : vector<16xf32>
        %get3A_1902 = arith.index_cast %add3A_1864 : i32 to index
        %get3A_1903 = arith.constant 32 : index
        %get3A_1904 = tpu.vector_load %arg13[%get3A_1902, %get3A_1903] {strides = array<i32>} : memref<128x128xf32, #tpu.memory_space<vmem>>, vector<1x16xf32>,
        %get3A_1905 = vector.shape_cast %get3A_1904 : vector<1x16xf32> to vector<16xf32>
        %mul3A_1906 = arith.mulf %broadcast_in_dim3A_1862, %get3A_1905 : vector<16xf32>
        %add3A_1907 = arith.addf %mul3A_1901, %mul3A_1906 : vector<16xf32>
        %swap3A_1908 = arith.index_cast %add3A_1864 : i32 to index
        %swap3A_1909 = arith.constant 32 : index
        %swap3A_1910 = tpu.vector_load %arg12[%swap3A_1908, %swap3A_1909] {strides = array<i32>} : memref<128x128xf32, #tpu.memory_space<vmem>>, vector<1x16xf32>,
        %swap3A_1911 = vector.shape_cast %swap3A_1910 : vector<1x16xf32> to vector<16xf32>
        %swap3A_1912 = vector.shape_cast %add3A_1907 : vector<16xf32> to vector<1x16xf32>
        tpu.vector_store %arg12[%swap3A_1908, %swap3A_1909], %swap3A_1912 {strides = array<i32>} : memref<128x128xf32, #tpu.memory_space<vmem>>, vector<1x16xf32>,
        %get3A_1913 = arith.index_cast %add3A_1864 : i32 to index
        %get3A_1914 = arith.constant 48 : index
        %get3A_1915 = tpu.vector_load %arg12[%get3A_1913, %get3A_1914] {strides = array<i32>} : memref<128x128xf32, #tpu.memory_space<vmem>>, vector<1x16xf32>,
        %get3A_1916 = vector.shape_cast %get3A_1915 : vector<1x16xf32> to vector<16xf32>
        %mul3A_1917 = arith.mulf %broadcast_in_dim3A_1859, %get3A_1916 : vector<16xf32>
        %get3A_1918 = arith.index_cast %add3A_1864 : i32 to index
        %get3A_1919 = arith.constant 48 : index
        %get3A_1920 = tpu.vector_load %arg13[%get3A_1918, %get3A_1919] {strides = array<i32>} : memref<128x128xf32, #tpu.memory_space<vmem>>, vector<1x16xf32>,
        %get3A_1921 = vector.shape_cast %get3A_1920 : vector<1x16xf32> to vector<16xf32>
        %mul3A_1922 = arith.mulf %broadcast_in_dim3A_1862, %get3A_1921 : vector<16xf32>
        %add3A_1923 = arith.addf %mul3A_1917, %mul3A_1922 : vector<16xf32>
        %swap3A_1924 = arith.index_cast %add3A_1864 : i32 to index
        %swap3A_1925 = arith.constant 48 : index
        %swap3A_1926 = tpu.vector_load %arg12[%swap3A_1924, %swap3A_1925] {strides = array<i32>} : memref<128x128xf32, #tpu.memory_space<vmem>>, vector<1x16xf32>,
        %swap3A_1927 = vector.shape_cast %swap3A_1926 : vector<1x16xf32> to vector<16xf32>
        %swap3A_1928 = vector.shape_cast %add3A_1923 : vector<16xf32> to vector<1x16xf32>
        tpu.vector_store %arg12[%swap3A_1924, %swap3A_1925], %swap3A_1928 {strides = array<i32>} : memref<128x128xf32, #tpu.memory_space<vmem>>, vector<1x16xf32>,
        %get3A_1929 = arith.index_cast %add3A_1864 : i32 to index
        %get3A_1930 = arith.constant 64 : index
        %get3A_1931 = tpu.vector_load %arg12[%get3A_1929, %get3A_1930] {strides = array<i32>} : memref<128x128xf32, #tpu.memory_space<vmem>>, vector<1x16xf32>,
        %get3A_1932 = vector.shape_cast %get3A_1931 : vector<1x16xf32> to vector<16xf32>
        %mul3A_1933 = arith.mulf %broadcast_in_dim3A_1859, %get3A_1932 : vector<16xf32>
        %get3A_1934 = arith.index_cast %add3A_1864 : i32 to index
        %get3A_1935 = arith.constant 64 : index
        %get3A_1936 = tpu.vector_load %arg13[%get3A_1934, %get3A_1935] {strides = array<i32>} : memref<128x128xf32, #tpu.memory_space<vmem>>, vector<1x16xf32>,
        %get3A_1937 = vector.shape_cast %get3A_1936 : vector<1x16xf32> to vector<16xf32>
        %mul3A_1938 = arith.mulf %broadcast_in_dim3A_1862, %get3A_1937 : vector<16xf32>
        %add3A_1939 = arith.addf %mul3A_1933, %mul3A_1938 : vector<16xf32>
        %swap3A_1940 = arith.index_cast %add3A_1864 : i32 to index
        %swap3A_1941 = arith.constant 64 : index
        %swap3A_1942 = tpu.vector_load %arg12[%swap3A_1940, %swap3A_1941] {strides = array<i32>} : memref<128x128xf32, #tpu.memory_space<vmem>>, vector<1x16xf32>,
        %swap3A_1943 = vector.shape_cast %swap3A_1942 : vector<1x16xf32> to vector<16xf32>
        %swap3A_1944 = vector.shape_cast %add3A_1939 : vector<16xf32> to vector<1x16xf32>
        tpu.vector_store %arg12[%swap3A_1940, %swap3A_1941], %swap3A_1944 {strides = array<i32>} : memref<128x128xf32, #tpu.memory_space<vmem>>, vector<1x16xf32>,
        %get3A_1945 = arith.index_cast %add3A_1864 : i32 to index
        %get3A_1946 = arith.constant 80 : index
        %get3A_1947 = tpu.vector_load %arg12[%get3A_1945, %get3A_1946] {strides = array<i32>} : memref<128x128xf32, #tpu.memory_space<vmem>>, vector<1x16xf32>,
        %get3A_1948 = vector.shape_cast %get3A_1947 : vector<1x16xf32> to vector<16xf32>
        %mul3A_1949 = arith.mulf %broadcast_in_dim3A_1859, %get3A_1948 : vector<16xf32>
        %get3A_1950 = arith.index_cast %add3A_1864 : i32 to index
        %get3A_1951 = arith.constant 80 : index
        %get3A_1952 = tpu.vector_load %arg13[%get3A_1950, %get3A_1951] {strides = array<i32>} : memref<128x128xf32, #tpu.memory_space<vmem>>, vector<1x16xf32>,
        %get3A_1953 = vector.shape_cast %get3A_1952 : vector<1x16xf32> to vector<16xf32>
        %mul3A_1954 = arith.mulf %broadcast_in_dim3A_1862, %get3A_1953 : vector<16xf32>
        %add3A_1955 = arith.addf %mul3A_1949, %mul3A_1954 : vector<16xf32>
        %swap3A_1956 = arith.index_cast %add3A_1864 : i32 to index
        %swap3A_1957 = arith.constant 80 : index
        %swap3A_1958 = tpu.vector_load %arg12[%swap3A_1956, %swap3A_1957] {strides = array<i32>} : memref<128x128xf32, #tpu.memory_space<vmem>>, vector<1x16xf32>,
        %swap3A_1959 = vector.shape_cast %swap3A_1958 : vector<1x16xf32> to vector<16xf32>
        %swap3A_1960 = vector.shape_cast %add3A_1955 : vector<16xf32> to vector<1x16xf32>
        tpu.vector_store %arg12[%swap3A_1956, %swap3A_1957], %swap3A_1960 {strides = array<i32>} : memref<128x128xf32, #tpu.memory_space<vmem>>, vector<1x16xf32>,
        %get3A_1961 = arith.index_cast %add3A_1864 : i32 to index
        %get3A_1962 = arith.constant 96 : index
        %get3A_1963 = tpu.vector_load %arg12[%get3A_1961, %get3A_1962] {strides = array<i32>} : memref<128x128xf32, #tpu.memory_space<vmem>>, vector<1x16xf32>,
        %get3A_1964 = vector.shape_cast %get3A_1963 : vector<1x16xf32> to vector<16xf32>
        %mul3A_1965 = arith.mulf %broadcast_in_dim3A_1859, %get3A_1964 : vector<16xf32>
        %get3A_1966 = arith.index_cast %add3A_1864 : i32 to index
        %get3A_1967 = arith.constant 96 : index
        %get3A_1968 = tpu.vector_load %arg13[%get3A_1966, %get3A_1967] {strides = array<i32>} : memref<128x128xf32, #tpu.memory_space<vmem>>, vector<1x16xf32>,
        %get3A_1969 = vector.shape_cast %get3A_1968 : vector<1x16xf32> to vector<16xf32>
        %mul3A_1970 = arith.mulf %broadcast_in_dim3A_1862, %get3A_1969 : vector<16xf32>
        %add3A_1971 = arith.addf %mul3A_1965, %mul3A_1970 : vector<16xf32>
        %swap3A_1972 = arith.index_cast %add3A_1864 : i32 to index
        %swap3A_1973 = arith.constant 96 : index
        %swap3A_1974 = tpu.vector_load %arg12[%swap3A_1972, %swap3A_1973] {strides = array<i32>} : memref<128x128xf32, #tpu.memory_space<vmem>>, vector<1x16xf32>,
        %swap3A_1975 = vector.shape_cast %swap3A_1974 : vector<1x16xf32> to vector<16xf32>
        %swap3A_1976 = vector.shape_cast %add3A_1971 : vector<16xf32> to vector<1x16xf32>
        tpu.vector_store %arg12[%swap3A_1972, %swap3A_1973], %swap3A_1976 {strides = array<i32>} : memref<128x128xf32, #tpu.memory_space<vmem>>, vector<1x16xf32>,
        %get3A_1977 = arith.index_cast %add3A_1864 : i32 to index
        %get3A_1978 = arith.constant 112 : index
        %get3A_1979 = tpu.vector_load %arg12[%get3A_1977, %get3A_1978] {strides = array<i32>} : memref<128x128xf32, #tpu.memory_space<vmem>>, vector<1x16xf32>,
        %get3A_1980 = vector.shape_cast %get3A_1979 : vector<1x16xf32> to vector<16xf32>
        %mul3A_1981 = arith.mulf %broadcast_in_dim3A_1859, %get3A_1980 : vector<16xf32>
        %get3A_1982 = arith.index_cast %add3A_1864 : i32 to index
        %get3A_1983 = arith.constant 112 : index
        %get3A_1984 = tpu.vector_load %arg13[%get3A_1982, %get3A_1983] {strides = array<i32>} : memref<128x128xf32, #tpu.memory_space<vmem>>, vector<1x16xf32>,
        %get3A_1985 = vector.shape_cast %get3A_1984 : vector<1x16xf32> to vector<16xf32>
        %mul3A_1986 = arith.mulf %broadcast_in_dim3A_1862, %get3A_1985 : vector<16xf32>
        %add3A_1987 = arith.addf %mul3A_1981, %mul3A_1986 : vector<16xf32>
        %swap3A_1988 = arith.index_cast %add3A_1864 : i32 to index
        %swap3A_1989 = arith.constant 112 : index
        %swap3A_1990 = tpu.vector_load %arg12[%swap3A_1988, %swap3A_1989] {strides = array<i32>} : memref<128x128xf32, #tpu.memory_space<vmem>>, vector<1x16xf32>,
        %swap3A_1991 = vector.shape_cast %swap3A_1990 : vector<1x16xf32> to vector<16xf32>
        %swap3A_1992 = vector.shape_cast %add3A_1987 : vector<16xf32> to vector<1x16xf32>
        tpu.vector_store %arg12[%swap3A_1988, %swap3A_1989], %swap3A_1992 {strides = array<i32>} : memref<128x128xf32, #tpu.memory_space<vmem>>, vector<1x16xf32>,
        %slice3A_1993 = vector.extract_strided_slice %get3A_85 {offsets = [14], sizes = [1], strides = [1]} : vector<16xf32> to vector<1xf32>
        %squeeze3A_1994 = vector.extract %slice3A_1993[0] : f32 from vector<1xf32>
        %broadcast_in_dim3A_1995 = vector.broadcast %squeeze3A_1994 : f32 to vector<16xf32>
        %slice3A_1996 = vector.extract_strided_slice %get3A_90 {offsets = [14], sizes = [1], strides = [1]} : vector<16xf32> to vector<1xf32>
        %squeeze3A_1997 = vector.extract %slice3A_1996[0] : f32 from vector<1xf32>
        %broadcast_in_dim3A_1998 = vector.broadcast %squeeze3A_1997 : f32 to vector<16xf32>
        %add3A_1999 = arith.constant 14 : i32
        %add3A_2000 = arith.addi %mul3A_92, %add3A_1999 : i32
        %get3A_2001 = arith.index_cast %add3A_2000 : i32 to index
        %get3A_2002 = arith.constant 0 : index
        %get3A_2003 = tpu.vector_load %arg12[%get3A_2001, %get3A_2002] {strides = array<i32>} : memref<128x128xf32, #tpu.memory_space<vmem>>, vector<1x16xf32>,
        %get3A_2004 = vector.shape_cast %get3A_2003 : vector<1x16xf32> to vector<16xf32>
        %mul3A_2005 = arith.mulf %broadcast_in_dim3A_1995, %get3A_2004 : vector<16xf32>
        %get3A_2006 = arith.index_cast %add3A_2000 : i32 to index
        %get3A_2007 = arith.constant 0 : index
        %get3A_2008 = tpu.vector_load %arg13[%get3A_2006, %get3A_2007] {strides = array<i32>} : memref<128x128xf32, #tpu.memory_space<vmem>>, vector<1x16xf32>,
        %get3A_2009 = vector.shape_cast %get3A_2008 : vector<1x16xf32> to vector<16xf32>
        %mul3A_2010 = arith.mulf %broadcast_in_dim3A_1998, %get3A_2009 : vector<16xf32>
        %add3A_2011 = arith.addf %mul3A_2005, %mul3A_2010 : vector<16xf32>
        %swap3A_2012 = arith.index_cast %add3A_2000 : i32 to index
        %swap3A_2013 = arith.constant 0 : index
        %swap3A_2014 = tpu.vector_load %arg12[%swap3A_2012, %swap3A_2013] {strides = array<i32>} : memref<128x128xf32, #tpu.memory_space<vmem>>, vector<1x16xf32>,
        %swap3A_2015 = vector.shape_cast %swap3A_2014 : vector<1x16xf32> to vector<16xf32>
        %swap3A_2016 = vector.shape_cast %add3A_2011 : vector<16xf32> to vector<1x16xf32>
        tpu.vector_store %arg12[%swap3A_2012, %swap3A_2013], %swap3A_2016 {strides = array<i32>} : memref<128x128xf32, #tpu.memory_space<vmem>>, vector<1x16xf32>,
        %get3A_2017 = arith.index_cast %add3A_2000 : i32 to index
        %get3A_2018 = arith.constant 16 : index
        %get3A_2019 = tpu.vector_load %arg12[%get3A_2017, %get3A_2018] {strides = array<i32>} : memref<128x128xf32, #tpu.memory_space<vmem>>, vector<1x16xf32>,
        %get3A_2020 = vector.shape_cast %get3A_2019 : vector<1x16xf32> to vector<16xf32>
        %mul3A_2021 = arith.mulf %broadcast_in_dim3A_1995, %get3A_2020 : vector<16xf32>
        %get3A_2022 = arith.index_cast %add3A_2000 : i32 to index
        %get3A_2023 = arith.constant 16 : index
        %get3A_2024 = tpu.vector_load %arg13[%get3A_2022, %get3A_2023] {strides = array<i32>} : memref<128x128xf32, #tpu.memory_space<vmem>>, vector<1x16xf32>,
        %get3A_2025 = vector.shape_cast %get3A_2024 : vector<1x16xf32> to vector<16xf32>
        %mul3A_2026 = arith.mulf %broadcast_in_dim3A_1998, %get3A_2025 : vector<16xf32>
        %add3A_2027 = arith.addf %mul3A_2021, %mul3A_2026 : vector<16xf32>
        %swap3A_2028 = arith.index_cast %add3A_2000 : i32 to index
        %swap3A_2029 = arith.constant 16 : index
        %swap3A_2030 = tpu.vector_load %arg12[%swap3A_2028, %swap3A_2029] {strides = array<i32>} : memref<128x128xf32, #tpu.memory_space<vmem>>, vector<1x16xf32>,
        %swap3A_2031 = vector.shape_cast %swap3A_2030 : vector<1x16xf32> to vector<16xf32>
        %swap3A_2032 = vector.shape_cast %add3A_2027 : vector<16xf32> to vector<1x16xf32>
        tpu.vector_store %arg12[%swap3A_2028, %swap3A_2029], %swap3A_2032 {strides = array<i32>} : memref<128x128xf32, #tpu.memory_space<vmem>>, vector<1x16xf32>,
        %get3A_2033 = arith.index_cast %add3A_2000 : i32 to index
        %get3A_2034 = arith.constant 32 : index
        %get3A_2035 = tpu.vector_load %arg12[%get3A_2033, %get3A_2034] {strides = array<i32>} : memref<128x128xf32, #tpu.memory_space<vmem>>, vector<1x16xf32>,
        %get3A_2036 = vector.shape_cast %get3A_2035 : vector<1x16xf32> to vector<16xf32>
        %mul3A_2037 = arith.mulf %broadcast_in_dim3A_1995, %get3A_2036 : vector<16xf32>
        %get3A_2038 = arith.index_cast %add3A_2000 : i32 to index
        %get3A_2039 = arith.constant 32 : index
        %get3A_2040 = tpu.vector_load %arg13[%get3A_2038, %get3A_2039] {strides = array<i32>} : memref<128x128xf32, #tpu.memory_space<vmem>>, vector<1x16xf32>,
        %get3A_2041 = vector.shape_cast %get3A_2040 : vector<1x16xf32> to vector<16xf32>
        %mul3A_2042 = arith.mulf %broadcast_in_dim3A_1998, %get3A_2041 : vector<16xf32>
        %add3A_2043 = arith.addf %mul3A_2037, %mul3A_2042 : vector<16xf32>
        %swap3A_2044 = arith.index_cast %add3A_2000 : i32 to index
        %swap3A_2045 = arith.constant 32 : index
        %swap3A_2046 = tpu.vector_load %arg12[%swap3A_2044, %swap3A_2045] {strides = array<i32>} : memref<128x128xf32, #tpu.memory_space<vmem>>, vector<1x16xf32>,
        %swap3A_2047 = vector.shape_cast %swap3A_2046 : vector<1x16xf32> to vector<16xf32>
        %swap3A_2048 = vector.shape_cast %add3A_2043 : vector<16xf32> to vector<1x16xf32>
        tpu.vector_store %arg12[%swap3A_2044, %swap3A_2045], %swap3A_2048 {strides = array<i32>} : memref<128x128xf32, #tpu.memory_space<vmem>>, vector<1x16xf32>,
        %get3A_2049 = arith.index_cast %add3A_2000 : i32 to index
        %get3A_2050 = arith.constant 48 : index
        %get3A_2051 = tpu.vector_load %arg12[%get3A_2049, %get3A_2050] {strides = array<i32>} : memref<128x128xf32, #tpu.memory_space<vmem>>, vector<1x16xf32>,
        %get3A_2052 = vector.shape_cast %get3A_2051 : vector<1x16xf32> to vector<16xf32>
        %mul3A_2053 = arith.mulf %broadcast_in_dim3A_1995, %get3A_2052 : vector<16xf32>
        %get3A_2054 = arith.index_cast %add3A_2000 : i32 to index
        %get3A_2055 = arith.constant 48 : index
        %get3A_2056 = tpu.vector_load %arg13[%get3A_2054, %get3A_2055] {strides = array<i32>} : memref<128x128xf32, #tpu.memory_space<vmem>>, vector<1x16xf32>,
        %get3A_2057 = vector.shape_cast %get3A_2056 : vector<1x16xf32> to vector<16xf32>
        %mul3A_2058 = arith.mulf %broadcast_in_dim3A_1998, %get3A_2057 : vector<16xf32>
        %add3A_2059 = arith.addf %mul3A_2053, %mul3A_2058 : vector<16xf32>
        %swap3A_2060 = arith.index_cast %add3A_2000 : i32 to index
        %swap3A_2061 = arith.constant 48 : index
        %swap3A_2062 = tpu.vector_load %arg12[%swap3A_2060, %swap3A_2061] {strides = array<i32>} : memref<128x128xf32, #tpu.memory_space<vmem>>, vector<1x16xf32>,
        %swap3A_2063 = vector.shape_cast %swap3A_2062 : vector<1x16xf32> to vector<16xf32>
        %swap3A_2064 = vector.shape_cast %add3A_2059 : vector<16xf32> to vector<1x16xf32>
        tpu.vector_store %arg12[%swap3A_2060, %swap3A_2061], %swap3A_2064 {strides = array<i32>} : memref<128x128xf32, #tpu.memory_space<vmem>>, vector<1x16xf32>,
        %get3A_2065 = arith.index_cast %add3A_2000 : i32 to index
        %get3A_2066 = arith.constant 64 : index
        %get3A_2067 = tpu.vector_load %arg12[%get3A_2065, %get3A_2066] {strides = array<i32>} : memref<128x128xf32, #tpu.memory_space<vmem>>, vector<1x16xf32>,
        %get3A_2068 = vector.shape_cast %get3A_2067 : vector<1x16xf32> to vector<16xf32>
        %mul3A_2069 = arith.mulf %broadcast_in_dim3A_1995, %get3A_2068 : vector<16xf32>
        %get3A_2070 = arith.index_cast %add3A_2000 : i32 to index
        %get3A_2071 = arith.constant 64 : index
        %get3A_2072 = tpu.vector_load %arg13[%get3A_2070, %get3A_2071] {strides = array<i32>} : memref<128x128xf32, #tpu.memory_space<vmem>>, vector<1x16xf32>,
        %get3A_2073 = vector.shape_cast %get3A_2072 : vector<1x16xf32> to vector<16xf32>
        %mul3A_2074 = arith.mulf %broadcast_in_dim3A_1998, %get3A_2073 : vector<16xf32>
        %add3A_2075 = arith.addf %mul3A_2069, %mul3A_2074 : vector<16xf32>
        %swap3A_2076 = arith.index_cast %add3A_2000 : i32 to index
        %swap3A_2077 = arith.constant 64 : index
        %swap3A_2078 = tpu.vector_load %arg12[%swap3A_2076, %swap3A_2077] {strides = array<i32>} : memref<128x128xf32, #tpu.memory_space<vmem>>, vector<1x16xf32>,
        %swap3A_2079 = vector.shape_cast %swap3A_2078 : vector<1x16xf32> to vector<16xf32>
        %swap3A_2080 = vector.shape_cast %add3A_2075 : vector<16xf32> to vector<1x16xf32>
        tpu.vector_store %arg12[%swap3A_2076, %swap3A_2077], %swap3A_2080 {strides = array<i32>} : memref<128x128xf32, #tpu.memory_space<vmem>>, vector<1x16xf32>,
        %get3A_2081 = arith.index_cast %add3A_2000 : i32 to index
        %get3A_2082 = arith.constant 80 : index
        %get3A_2083 = tpu.vector_load %arg12[%get3A_2081, %get3A_2082] {strides = array<i32>} : memref<128x128xf32, #tpu.memory_space<vmem>>, vector<1x16xf32>,
        %get3A_2084 = vector.shape_cast %get3A_2083 : vector<1x16xf32> to vector<16xf32>
        %mul3A_2085 = arith.mulf %broadcast_in_dim3A_1995, %get3A_2084 : vector<16xf32>
        %get3A_2086 = arith.index_cast %add3A_2000 : i32 to index
        %get3A_2087 = arith.constant 80 : index
        %get3A_2088 = tpu.vector_load %arg13[%get3A_2086, %get3A_2087] {strides = array<i32>} : memref<128x128xf32, #tpu.memory_space<vmem>>, vector<1x16xf32>,
        %get3A_2089 = vector.shape_cast %get3A_2088 : vector<1x16xf32> to vector<16xf32>
        %mul3A_2090 = arith.mulf %broadcast_in_dim3A_1998, %get3A_2089 : vector<16xf32>
        %add3A_2091 = arith.addf %mul3A_2085, %mul3A_2090 : vector<16xf32>
        %swap3A_2092 = arith.index_cast %add3A_2000 : i32 to index
        %swap3A_2093 = arith.constant 80 : index
        %swap3A_2094 = tpu.vector_load %arg12[%swap3A_2092, %swap3A_2093] {strides = array<i32>} : memref<128x128xf32, #tpu.memory_space<vmem>>, vector<1x16xf32>,
        %swap3A_2095 = vector.shape_cast %swap3A_2094 : vector<1x16xf32> to vector<16xf32>
        %swap3A_2096 = vector.shape_cast %add3A_2091 : vector<16xf32> to vector<1x16xf32>
        tpu.vector_store %arg12[%swap3A_2092, %swap3A_2093], %swap3A_2096 {strides = array<i32>} : memref<128x128xf32, #tpu.memory_space<vmem>>, vector<1x16xf32>,
        %get3A_2097 = arith.index_cast %add3A_2000 : i32 to index
        %get3A_2098 = arith.constant 96 : index
        %get3A_2099 = tpu.vector_load %arg12[%get3A_2097, %get3A_2098] {strides = array<i32>} : memref<128x128xf32, #tpu.memory_space<vmem>>, vector<1x16xf32>,
        %get3A_2100 = vector.shape_cast %get3A_2099 : vector<1x16xf32> to vector<16xf32>
        %mul3A_2101 = arith.mulf %broadcast_in_dim3A_1995, %get3A_2100 : vector<16xf32>
        %get3A_2102 = arith.index_cast %add3A_2000 : i32 to index
        %get3A_2103 = arith.constant 96 : index
        %get3A_2104 = tpu.vector_load %arg13[%get3A_2102, %get3A_2103] {strides = array<i32>} : memref<128x128xf32, #tpu.memory_space<vmem>>, vector<1x16xf32>,
        %get3A_2105 = vector.shape_cast %get3A_2104 : vector<1x16xf32> to vector<16xf32>
        %mul3A_2106 = arith.mulf %broadcast_in_dim3A_1998, %get3A_2105 : vector<16xf32>
        %add3A_2107 = arith.addf %mul3A_2101, %mul3A_2106 : vector<16xf32>
        %swap3A_2108 = arith.index_cast %add3A_2000 : i32 to index
        %swap3A_2109 = arith.constant 96 : index
        %swap3A_2110 = tpu.vector_load %arg12[%swap3A_2108, %swap3A_2109] {strides = array<i32>} : memref<128x128xf32, #tpu.memory_space<vmem>>, vector<1x16xf32>,
        %swap3A_2111 = vector.shape_cast %swap3A_2110 : vector<1x16xf32> to vector<16xf32>
        %swap3A_2112 = vector.shape_cast %add3A_2107 : vector<16xf32> to vector<1x16xf32>
        tpu.vector_store %arg12[%swap3A_2108, %swap3A_2109], %swap3A_2112 {strides = array<i32>} : memref<128x128xf32, #tpu.memory_space<vmem>>, vector<1x16xf32>,
        %get3A_2113 = arith.index_cast %add3A_2000 : i32 to index
        %get3A_2114 = arith.constant 112 : index
        %get3A_2115 = tpu.vector_load %arg12[%get3A_2113, %get3A_2114] {strides = array<i32>} : memref<128x128xf32, #tpu.memory_space<vmem>>, vector<1x16xf32>,
        %get3A_2116 = vector.shape_cast %get3A_2115 : vector<1x16xf32> to vector<16xf32>
        %mul3A_2117 = arith.mulf %broadcast_in_dim3A_1995, %get3A_2116 : vector<16xf32>
        %get3A_2118 = arith.index_cast %add3A_2000 : i32 to index
        %get3A_2119 = arith.constant 112 : index
        %get3A_2120 = tpu.vector_load %arg13[%get3A_2118, %get3A_2119] {strides = array<i32>} : memref<128x128xf32, #tpu.memory_space<vmem>>, vector<1x16xf32>,
        %get3A_2121 = vector.shape_cast %get3A_2120 : vector<1x16xf32> to vector<16xf32>
        %mul3A_2122 = arith.mulf %broadcast_in_dim3A_1998, %get3A_2121 : vector<16xf32>
        %add3A_2123 = arith.addf %mul3A_2117, %mul3A_2122 : vector<16xf32>
        %swap3A_2124 = arith.index_cast %add3A_2000 : i32 to index
        %swap3A_2125 = arith.constant 112 : index
        %swap3A_2126 = tpu.vector_load %arg12[%swap3A_2124, %swap3A_2125] {strides = array<i32>} : memref<128x128xf32, #tpu.memory_space<vmem>>, vector<1x16xf32>,
        %swap3A_2127 = vector.shape_cast %swap3A_2126 : vector<1x16xf32> to vector<16xf32>
        %swap3A_2128 = vector.shape_cast %add3A_2123 : vector<16xf32> to vector<1x16xf32>
        tpu.vector_store %arg12[%swap3A_2124, %swap3A_2125], %swap3A_2128 {strides = array<i32>} : memref<128x128xf32, #tpu.memory_space<vmem>>, vector<1x16xf32>,
        %slice3A_2129 = vector.extract_strided_slice %get3A_85 {offsets = [15], sizes = [1], strides = [1]} : vector<16xf32> to vector<1xf32>
        %squeeze3A_2130 = vector.extract %slice3A_2129[0] : f32 from vector<1xf32>
        %broadcast_in_dim3A_2131 = vector.broadcast %squeeze3A_2130 : f32 to vector<16xf32>
        %slice3A_2132 = vector.extract_strided_slice %get3A_90 {offsets = [15], sizes = [1], strides = [1]} : vector<16xf32> to vector<1xf32>
        %squeeze3A_2133 = vector.extract %slice3A_2132[0] : f32 from vector<1xf32>
        %broadcast_in_dim3A_2134 = vector.broadcast %squeeze3A_2133 : f32 to vector<16xf32>
        %add3A_2135 = arith.constant 15 : i32
        %add3A_2136 = arith.addi %mul3A_92, %add3A_2135 : i32
        %get3A_2137 = arith.index_cast %add3A_2136 : i32 to index
        %get3A_2138 = arith.constant 0 : index
        %get3A_2139 = tpu.vector_load %arg12[%get3A_2137, %get3A_2138] {strides = array<i32>} : memref<128x128xf32, #tpu.memory_space<vmem>>, vector<1x16xf32>,
        %get3A_2140 = vector.shape_cast %get3A_2139 : vector<1x16xf32> to vector<16xf32>
        %mul3A_2141 = arith.mulf %broadcast_in_dim3A_2131, %get3A_2140 : vector<16xf32>
        %get3A_2142 = arith.index_cast %add3A_2136 : i32 to index
        %get3A_2143 = arith.constant 0 : index
        %get3A_2144 = tpu.vector_load %arg13[%get3A_2142, %get3A_2143] {strides = array<i32>} : memref<128x128xf32, #tpu.memory_space<vmem>>, vector<1x16xf32>,
        %get3A_2145 = vector.shape_cast %get3A_2144 : vector<1x16xf32> to vector<16xf32>
        %mul3A_2146 = arith.mulf %broadcast_in_dim3A_2134, %get3A_2145 : vector<16xf32>
        %add3A_2147 = arith.addf %mul3A_2141, %mul3A_2146 : vector<16xf32>
        %swap3A_2148 = arith.index_cast %add3A_2136 : i32 to index
        %swap3A_2149 = arith.constant 0 : index
        %swap3A_2150 = tpu.vector_load %arg12[%swap3A_2148, %swap3A_2149] {strides = array<i32>} : memref<128x128xf32, #tpu.memory_space<vmem>>, vector<1x16xf32>,
        %swap3A_2151 = vector.shape_cast %swap3A_2150 : vector<1x16xf32> to vector<16xf32>
        %swap3A_2152 = vector.shape_cast %add3A_2147 : vector<16xf32> to vector<1x16xf32>
        tpu.vector_store %arg12[%swap3A_2148, %swap3A_2149], %swap3A_2152 {strides = array<i32>} : memref<128x128xf32, #tpu.memory_space<vmem>>, vector<1x16xf32>,
        %get3A_2153 = arith.index_cast %add3A_2136 : i32 to index
        %get3A_2154 = arith.constant 16 : index
        %get3A_2155 = tpu.vector_load %arg12[%get3A_2153, %get3A_2154] {strides = array<i32>} : memref<128x128xf32, #tpu.memory_space<vmem>>, vector<1x16xf32>,
        %get3A_2156 = vector.shape_cast %get3A_2155 : vector<1x16xf32> to vector<16xf32>
        %mul3A_2157 = arith.mulf %broadcast_in_dim3A_2131, %get3A_2156 : vector<16xf32>
        %get3A_2158 = arith.index_cast %add3A_2136 : i32 to index
        %get3A_2159 = arith.constant 16 : index
        %get3A_2160 = tpu.vector_load %arg13[%get3A_2158, %get3A_2159] {strides = array<i32>} : memref<128x128xf32, #tpu.memory_space<vmem>>, vector<1x16xf32>,
        %get3A_2161 = vector.shape_cast %get3A_2160 : vector<1x16xf32> to vector<16xf32>
        %mul3A_2162 = arith.mulf %broadcast_in_dim3A_2134, %get3A_2161 : vector<16xf32>
        %add3A_2163 = arith.addf %mul3A_2157, %mul3A_2162 : vector<16xf32>
        %swap3A_2164 = arith.index_cast %add3A_2136 : i32 to index
        %swap3A_2165 = arith.constant 16 : index
        %swap3A_2166 = tpu.vector_load %arg12[%swap3A_2164, %swap3A_2165] {strides = array<i32>} : memref<128x128xf32, #tpu.memory_space<vmem>>, vector<1x16xf32>,
        %swap3A_2167 = vector.shape_cast %swap3A_2166 : vector<1x16xf32> to vector<16xf32>
        %swap3A_2168 = vector.shape_cast %add3A_2163 : vector<16xf32> to vector<1x16xf32>
        tpu.vector_store %arg12[%swap3A_2164, %swap3A_2165], %swap3A_2168 {strides = array<i32>} : memref<128x128xf32, #tpu.memory_space<vmem>>, vector<1x16xf32>,
        %get3A_2169 = arith.index_cast %add3A_2136 : i32 to index
        %get3A_2170 = arith.constant 32 : index
        %get3A_2171 = tpu.vector_load %arg12[%get3A_2169, %get3A_2170] {strides = array<i32>} : memref<128x128xf32, #tpu.memory_space<vmem>>, vector<1x16xf32>,
        %get3A_2172 = vector.shape_cast %get3A_2171 : vector<1x16xf32> to vector<16xf32>
        %mul3A_2173 = arith.mulf %broadcast_in_dim3A_2131, %get3A_2172 : vector<16xf32>
        %get3A_2174 = arith.index_cast %add3A_2136 : i32 to index
        %get3A_2175 = arith.constant 32 : index
        %get3A_2176 = tpu.vector_load %arg13[%get3A_2174, %get3A_2175] {strides = array<i32>} : memref<128x128xf32, #tpu.memory_space<vmem>>, vector<1x16xf32>,
        %get3A_2177 = vector.shape_cast %get3A_2176 : vector<1x16xf32> to vector<16xf32>
        %mul3A_2178 = arith.mulf %broadcast_in_dim3A_2134, %get3A_2177 : vector<16xf32>
        %add3A_2179 = arith.addf %mul3A_2173, %mul3A_2178 : vector<16xf32>
        %swap3A_2180 = arith.index_cast %add3A_2136 : i32 to index
        %swap3A_2181 = arith.constant 32 : index
        %swap3A_2182 = tpu.vector_load %arg12[%swap3A_2180, %swap3A_2181] {strides = array<i32>} : memref<128x128xf32, #tpu.memory_space<vmem>>, vector<1x16xf32>,
        %swap3A_2183 = vector.shape_cast %swap3A_2182 : vector<1x16xf32> to vector<16xf32>
        %swap3A_2184 = vector.shape_cast %add3A_2179 : vector<16xf32> to vector<1x16xf32>
        tpu.vector_store %arg12[%swap3A_2180, %swap3A_2181], %swap3A_2184 {strides = array<i32>} : memref<128x128xf32, #tpu.memory_space<vmem>>, vector<1x16xf32>,
        %get3A_2185 = arith.index_cast %add3A_2136 : i32 to index
        %get3A_2186 = arith.constant 48 : index
        %get3A_2187 = tpu.vector_load %arg12[%get3A_2185, %get3A_2186] {strides = array<i32>} : memref<128x128xf32, #tpu.memory_space<vmem>>, vector<1x16xf32>,
        %get3A_2188 = vector.shape_cast %get3A_2187 : vector<1x16xf32> to vector<16xf32>
        %mul3A_2189 = arith.mulf %broadcast_in_dim3A_2131, %get3A_2188 : vector<16xf32>
        %get3A_2190 = arith.index_cast %add3A_2136 : i32 to index
        %get3A_2191 = arith.constant 48 : index
        %get3A_2192 = tpu.vector_load %arg13[%get3A_2190, %get3A_2191] {strides = array<i32>} : memref<128x128xf32, #tpu.memory_space<vmem>>, vector<1x16xf32>,
        %get3A_2193 = vector.shape_cast %get3A_2192 : vector<1x16xf32> to vector<16xf32>
        %mul3A_2194 = arith.mulf %broadcast_in_dim3A_2134, %get3A_2193 : vector<16xf32>
        %add3A_2195 = arith.addf %mul3A_2189, %mul3A_2194 : vector<16xf32>
        %swap3A_2196 = arith.index_cast %add3A_2136 : i32 to index
        %swap3A_2197 = arith.constant 48 : index
        %swap3A_2198 = tpu.vector_load %arg12[%swap3A_2196, %swap3A_2197] {strides = array<i32>} : memref<128x128xf32, #tpu.memory_space<vmem>>, vector<1x16xf32>,
        %swap3A_2199 = vector.shape_cast %swap3A_2198 : vector<1x16xf32> to vector<16xf32>
        %swap3A_2200 = vector.shape_cast %add3A_2195 : vector<16xf32> to vector<1x16xf32>
        tpu.vector_store %arg12[%swap3A_2196, %swap3A_2197], %swap3A_2200 {strides = array<i32>} : memref<128x128xf32, #tpu.memory_space<vmem>>, vector<1x16xf32>,
        %get3A_2201 = arith.index_cast %add3A_2136 : i32 to index
        %get3A_2202 = arith.constant 64 : index
        %get3A_2203 = tpu.vector_load %arg12[%get3A_2201, %get3A_2202] {strides = array<i32>} : memref<128x128xf32, #tpu.memory_space<vmem>>, vector<1x16xf32>,
        %get3A_2204 = vector.shape_cast %get3A_2203 : vector<1x16xf32> to vector<16xf32>
        %mul3A_2205 = arith.mulf %broadcast_in_dim3A_2131, %get3A_2204 : vector<16xf32>
        %get3A_2206 = arith.index_cast %add3A_2136 : i32 to index
        %get3A_2207 = arith.constant 64 : index
        %get3A_2208 = tpu.vector_load %arg13[%get3A_2206, %get3A_2207] {strides = array<i32>} : memref<128x128xf32, #tpu.memory_space<vmem>>, vector<1x16xf32>,
        %get3A_2209 = vector.shape_cast %get3A_2208 : vector<1x16xf32> to vector<16xf32>
        %mul3A_2210 = arith.mulf %broadcast_in_dim3A_2134, %get3A_2209 : vector<16xf32>
        %add3A_2211 = arith.addf %mul3A_2205, %mul3A_2210 : vector<16xf32>
        %swap3A_2212 = arith.index_cast %add3A_2136 : i32 to index
        %swap3A_2213 = arith.constant 64 : index
        %swap3A_2214 = tpu.vector_load %arg12[%swap3A_2212, %swap3A_2213] {strides = array<i32>} : memref<128x128xf32, #tpu.memory_space<vmem>>, vector<1x16xf32>,
        %swap3A_2215 = vector.shape_cast %swap3A_2214 : vector<1x16xf32> to vector<16xf32>
        %swap3A_2216 = vector.shape_cast %add3A_2211 : vector<16xf32> to vector<1x16xf32>
        tpu.vector_store %arg12[%swap3A_2212, %swap3A_2213], %swap3A_2216 {strides = array<i32>} : memref<128x128xf32, #tpu.memory_space<vmem>>, vector<1x16xf32>,
        %get3A_2217 = arith.index_cast %add3A_2136 : i32 to index
        %get3A_2218 = arith.constant 80 : index
        %get3A_2219 = tpu.vector_load %arg12[%get3A_2217, %get3A_2218] {strides = array<i32>} : memref<128x128xf32, #tpu.memory_space<vmem>>, vector<1x16xf32>,
        %get3A_2220 = vector.shape_cast %get3A_2219 : vector<1x16xf32> to vector<16xf32>
        %mul3A_2221 = arith.mulf %broadcast_in_dim3A_2131, %get3A_2220 : vector<16xf32>
        %get3A_2222 = arith.index_cast %add3A_2136 : i32 to index
        %get3A_2223 = arith.constant 80 : index
        %get3A_2224 = tpu.vector_load %arg13[%get3A_2222, %get3A_2223] {strides = array<i32>} : memref<128x128xf32, #tpu.memory_space<vmem>>, vector<1x16xf32>,
        %get3A_2225 = vector.shape_cast %get3A_2224 : vector<1x16xf32> to vector<16xf32>
        %mul3A_2226 = arith.mulf %broadcast_in_dim3A_2134, %get3A_2225 : vector<16xf32>
        %add3A_2227 = arith.addf %mul3A_2221, %mul3A_2226 : vector<16xf32>
        %swap3A_2228 = arith.index_cast %add3A_2136 : i32 to index
        %swap3A_2229 = arith.constant 80 : index
        %swap3A_2230 = tpu.vector_load %arg12[%swap3A_2228, %swap3A_2229] {strides = array<i32>} : memref<128x128xf32, #tpu.memory_space<vmem>>, vector<1x16xf32>,
        %swap3A_2231 = vector.shape_cast %swap3A_2230 : vector<1x16xf32> to vector<16xf32>
        %swap3A_2232 = vector.shape_cast %add3A_2227 : vector<16xf32> to vector<1x16xf32>
        tpu.vector_store %arg12[%swap3A_2228, %swap3A_2229], %swap3A_2232 {strides = array<i32>} : memref<128x128xf32, #tpu.memory_space<vmem>>, vector<1x16xf32>,
        %get3A_2233 = arith.index_cast %add3A_2136 : i32 to index
        %get3A_2234 = arith.constant 96 : index
        %get3A_2235 = tpu.vector_load %arg12[%get3A_2233, %get3A_2234] {strides = array<i32>} : memref<128x128xf32, #tpu.memory_space<vmem>>, vector<1x16xf32>,
        %get3A_2236 = vector.shape_cast %get3A_2235 : vector<1x16xf32> to vector<16xf32>
        %mul3A_2237 = arith.mulf %broadcast_in_dim3A_2131, %get3A_2236 : vector<16xf32>
        %get3A_2238 = arith.index_cast %add3A_2136 : i32 to index
        %get3A_2239 = arith.constant 96 : index
        %get3A_2240 = tpu.vector_load %arg13[%get3A_2238, %get3A_2239] {strides = array<i32>} : memref<128x128xf32, #tpu.memory_space<vmem>>, vector<1x16xf32>,
        %get3A_2241 = vector.shape_cast %get3A_2240 : vector<1x16xf32> to vector<16xf32>
        %mul3A_2242 = arith.mulf %broadcast_in_dim3A_2134, %get3A_2241 : vector<16xf32>
        %add3A_2243 = arith.addf %mul3A_2237, %mul3A_2242 : vector<16xf32>
        %swap3A_2244 = arith.index_cast %add3A_2136 : i32 to index
        %swap3A_2245 = arith.constant 96 : index
        %swap3A_2246 = tpu.vector_load %arg12[%swap3A_2244, %swap3A_2245] {strides = array<i32>} : memref<128x128xf32, #tpu.memory_space<vmem>>, vector<1x16xf32>,
        %swap3A_2247 = vector.shape_cast %swap3A_2246 : vector<1x16xf32> to vector<16xf32>
        %swap3A_2248 = vector.shape_cast %add3A_2243 : vector<16xf32> to vector<1x16xf32>
        tpu.vector_store %arg12[%swap3A_2244, %swap3A_2245], %swap3A_2248 {strides = array<i32>} : memref<128x128xf32, #tpu.memory_space<vmem>>, vector<1x16xf32>,
        %get3A_2249 = arith.index_cast %add3A_2136 : i32 to index
        %get3A_2250 = arith.constant 112 : index
        %get3A_2251 = tpu.vector_load %arg12[%get3A_2249, %get3A_2250] {strides = array<i32>} : memref<128x128xf32, #tpu.memory_space<vmem>>, vector<1x16xf32>,
        %get3A_2252 = vector.shape_cast %get3A_2251 : vector<1x16xf32> to vector<16xf32>
        %mul3A_2253 = arith.mulf %broadcast_in_dim3A_2131, %get3A_2252 : vector<16xf32>
        %get3A_2254 = arith.index_cast %add3A_2136 : i32 to index
        %get3A_2255 = arith.constant 112 : index
        %get3A_2256 = tpu.vector_load %arg13[%get3A_2254, %get3A_2255] {strides = array<i32>} : memref<128x128xf32, #tpu.memory_space<vmem>>, vector<1x16xf32>,
        %get3A_2257 = vector.shape_cast %get3A_2256 : vector<1x16xf32> to vector<16xf32>
        %mul3A_2258 = arith.mulf %broadcast_in_dim3A_2134, %get3A_2257 : vector<16xf32>
        %add3A_2259 = arith.addf %mul3A_2253, %mul3A_2258 : vector<16xf32>
        %swap3A_2260 = arith.index_cast %add3A_2136 : i32 to index
        %swap3A_2261 = arith.constant 112 : index
        %swap3A_2262 = tpu.vector_load %arg12[%swap3A_2260, %swap3A_2261] {strides = array<i32>} : memref<128x128xf32, #tpu.memory_space<vmem>>, vector<1x16xf32>,
        %swap3A_2263 = vector.shape_cast %swap3A_2262 : vector<1x16xf32> to vector<16xf32>
        %swap3A_2264 = vector.shape_cast %add3A_2259 : vector<16xf32> to vector<1x16xf32>
        tpu.vector_store %arg12[%swap3A_2260, %swap3A_2261], %swap3A_2264 {strides = array<i32>} : memref<128x128xf32, #tpu.memory_space<vmem>>, vector<1x16xf32>,
      }
      %scan3A_73 = arith.constant 8 : i32
      %mul3A_74 = arith.constant 1024 : i32
      %mul3A_75 = arith.muli %add3A, %mul3A_74 : i32
      %mul3A_76 = arith.constant 128 : i32
      %mul3A_77 = arith.muli %scan3A_47, %mul3A_76 : i32
      %add3A_78 = arith.addi %mul3A_75, %mul3A_77 : i32
      %multiple_of3A_79 = tpu.assume_multiple %add3A_78, 128 : i32
      "tpu.region"() ({
        %run_scoped3A = tpu.sem_alloc : memref<!tpu.dma_semaphore, #tpu.memory_space<semaphore_mem>>
        %dma_start3A_80 = arith.constant 0 : i32
        %dma_start3A_81 = tpu.memref_slice %arg5[%multiple_of3A_79, %dma_start3A_80] : memref<32768x128xf32, #tpu.memory_space<hbm>> -> memref<128x128xf32, #tpu.memory_space<hbm>>
        %dma_start3A_82 = arith.constant 0 : i32
        %dma_start3A_83 = tpu.memref_slice %arg5[%multiple_of3A_79, %dma_start3A_82] : memref<32768x128xf32, #tpu.memory_space<hbm>> -> memref<128x128xf32, #tpu.memory_space<hbm>>
        tpu.enqueue_dma source(%arg12 : memref<128x128xf32, #tpu.memory_space<vmem>>) target(%dma_start3A_83 : memref<128x128xf32, #tpu.memory_space<hbm>>) target_semaphore(%run_scoped3A : memref<!tpu.dma_semaphore, #tpu.memory_space<semaphore_mem>>)
        %dma_wait3A_84 = arith.constant 0 : i32
        %dma_wait3A_85 = tpu.memref_slice %arg5[%multiple_of3A_79, %dma_wait3A_84] : memref<32768x128xf32, #tpu.memory_space<hbm>> -> memref<128x128xf32, #tpu.memory_space<hbm>>
        %dma_wait3A_86 = arith.constant 0 : i32
        %dma_wait3A_87 = tpu.memref_slice %arg5[%multiple_of3A_79, %dma_wait3A_86] : memref<32768x128xf32, #tpu.memory_space<hbm>> -> memref<128x128xf32, #tpu.memory_space<hbm>>
        tpu.wait_dma2 semaphore(%run_scoped3A : memref<!tpu.dma_semaphore, #tpu.memory_space<semaphore_mem>>) src(%arg12 : memref<128x128xf32, #tpu.memory_space<vmem>>) dst(%dma_wait3A_87 : memref<128x128xf32, #tpu.memory_space<hbm>>)
        tpu.yield
      }) : () -> ()
    }
    %scan3A_46 = arith.constant 8 : i32
    return
  }
}

</mosaic_0001>

<sc_bundles>
// kernel: kernel.3.cloned.1.call-start
scs
__scs_entry_jumppad:
0x0: {  	(pc) =	sbr.rel $0x88, $3  }
0x1: {  	(tag) =	ssettag $0x0;
	lr =	simm.s32 $0x1  }
0x2: {  	[smem:$0x3F9F] =	sst lr;
	_ =	strace $0xD0000000  }
0x3: {  	_ = 	snop  }
0x4: {  	_ = 	snop  }
0x5: {  	_ = 	snop  }
0x6: {  	_ = 	snop  }
0x7: {  	_ = 	snop  }
__scs_overlays_trampoline_lowered:
0x8: {  	[smem:$0x3FAE] =	sst s0  }
0x9: {  	[smem:$0x3FAF] =	sst s1  }
0xa: {  	[smem:$0x3FB0] =	sst s2  }
0xb: {  	[smem:$0x3FB1] =	sst s3  }
0xc: {  	[smem:$0x3FB2] =	sst s4  }
0xd: {  	[smem:$0x3FB3] =	sst s5  }
0xe: {  	[smem:$0x3FB4] =	sst s6  }
0xf: {  	[smem:$0x3FB5] =	sst s7  }
0x10: {  	[smem:$0x3FB6] =	sst s8  }
0x11: {  	[smem:$0x3FB7] =	sst s9;
	s0 =	simm.s32 @!p0 $0x0  }
0x12: {  	s1 =	sld [smem:$0x3F9D];
	s0 =	simm.s32 @p0 $0x1  }
0x13: {  	[smem:$0x3FB8] =	sst s0;
	s0 =	simm.s32 @!p1 $0x0  }
0x14: {  	s2 =	sld [smem:$0x3F9C];
	s0 =	simm.s32 @p1 $0x1  }
0x15: {  	[smem:$0x3FB9] =	sst s0;
	s0 =	simm.s32 @!p2 $0x0  }
0x16: {  	s3 =	sld [smem:$0x3FDB];
	s0 =	simm.s32 @p2 $0x1  }
0x17: {  	s4 =	simm.s32 $0x1BF5;
	[smem:$0x3FBB] =	sst s0  }
0x18: {  	s0 =	sld [smem:$0x3F9E];
	_ =	swait.ge [sflag:s4], $0x0  }
0x19: {  	s7 =	sld [smem:$0x3F9F]  }
0x1a: {  	s8 =	sadd.s32 $0xFFFFE003, lr  }
0x1b: {  	s9 =	sadd.s32 $0xFFFFFEF7, lr;
	s5 =	simm.s32 $0xFFFFFFFF;
	p2 =	slt.u32 s8, $0xFFFFF086  }
0x1c: {  	p1 =	slt.u32 s9, $0xF7A;
	s5 =	simm.s32 @!p2 $0x0  }
0x1d: {  	s5 =	simm.s32 @p1 $0x1;
	p0 =	seq.s32 s7, s2  }
0x1e: {  	s7 =	smul.u32 @!p0 $0xF7A, s2;
	p2 =	seq.s32 @!p0 s5, $0x0  }
0x1f: {  	s9 =	smul.u32 $0xF7A, s1;
	s8 =	simm.s32 @!p0 $0x1BF5;
	p2 =	por !p2, p0  }
0x20: {  	[sflag:s8] =	ssyncset.s32 @!p0 $0xFFFFF086;
	s6 =	sadd.s32 @!p0 s3, s7;
	s7 =	simm.s32 @!p0 $0x108  }
0x21: {  	s3 =	sadd.s32 s3, s9;
	s6 =	sadd.s32 @!p0 $0x88, s6;
	s7 =	simm.s32 @p2 $0x1082  }
0x22: {  	[simem:s7], [sflag:s8] =	dma.local @!p0 [hbm:s6], $0xF7A  }
0x23: {  	s9 =	sor.u32 $0xD0000000, s2;
	s6 =	simm.s32 $0x108;
	_ =	swait.ge @!p0 [sflag:s8], $0x0  }
0x24: {  	s3 =	sadd.s32 $0x88, s3;
	s6 =	simm.s32 @!p1 $0x1082;
	[sflag:s4] =	ssyncset.s32 $0xFFFFF086  }
0x25: {  	[simem:s6], [sflag:s4] =	dma.local [hbm:s3], $0xF7A  }
0x26: {  	[smem:$0x3F9F] =	sst s1;
	(tag) =	ssettag s2;
	_ =	strace s9  }
0x27: {  	s1 =	sld [smem:$0x3FAF]  }
0x28: {  	s2 =	sld [smem:$0x3FB0]  }
0x29: {  	s4 =	sld [smem:$0x3FB2]  }
0x2a: {  	p0 =	seq.s32 s5, $0x0;
	s5 =	sld [smem:$0x3FB3]  }
0x2b: {  	s6 =	sld [smem:$0x3FB4]  }
0x2c: {  	s7 =	sld [smem:$0x3FB5]  }
0x2d: {  	s3 =	simm.s32 $0x108;
	s8 =	sld [smem:$0x3FB6]  }
0x2e: {  	s3 =	simm.s32 @!p0 $0x1082;
	s9 =	sld [smem:$0x3FB7]  }
0x2f: {  	lr =	sadd.s32 s0, s3;
	s0 =	sld [smem:$0x3FAE]  }
0x30: {  	s3 =	sld [smem:$0x3FB1]  }
0x31: {  	[smem:$0x3FBA] =	sst s10  }
0x32: {  	s10 =	sld [smem:$0x3FB8];
	_ =	sdelay $0x3  }
0x33: {  	p0 =	seq.s32 s10, $0x1;
	s10 =	sld [smem:$0x3FBA];
	_ =	sdelay $0x3  }
0x34: {  	[smem:$0x3FBA] =	sst s10  }
0x35: {  	s10 =	sld [smem:$0x3FB9];
	_ =	sdelay $0x3  }
0x36: {  	p1 =	seq.s32 s10, $0x1;
	s10 =	sld [smem:$0x3FBA];
	_ =	sdelay $0x3  }
0x37: {  	[smem:$0x3FBA] =	sst s10  }
0x38: {  	s10 =	sld [smem:$0x3FBB]  }
0x39: {  	_ = 	snop;
	(pc) =	sbr.ind lr, $3  }
0x3a: {  	_ = 	snop  }
0x3b: {  	_ = 	snop  }
0x3c: {  	p2 =	seq.s32 s10, $0x1;
	s10 =	sld [smem:$0x3FBA]  }
0x3d: {  	_ =	shalt  }
0x3e: {  	_ =	shalt  }
0x3f: {  	_ =	shalt  }
0x40: {  	_ =	shalt  }
0x41: {  	_ =	shalt  }
0x42: {  	_ =	shalt  }
0x43: {  	_ =	shalt  }
0x44: {  	_ =	shalt  }
0x45: {  	_ =	shalt  }
0x46: {  	_ =	shalt  }
0x47: {  	_ =	shalt  }
0x48: {  	_ =	shalt  }
0x49: {  	_ =	shalt  }
0x4a: {  	_ =	shalt  }
0x4b: {  	_ =	shalt  }
0x4c: {  	_ =	shalt  }
0x4d: {  	_ =	shalt  }
0x4e: {  	_ =	shalt  }
0x4f: {  	_ =	shalt  }
0x50: {  	_ =	shalt  }
0x51: {  	_ =	shalt  }
0x52: {  	_ =	shalt  }
0x53: {  	_ =	shalt  }
0x54: {  	_ =	shalt  }
0x55: {  	_ =	shalt  }
0x56: {  	_ =	shalt  }
0x57: {  	_ =	shalt  }
0x58: {  	_ =	shalt  }
0x59: {  	_ =	shalt  }
0x5a: {  	_ =	shalt  }
0x5b: {  	_ =	shalt  }
0x5c: {  	_ =	shalt  }
0x5d: {  	_ =	shalt  }
0x5e: {  	_ =	shalt  }
0x5f: {  	_ =	shalt  }
0x60: {  	_ =	shalt  }
0x61: {  	_ =	shalt  }
0x62: {  	_ =	shalt  }
0x63: {  	_ =	shalt  }
0x64: {  	_ =	shalt  }
0x65: {  	_ =	shalt  }
0x66: {  	_ =	shalt  }
0x67: {  	_ =	shalt  }
0x68: {  	_ =	shalt  }
0x69: {  	_ =	shalt  }
0x6a: {  	_ =	shalt  }
0x6b: {  	_ =	shalt  }
0x6c: {  	_ =	shalt  }
0x6d: {  	_ =	shalt  }
0x6e: {  	_ =	shalt  }
0x6f: {  	_ =	shalt  }
0x70: {  	_ =	shalt  }
0x71: {  	_ =	shalt  }
0x72: {  	_ =	shalt  }
0x73: {  	_ =	shalt  }
0x74: {  	_ =	shalt  }
0x75: {  	_ =	shalt  }
0x76: {  	_ =	shalt  }
0x77: {  	_ =	shalt  }
0x78: {  	_ =	shalt  }
0x79: {  	_ =	shalt  }
0x7a: {  	_ =	shalt  }
0x7b: {  	_ =	shalt  }
0x7c: {  	_ =	shalt  }
0x7d: {  	_ =	shalt  }
0x7e: {  	_ =	shalt  }
0x7f: {  	_ =	shalt  }
0x80: {  	_ =	shalt  }
0x81: {  	_ =	shalt  }
0x82: {  	_ =	shalt  }
0x83: {  	_ =	shalt  }
0x84: {  	_ =	shalt  }
0x85: {  	_ =	shalt  }
0x86: {  	_ =	shalt  }
0x87: {  	_ =	shalt  }
.Lfunc_end0:
.L_simem_size_0:
called_computation_lowered:
.L_overlay_start_0:
0x88: {  	s2 =	sld [smem:$0x3FD9]  }
0x89: {  	s3 =	sld [smem:$0x3FFE];
	_ =	sdelay $0x1  }
0x8a: {  	s1 =	srdreg.scid  }
0x8b: {  	s0 =	sand.u32 $0x1, s1  }
0x8c: {  	s17 =	sshll.u32 s0, $0xA;
	s2 =	sadd.s32 s3, s2  }
0x8d: {  	s2 =	sadd.s32 s2, s17  }
0x8e: {  	[smem:$0x3FC6] =	sst s2  }
0x8f: {  	_ = 	snop  }
0x90: {  	s2 =	sld [smem:$0x3FC8]  }
0x91: {  	s18 =	sld [smem:$0x3FD0];
	(tm) =	ssettm $0x1  }
0x92: {  	s4 =	sld [smem:$0x3FFB];
	_ =	sdelay $0x3  }
0x93: {  	_ =	strace s4  }
0x94: {  	s4 =	sld [smem:$0x3FFC];
	_ =	sdelay $0x3  }
0x95: {  	_ =	strace s4  }
0x96: {  	s4 =	sld [smem:$0x3FFD];
	_ =	sdelay $0x3  }
0x97: {  	_ =	strace s4  }
0x98: {  	_ =	strace $0x8FFFFFFF  }
0x99: {  	s19 =	sld [smem:$0x3FDB];
	_ =	sdelay $0x1  }
0x9a: {  	s5 =	simm.s32 $_scs_section_size  }
0x9b: {  	s6 =	simm.s32 $_size__tile_overlayer_lowered;
	s7 =	simm.s32 $_tile_overlayer_lowered  }
0x9c: {  	s22 =	simm.s32 $0x1BFF;
	s21 =	sshll.u32 s7, $0x1;
	s4 =	sadd.s32 s5, s19  }
0x9d: {  	s8 =	simm.s32 $0x0;
	s20 =	sshll.u32 s6, $0x1;
	s6 =	sadd.s32 s21, s4  }
0x9e: {  	[timem:s8], [sflag:s22] =	dma.local [hbm:s6], s20  }
0x9f: {  	_ =	swait.ge [sflag:s22], s20  }
0xa0: {  	s5 =	ssub.s32 $0x0, s20;
	[sflag:s22] =	ssyncset.done $0x0  }
0xa1: {  	[sflag:s22] =	ssyncadd.s32 s5;
	_ =	sdelay $0x1  }
0xa2: {  	s23 =	simm.s32 $0x1B8B  }
0xa3: {  	_ =	swait.ge [sflag:s23], $0x1  }
0xa4: {  	[sflag:s23] =	ssyncset.done $0x0  }
0xa5: {  	s25 =	simm.s32 $0x1B8E;
	s24 =	sld [smem:$0x3FFE];
	[sflag:s23] =	ssyncadd.s32 $0xFFFFFFFF  }
0xa6: {  	s26 =	simm.s32 $execute0_lowered;
	[smem:$0x3FD2] =	sst s25  }
0xa7: {  	s6 =	sshll.u32 s26, $0x1;
	_ =	strace $0x80000046;
	[dreg:$0x1] =	wrdreg $0xFFFFFFFF  }
0xa8: {  	s28 =	simm.s32 $_size_execute0_lowered;
	s4 =	sadd.s32 s4, s6;
	[dreg:$0x0] =	wrdreg $0x0  }
0xa9: {  	s6 =	sshll.u32 s28, $0x1;
	[dreg:$0x2] =	wrdreg s4  }
0xaa: {  	[dreg:$0x3] =	wrdreg s6  }
0xab: {  	[dreg:$0x4] =	wrdreg $0xC0  }
0xac: {  	_ =	task [dreg:s8], $0x5FFFF  }
0xad: {  	[dreg:$0x1] =	wrdreg $0xFFFFFFFF  }
0xae: {  	[dreg:$0x0] =	wrdreg $0x60  }
0xaf: {  	[dreg:$0x2] =	wrdreg s24  }
0xb0: {  	[dreg:$0x3] =	wrdreg s2  }
0xb1: {  	[dreg:$0x4] =	wrdreg s18  }
0xb2: {  	[dreg:$0x5] =	wrdreg $0x9  }
0xb3: {  	_ =	task.clear_ibuf [dreg:s8], $0x6FFFF;
	_ =	strace $0x90000046  }
0xb4: {  	s29 =	simm.s32 $0x9;
	_ =	strace $0x80000048  }
0xb5: {  	_ =	swait.ge [sflag:s29], $0x1  }
0xb6: {  	[sflag:s29] =	ssyncadd.s32 $0xFFFFFFFF  }
0xb7: {  	_ =	strace $0x90000048  }
0xb8: {  	_ =	sfence  }
0xb9: {  	s30 =	sld [smem:$0x0];
	_ =	sdelay $0x2  }
0xba: {  	s31 =	sshll.u32 s1, $0xD;
	s1 =	sshrl.u32 s1, $0x2  }
0xbb: {  	s3 =	sand.u32 $0x4000, s31;
	s1 =	sadd.s32 s1, s30  }
0xbc: {  	s0 =	sor.u32 s3, s0;
	s1 =	sshll.u32 s1, $0x11  }
0xbd: {  	s0 =	sor.u32 s1, s0  }
0xbe: {  	s0 =	sadd.s32 $0x8F2B, s0  }
0xbf: {  	[sflag:s0] =	ssyncadd.remote.s32 $0x1  }
0xc0: {  	_ =	sfence.sel $0xFFFF  }
0xc1: {  	[dreg:$0x0] =	wrdreg $0xFFFFFFFF;
	(pc) =	sbr.abs _section_cstart, $3  }
0xc2: {  	[dreg:$0x1] =	wrdreg $0xFFFFFFFF  }
0xc3: {  	_ =	task.clear_ibuf [dreg:s8], $0x2FFFF;
	_ =	strace $0x9FFFFFFF  }
0xc4: {  	(tm) =	ssettm $0x7FFFFFFF  }
0xc5: {  	_ =	shalt  }
tec
execute0_lowered:
.L_overlay_start_1:
0x0: {  	(tag) =	ssettag $0x1  }
0x1: {  	s4 =	rddreg [dreg:$0x0]  }
0x2: {  	s1 =	rddreg [dreg:$0x1]  }
0x3: {  	s7 =	rddreg [dreg:$0x2]  }
0x4: {  	s2 =	srdreg.scid;
	s0 =	rddreg [dreg:$0x3]  }
0x5: {  	s3 =	simm.s32 $0x0;
	s12 =	simm.s32 $0x300;
	s13 =	simm.s32 $0x180  }
0x6: {  	s15 =	simm.s32 $0x2;
	s16 =	simm.s32 $0x0;
	s5 =	sand.u32 $0x1, s2  }
0x7: {  	s2 =	stileid.u32;
	[smem:$0x7FF] =	sst s3;
	s6 =	sshll.u32 s5, $0x4  }
0x8: {  	_ =	strace $0x80000047;
	s9 =	sshll.u32 s2, $0x7;
	s10 =	sand.u32 $0x1, s2  }
0x9: {  	s5 =	ssub.s32 $0x2, s5;
	s6 =	sor.u32 s2, s6;
	s9 =	sand.u32 $0x80, s9  }
0xa: {  	p1 =	seq.s32 s10, $0x1;
	s29 =	sshrl.u32 s5, $0x1;
	p0 =	seq.s32 s6, $0x0  }
0xb: {  	s10 =	simm.s32 $0x80;
	s8 =	sshll.u32 s6, $0x2;
	p0 =	por !p0, !p1  }
0xc: {  	s30 =	ssub.s32 s5, s29;
	s5 =	simm.s32 $0x1;
	p0 =	por !p0, !p0  }
0xd: {  	s9 =	sadd.s32 s9, s4;
	s11 =	sshrl.u32 s6, $0x1;
	s5 =	simm.s32 @!p0 $0x0  }
0xe: {  	s31 =	sshll.u32 s6, $0xE;
	s8 =	sadd.s32 s8, s4;
	s11 =	ssub.s32 s11, s5  }
0xf: {  	s4 =	simm.s32 $0x1;
	s6 =	sadd.s32 $0x600, s9;
	s14 =	sshll.u32 s11, $0xC  }
0x10: {  	s7 =	sadd.s32 s7, s31;
	s9 =	simm.s32 $0x3;
	s5 =	sadd.s32 $0x400, s8;
	v12 =	vmov s14  }
0x11: {  	v13 =	vimm.s32 $0x0;
	s8 =	smax.u32 s30, $0x1;
	s11 =	simm.s32 $0x100;
	s14 =	simm.s32 $0x4300;
	[tilespmem:$0x1FFF0] =	vst v12  }
.LBB2_1:
0x12: {  	[tilespmem:s3], [sflag:$0x3] =	stream.linear.gather [hbm4b:s5+s3], $0x20, $0x38;
	[tilespmem:$0x8300] =	vst v63  }
0x13: {  	_ =	swait.ge [sflag:s9], $0x20  }
0x14: {  	[sflag:s9] =	ssyncset.done $0x0  }
0x15: {  	[sflag:s9] =	ssyncadd.s32 $0xFFFFFFE0  }
0x16: {  	v10 =	vld [tilespmem:$0x0]  }
0x17: {  	v11 =	vld [tilespmem:$0x10];
	_ =	sdelay $0x3  }
0x18: {  	[tilespmem:$0x1FFD0] =	vst v10  }
0x19: {  	s17 =	simm.s32 $0x0;
	[tilespmem:$0x1FFE0] =	vst v11  }
.LBB2_2:
0x1a: {  	s18 =	sshll.u32 s17, $0x4  }
0x1b: {  	s19 =	simm.s32 $0x0;
	s18 =	sadd.s32 s18, s6  }
0x1c: {  	[tilespmem:s10], [sflag:$0x3] =	stream.linear.gather [hbm4b:s18+s19], $0x80, $0x38;
	[tilespmem:$0x8300] =	vst v63  }
0x1d: {  	_ =	swait.ge [sflag:s9], $0x80  }
0x1e: {  	[sflag:s9] =	ssyncset.done $0x0  }
0x1f: {  	s21 =	simm.s32 $0x0;
	[sflag:s9] =	ssyncadd.s32 $0xFFFFFF80  }
0x20: {  	v0 =	vld [tilespmem:s21+$0x80];
	_ =	sdelay $0x4  }
0x21: {  	v0 =	vmul.f32 v0, v10  }
0x22: {  	s19 =	simm.s32 $0x10  }
0x23: {  	v2 =	vld [tilespmem:s19+$0x80];
	v0 =	vadd.f32 v0, v11;
	_ =	sdelay $0x1  }
0x24: {  	v1 =	vmul.f32 $2.048000000e+03, v0;
	_ =	sdelay $0x1  }
0x25: {  	s18 =	simm.s32 $0x20;
	v0 =	vtrunc.f32 v1  }
0x26: {  	v4 =	vld [tilespmem:s18+$0x80];
	v2 =	vmul.f32 v2, v10;
	v3 =	vcvt.f32.s32 v0;
	vm0 =	vlt.f32 v1, v0  }
0x27: {  	v0 =	vsel vm0, $0xFFFFFFFF, v13  }
0x28: {  	v2 =	vadd.f32 v2, v11;
	v3 =	vadd.s32 v3, v0  }
0x29: {  	v5 =	vadd.s32 $0x1, v3  }
0x2a: {  	v0 =	vmul.f32 $2.048000000e+03, v2;
	vm13 =	vgt.s32 v3, $0x0;
	vm14 =	vgt.s32 v5, $0x0  }
0x2b: {  	v4 =	vmul.f32 v4, v10;
	v2 =	vnsel vm13, $0x0, v3;
	v3 =	vnsel vm14, $0x0, v5  }
0x2c: {  	v2 =	vmin.u32 v2, $0xFFF;
	v5 =	vtrunc.f32 v0;
	v8 =	vmin.u32 v3, $0xFFF  }
0x2d: {  	s20 =	simm.s32 $0x30;
	v6 =	vcvt.f32.s32 v5;
	vm15 =	vlt.f32 v0, v5;
	v7 =	vcvt.s32.f32 v8  }
0x2e: {  	s22 =	simm.s32 $0x100;
	v3 =	vld [tilespmem:s20+$0x80];
	v9 =	vsel vm15, $0xFFFFFFFF, v13;
	v5 =	vor.u32 v12, v8;
	v8 =	vcvt.s32.f32 v2  }
.LBB2_3:
0x2f: {  	p0 =	sne.s32 s22, $0x1C0;
	v4 =	vadd.f32 v4, v11;
	v6 =	vadd.s32 v6, v9;
	[tilespmem:s21+$0x180] =	vst v5;
	v5 =	vsub.f32 v7, v1  }
0x30: {  	v7 =	vadd.s32 $0x1, v6;
	vm0 =	vgt.s32 v6, $0x0;
	v8 =	vsub.f32 v1, v8;
	v1 =	vmovc v0  }
.Ltmp0:
0x31: {  	v0 =	vmul.f32 $2.048000000e+03, v4;
	v4 =	vnsel vm0, $0x0, v6;
	vm0 =	vgt.s32 v7, $0x0;
	[tilespmem:s21+$0x200] =	vst v5;
	(pc) =	sbr.rel @p0 .LBB2_3-.Ltmp0, $4  }
0x32: {  	v6 =	vor.u32 v12, v2;
	v5 =	vnsel vm0, $0x0, v7;
	v2 =	vmin.u32 v4, $0xFFF;
	[tilespmem:s21+$0x280] =	vst v8  }
0x33: {  	v4 =	vmul.f32 v3, v10;
	v3 =	vtrunc.f32 v0;
	v5 =	vmin.u32 v5, $0xFFF;
	[tilespmem:s21+$0x100] =	vst v6;
	s21 =	smov.u32 s19;
	s19 =	smov.u32 s18;
	s18 =	smov.u32 s20  }
0x34: {  	s20 =	sshra.s32 s22, $0x2;
	v6 =	vcvt.f32.s32 v3;
	vm0 =	vlt.f32 v0, v3;
	v7 =	vcvt.s32.f32 v5  }
0x35: {  	s22 =	sadd.s32 $0x40, s22;
	v8 =	vcvt.s32.f32 v2;
	v5 =	vor.u32 v12, v5;
	v3 =	vld [tilespmem:s20+$0x80];
	v9 =	vsel vm0, $0xFFFFFFFF, v13  }
0x36: {  	v4 =	vadd.f32 v4, v11;
	v6 =	vadd.s32 v6, v9;
	v7 =	vsub.f32 v7, v1  }
0x37: {  	v2 =	vor.u32 v12, v2;
	v9 =	vadd.s32 $0x1, v6;
	vm0 =	vgt.s32 v6, $0x0  }
0x38: {  	v4 =	vmul.f32 $2.048000000e+03, v4;
	v6 =	vnsel vm0, $0x0, v6;
	vm9 =	vgt.s32 v9, $0x0  }
0x39: {  	v1 =	vsub.f32 v1, v8;
	v8 =	vnsel vm9, $0x0, v9;
	v6 =	vmin.u32 v6, $0xFFF  }
0x3a: {  	v3 =	vmul.f32 v3, v10;
	v9 =	vtrunc.f32 v4;
	v8 =	vmin.u32 v8, $0xFFF  }
0x3b: {  	v10 =	vcvt.f32.s32 v9;
	vm10 =	vlt.f32 v4, v9;
	v9 =	vcvt.s32.f32 v8  }
0x3c: {  	[tilespmem:s21+$0x180] =	vst v5;
	v5 =	vcvt.s32.f32 v6;
	v3 =	vadd.f32 v3, v11;
	v11 =	vsel vm10, $0xFFFFFFFF, v13  }
0x3d: {  	[tilespmem:s21+$0x100] =	vst v2;
	v8 =	vor.u32 v12, v8;
	v10 =	vadd.s32 v10, v11;
	v2 =	vsub.f32 v9, v0  }
0x3e: {  	[tilespmem:s21+$0x200] =	vst v7;
	v3 =	vmul.f32 $2.048000000e+03, v3;
	v11 =	vadd.s32 $0x1, v10;
	vm11 =	vgt.s32 v10, $0x0  }
0x3f: {  	[tilespmem:s21+$0x280] =	vst v1;
	v0 =	vsub.f32 v0, v5;
	v7 =	vnsel vm11, $0x0, v10;
	vm12 =	vgt.s32 v11, $0x0  }
0x40: {  	[tilespmem:s19+$0x200] =	vst v2;
	v2 =	vor.u32 v12, v6;
	v10 =	vtrunc.f32 v3;
	v1 =	vnsel vm12, $0x0, v11  }
0x41: {  	v11 =	vcvt.f32.s32 v10;
	vm13 =	vlt.f32 v3, v10;
	v1 =	vmin.u32 v1, $0xFFF  }
0x42: {  	[tilespmem:s19+$0x180] =	vst v8;
	v7 =	vmin.u32 v7, $0xFFF;
	v5 =	vsel vm13, $0xFFFFFFFF, v13;
	v6 =	vcvt.s32.f32 v1  }
0x43: {  	[tilespmem:s19+$0x280] =	vst v0;
	v0 =	vor.u32 v12, v1;
	v1 =	vcvt.s32.f32 v7;
	v5 =	vadd.s32 v11, v5  }
0x44: {  	[tilespmem:s19+$0x100] =	vst v2;
	v8 =	vadd.s32 $0x1, v5;
	v2 =	vsub.f32 v6, v4;
	vm15 =	vgt.s32 v5, $0x0  }
0x45: {  	[tilespmem:s18+$0x180] =	vst v0;
	v0 =	vsub.f32 v4, v1;
	vm14 =	vgt.s32 v8, $0x0;
	v1 =	vnsel vm15, $0x0, v5  }
0x46: {  	v6 =	vnsel vm14, $0x0, v8;
	[tilespmem:s18+$0x200] =	vst v2;
	v1 =	vmin.u32 v1, $0xFFF  }
0x47: {  	v5 =	vor.u32 v12, v7;
	[tilespmem:s18+$0x280] =	vst v0;
	v4 =	vmin.u32 v6, $0xFFF;
	v0 =	vcvt.s32.f32 v1  }
0x48: {  	[tilespmem:s18+$0x100] =	vst v5;
	v1 =	vor.u32 v12, v1;
	v2 =	vcvt.s32.f32 v4  }
0x49: {  	v4 =	vor.u32 v12, v4;
	[tilespmem:s20+$0x100] =	vst v1;
	v0 =	vsub.f32 v3, v0  }
0x4a: {  	[tilespmem:s20+$0x180] =	vst v4;
	v2 =	vsub.f32 v2, v3  }
0x4b: {  	[tilespmem:s20+$0x280] =	vst v0  }
0x4c: {  	[tilespmem:s20+$0x200] =	vst v2  }
0x4d: {  	[tilespmem:s12], [sflag:$0x1] =	stream.indirect.gather [hbm4b:s1+s10], $0x80, s11, s10, $0xb8;
	[tilespmem:$0x8300] =	vst v63  }
0x4e: {  	_ = 	snop  }
0x4f: {  	[tilespmem:s14], [sflag:$0x2] =	stream.indirect.gather [hbm4b:s1+s10], $0x80, s13, s10, $0xb8;
	[tilespmem:$0x8300] =	vst v63  }
0x50: {  	_ =	swait.ge [sflag:s4], $0x4000  }
0x51: {  	[sflag:s4] =	ssyncset.done $0x0  }
0x52: {  	[sflag:s4] =	ssyncadd.s32 $0xFFFFC000  }
0x53: {  	_ =	swait.ge [sflag:s15], $0x4000  }
0x54: {  	[sflag:s15] =	ssyncset.done $0x0  }
0x55: {  	s18 =	simm.s32 $0x0;
	[sflag:s15] =	ssyncadd.s32 $0xFFFFC000  }
0x56: {  	v0 =	vld [tilespmem:s18+$0x310];
	_ =	sdelay $0x4  }
0x57: {  	[tilespmem:$0x1FC40] =	vst v0;
	v0 =	vld [tilespmem:s18+$0x4310];
	_ =	sdelay $0x4  }
0x58: {  	[tilespmem:$0x1FC50] =	vst v0;
	v0 =	vld [tilespmem:s18+$0x320];
	_ =	sdelay $0x4  }
0x59: {  	[tilespmem:$0x1FC60] =	vst v0;
	v0 =	vld [tilespmem:s18+$0x4320];
	_ =	sdelay $0x4  }
0x5a: {  	[tilespmem:$0x1FC70] =	vst v0;
	v0 =	vld [tilespmem:s18+$0x330];
	_ =	sdelay $0x4  }
0x5b: {  	[tilespmem:$0x1FC80] =	vst v0;
	v0 =	vld [tilespmem:s18+$0x4330];
	_ =	sdelay $0x4  }
0x5c: {  	[tilespmem:$0x1FC90] =	vst v0;
	v0 =	vld [tilespmem:s18+$0x340];
	_ =	sdelay $0x4  }
0x5d: {  	[tilespmem:$0x1FCA0] =	vst v0;
	v0 =	vld [tilespmem:s18+$0x4340];
	_ =	sdelay $0x4  }
0x5e: {  	[tilespmem:$0x1FCB0] =	vst v0;
	v0 =	vld [tilespmem:s18+$0x350];
	_ =	sdelay $0x4  }
0x5f: {  	[tilespmem:$0x1FCC0] =	vst v0;
	v0 =	vld [tilespmem:s18+$0x4350];
	_ =	sdelay $0x4  }
0x60: {  	[tilespmem:$0x1FCD0] =	vst v0;
	v0 =	vld [tilespmem:s18+$0x360];
	_ =	sdelay $0x4  }
0x61: {  	[tilespmem:$0x1FCE0] =	vst v0;
	v0 =	vld [tilespmem:s18+$0x4360];
	_ =	sdelay $0x4  }
0x62: {  	[tilespmem:$0x1FCF0] =	vst v0;
	v0 =	vld [tilespmem:s18+$0x380];
	_ =	sdelay $0x4  }
0x63: {  	[tilespmem:$0x1FD00] =	vst v0;
	v0 =	vld [tilespmem:s18+$0x390];
	_ =	sdelay $0x4  }
0x64: {  	[tilespmem:$0x1FD10] =	vst v0;
	v0 =	vld [tilespmem:s18+$0x3A0];
	_ =	sdelay $0x4  }
0x65: {  	[tilespmem:$0x1FD20] =	vst v0;
	v0 =	vld [tilespmem:s18+$0x3B0];
	_ =	sdelay $0x4  }
0x66: {  	[tilespmem:$0x1FD30] =	vst v0;
	v0 =	vld [tilespmem:s18+$0x3D0];
	_ =	sdelay $0x4  }
0x67: {  	[tilespmem:$0x1FD40] =	vst v0;
	v0 =	vld [tilespmem:s18+$0x3E0];
	_ =	sdelay $0x4  }
0x68: {  	[tilespmem:$0x1FD50] =	vst v0;
	v0 =	vld [tilespmem:s18+$0x43E0];
	_ =	sdelay $0x4  }
0x69: {  	[tilespmem:$0x1FD60] =	vst v0;
	v0 =	vld [tilespmem:s18+$0x400];
	_ =	sdelay $0x4  }
0x6a: {  	[tilespmem:$0x1FD70] =	vst v0;
	v0 =	vld [tilespmem:s18+$0x410];
	_ =	sdelay $0x4  }
0x6b: {  	[tilespmem:$0x1FD80] =	vst v0;
	v0 =	vld [tilespmem:s18+$0x420];
	_ =	sdelay $0x4  }
0x6c: {  	[tilespmem:$0x1FD90] =	vst v0;
	v0 =	vld [tilespmem:s18+$0x430];
	_ =	sdelay $0x4  }
0x6d: {  	[tilespmem:$0x1FDA0] =	vst v0;
	v0 =	vld [tilespmem:s18+$0x450];
	_ =	sdelay $0x4  }
0x6e: {  	[tilespmem:$0x1FDB0] =	vst v0;
	v0 =	vld [tilespmem:s18+$0x460];
	_ =	sdelay $0x4  }
0x6f: {  	[tilespmem:$0x1FDC0] =	vst v0;
	v0 =	vld [tilespmem:s18+$0x480];
	_ =	sdelay $0x4  }
0x70: {  	[tilespmem:$0x1FDD0] =	vst v0;
	v0 =	vld [tilespmem:s18+$0x490];
	_ =	sdelay $0x4  }
0x71: {  	[tilespmem:$0x1FDE0] =	vst v0;
	v0 =	vld [tilespmem:s18+$0x4A0];
	_ =	sdelay $0x4  }
0x72: {  	[tilespmem:$0x1FDF0] =	vst v0;
	v0 =	vld [tilespmem:s18+$0x4B0];
	_ =	sdelay $0x4  }
0x73: {  	[tilespmem:$0x1FE00] =	vst v0;
	v0 =	vld [tilespmem:s18+$0x4D0];
	_ =	sdelay $0x4  }
0x74: {  	[tilespmem:$0x1FE10] =	vst v0;
	v0 =	vld [tilespmem:s18+$0x4E0];
	_ =	sdelay $0x4  }
0x75: {  	[tilespmem:$0x1FE20] =	vst v0;
	v0 =	vld [tilespmem:s18+$0x44E0];
	_ =	sdelay $0x4  }
0x76: {  	[tilespmem:$0x1FE30] =	vst v0;
	v0 =	vld [tilespmem:s18+$0x500];
	_ =	sdelay $0x4  }
0x77: {  	[tilespmem:$0x1FE40] =	vst v0;
	v0 =	vld [tilespmem:s18+$0x510];
	_ =	sdelay $0x4  }
0x78: {  	[tilespmem:$0x1FE50] =	vst v0;
	v0 =	vld [tilespmem:s18+$0x520];
	_ =	sdelay $0x4  }
0x79: {  	[tilespmem:$0x1FE60] =	vst v0;
	v0 =	vld [tilespmem:s18+$0x530];
	_ =	sdelay $0x4  }
0x7a: {  	[tilespmem:$0x1FE70] =	vst v0;
	v0 =	vld [tilespmem:s18+$0x550];
	_ =	sdelay $0x4  }
0x7b: {  	[tilespmem:$0x1FE80] =	vst v0;
	v0 =	vld [tilespmem:s18+$0x560];
	_ =	sdelay $0x4  }
0x7c: {  	[tilespmem:$0x1FE90] =	vst v0;
	v0 =	vld [tilespmem:s18+$0x580];
	_ =	sdelay $0x4  }
0x7d: {  	[tilespmem:$0x1FEA0] =	vst v0;
	v0 =	vld [tilespmem:s18+$0x590];
	_ =	sdelay $0x4  }
0x7e: {  	[tilespmem:$0x1FEB0] =	vst v0;
	v0 =	vld [tilespmem:s18+$0x5A0];
	_ =	sdelay $0x4  }
0x7f: {  	[tilespmem:$0x1FEC0] =	vst v0;
	v0 =	vld [tilespmem:s18+$0x5B0];
	_ =	sdelay $0x4  }
0x80: {  	[tilespmem:$0x1FED0] =	vst v0;
	v0 =	vld [tilespmem:s18+$0x5D0];
	_ =	sdelay $0x4  }
0x81: {  	[tilespmem:$0x1FEE0] =	vst v0;
	v0 =	vld [tilespmem:s18+$0x5E0];
	_ =	sdelay $0x4  }
0x82: {  	[tilespmem:$0x1FEF0] =	vst v0;
	v0 =	vld [tilespmem:s18+$0x45E0];
	_ =	sdelay $0x3  }
0x83: {  	v62 =	vld [tilespmem:s18+$0x4300]  }
0x84: {  	[tilespmem:$0x1FF00] =	vst v0;
	v0 =	vld [tilespmem:s18+$0x600]  }
0x85: {  	v63 =	vld [tilespmem:s18+$0x6E0]  }
0x86: {  	v1 =	vld [tilespmem:s18+$0x700]  }
0x87: {  	v4 =	vld [tilespmem:s18+$0x720]  }
0x88: {  	v5 =	vld [tilespmem:s18+$0x730]  }
0x89: {  	[tilespmem:$0x1FF10] =	vst v0;
	v0 =	vld [tilespmem:s18+$0x610]  }
0x8a: {  	v6 =	vld [tilespmem:s18+$0x750]  }
0x8b: {  	v7 =	vld [tilespmem:s18+$0x760]  }
0x8c: {  	v9 =	vld [tilespmem:s18+$0x780]  }
0x8d: {  	v10 =	vld [tilespmem:s18+$0x790]  }
0x8e: {  	[tilespmem:$0x1FF20] =	vst v0;
	v0 =	vld [tilespmem:s18+$0x620]  }
0x8f: {  	v11 =	vld [tilespmem:s18+$0x7A0]  }
0x90: {  	v12 =	vld [tilespmem:s18+$0x7B0]  }
0x91: {  	v13 =	vld [tilespmem:s18+$0x7D0]  }
0x92: {  	v15 =	vld [tilespmem:s18+$0x7E0]  }
0x93: {  	[tilespmem:$0x1FF30] =	vst v0;
	v0 =	vld [tilespmem:s18+$0x630]  }
0x94: {  	v14 =	vld [tilespmem:s18+$0x47E0]  }
0x95: {  	v16 =	vld [tilespmem:s18+$0x800]  }
0x96: {  	v17 =	vld [tilespmem:s18+$0x810]  }
0x97: {  	v18 =	vld [tilespmem:s18+$0x820]  }
0x98: {  	[tilespmem:$0x1FF40] =	vst v0;
	v0 =	vld [tilespmem:s18+$0x650]  }
0x99: {  	v19 =	vld [tilespmem:s18+$0x830]  }
0x9a: {  	v20 =	vld [tilespmem:s18+$0x850]  }
0x9b: {  	v21 =	vld [tilespmem:s18+$0x860]  }
0x9c: {  	v22 =	vld [tilespmem:s18+$0x880]  }
0x9d: {  	[tilespmem:$0x1FF50] =	vst v0;
	v0 =	vld [tilespmem:s18+$0x660]  }
0x9e: {  	v23 =	vld [tilespmem:s18+$0x890]  }
0x9f: {  	v24 =	vld [tilespmem:s18+$0x8A0]  }
0xa0: {  	v25 =	vld [tilespmem:s18+$0x8B0]  }
0xa1: {  	v26 =	vld [tilespmem:s18+$0x8D0]  }
0xa2: {  	[tilespmem:$0x1FF60] =	vst v0;
	v0 =	vld [tilespmem:s18+$0x680]  }
0xa3: {  	v28 =	vld [tilespmem:s18+$0x8E0]  }
0xa4: {  	v27 =	vld [tilespmem:s18+$0x48E0]  }
0xa5: {  	v29 =	vld [tilespmem:s18+$0x900]  }
0xa6: {  	v30 =	vld [tilespmem:s18+$0x910]  }
0xa7: {  	[tilespmem:$0x1FF70] =	vst v0;
	v0 =	vld [tilespmem:s18+$0x690]  }
0xa8: {  	v31 =	vld [tilespmem:s18+$0x920]  }
0xa9: {  	v32 =	vld [tilespmem:s18+$0x930]  }
0xaa: {  	v33 =	vld [tilespmem:s18+$0x950]  }
0xab: {  	v35 =	vld [tilespmem:s18+$0x960]  }
0xac: {  	[tilespmem:$0x1FF80] =	vst v0;
	v0 =	vld [tilespmem:s18+$0x6A0]  }
0xad: {  	v36 =	vld [tilespmem:s18+$0x980]  }
0xae: {  	v37 =	vld [tilespmem:s18+$0x990]  }
0xaf: {  	v38 =	vld [tilespmem:s18+$0x9A0]  }
0xb0: {  	v39 =	vld [tilespmem:s18+$0x9B0]  }
0xb1: {  	[tilespmem:$0x1FF90] =	vst v0;
	v0 =	vld [tilespmem:s18+$0x6B0]  }
0xb2: {  	v40 =	vld [tilespmem:s18+$0x9D0]  }
0xb3: {  	v42 =	vld [tilespmem:s18+$0x9E0]  }
0xb4: {  	v41 =	vld [tilespmem:s18+$0x49E0]  }
0xb5: {  	v43 =	vld [tilespmem:s18+$0xA00]  }
0xb6: {  	[tilespmem:$0x1FFA0] =	vst v0;
	v0 =	vld [tilespmem:s18+$0x6D0]  }
0xb7: {  	v44 =	vld [tilespmem:s18+$0xA10]  }
0xb8: {  	v45 =	vld [tilespmem:s18+$0xA20]  }
0xb9: {  	v46 =	vld [tilespmem:s18+$0xA30]  }
0xba: {  	v47 =	vld [tilespmem:s18+$0xA40]  }
0xbb: {  	[tilespmem:$0x1FFB0] =	vst v0;
	v0 =	vld [tilespmem:s18+$0x46E0]  }
0xbc: {  	v48 =	vld [tilespmem:s18+$0xA50]  }
0xbd: {  	v49 =	vld [tilespmem:s18+$0xA60]  }
0xbe: {  	s20 =	simm.s32 $0x0;
	v50 =	vld [tilespmem:s18+$0xA70]  }
0xbf: {  	v34 =	vld [tilespmem:s20+$0x200]  }
0xc0: {  	s19 =	simm.s32 $0x1;
	[tilespmem:$0x1FFC0] =	vst v0;
	v0 =	vld [tilespmem:s18+$0x710]  }
.LBB2_5:
0xc1: {  	[tilespmem:$0x1FC30] =	vst v62;
	v8 =	vld [tilespmem:s20+$0x280]  }
0xc2: {  	v51 =	vld [tilespmem:s18+$0x4AF0]  }
0xc3: {  	v52 =	vld [tilespmem:s18+$0xAF0]  }
0xc4: {  	v53 =	vld [tilespmem:s18+$0x4A70]  }
0xc5: {  	v56 =	vld [tilespmem:s18+$0x4A60]  }
0xc6: {  	v57 =	vld [tilespmem:s18+$0x4A50];
	v54 =	vbroadcast v34, $0xD  }
0xc7: {  	v60 =	vld [tilespmem:s18+$0x4A30];
	v3 =	vbroadcast v34, $0xF;
	v2 =	vbroadcast v8, $0xF  }
0xc8: {  	v61 =	vld [tilespmem:s18+$0x4A20];
	v55 =	vbroadcast v34, $0xE;
	v58 =	vbroadcast v8, $0xE  }
0xc9: {  	v62 =	vld [tilespmem:s18+$0x4A10];
	v52 =	vmul.f32 v52, v3;
	v51 =	vmul.f32 v51, v2  }
0xca: {  	v59 =	vld [tilespmem:s18+$0x4A40];
	v50 =	vmul.f32 v50, v55;
	v53 =	vmul.f32 v53, v58  }
0xcb: {  	v49 =	vmul.f32 v49, v55;
	v56 =	vmul.f32 v56, v58;
	v51 =	vadd.f32 v51, v52;
	v52 =	vld [tilespmem:s18+$0x4A00]  }
0xcc: {  	v46 =	vmul.f32 v46, v55;
	v60 =	vmul.f32 v60, v58;
	v50 =	vadd.f32 v53, v50;
	v53 =	vld [tilespmem:s18+$0x9F0]  }
0xcd: {  	v45 =	vmul.f32 v45, v55;
	v61 =	vmul.f32 v61, v58;
	v49 =	vadd.f32 v56, v49;
	v56 =	vld [tilespmem:s18+$0x49C0]  }
0xce: {  	v44 =	vmul.f32 v44, v55;
	v62 =	vmul.f32 v62, v58;
	v46 =	vadd.f32 v60, v46;
	v60 =	vld [tilespmem:s18+$0x49B0]  }
0xcf: {  	v48 =	vmul.f32 v48, v55;
	v57 =	vmul.f32 v57, v58;
	v45 =	vadd.f32 v61, v45;
	v61 =	vld [tilespmem:s18+$0x49A0]  }
0xd0: {  	v47 =	vmul.f32 v47, v55;
	v59 =	vmul.f32 v59, v58;
	v44 =	vadd.f32 v62, v44;
	v62 =	vld [tilespmem:s18+$0x4990]  }
0xd1: {  	v48 =	vadd.f32 v57, v48;
	v57 =	vld [tilespmem:s18+$0x4960]  }
0xd2: {  	v43 =	vmul.f32 v43, v55;
	v42 =	vmul.f32 v42, v54;
	v47 =	vadd.f32 v59, v47;
	v59 =	vld [tilespmem:s18+$0x970];
	[tilespmem:s18+$0xAF0] =	vst v51  }
0xd3: {  	v40 =	vmul.f32 v40, v54;
	v39 =	vmul.f32 v39, v54;
	v51 =	vld [tilespmem:s18+$0x49F0];
	[tilespmem:s18+$0xA70] =	vst v50  }
0xd4: {  	v38 =	vmul.f32 v38, v54;
	v50 =	vld [tilespmem:s18+$0x49D0];
	[tilespmem:s18+$0xA50] =	vst v48;
	v48 =	vbroadcast v8, $0xD  }
0xd5: {  	v37 =	vmul.f32 v37, v54;
	v36 =	vmul.f32 v36, v54;
	[tilespmem:s18+$0xA60] =	vst v49;
	v49 =	vld [tilespmem:s18+$0x9C0]  }
0xd6: {  	[tilespmem:s18+$0xA10] =	vst v44;
	v44 =	vld [tilespmem:s18+$0x4980];
	v41 =	vmul.f32 v41, v48;
	v52 =	vmul.f32 v52, v58  }
0xd7: {  	[tilespmem:s18+$0xA40] =	vst v47;
	v53 =	vmul.f32 v53, v54;
	v47 =	vmul.f32 v60, v48;
	v60 =	vld [tilespmem:s18+$0x4970]  }
0xd8: {  	[tilespmem:s18+$0xA30] =	vst v46;
	v58 =	vmul.f32 v56, v48;
	v46 =	vmul.f32 v61, v48;
	v61 =	vld [tilespmem:s18+$0x4950]  }
0xd9: {  	[tilespmem:s18+$0xA20] =	vst v45;
	v45 =	vmul.f32 v62, v48;
	v62 =	vld [tilespmem:s18+$0x940];
	v41 =	vadd.f32 v41, v42;
	v51 =	vmul.f32 v51, v48  }
0xda: {  	v56 =	vld [tilespmem:s18+$0x4910];
	v43 =	vadd.f32 v52, v43;
	v50 =	vmul.f32 v50, v48;
	v49 =	vmul.f32 v49, v54  }
0xdb: {  	v44 =	vmul.f32 v44, v48;
	v38 =	vadd.f32 v46, v38;
	v48 =	vbroadcast v8, $0xC;
	v52 =	vld [tilespmem:s18+$0x4940]  }
0xdc: {  	v46 =	vbroadcast v34, $0xB;
	v37 =	vadd.f32 v45, v37;
	[tilespmem:s18+$0x9E0] =	vst v41;
	v55 =	vadd.f32 v51, v53;
	v53 =	vld [tilespmem:s18+$0x4930]  }
0xdd: {  	[tilespmem:s18+$0xA00] =	vst v43;
	v40 =	vadd.f32 v50, v40;
	v43 =	vmul.f32 v57, v48;
	v57 =	vld [tilespmem:s18+$0x4900];
	v50 =	vbroadcast v8, $0xB  }
0xde: {  	[tilespmem:s18+$0x990] =	vst v37;
	v51 =	vld [tilespmem:s18+$0x48C0];
	v28 =	vmul.f32 v28, v46;
	v26 =	vmul.f32 v26, v46  }
0xdf: {  	v49 =	vadd.f32 v58, v49;
	v25 =	vmul.f32 v25, v46;
	v41 =	vmul.f32 v61, v48;
	v61 =	vld [tilespmem:s18+$0x48F0];
	[tilespmem:s18+$0x9F0] =	vst v55  }
0xe0: {  	v42 =	vmul.f32 v60, v48;
	[tilespmem:s18+$0x9D0] =	vst v40;
	v40 =	vbroadcast v34, $0xC;
	v55 =	vld [tilespmem:s18+$0x4920]  }
0xe1: {  	v37 =	vmul.f32 v56, v48;
	[tilespmem:s18+$0x9C0] =	vst v49;
	v49 =	vld [tilespmem:s18+$0x8C0];
	v27 =	vmul.f32 v27, v50  }
0xe2: {  	v39 =	vadd.f32 v47, v39;
	v60 =	vmul.f32 v52, v48;
	v52 =	vld [tilespmem:s18+$0x48B0];
	v54 =	vmul.f32 v59, v40  }
0xe3: {  	v36 =	vadd.f32 v44, v36;
	v58 =	vmul.f32 v62, v40;
	v62 =	vld [tilespmem:s18+$0x48D0];
	v30 =	vmul.f32 v30, v40  }
0xe4: {  	[tilespmem:s18+$0x9B0] =	vst v39;
	v59 =	vld [tilespmem:s18+$0x8F0];
	v31 =	vmul.f32 v31, v40;
	v29 =	vmul.f32 v29, v40  }
0xe5: {  	[tilespmem:s18+$0x980] =	vst v36;
	v36 =	vmul.f32 v57, v48;
	v42 =	vadd.f32 v42, v54;
	v30 =	vadd.f32 v37, v30;
	v54 =	vld [tilespmem:s18+$0x48A0]  }
0xe6: {  	[tilespmem:s18+$0x9A0] =	vst v38;
	v27 =	vadd.f32 v27, v28;
	v44 =	vadd.f32 v60, v58;
	v58 =	vld [tilespmem:s18+$0x870];
	v38 =	vmul.f32 v55, v48  }
0xe7: {  	v32 =	vmul.f32 v32, v40;
	v39 =	vmul.f32 v53, v48;
	v29 =	vadd.f32 v36, v29;
	[tilespmem:s18+$0x910] =	vst v30;
	v30 =	vld [tilespmem:s18+$0x4880]  }
0xe8: {  	v24 =	vmul.f32 v24, v46;
	[tilespmem:s18+$0x8E0] =	vst v27;
	v27 =	vld [tilespmem:s18+$0x4850];
	v31 =	vadd.f32 v38, v31;
	v56 =	vmul.f32 v62, v50  }
0xe9: {  	v32 =	vadd.f32 v39, v32;
	v55 =	vmul.f32 v61, v50;
	v53 =	vmul.f32 v59, v46;
	[tilespmem:s18+$0x900] =	vst v29;
	v29 =	vld [tilespmem:s18+$0x4860]  }
0xea: {  	v22 =	vmul.f32 v22, v46;
	v38 =	vmul.f32 v52, v50;
	[tilespmem:s18+$0x920] =	vst v31;
	v31 =	vld [tilespmem:s18+$0x4890];
	v26 =	vadd.f32 v56, v26  }
0xeb: {  	v61 =	vbroadcast v8, $0xA;
	[tilespmem:s18+$0x930] =	vst v32;
	v59 =	vld [tilespmem:s18+$0x840];
	v28 =	vadd.f32 v55, v53;
	v32 =	vmul.f32 v54, v50  }
0xec: {  	v62 =	vld [tilespmem:s18+$0x4840];
	v25 =	vadd.f32 v38, v25;
	[tilespmem:s18+$0x8D0] =	vst v26;
	v26 =	vbroadcast v34, $0xA;
	v30 =	vmul.f32 v30, v50  }
0xed: {  	[tilespmem:s18+$0x8F0] =	vst v28;
	v28 =	vld [tilespmem:s18+$0x4870];
	v24 =	vadd.f32 v32, v24  }
0xee: {  	[tilespmem:s18+$0x8B0] =	vst v25;
	v25 =	vld [tilespmem:s18+$0x4830];
	v29 =	vmul.f32 v29, v61;
	v21 =	vmul.f32 v21, v26;
	v22 =	vadd.f32 v30, v22  }
0xef: {  	v23 =	vmul.f32 v23, v46;
	[tilespmem:s18+$0x8A0] =	vst v24;
	v24 =	vld [tilespmem:s18+$0x4820];
	v31 =	vmul.f32 v31, v50  }
0xf0: {  	v27 =	vmul.f32 v27, v61;
	v20 =	vmul.f32 v20, v26;
	[tilespmem:s18+$0x880] =	vst v22;
	v22 =	vld [tilespmem:s18+$0x4800];
	v21 =	vadd.f32 v29, v21  }
0xf1: {  	v60 =	vbroadcast v34, $0x9;
	v29 =	vld [tilespmem:s18+$0x7F0];
	v23 =	vadd.f32 v31, v23  }
0xf2: {  	v20 =	vadd.f32 v27, v20;
	v27 =	vld [tilespmem:s18+$0x47F0];
	v31 =	vmul.f32 v58, v26;
	v28 =	vmul.f32 v28, v61;
	[tilespmem:s18+$0x860] =	vst v21  }
0xf3: {  	v19 =	vmul.f32 v19, v26;
	v25 =	vmul.f32 v25, v61;
	[tilespmem:s18+$0x890] =	vst v23;
	v23 =	vld [tilespmem:s18+$0x4810]  }
0xf4: {  	v15 =	vmul.f32 v15, v60;
	v21 =	vld [tilespmem:s18+$0x7C0];
	[tilespmem:s18+$0x850] =	vst v20;
	v20 =	vbroadcast v8, $0x9;
	v28 =	vadd.f32 v28, v31  }
0xf5: {  	v18 =	vmul.f32 v18, v26;
	v24 =	vmul.f32 v24, v61;
	v19 =	vadd.f32 v25, v19;
	v25 =	vld [tilespmem:s18+$0x47C0]  }
0xf6: {  	v13 =	vmul.f32 v13, v60;
	v14 =	vmul.f32 v14, v20;
	[tilespmem:s18+$0x870] =	vst v28;
	v28 =	vld [tilespmem:s18+$0x47D0]  }
0xf7: {  	v16 =	vmul.f32 v16, v26;
	v22 =	vmul.f32 v22, v61;
	v18 =	vadd.f32 v24, v18;
	v24 =	vld [tilespmem:s18+$0x47B0]  }
0xf8: {  	v17 =	vmul.f32 v17, v26;
	[tilespmem:s18+$0x830] =	vst v19;
	v19 =	vld [tilespmem:s18+$0x47A0];
	v14 =	vadd.f32 v14, v15;
	v23 =	vmul.f32 v23, v61  }
0xf9: {  	v12 =	vmul.f32 v12, v60;
	v30 =	vmul.f32 v59, v26;
	v16 =	vadd.f32 v22, v16;
	[tilespmem:s18+$0x820] =	vst v18;
	v18 =	vld [tilespmem:s18+$0x4790]  }
0xfa: {  	v26 =	vmul.f32 v29, v60;
	[tilespmem:s18+$0x7E0] =	vst v14;
	v14 =	vld [tilespmem:s18+$0x4750];
	v17 =	vadd.f32 v23, v17;
	v23 =	vmul.f32 v27, v20  }
0xfb: {  	v11 =	vmul.f32 v11, v60;
	[tilespmem:s18+$0x800] =	vst v16;
	v16 =	vld [tilespmem:s18+$0x4760];
	v22 =	vmul.f32 v28, v20  }
0xfc: {  	v21 =	vmul.f32 v21, v60;
	v24 =	vmul.f32 v24, v20;
	[tilespmem:s18+$0x810] =	vst v17;
	v17 =	vld [tilespmem:s18+$0x4780];
	v15 =	vadd.f32 v23, v26  }
0xfd: {  	v19 =	vmul.f32 v19, v20;
	v23 =	vmul.f32 v25, v20;
	v13 =	vadd.f32 v22, v13;
	v22 =	vld [tilespmem:s18+$0x770]  }
0xfe: {  	v10 =	vmul.f32 v10, v60;
	v12 =	vadd.f32 v24, v12;
	[tilespmem:s18+$0x7F0] =	vst v15;
	v15 =	vld [tilespmem:s18+$0x4770]  }
0xff: {  	v18 =	vmul.f32 v18, v20;
	v11 =	vadd.f32 v19, v11;
	v21 =	vadd.f32 v23, v21;
	[tilespmem:s18+$0x7D0] =	vst v13;
	v23 =	vld [tilespmem:s18+$0x740]  }
0x100: {  	v9 =	vmul.f32 v9, v60;
	[tilespmem:s18+$0x7B0] =	vst v12;
	v12 =	vld [tilespmem:s18+$0x4730]  }
0x101: {  	v13 =	vbroadcast v34, $0x8;
	v10 =	vadd.f32 v18, v10;
	[tilespmem:s18+$0x7A0] =	vst v11;
	v11 =	vld [tilespmem:s18+$0x4720];
	v17 =	vmul.f32 v17, v20  }
0x102: {  	[tilespmem:s18+$0x7C0] =	vst v21;
	v21 =	vld [tilespmem:s18+$0x4740];
	v20 =	vbroadcast v8, $0x8  }
0x103: {  	v7 =	vmul.f32 v7, v13;
	[tilespmem:s18+$0x790] =	vst v10;
	v10 =	vld [tilespmem:s18+$0x4710];
	v6 =	vmul.f32 v6, v13;
	v9 =	vadd.f32 v17, v9  }
0x104: {  	v18 =	vmul.f32 v22, v13;
	v22 =	vld [tilespmem:$0x1FC70];
	v16 =	vmul.f32 v16, v20  }
0x105: {  	v5 =	vmul.f32 v5, v13;
	v14 =	vmul.f32 v14, v20;
	[tilespmem:s18+$0x780] =	vst v9;
	v9 =	vld [tilespmem:s18+$0x4700]  }
0x106: {  	v4 =	vmul.f32 v4, v13;
	v12 =	vmul.f32 v12, v20;
	v7 =	vadd.f32 v16, v7;
	v16 =	vld [tilespmem:s18+$0x6F0]  }
0x107: {  	v15 =	vmul.f32 v15, v20;
	v11 =	vmul.f32 v11, v20;
	v6 =	vadd.f32 v14, v6;
	v14 =	vld [tilespmem:s18+$0x46F0]  }
0x108: {  	v5 =	vadd.f32 v12, v5;
	v12 =	vld [tilespmem:s18+$0x46C0]  }
0x109: {  	v15 =	vadd.f32 v15, v18;
	v4 =	vadd.f32 v11, v4;
	v11 =	vld [tilespmem:s18+$0x46B0]  }
0x10a: {  	v18 =	vmul.f32 v21, v20;
	v21 =	vld [tilespmem:$0x1FC40]  }
0x10b: {  	[tilespmem:s18+$0x770] =	vst v15;
	v15 =	vld [tilespmem:s18+$0x46D0]  }
0x10c: {  	v0 =	vmul.f32 v0, v13;
	v10 =	vmul.f32 v10, v20;
	[tilespmem:s18+$0x760] =	vst v7;
	v7 =	vld [tilespmem:s18+$0x6C0]  }
0x10d: {  	[tilespmem:s18+$0x730] =	vst v5;
	v5 =	vld [tilespmem:s18+$0x46A0]  }
0x10e: {  	v17 =	vmul.f32 v23, v13;
	v0 =	vadd.f32 v10, v0;
	v10 =	vld [tilespmem:$0x1FFC0]  }
0x10f: {  	[tilespmem:s18+$0x720] =	vst v4;
	v4 =	vld [tilespmem:s18+$0x4690]  }
0x110: {  	v19 =	vbroadcast v34, $0x7;
	v17 =	vadd.f32 v18, v17;
	[tilespmem:s18+$0x750] =	vst v6;
	v18 =	vld [tilespmem:$0x1FF30]  }
0x111: {  	v1 =	vmul.f32 v1, v13;
	[tilespmem:s18+$0x710] =	vst v0;
	v0 =	vld [tilespmem:s18+$0x4680];
	v9 =	vmul.f32 v9, v20  }
0x112: {  	v6 =	vbroadcast v8, $0x7;
	[tilespmem:s18+$0x740] =	vst v17;
	v17 =	vld [tilespmem:$0x1FF80]  }
0x113: {  	v13 =	vmul.f32 v63, v19;
	v16 =	vmul.f32 v16, v19;
	v20 =	vld [tilespmem:$0x1FC90];
	v1 =	vadd.f32 v9, v1  }
0x114: {  	v14 =	vmul.f32 v14, v6;
	v10 =	vmul.f32 v10, v6;
	v9 =	vld [tilespmem:$0x1FFB0]  }
0x115: {  	v12 =	vmul.f32 v12, v6;
	[tilespmem:s18+$0x700] =	vst v1;
	v1 =	vld [tilespmem:s18+$0x4660]  }
0x116: {  	v7 =	vmul.f32 v7, v19;
	v10 =	vadd.f32 v10, v13;
	v13 =	vadd.f32 v14, v16;
	v14 =	vld [tilespmem:$0x1FFA0]  }
0x117: {  	v16 =	vld [tilespmem:$0x1FF90]  }
0x118: {  	v4 =	vmul.f32 v4, v6;
	v17 =	vmul.f32 v17, v19;
	v7 =	vadd.f32 v12, v7;
	v12 =	vld [tilespmem:$0x1FF70]  }
0x119: {  	[tilespmem:s18+$0x6F0] =	vst v13;
	v13 =	vld [tilespmem:s18+$0x4670]  }
0x11a: {  	[tilespmem:s18+$0x6E0] =	vst v10;
	v10 =	vld [tilespmem:s18+$0x4650];
	v4 =	vadd.f32 v4, v17  }
0x11b: {  	v15 =	vmul.f32 v15, v6;
	v17 =	vld [tilespmem:$0x1FF60];
	v9 =	vmul.f32 v9, v19  }
0x11c: {  	v11 =	vmul.f32 v11, v6;
	[tilespmem:s18+$0x690] =	vst v4;
	v4 =	vld [tilespmem:s18+$0x4610]  }
0x11d: {  	v5 =	vmul.f32 v5, v6;
	v14 =	vmul.f32 v14, v19;
	v9 =	vadd.f32 v15, v9;
	v15 =	vld [tilespmem:s18+$0x670]  }
0x11e: {  	v16 =	vmul.f32 v16, v19;
	v12 =	vmul.f32 v12, v19;
	v19 =	vld [tilespmem:$0x1FF20]  }
0x11f: {  	v0 =	vmul.f32 v0, v6;
	[tilespmem:s18+$0x6C0] =	vst v7;
	v7 =	vbroadcast v8, $0x6;
	v11 =	vadd.f32 v11, v14;
	v14 =	vld [tilespmem:s18+$0x640]  }
0x120: {  	[tilespmem:s18+$0x970] =	vst v42;
	v5 =	vadd.f32 v5, v16;
	v16 =	vld [tilespmem:s18+$0x4640]  }
0x121: {  	[tilespmem:s18+$0x6D0] =	vst v9;
	v9 =	vbroadcast v34, $0x6;
	v0 =	vadd.f32 v0, v12;
	v12 =	vmul.f32 v13, v7;
	v13 =	vld [tilespmem:$0x1FF50]  }
0x122: {  	v35 =	vmul.f32 v35, v40;
	v33 =	vmul.f32 v33, v40;
	[tilespmem:s18+$0x6B0] =	vst v11;
	v11 =	vld [tilespmem:s18+$0x4630]  }
0x123: {  	v1 =	vmul.f32 v1, v7;
	v17 =	vmul.f32 v17, v9;
	[tilespmem:s18+$0x6A0] =	vst v5;
	v5 =	vld [tilespmem:s18+$0x4620]  }
0x124: {  	v35 =	vadd.f32 v43, v35;
	v33 =	vadd.f32 v41, v33;
	[tilespmem:s18+$0x680] =	vst v0;
	v0 =	vld [tilespmem:s18+$0x4600];
	v15 =	vmul.f32 v15, v9  }
0x125: {  	v4 =	vmul.f32 v4, v7;
	v19 =	vmul.f32 v19, v9;
	v1 =	vadd.f32 v1, v17;
	v17 =	vld [tilespmem:$0x1FF40]  }
0x126: {  	[tilespmem:s18+$0x960] =	vst v35;
	v12 =	vadd.f32 v12, v15;
	v15 =	vld [tilespmem:s18+$0x5F0]  }
0x127: {  	[tilespmem:s18+$0x950] =	vst v33;
	v10 =	vmul.f32 v10, v7;
	v13 =	vmul.f32 v13, v9;
	v4 =	vadd.f32 v4, v19;
	v19 =	vld [tilespmem:$0x1FE50]  }
0x128: {  	[tilespmem:s18+$0x660] =	vst v1;
	v1 =	vld [tilespmem:s18+$0x5C0]  }
0x129: {  	[tilespmem:s18+$0x940] =	vst v44;
	v14 =	vmul.f32 v14, v9;
	v16 =	vmul.f32 v16, v7;
	v10 =	vadd.f32 v10, v13;
	v13 =	vld [tilespmem:s18+$0x45F0]  }
0x12a: {  	[tilespmem:s18+$0x670] =	vst v12;
	v12 =	vld [tilespmem:s18+$0x45D0]  }
0x12b: {  	v11 =	vmul.f32 v11, v7;
	v14 =	vadd.f32 v16, v14;
	v16 =	vld [tilespmem:$0x1FF10]  }
0x12c: {  	v5 =	vmul.f32 v5, v7;
	v0 =	vmul.f32 v0, v7;
	v7 =	vld [tilespmem:s18+$0x45B0]  }
0x12d: {  	v18 =	vmul.f32 v18, v9;
	[tilespmem:s18+$0x610] =	vst v4;
	v4 =	vld [tilespmem:s18+$0x4580]  }
0x12e: {  	v17 =	vmul.f32 v17, v9;
	[tilespmem:s18+$0x640] =	vst v14;
	v14 =	vld [tilespmem:$0x1FEF0]  }
0x12f: {  	v5 =	vadd.f32 v5, v18;
	v18 =	vld [tilespmem:$0x1FEB0]  }
0x130: {  	v57 =	vmul.f32 v51, v50;
	v35 =	vmul.f32 v49, v46;
	[tilespmem:s18+$0x650] =	vst v10;
	v11 =	vadd.f32 v11, v17;
	v17 =	vld [tilespmem:$0x1FF00]  }
0x131: {  	v6 =	vbroadcast v34, $0x5;
	v10 =	vbroadcast v8, $0x5;
	[tilespmem:s18+$0x620] =	vst v5;
	v5 =	vld [tilespmem:s18+$0x4590]  }
0x132: {  	v9 =	vmul.f32 v16, v9;
	v16 =	vld [tilespmem:s18+$0x45C0]  }
0x133: {  	v35 =	vadd.f32 v57, v35;
	v15 =	vmul.f32 v15, v6;
	v13 =	vmul.f32 v13, v10;
	[tilespmem:s18+$0x630] =	vst v11;
	v11 =	vld [tilespmem:s18+$0x45A0]  }
0x134: {  	v0 =	vadd.f32 v0, v9;
	v9 =	vld [tilespmem:$0x1FEE0]  }
0x135: {  	[tilespmem:s18+$0x8C0] =	vst v35;
	v13 =	vadd.f32 v13, v15;
	v15 =	vld [tilespmem:$0x1FED0]  }
0x136: {  	v14 =	vmul.f32 v14, v6;
	v17 =	vmul.f32 v17, v10;
	[tilespmem:s18+$0x600] =	vst v0;
	v0 =	vld [tilespmem:s18+$0x4560]  }
0x137: {  	v18 =	vmul.f32 v18, v6;
	[tilespmem:s18+$0x5F0] =	vst v13;
	v13 =	vld [tilespmem:s18+$0x4570];
	v5 =	vmul.f32 v5, v10  }
0x138: {  	v1 =	vmul.f32 v1, v6;
	v16 =	vmul.f32 v16, v10;
	v14 =	vadd.f32 v17, v14;
	v17 =	vld [tilespmem:$0x1FEC0]  }
0x139: {  	v5 =	vadd.f32 v5, v18;
	v18 =	vld [tilespmem:$0x1FE60]  }
0x13a: {  	v12 =	vmul.f32 v12, v10;
	v7 =	vmul.f32 v7, v10;
	v1 =	vadd.f32 v16, v1;
	v16 =	vld [tilespmem:$0x1FEA0]  }
0x13b: {  	v9 =	vmul.f32 v9, v6;
	v15 =	vmul.f32 v15, v6;
	[tilespmem:s18+$0x5E0] =	vst v14;
	v14 =	vld [tilespmem:s18+$0x4550]  }
0x13c: {  	[tilespmem:s18+$0x590] =	vst v5;
	v5 =	vld [tilespmem:s18+$0x4510]  }
0x13d: {  	v9 =	vadd.f32 v12, v9;
	v12 =	vld [tilespmem:s18+$0x570];
	v7 =	vadd.f32 v7, v15  }
0x13e: {  	v15 =	vld [tilespmem:s18+$0x540]  }
0x13f: {  	v11 =	vmul.f32 v11, v10;
	v17 =	vmul.f32 v17, v6;
	[tilespmem:s18+$0x5B0] =	vst v7;
	v7 =	vld [tilespmem:s18+$0x4530]  }
0x140: {  	v4 =	vmul.f32 v4, v10;
	v6 =	vmul.f32 v16, v6;
	v16 =	vld [tilespmem:s18+$0x4540]  }
0x141: {  	[tilespmem:s18+$0x5D0] =	vst v9;
	v9 =	vbroadcast v34, $0x4;
	v10 =	vadd.f32 v11, v17;
	v11 =	vbroadcast v8, $0x4;
	v17 =	vld [tilespmem:$0x1FE90]  }
0x142: {  	v31 =	vmul.f32 v62, v61;
	v4 =	vadd.f32 v4, v6;
	v6 =	vld [tilespmem:s18+$0x4520]  }
0x143: {  	v12 =	vmul.f32 v12, v9;
	[tilespmem:s18+$0x5A0] =	vst v10;
	v10 =	vmul.f32 v13, v11;
	v13 =	vld [tilespmem:$0x1FE80]  }
0x144: {  	v30 =	vadd.f32 v31, v30;
	v19 =	vmul.f32 v19, v9;
	v5 =	vmul.f32 v5, v11;
	[tilespmem:s18+$0x580] =	vst v4;
	v4 =	vld [tilespmem:s18+$0x4500]  }
0x145: {  	v10 =	vadd.f32 v10, v12;
	v12 =	vld [tilespmem:s18+$0x4F0]  }
0x146: {  	[tilespmem:s18+$0x840] =	vst v30;
	v15 =	vmul.f32 v15, v9;
	v16 =	vmul.f32 v16, v11;
	v5 =	vadd.f32 v5, v19;
	v19 =	vld [tilespmem:$0x1FD80]  }
0x147: {  	[tilespmem:s18+$0x570] =	vst v10;
	v10 =	vld [tilespmem:s18+$0x44D0]  }
0x148: {  	v0 =	vmul.f32 v0, v11;
	v17 =	vmul.f32 v17, v9;
	v15 =	vadd.f32 v16, v15;
	v16 =	vld [tilespmem:$0x1FE40]  }
0x149: {  	v18 =	vmul.f32 v18, v9;
	[tilespmem:s18+$0x510] =	vst v5;
	v5 =	vld [tilespmem:s18+$0x4480]  }
0x14a: {  	v14 =	vmul.f32 v14, v11;
	v7 =	vmul.f32 v7, v11;
	v0 =	vadd.f32 v0, v17;
	v17 =	vld [tilespmem:$0x1FE70]  }
0x14b: {  	v6 =	vmul.f32 v6, v11;
	v4 =	vmul.f32 v4, v11;
	v11 =	vld [tilespmem:s18+$0x44B0]  }
0x14c: {  	v13 =	vmul.f32 v13, v9;
	[tilespmem:s18+$0x540] =	vst v15;
	v15 =	vld [tilespmem:$0x1FE20]  }
0x14d: {  	v6 =	vadd.f32 v6, v18;
	v18 =	vld [tilespmem:$0x1FDE0]  }
0x14e: {  	v13 =	vadd.f32 v14, v13;
	v14 =	vld [tilespmem:s18+$0x44F0]  }
0x14f: {  	[tilespmem:s18+$0x560] =	vst v0;
	v0 =	vld [tilespmem:s18+$0x4C0];
	v17 =	vmul.f32 v17, v9  }
0x150: {  	[tilespmem:s18+$0x520] =	vst v6;
	v6 =	vld [tilespmem:s18+$0x4490]  }
0x151: {  	[tilespmem:s18+$0x5C0] =	vst v1;
	v9 =	vmul.f32 v16, v9;
	v7 =	vadd.f32 v7, v17;
	v17 =	vld [tilespmem:$0x1FE30]  }
0x152: {  	v1 =	vbroadcast v34, $0x3;
	[tilespmem:s18+$0x550] =	vst v13;
	v13 =	vbroadcast v8, $0x3;
	v16 =	vld [tilespmem:s18+$0x44C0]  }
0x153: {  	v4 =	vadd.f32 v4, v9;
	v9 =	vld [tilespmem:$0x1FE10]  }
0x154: {  	v12 =	vmul.f32 v12, v1;
	v14 =	vmul.f32 v14, v13;
	[tilespmem:s18+$0x530] =	vst v7;
	v7 =	vld [tilespmem:s18+$0x44A0]  }
0x155: {  	v18 =	vmul.f32 v18, v1;
	v6 =	vmul.f32 v6, v13;
	[tilespmem:s18+$0x500] =	vst v4;
	v4 =	vld [tilespmem:s18+$0x4460]  }
0x156: {  	v15 =	vmul.f32 v15, v1;
	v12 =	vadd.f32 v14, v12;
	v14 =	vld [tilespmem:$0x1FE00];
	v17 =	vmul.f32 v17, v13  }
0x157: {  	v6 =	vadd.f32 v6, v18;
	v18 =	vld [tilespmem:$0x1FD90]  }
0x158: {  	v0 =	vmul.f32 v0, v1;
	v16 =	vmul.f32 v16, v13;
	v15 =	vadd.f32 v17, v15;
	v17 =	vld [tilespmem:$0x1FDF0]  }
0x159: {  	[tilespmem:s18+$0x4F0] =	vst v12;
	v12 =	vld [tilespmem:s18+$0x4470]  }
0x15a: {  	v10 =	vmul.f32 v10, v13;
	v9 =	vmul.f32 v9, v1;
	v0 =	vadd.f32 v16, v0;
	v16 =	vld [tilespmem:$0x1FDD0]  }
0x15b: {  	v11 =	vmul.f32 v11, v13;
	[tilespmem:s18+$0x490] =	vst v6;
	v6 =	vld [tilespmem:s18+$0x4410]  }
0x15c: {  	v5 =	vmul.f32 v5, v13;
	v14 =	vmul.f32 v14, v1;
	v9 =	vadd.f32 v10, v9;
	v10 =	vld [tilespmem:s18+$0x470]  }
0x15d: {  	v7 =	vmul.f32 v7, v13;
	[tilespmem:s18+$0x4E0] =	vst v15;
	v15 =	vld [tilespmem:s18+$0x4450];
	v17 =	vmul.f32 v17, v1  }
0x15e: {  	v13 =	vbroadcast v8, $0x2;
	v11 =	vadd.f32 v11, v14;
	[tilespmem:s18+$0x4D0] =	vst v9;
	v9 =	vbroadcast v34, $0x2;
	v14 =	vld [tilespmem:s18+$0x440]  }
0x15f: {  	v7 =	vadd.f32 v7, v17;
	v17 =	vld [tilespmem:$0x1FDC0]  }
0x160: {  	v6 =	vmul.f32 v6, v13;
	[tilespmem:s18+$0x4B0] =	vst v11;
	v11 =	vld [tilespmem:s18+$0x4430];
	v19 =	vmul.f32 v19, v9  }
0x161: {  	v1 =	vmul.f32 v16, v1;
	v16 =	vld [tilespmem:s18+$0x4440]  }
0x162: {  	v6 =	vadd.f32 v6, v19;
	v19 =	vld [tilespmem:$0x1FC60]  }
0x163: {  	v1 =	vadd.f32 v5, v1;
	v5 =	vld [tilespmem:s18+$0x4420]  }
0x164: {  	v4 =	vmul.f32 v4, v13;
	[tilespmem:s18+$0x410] =	vst v6;
	v6 =	vld [tilespmem:s18+$0x4380];
	v17 =	vmul.f32 v17, v9  }
0x165: {  	[tilespmem:s18+$0x480] =	vst v1;
	v1 =	vld [tilespmem:s18+$0x4400]  }
0x166: {  	v10 =	vmul.f32 v10, v9;
	[tilespmem:s18+$0x4A0] =	vst v7;
	v7 =	vmul.f32 v12, v13;
	v4 =	vadd.f32 v4, v17;
	v17 =	vld [tilespmem:$0x1FDA0]  }
0x167: {  	v14 =	vmul.f32 v14, v9;
	v12 =	vld [tilespmem:$0x1FDB0];
	v16 =	vmul.f32 v16, v13  }
0x168: {  	v7 =	vadd.f32 v7, v10;
	v10 =	vld [tilespmem:s18+$0x3F0]  }
0x169: {  	v15 =	vmul.f32 v15, v13;
	v14 =	vadd.f32 v16, v14;
	v16 =	vld [tilespmem:$0x1FD70]  }
0x16a: {  	v11 =	vmul.f32 v11, v13;
	v5 =	vmul.f32 v5, v13;
	[tilespmem:s18+$0x470] =	vst v7;
	v7 =	vld [tilespmem:s18+$0x43D0]  }
0x16b: {  	v1 =	vmul.f32 v1, v13;
	v13 =	vld [tilespmem:s18+$0x43B0];
	v17 =	vmul.f32 v17, v9  }
0x16c: {  	v18 =	vmul.f32 v18, v9;
	v12 =	vmul.f32 v12, v9;
	[tilespmem:s18+$0x440] =	vst v14;
	v14 =	vld [tilespmem:$0x1FD50]  }
0x16d: {  	v11 =	vadd.f32 v11, v17;
	v17 =	vld [tilespmem:$0x1FD60]  }
0x16e: {  	[tilespmem:s18+$0x4C0] =	vst v0;
	v5 =	vadd.f32 v5, v18;
	v18 =	vld [tilespmem:$0x1FD10];
	v12 =	vadd.f32 v15, v12  }
0x16f: {  	v15 =	vld [tilespmem:s18+$0x43F0];
	[tilespmem:s18+$0x460] =	vst v4;
	v9 =	vmul.f32 v16, v9  }
0x170: {  	v0 =	vbroadcast v34, $0x1;
	v4 =	vld [tilespmem:s18+$0x3C0];
	[tilespmem:s18+$0x450] =	vst v12;
	v12 =	vbroadcast v8, $0x1  }
0x171: {  	[tilespmem:s18+$0x420] =	vst v5;
	v5 =	vld [tilespmem:s18+$0x4390];
	v1 =	vadd.f32 v1, v9  }
0x172: {  	v16 =	vld [tilespmem:s18+$0x43C0];
	v14 =	vmul.f32 v14, v0;
	v17 =	vmul.f32 v17, v12  }
0x173: {  	[tilespmem:s18+$0x400] =	vst v1;
	v1 =	vld [tilespmem:$0x1FD30]  }
0x174: {  	v9 =	vld [tilespmem:$0x1FD40];
	v14 =	vadd.f32 v17, v14  }
0x175: {  	v10 =	vmul.f32 v10, v0;
	v15 =	vmul.f32 v15, v12;
	v17 =	vld [tilespmem:$0x1FD20]  }
0x176: {  	v8 =	vbroadcast v8, $0x0;
	v18 =	vmul.f32 v18, v0;
	[tilespmem:s18+$0x3E0] =	vst v14;
	v14 =	vld [tilespmem:$0x1FD00]  }
0x177: {  	v13 =	vmul.f32 v13, v12;
	v5 =	vmul.f32 v5, v12;
	[tilespmem:s18+$0x430] =	vst v11;
	v11 =	vld [tilespmem:s18+$0x43A0];
	v10 =	vadd.f32 v15, v10  }
0x178: {  	v15 =	vmul.f32 v16, v12;
	v16 =	vld [tilespmem:s18+$0x370];
	v1 =	vmul.f32 v1, v0  }
0x179: {  	v6 =	vmul.f32 v6, v12;
	v4 =	vmul.f32 v4, v0;
	v5 =	vadd.f32 v5, v18;
	[tilespmem:s18+$0x3F0] =	vst v10;
	v10 =	vld [tilespmem:s18+$0x4370]  }
0x17a: {  	v18 =	vld [tilespmem:$0x1FCB0];
	v9 =	vmul.f32 v9, v0;
	v1 =	vadd.f32 v13, v1;
	v13 =	vbroadcast v34, $0x0  }
0x17b: {  	v4 =	vadd.f32 v15, v4;
	v15 =	vld [tilespmem:s18+$0x300];
	v17 =	vmul.f32 v17, v0;
	v0 =	vmul.f32 v14, v0  }
0x17c: {  	v7 =	vmul.f32 v7, v12;
	v11 =	vmul.f32 v11, v12;
	v12 =	vld [tilespmem:$0x1FCE0]  }
0x17d: {  	v14 =	vmul.f32 v16, v13;
	v16 =	vld [tilespmem:$0x1FCC0];
	v0 =	vadd.f32 v6, v0  }
0x17e: {  	v10 =	vmul.f32 v10, v8;
	v11 =	vadd.f32 v11, v17;
	v17 =	vld [tilespmem:$0x1FCD0]  }
0x17f: {  	[tilespmem:s18+$0x380] =	vst v0;
	v0 =	vld [tilespmem:$0x1FCA0]  }
0x180: {  	v10 =	vadd.f32 v10, v14;
	v14 =	vld [tilespmem:$0x1FC80]  }
0x181: {  	v18 =	vmul.f32 v18, v8;
	[tilespmem:s18+$0x3A0] =	vst v11;
	v11 =	vld [tilespmem:$0x1FCF0]  }
0x182: {  	[tilespmem:s18+$0x390] =	vst v5;
	v5 =	vld [tilespmem:s18+$0xAD0];
	v19 =	vmul.f32 v19, v13;
	v21 =	vmul.f32 v21, v13  }
0x183: {  	v7 =	vadd.f32 v7, v9;
	v9 =	vld [tilespmem:s18+$0xAE0];
	v12 =	vmul.f32 v12, v13;
	v16 =	vmul.f32 v16, v13  }
0x184: {  	[tilespmem:s18+$0x3B0] =	vst v1;
	v1 =	vld [tilespmem:s18+$0xAA0];
	v17 =	vmul.f32 v17, v8;
	v0 =	vmul.f32 v0, v13  }
0x185: {  	v14 =	vmul.f32 v14, v13;
	v13 =	vmul.f32 v15, v13;
	v15 =	vld [tilespmem:$0x1FC50]  }
0x186: {  	[tilespmem:s18+$0x3C0] =	vst v4;
	v11 =	vmul.f32 v11, v8;
	v0 =	vadd.f32 v18, v0;
	v18 =	vld [tilespmem:$0x1FC30]  }
0x187: {  	v20 =	vmul.f32 v20, v8;
	[tilespmem:s18+$0x3D0] =	vst v7;
	v6 =	vld [tilespmem:s18+$0xAB0];
	v16 =	vadd.f32 v17, v16  }
0x188: {  	[tilespmem:s18+$0x370] =	vst v10;
	v11 =	vadd.f32 v11, v12;
	v12 =	vld [tilespmem:s18+$0x4AE0]  }
0x189: {  	v22 =	vmul.f32 v22, v8;
	v10 =	vld [tilespmem:s18+$0xAC0];
	v14 =	vadd.f32 v20, v14;
	[tilespmem:s18+$0x350] =	vst v16  }
0x18a: {  	v17 =	vld [tilespmem:s18+$0x4AD0];
	[tilespmem:s18+$0x360] =	vst v11;
	v15 =	vmul.f32 v15, v8  }
0x18b: {  	v16 =	vld [tilespmem:s18+$0x4AB0];
	[tilespmem:s18+$0x330] =	vst v14;
	v8 =	vmul.f32 v18, v8;
	v18 =	vadd.f32 v22, v19  }
0x18c: {  	v11 =	vld [tilespmem:s18+$0x4AC0];
	[tilespmem:s18+$0x340] =	vst v0;
	v15 =	vadd.f32 v15, v21  }
0x18d: {  	s31 =	sshll.u32 s19, $0xB;
	v9 =	vmul.f32 v9, v3;
	v0 =	vld [tilespmem:s18+$0x4AA0];
	v12 =	vmul.f32 v12, v2;
	[tilespmem:s18+$0x320] =	vst v18  }
0x18e: {  	v62 =	vld [tilespmem:s31+$0x4300];
	[tilespmem:s18+$0x310] =	vst v15  }
0x18f: {  	v9 =	vadd.f32 v12, v9;
	v12 =	vld [tilespmem:s31+$0x310]  }
0x190: {  	v4 =	vld [tilespmem:s18+$0xA90];
	v5 =	vmul.f32 v5, v3  }
0x191: {  	v7 =	vld [tilespmem:s18+$0xA80];
	v1 =	vmul.f32 v1, v3;
	v6 =	vmul.f32 v6, v3;
	v8 =	vadd.f32 v8, v13  }
0x192: {  	v14 =	vld [tilespmem:s18+$0x4A90];
	v17 =	vmul.f32 v17, v2;
	v0 =	vmul.f32 v0, v2  }
0x193: {  	v10 =	vmul.f32 v10, v3;
	v11 =	vmul.f32 v11, v2;
	[tilespmem:s18+$0x300] =	vst v8  }
0x194: {  	v5 =	vadd.f32 v17, v5;
	v8 =	vmul.f32 v16, v2;
	v0 =	vadd.f32 v0, v1;
	v1 =	vld [tilespmem:s31+$0x330];
	[tilespmem:$0x1FC40] =	vst v12  }
0x195: {  	v10 =	vadd.f32 v11, v10;
	v12 =	vld [tilespmem:s31+$0x4310];
	[tilespmem:s18+$0xAE0] =	vst v9  }
0x196: {  	v4 =	vmul.f32 v4, v3;
	v6 =	vadd.f32 v8, v6;
	[tilespmem:s18+$0xAD0] =	vst v5  }
0x197: {  	v3 =	vmul.f32 v7, v3;
	v7 =	vmul.f32 v14, v2;
	v5 =	vld [tilespmem:s31+$0x4320];
	[tilespmem:s18+$0xAC0] =	vst v10  }
0x198: {  	v13 =	vld [tilespmem:s18+$0x4A80];
	[tilespmem:s18+$0xAB0] =	vst v6  }
0x199: {  	[tilespmem:$0x1FC80] =	vst v1;
	v1 =	vadd.f32 v7, v4;
	v4 =	vld [tilespmem:s31+$0x4330]  }
0x19a: {  	[tilespmem:s18+$0xAA0] =	vst v0;
	v0 =	vld [tilespmem:s31+$0x340];
	_ =	sdelay $0x3  }
0x19b: {  	[tilespmem:s18+$0xA90] =	vst v1  }
0x19c: {  	v2 =	vmul.f32 v13, v2;
	[tilespmem:$0x1FCA0] =	vst v0;
	v0 =	vld [tilespmem:s31+$0x4340];
	_ =	sdelay $0x1  }
0x19d: {  	v2 =	vadd.f32 v2, v3;
	_ =	sdelay $0x1  }
0x19e: {  	[tilespmem:s18+$0xA80] =	vst v2;
	s18 =	smov.u32 s31  }
0x19f: {  	[tilespmem:$0x1FCB0] =	vst v0;
	v0 =	vld [tilespmem:s18+$0x350];
	_ =	sdelay $0x4  }
0x1a0: {  	[tilespmem:$0x1FCC0] =	vst v0;
	v0 =	vld [tilespmem:s18+$0x4350];
	_ =	sdelay $0x4  }
0x1a1: {  	[tilespmem:$0x1FCD0] =	vst v0;
	v0 =	vld [tilespmem:s18+$0x360];
	_ =	sdelay $0x4  }
0x1a2: {  	[tilespmem:$0x1FCE0] =	vst v0;
	v0 =	vld [tilespmem:s18+$0x4360];
	_ =	sdelay $0x4  }
0x1a3: {  	[tilespmem:$0x1FCF0] =	vst v0;
	v0 =	vld [tilespmem:s18+$0x380];
	_ =	sdelay $0x4  }
0x1a4: {  	[tilespmem:$0x1FD00] =	vst v0;
	v0 =	vld [tilespmem:s18+$0x390];
	_ =	sdelay $0x4  }
0x1a5: {  	[tilespmem:$0x1FD10] =	vst v0;
	v0 =	vld [tilespmem:s18+$0x3A0];
	_ =	sdelay $0x4  }
0x1a6: {  	[tilespmem:$0x1FD20] =	vst v0;
	v0 =	vld [tilespmem:s18+$0x3B0];
	_ =	sdelay $0x4  }
0x1a7: {  	[tilespmem:$0x1FD30] =	vst v0;
	v0 =	vld [tilespmem:s18+$0x3D0];
	_ =	sdelay $0x4  }
0x1a8: {  	[tilespmem:$0x1FD40] =	vst v0;
	v0 =	vld [tilespmem:s18+$0x3E0];
	_ =	sdelay $0x4  }
0x1a9: {  	[tilespmem:$0x1FD50] =	vst v0;
	v0 =	vld [tilespmem:s18+$0x43E0];
	_ =	sdelay $0x4  }
0x1aa: {  	[tilespmem:$0x1FD60] =	vst v0;
	v0 =	vld [tilespmem:s18+$0x400];
	_ =	sdelay $0x4  }
0x1ab: {  	[tilespmem:$0x1FD70] =	vst v0;
	v0 =	vld [tilespmem:s18+$0x410];
	_ =	sdelay $0x4  }
0x1ac: {  	[tilespmem:$0x1FD80] =	vst v0;
	v0 =	vld [tilespmem:s18+$0x420];
	_ =	sdelay $0x4  }
0x1ad: {  	[tilespmem:$0x1FD90] =	vst v0;
	v0 =	vld [tilespmem:s18+$0x430];
	_ =	sdelay $0x4  }
0x1ae: {  	[tilespmem:$0x1FDA0] =	vst v0;
	v0 =	vld [tilespmem:s18+$0x450];
	_ =	sdelay $0x4  }
0x1af: {  	[tilespmem:$0x1FDB0] =	vst v0;
	v0 =	vld [tilespmem:s18+$0x460];
	_ =	sdelay $0x4  }
0x1b0: {  	[tilespmem:$0x1FDC0] =	vst v0;
	v0 =	vld [tilespmem:s18+$0x480];
	_ =	sdelay $0x4  }
0x1b1: {  	[tilespmem:$0x1FDD0] =	vst v0;
	v0 =	vld [tilespmem:s18+$0x490];
	_ =	sdelay $0x4  }
0x1b2: {  	[tilespmem:$0x1FDE0] =	vst v0;
	v0 =	vld [tilespmem:s18+$0x4A0];
	_ =	sdelay $0x4  }
0x1b3: {  	[tilespmem:$0x1FDF0] =	vst v0;
	v0 =	vld [tilespmem:s18+$0x4B0];
	_ =	sdelay $0x4  }
0x1b4: {  	[tilespmem:$0x1FE00] =	vst v0;
	v0 =	vld [tilespmem:s18+$0x4D0];
	_ =	sdelay $0x4  }
0x1b5: {  	[tilespmem:$0x1FE10] =	vst v0;
	v0 =	vld [tilespmem:s18+$0x4E0];
	_ =	sdelay $0x4  }
0x1b6: {  	[tilespmem:$0x1FE20] =	vst v0;
	v0 =	vld [tilespmem:s18+$0x44E0];
	_ =	sdelay $0x4  }
0x1b7: {  	[tilespmem:$0x1FE30] =	vst v0;
	v0 =	vld [tilespmem:s18+$0x500];
	_ =	sdelay $0x4  }
0x1b8: {  	[tilespmem:$0x1FE40] =	vst v0;
	v0 =	vld [tilespmem:s18+$0x510];
	_ =	sdelay $0x4  }
0x1b9: {  	[tilespmem:$0x1FE50] =	vst v0;
	v0 =	vld [tilespmem:s18+$0x520];
	_ =	sdelay $0x4  }
0x1ba: {  	[tilespmem:$0x1FE60] =	vst v0;
	v0 =	vld [tilespmem:s18+$0x530];
	_ =	sdelay $0x4  }
0x1bb: {  	[tilespmem:$0x1FE70] =	vst v0;
	v0 =	vld [tilespmem:s18+$0x550];
	_ =	sdelay $0x4  }
0x1bc: {  	[tilespmem:$0x1FE80] =	vst v0;
	v0 =	vld [tilespmem:s18+$0x560];
	_ =	sdelay $0x4  }
0x1bd: {  	[tilespmem:$0x1FE90] =	vst v0;
	v0 =	vld [tilespmem:s18+$0x580];
	_ =	sdelay $0x4  }
0x1be: {  	[tilespmem:$0x1FEA0] =	vst v0;
	v0 =	vld [tilespmem:s18+$0x590];
	_ =	sdelay $0x4  }
0x1bf: {  	[tilespmem:$0x1FEB0] =	vst v0;
	v0 =	vld [tilespmem:s18+$0x5A0];
	_ =	sdelay $0x4  }
0x1c0: {  	[tilespmem:$0x1FEC0] =	vst v0;
	v0 =	vld [tilespmem:s18+$0x5B0];
	_ =	sdelay $0x4  }
0x1c1: {  	[tilespmem:$0x1FED0] =	vst v0;
	v0 =	vld [tilespmem:s18+$0x5D0];
	_ =	sdelay $0x4  }
0x1c2: {  	[tilespmem:$0x1FEE0] =	vst v0;
	v0 =	vld [tilespmem:s18+$0x5E0];
	_ =	sdelay $0x4  }
0x1c3: {  	[tilespmem:$0x1FEF0] =	vst v0;
	v0 =	vld [tilespmem:s18+$0x45E0];
	_ =	sdelay $0x3  }
0x1c4: {  	v9 =	vld [tilespmem:s31+$0x320]  }
0x1c5: {  	[tilespmem:$0x1FF00] =	vst v0;
	v0 =	vld [tilespmem:s18+$0x600]  }
0x1c6: {  	v63 =	vld [tilespmem:s18+$0x6E0]  }
0x1c7: {  	v1 =	vld [tilespmem:s18+$0x700]  }
0x1c8: {  	[tilespmem:$0x1FC90] =	vst v4;
	v4 =	vld [tilespmem:s18+$0x720]  }
0x1c9: {  	[tilespmem:$0x1FC70] =	vst v5;
	v5 =	vld [tilespmem:s18+$0x730]  }
0x1ca: {  	[tilespmem:$0x1FF10] =	vst v0;
	v0 =	vld [tilespmem:s18+$0x610]  }
0x1cb: {  	v6 =	vld [tilespmem:s18+$0x750]  }
0x1cc: {  	v7 =	vld [tilespmem:s18+$0x760]  }
0x1cd: {  	[tilespmem:$0x1FC60] =	vst v9;
	v9 =	vld [tilespmem:s18+$0x780]  }
0x1ce: {  	v10 =	vld [tilespmem:s18+$0x790]  }
0x1cf: {  	[tilespmem:$0x1FF20] =	vst v0;
	v0 =	vld [tilespmem:s18+$0x620]  }
0x1d0: {  	v11 =	vld [tilespmem:s18+$0x7A0]  }
0x1d1: {  	[tilespmem:$0x1FC50] =	vst v12;
	v12 =	vld [tilespmem:s18+$0x7B0]  }
0x1d2: {  	v13 =	vld [tilespmem:s18+$0x7D0]  }
0x1d3: {  	v15 =	vld [tilespmem:s18+$0x7E0]  }
0x1d4: {  	[tilespmem:$0x1FF30] =	vst v0;
	v0 =	vld [tilespmem:s18+$0x630]  }
0x1d5: {  	v14 =	vld [tilespmem:s18+$0x47E0]  }
0x1d6: {  	v16 =	vld [tilespmem:s18+$0x800]  }
0x1d7: {  	v17 =	vld [tilespmem:s18+$0x810]  }
0x1d8: {  	v18 =	vld [tilespmem:s18+$0x820]  }
0x1d9: {  	[tilespmem:$0x1FF40] =	vst v0;
	v0 =	vld [tilespmem:s18+$0x650]  }
0x1da: {  	v19 =	vld [tilespmem:s18+$0x830]  }
0x1db: {  	v20 =	vld [tilespmem:s18+$0x850]  }
0x1dc: {  	v21 =	vld [tilespmem:s18+$0x860]  }
0x1dd: {  	v22 =	vld [tilespmem:s18+$0x880]  }
0x1de: {  	[tilespmem:$0x1FF50] =	vst v0;
	v0 =	vld [tilespmem:s18+$0x660]  }
0x1df: {  	v23 =	vld [tilespmem:s18+$0x890]  }
0x1e0: {  	v24 =	vld [tilespmem:s18+$0x8A0]  }
0x1e1: {  	v25 =	vld [tilespmem:s18+$0x8B0]  }
0x1e2: {  	v26 =	vld [tilespmem:s18+$0x8D0]  }
0x1e3: {  	[tilespmem:$0x1FF60] =	vst v0;
	v0 =	vld [tilespmem:s18+$0x680]  }
0x1e4: {  	v28 =	vld [tilespmem:s18+$0x8E0]  }
0x1e5: {  	v27 =	vld [tilespmem:s18+$0x48E0]  }
0x1e6: {  	v29 =	vld [tilespmem:s18+$0x900]  }
0x1e7: {  	v30 =	vld [tilespmem:s18+$0x910]  }
0x1e8: {  	[tilespmem:$0x1FF70] =	vst v0;
	v0 =	vld [tilespmem:s18+$0x690]  }
0x1e9: {  	v31 =	vld [tilespmem:s18+$0x920]  }
0x1ea: {  	v32 =	vld [tilespmem:s18+$0x930]  }
0x1eb: {  	v33 =	vld [tilespmem:s18+$0x950]  }
0x1ec: {  	v35 =	vld [tilespmem:s18+$0x960]  }
0x1ed: {  	[tilespmem:$0x1FF80] =	vst v0;
	v0 =	vld [tilespmem:s18+$0x6A0]  }
0x1ee: {  	v36 =	vld [tilespmem:s18+$0x980]  }
0x1ef: {  	v37 =	vld [tilespmem:s18+$0x990]  }
0x1f0: {  	v38 =	vld [tilespmem:s18+$0x9A0]  }
0x1f1: {  	v39 =	vld [tilespmem:s18+$0x9B0]  }
0x1f2: {  	[tilespmem:$0x1FF90] =	vst v0;
	v0 =	vld [tilespmem:s18+$0x6B0]  }
0x1f3: {  	v40 =	vld [tilespmem:s18+$0x9D0]  }
0x1f4: {  	v42 =	vld [tilespmem:s18+$0x9E0]  }
0x1f5: {  	v41 =	vld [tilespmem:s18+$0x49E0]  }
0x1f6: {  	v43 =	vld [tilespmem:s18+$0xA00]  }
0x1f7: {  	[tilespmem:$0x1FFA0] =	vst v0;
	v0 =	vld [tilespmem:s18+$0x6D0]  }
0x1f8: {  	v44 =	vld [tilespmem:s18+$0xA10]  }
0x1f9: {  	v45 =	vld [tilespmem:s18+$0xA20]  }
0x1fa: {  	v46 =	vld [tilespmem:s18+$0xA30]  }
0x1fb: {  	v47 =	vld [tilespmem:s18+$0xA40]  }
0x1fc: {  	p0 =	sne.s32 s19, $0x7;
	[tilespmem:$0x1FFB0] =	vst v0;
	v0 =	vld [tilespmem:s18+$0x46E0]  }
.Ltmp1:
0x1fd: {  	v48 =	vld [tilespmem:s18+$0xA50];
	(pc) =	sbr.rel @p0 .LBB2_5-.Ltmp1, $4  }
0x1fe: {  	v49 =	vld [tilespmem:s18+$0xA60]  }
0x1ff: {  	s20 =	sshll.u32 s19, $0x4;
	v50 =	vld [tilespmem:s18+$0xA70]  }
0x200: {  	v34 =	vld [tilespmem:s20+$0x200]  }
0x201: {  	s19 =	sadd.s32 $0x1, s19;
	[tilespmem:$0x1FFC0] =	vst v0;
	v0 =	vld [tilespmem:s18+$0x710]  }
0x202: {  	v8 =	vld [tilespmem:s20+$0x280]  }
0x203: {  	v52 =	vld [tilespmem:s18+$0xAF0];
	_ =	sdelay $0x1  }
0x204: {  	v51 =	vld [tilespmem:s18+$0x4AF0]  }
0x205: {  	v53 =	vld [tilespmem:s18+$0x4A70];
	v2 =	vbroadcast v34, $0xF  }
0x206: {  	v54 =	vld [tilespmem:s18+$0x4A60];
	v57 =	vbroadcast v34, $0xE;
	v3 =	vbroadcast v8, $0xF  }
0x207: {  	v55 =	vld [tilespmem:s18+$0x4A50];
	v52 =	vmul.f32 v52, v2;
	v58 =	vbroadcast v8, $0xE  }
0x208: {  	v56 =	vld [tilespmem:s18+$0x4A40];
	v50 =	vmul.f32 v50, v57;
	v49 =	vmul.f32 v49, v57  }
0x209: {  	v59 =	vld [tilespmem:s18+$0x4A30];
	v48 =	vmul.f32 v48, v57;
	v51 =	vmul.f32 v51, v3  }
0x20a: {  	v60 =	vld [tilespmem:s18+$0x4A20];
	v47 =	vmul.f32 v47, v57;
	v46 =	vmul.f32 v46, v57  }
0x20b: {  	v61 =	vld [tilespmem:s18+$0x4A00];
	v45 =	vmul.f32 v45, v57;
	v44 =	vmul.f32 v44, v57;
	v51 =	vadd.f32 v51, v52  }
0x20c: {  	v43 =	vmul.f32 v43, v57;
	v57 =	vld [tilespmem:s18+$0x9C0];
	v52 =	vmul.f32 v53, v58  }
0x20d: {  	v53 =	vld [tilespmem:s18+$0x4A10];
	[tilespmem:s18+$0xAF0] =	vst v51;
	v51 =	vmul.f32 v54, v58  }
0x20e: {  	v50 =	vadd.f32 v52, v50;
	v52 =	vmul.f32 v55, v58;
	v54 =	vld [tilespmem:s18+$0x49F0];
	v55 =	vmul.f32 v56, v58  }
0x20f: {  	v56 =	vmul.f32 v59, v58;
	v59 =	vmul.f32 v60, v58;
	v60 =	vld [tilespmem:s18+$0x9F0]  }
0x210: {  	v49 =	vadd.f32 v51, v49;
	v51 =	vld [tilespmem:s18+$0x49D0]  }
0x211: {  	[tilespmem:s18+$0xA70] =	vst v50;
	v50 =	vld [tilespmem:s18+$0x49B0];
	v45 =	vadd.f32 v59, v45  }
0x212: {  	v48 =	vadd.f32 v52, v48;
	v46 =	vadd.f32 v56, v46;
	v59 =	vmul.f32 v61, v58;
	v52 =	vld [tilespmem:s18+$0x49A0];
	[tilespmem:s18+$0xA60] =	vst v49  }
0x213: {  	v56 =	vmul.f32 v53, v58;
	v53 =	vld [tilespmem:s18+$0x4990];
	[tilespmem:s18+$0xA20] =	vst v45;
	v45 =	vbroadcast v34, $0xD  }
0x214: {  	v49 =	vld [tilespmem:s18+$0x49C0];
	[tilespmem:s18+$0xA30] =	vst v46;
	v46 =	vbroadcast v8, $0xD  }
0x215: {  	[tilespmem:s18+$0xA50] =	vst v48;
	v43 =	vadd.f32 v59, v43;
	v48 =	vld [tilespmem:s18+$0x4910];
	v60 =	vmul.f32 v60, v45  }
0x216: {  	v44 =	vadd.f32 v56, v44;
	v56 =	vld [tilespmem:s18+$0x970];
	v61 =	vmul.f32 v54, v46;
	v42 =	vmul.f32 v42, v45  }
0x217: {  	v54 =	vld [tilespmem:s18+$0x4980];
	v40 =	vmul.f32 v40, v45;
	v59 =	vmul.f32 v57, v45  }
0x218: {  	[tilespmem:s18+$0xA00] =	vst v43;
	v43 =	vld [tilespmem:s18+$0x4960];
	v39 =	vmul.f32 v39, v45;
	v38 =	vmul.f32 v38, v45  }
0x219: {  	v37 =	vmul.f32 v37, v45;
	v57 =	vld [tilespmem:s18+$0x4930];
	v36 =	vmul.f32 v36, v45  }
0x21a: {  	v47 =	vadd.f32 v55, v47;
	v45 =	vld [tilespmem:s18+$0x4820];
	v58 =	vmul.f32 v51, v46;
	v51 =	vmul.f32 v50, v46  }
0x21b: {  	v41 =	vmul.f32 v41, v46;
	[tilespmem:s18+$0xA10] =	vst v44;
	v52 =	vmul.f32 v52, v46;
	v44 =	vadd.f32 v61, v60;
	v61 =	vld [tilespmem:s18+$0x4970]  }
0x21c: {  	v39 =	vadd.f32 v51, v39;
	v51 =	vld [tilespmem:s18+$0x4900]  }
0x21d: {  	[tilespmem:s18+$0xA40] =	vst v47;
	v41 =	vadd.f32 v41, v42;
	v38 =	vadd.f32 v52, v38;
	v52 =	vld [tilespmem:s18+$0x48F0]  }
0x21e: {  	v55 =	vmul.f32 v53, v46;
	[tilespmem:s18+$0x9F0] =	vst v44;
	v44 =	vld [tilespmem:s18+$0x4950]  }
0x21f: {  	v47 =	vbroadcast v34, $0xB;
	v60 =	vmul.f32 v49, v46;
	[tilespmem:s18+$0x9E0] =	vst v41;
	v41 =	vld [tilespmem:s18+$0x4940]  }
0x220: {  	v37 =	vadd.f32 v55, v37;
	v55 =	vld [tilespmem:s18+$0x48D0]  }
0x221: {  	v28 =	vmul.f32 v28, v47;
	v40 =	vadd.f32 v58, v40;
	v49 =	vadd.f32 v60, v59;
	[tilespmem:s18+$0x9B0] =	vst v39;
	v59 =	vld [tilespmem:s18+$0x4920]  }
0x222: {  	[tilespmem:s18+$0x9A0] =	vst v38;
	v38 =	vbroadcast v34, $0xC;
	v39 =	vbroadcast v8, $0xC;
	v60 =	vld [tilespmem:s18+$0x940]  }
0x223: {  	v26 =	vmul.f32 v26, v47;
	[tilespmem:s18+$0x9D0] =	vst v40;
	v58 =	vmul.f32 v54, v46;
	v46 =	vld [tilespmem:s18+$0x48A0]  }
0x224: {  	[tilespmem:s18+$0x990] =	vst v37;
	v37 =	vld [tilespmem:s18+$0x4840];
	v40 =	vmul.f32 v56, v38;
	v61 =	vmul.f32 v61, v39  }
0x225: {  	v25 =	vmul.f32 v25, v47;
	v24 =	vmul.f32 v24, v47;
	v36 =	vadd.f32 v58, v36;
	v58 =	vld [tilespmem:s18+$0x48C0]  }
0x226: {  	[tilespmem:s18+$0x9C0] =	vst v49;
	v35 =	vmul.f32 v35, v38;
	v50 =	vmul.f32 v43, v39;
	v49 =	vadd.f32 v61, v40;
	v61 =	vld [tilespmem:s18+$0x48B0]  }
0x227: {  	v42 =	vmul.f32 v48, v39;
	v48 =	vbroadcast v8, $0xB;
	v40 =	vld [tilespmem:s18+$0x4830]  }
0x228: {  	v33 =	vmul.f32 v33, v38;
	v53 =	vmul.f32 v60, v38;
	v60 =	vld [tilespmem:s18+$0x8F0]  }
0x229: {  	[tilespmem:s18+$0x980] =	vst v36;
	v44 =	vmul.f32 v44, v39;
	v36 =	vmul.f32 v46, v48;
	v46 =	vld [tilespmem:s18+$0x840]  }
0x22a: {  	v57 =	vmul.f32 v57, v39;
	v55 =	vmul.f32 v55, v48;
	[tilespmem:s18+$0x970] =	vst v49;
	v49 =	vld [tilespmem:s18+$0x4890]  }
0x22b: {  	v33 =	vadd.f32 v44, v33;
	v44 =	vmul.f32 v51, v39;
	v51 =	vmul.f32 v52, v48;
	v52 =	vld [tilespmem:s18+$0x8C0]  }
0x22c: {  	v35 =	vadd.f32 v50, v35;
	v54 =	vmul.f32 v41, v39;
	v59 =	vmul.f32 v59, v39;
	v39 =	vld [tilespmem:s18+$0x870]  }
0x22d: {  	v23 =	vmul.f32 v23, v47;
	v22 =	vmul.f32 v22, v47;
	v26 =	vadd.f32 v55, v26;
	v55 =	vld [tilespmem:s18+$0x47D0]  }
0x22e: {  	v32 =	vmul.f32 v32, v38;
	v31 =	vmul.f32 v31, v38;
	[tilespmem:s18+$0x960] =	vst v35;
	v35 =	vld [tilespmem:s18+$0x4790]  }
0x22f: {  	v30 =	vmul.f32 v30, v38;
	v43 =	vbroadcast v34, $0xA;
	v56 =	vadd.f32 v54, v53;
	v53 =	vld [tilespmem:s18+$0x4880]  }
0x230: {  	v29 =	vmul.f32 v29, v38;
	v27 =	vmul.f32 v27, v48;
	v54 =	vld [tilespmem:s18+$0x4860]  }
0x231: {  	v32 =	vadd.f32 v57, v32;
	v21 =	vmul.f32 v21, v43;
	v57 =	vmul.f32 v58, v48;
	v58 =	vld [tilespmem:s18+$0x4870]  }
0x232: {  	v50 =	vmul.f32 v60, v47;
	v60 =	vmul.f32 v61, v48;
	v61 =	vld [tilespmem:s18+$0x4850]  }
0x233: {  	v30 =	vadd.f32 v42, v30;
	v20 =	vmul.f32 v20, v43;
	[tilespmem:s18+$0x940] =	vst v56;
	v56 =	vmul.f32 v52, v47;
	v52 =	vld [tilespmem:s18+$0x47F0]  }
0x234: {  	v29 =	vadd.f32 v44, v29;
	[tilespmem:s18+$0x8D0] =	vst v26;
	v44 =	vbroadcast v8, $0xA;
	v26 =	vmul.f32 v39, v43;
	v39 =	vld [tilespmem:s18+$0x4780]  }
0x235: {  	v38 =	vmul.f32 v49, v48;
	v42 =	vmul.f32 v53, v48;
	v48 =	vld [tilespmem:s18+$0x4810]  }
0x236: {  	v19 =	vmul.f32 v19, v43;
	v18 =	vmul.f32 v18, v43;
	[tilespmem:s18+$0x910] =	vst v30;
	v30 =	vadd.f32 v51, v50;
	v51 =	vld [tilespmem:s18+$0x4800]  }
0x237: {  	v17 =	vmul.f32 v17, v43;
	v47 =	vmul.f32 v58, v44;
	v58 =	vld [tilespmem:s18+$0x47C0]  }
0x238: {  	v16 =	vmul.f32 v16, v43;
	[tilespmem:s18+$0x930] =	vst v32;
	v32 =	vbroadcast v34, $0x9;
	v25 =	vadd.f32 v60, v25;
	v60 =	vld [tilespmem:s18+$0x7F0]  }
0x239: {  	[tilespmem:s18+$0x950] =	vst v33;
	v33 =	vbroadcast v8, $0x9;
	v53 =	vmul.f32 v46, v43;
	v43 =	vld [tilespmem:s18+$0x4770]  }
0x23a: {  	v27 =	vadd.f32 v27, v28;
	v15 =	vmul.f32 v15, v32;
	v13 =	vmul.f32 v13, v32;
	v46 =	vld [tilespmem:s18+$0x4720]  }
0x23b: {  	v12 =	vmul.f32 v12, v32;
	v14 =	vmul.f32 v14, v33;
	v23 =	vadd.f32 v38, v23;
	v38 =	vld [tilespmem:s18+$0x7C0]  }
0x23c: {  	v31 =	vadd.f32 v59, v31;
	v50 =	vmul.f32 v54, v44;
	[tilespmem:s18+$0x8F0] =	vst v30;
	v30 =	vmul.f32 v61, v44;
	v61 =	vld [tilespmem:s18+$0x47B0]  }
0x23d: {  	v14 =	vadd.f32 v14, v15;
	v59 =	vadd.f32 v57, v56;
	v57 =	vmul.f32 v40, v44;
	v40 =	vld [tilespmem:s18+$0x4760]  }
0x23e: {  	v11 =	vmul.f32 v11, v32;
	[tilespmem:s18+$0x900] =	vst v29;
	v54 =	vmul.f32 v37, v44;
	v20 =	vadd.f32 v30, v20;
	v30 =	vld [tilespmem:s18+$0x47A0]  }
0x23f: {  	v15 =	vmul.f32 v55, v33;
	v22 =	vadd.f32 v42, v22;
	v21 =	vadd.f32 v50, v21;
	[tilespmem:s18+$0x7E0] =	vst v14;
	v50 =	vld [tilespmem:s18+$0x46F0]  }
0x240: {  	v49 =	vadd.f32 v47, v26;
	v56 =	vadd.f32 v54, v53;
	v54 =	vld [tilespmem:s18+$0x6F0];
	[tilespmem:s18+$0x8C0] =	vst v59;
	v59 =	vmul.f32 v45, v44  }
0x241: {  	v13 =	vadd.f32 v15, v13;
	[tilespmem:s18+$0x890] =	vst v23;
	v23 =	vld [tilespmem:$0x1FFA0];
	v28 =	vmul.f32 v48, v44;
	v15 =	vmul.f32 v61, v33  }
0x242: {  	v19 =	vadd.f32 v57, v19;
	[tilespmem:s18+$0x870] =	vst v49;
	v49 =	vld [tilespmem:s18+$0x4700];
	v29 =	vmul.f32 v51, v44;
	v42 =	vmul.f32 v58, v33  }
0x243: {  	[tilespmem:s18+$0x7D0] =	vst v13;
	v44 =	vld [tilespmem:s18+$0x4750];
	v41 =	vmul.f32 v38, v32;
	v12 =	vadd.f32 v15, v12;
	v13 =	vmul.f32 v30, v33  }
0x244: {  	v10 =	vmul.f32 v10, v32;
	[tilespmem:s18+$0x830] =	vst v19;
	v48 =	vld [tilespmem:s18+$0x4710]  }
0x245: {  	v14 =	vadd.f32 v42, v41;
	v11 =	vadd.f32 v13, v11;
	[tilespmem:s18+$0x7B0] =	vst v12;
	v12 =	vmul.f32 v35, v33;
	v13 =	vld [tilespmem:s18+$0x770]  }
0x246: {  	v24 =	vadd.f32 v36, v24;
	v9 =	vmul.f32 v9, v32;
	v37 =	vmul.f32 v52, v33;
	v19 =	vld [tilespmem:$0x1FFC0];
	[tilespmem:s18+$0x850] =	vst v20  }
0x247: {  	v45 =	vmul.f32 v39, v33;
	v36 =	vmul.f32 v60, v32;
	[tilespmem:s18+$0x7C0] =	vst v14;
	v14 =	vld [tilespmem:s18+$0x4740];
	v10 =	vadd.f32 v12, v10  }
0x248: {  	v17 =	vadd.f32 v28, v17;
	v15 =	vld [tilespmem:s18+$0x4730];
	[tilespmem:s18+$0x7A0] =	vst v11;
	v11 =	vbroadcast v34, $0x8;
	v12 =	vbroadcast v8, $0x8  }
0x249: {  	v9 =	vadd.f32 v45, v9;
	[tilespmem:s18+$0x790] =	vst v10;
	v10 =	vld [tilespmem:s18+$0x740]  }
0x24a: {  	v38 =	vld [tilespmem:s18+$0x45F0];
	[tilespmem:s18+$0x810] =	vst v17;
	v17 =	vadd.f32 v37, v36;
	v47 =	vmul.f32 v43, v12;
	v13 =	vmul.f32 v13, v11  }
0x24b: {  	v45 =	vld [tilespmem:$0x1FF20];
	[tilespmem:s18+$0x780] =	vst v9;
	v7 =	vmul.f32 v7, v11  }
0x24c: {  	v20 =	vld [tilespmem:$0x1FFB0];
	[tilespmem:s18+$0x7F0] =	vst v17;
	v17 =	vmul.f32 v44, v12;
	v9 =	vadd.f32 v47, v13;
	v13 =	vmul.f32 v40, v12  }
0x24d: {  	v28 =	vld [tilespmem:s18+$0x4640];
	v52 =	vmul.f32 v15, v12;
	v53 =	vmul.f32 v46, v12  }
0x24e: {  	v7 =	vadd.f32 v13, v7;
	[tilespmem:s18+$0x770] =	vst v9;
	v9 =	vmul.f32 v10, v11;
	v10 =	vmul.f32 v14, v12;
	v13 =	vld [tilespmem:s18+$0x46D0]  }
0x24f: {  	[tilespmem:s18+$0x840] =	vst v56;
	v55 =	vmul.f32 v48, v12;
	v56 =	vmul.f32 v49, v12;
	v12 =	vld [tilespmem:s18+$0x4690]  }
0x250: {  	v51 =	vadd.f32 v10, v9;
	v10 =	vld [tilespmem:s18+$0x46B0]  }
0x251: {  	v58 =	vbroadcast v8, $0x7;
	v37 =	vld [tilespmem:$0x1FF60]  }
0x252: {  	[tilespmem:s18+$0x920] =	vst v31;
	v31 =	vbroadcast v34, $0x6;
	v57 =	vbroadcast v34, $0x7;
	v14 =	vld [tilespmem:s18+$0x4680]  }
0x253: {  	[tilespmem:s18+$0x860] =	vst v21;
	v6 =	vmul.f32 v6, v11;
	v21 =	vmul.f32 v13, v58;
	v13 =	vld [tilespmem:s18+$0x4670]  }
0x254: {  	v5 =	vmul.f32 v5, v11;
	v30 =	vmul.f32 v12, v58;
	v12 =	vld [tilespmem:$0x1FF70]  }
0x255: {  	[tilespmem:s18+$0x8A0] =	vst v24;
	v4 =	vmul.f32 v4, v11;
	v24 =	vmul.f32 v10, v58;
	v10 =	vld [tilespmem:s18+$0x670]  }
0x256: {  	v0 =	vmul.f32 v0, v11;
	v1 =	vmul.f32 v1, v11;
	v5 =	vadd.f32 v52, v5;
	v11 =	vld [tilespmem:s18+$0x46A0]  }
0x257: {  	[tilespmem:s18+$0x8E0] =	vst v27;
	v18 =	vadd.f32 v59, v18;
	v32 =	vbroadcast v8, $0x6;
	v15 =	vld [tilespmem:s18+$0x4660];
	v4 =	vadd.f32 v53, v4  }
0x258: {  	v16 =	vadd.f32 v29, v16;
	v59 =	vmul.f32 v54, v57;
	v60 =	vmul.f32 v50, v58;
	v29 =	vld [tilespmem:$0x1FF80];
	[tilespmem:s18+$0x730] =	vst v5  }
0x259: {  	v61 =	vld [tilespmem:s18+$0x6C0];
	v0 =	vadd.f32 v55, v0;
	[tilespmem:s18+$0x720] =	vst v4;
	v5 =	vmul.f32 v14, v58;
	v4 =	vmul.f32 v12, v57  }
0x25a: {  	[tilespmem:s18+$0x880] =	vst v22;
	v6 =	vadd.f32 v17, v6;
	v40 =	vld [tilespmem:$0x1FF40];
	v35 =	vmul.f32 v10, v31;
	v10 =	vmul.f32 v13, v32  }
0x25b: {  	[tilespmem:s18+$0x710] =	vst v0;
	v0 =	vadd.f32 v60, v59;
	v9 =	vld [tilespmem:s18+$0x46C0];
	v27 =	vmul.f32 v11, v58;
	v4 =	vadd.f32 v5, v4  }
0x25c: {  	[tilespmem:s18+$0x820] =	vst v18;
	v11 =	vld [tilespmem:s18+$0x4630];
	v5 =	vmul.f32 v37, v31;
	v36 =	vadd.f32 v10, v35;
	v10 =	vmul.f32 v15, v32  }
0x25d: {  	v1 =	vadd.f32 v56, v1;
	[tilespmem:s18+$0x750] =	vst v6;
	v12 =	vld [tilespmem:s18+$0x4620]  }
0x25e: {  	[tilespmem:s18+$0x6F0] =	vst v0;
	v0 =	vmul.f32 v20, v57;
	v5 =	vadd.f32 v10, v5;
	v10 =	vld [tilespmem:$0x1FF30]  }
0x25f: {  	v18 =	vmul.f32 v63, v57;
	v33 =	vld [tilespmem:s18+$0x640];
	[tilespmem:s18+$0x700] =	vst v1;
	v6 =	vmul.f32 v19, v58  }
0x260: {  	[tilespmem:s18+$0x760] =	vst v7;
	v7 =	vmul.f32 v61, v57;
	v9 =	vmul.f32 v9, v58;
	v0 =	vadd.f32 v21, v0;
	v13 =	vld [tilespmem:s18+$0x4610]  }
0x261: {  	v14 =	vld [tilespmem:s18+$0x4600];
	v41 =	vmul.f32 v11, v32;
	[tilespmem:s18+$0x660] =	vst v5;
	v5 =	vmul.f32 v40, v31  }
0x262: {  	v1 =	vadd.f32 v6, v18;
	v22 =	vadd.f32 v9, v7;
	v9 =	vld [tilespmem:s18+$0x4650];
	[tilespmem:s18+$0x6D0] =	vst v0;
	v0 =	vmul.f32 v29, v57  }
0x263: {  	v15 =	vld [tilespmem:$0x1FF50];
	v11 =	vmul.f32 v12, v32;
	v5 =	vadd.f32 v41, v5;
	v10 =	vmul.f32 v10, v31  }
0x264: {  	[tilespmem:s18+$0x8B0] =	vst v25;
	v43 =	vld [tilespmem:s18+$0x5F0];
	v6 =	vmul.f32 v23, v57;
	v7 =	vmul.f32 v28, v32;
	v0 =	vadd.f32 v30, v0  }
0x265: {  	[tilespmem:s18+$0x630] =	vst v5;
	v5 =	vmul.f32 v45, v31;
	v10 =	vadd.f32 v11, v10;
	v11 =	vmul.f32 v13, v32  }
0x266: {  	v25 =	vadd.f32 v24, v6;
	v6 =	vmul.f32 v14, v32;
	[tilespmem:s18+$0x690] =	vst v0;
	v0 =	vmul.f32 v33, v31  }
0x267: {  	v13 =	vbroadcast v34, $0x5;
	v5 =	vadd.f32 v11, v5;
	v11 =	vbroadcast v8, $0x5  }
0x268: {  	v9 =	vmul.f32 v9, v32;
	v15 =	vmul.f32 v15, v31  }
0x269: {  	v0 =	vadd.f32 v7, v0;
	v7 =	vmul.f32 v43, v13;
	v14 =	vmul.f32 v38, v11  }
0x26a: {  	v39 =	vadd.f32 v9, v15;
	v15 =	vld [tilespmem:$0x1FF00]  }
0x26b: {  	v7 =	vadd.f32 v14, v7;
	v14 =	vld [tilespmem:$0x1FEF0];
	_ =	sdelay $0x4  }
0x26c: {  	v26 =	vld [tilespmem:$0x1FF90];
	v15 =	vmul.f32 v15, v11;
	v14 =	vmul.f32 v14, v13  }
0x26d: {  	v9 =	vld [tilespmem:s18+$0x45D0]  }
0x26e: {  	v14 =	vadd.f32 v15, v14;
	v15 =	vld [tilespmem:$0x1FEE0];
	_ =	sdelay $0x1  }
0x26f: {  	v50 =	vld [tilespmem:s18+$0x4550]  }
0x270: {  	v12 =	vld [tilespmem:$0x1FF10]  }
0x271: {  	v44 =	vld [tilespmem:s18+$0x45B0];
	[tilespmem:s18+$0x6E0] =	vst v1;
	v1 =	vmul.f32 v26, v57  }
0x272: {  	v9 =	vmul.f32 v9, v11;
	[tilespmem:s18+$0x5E0] =	vst v14;
	v14 =	vld [tilespmem:$0x1FED0];
	v15 =	vmul.f32 v15, v13  }
0x273: {  	v42 =	vld [tilespmem:s18+$0x45C0];
	v1 =	vadd.f32 v27, v1  }
0x274: {  	v54 =	vld [tilespmem:s18+$0x44F0];
	v9 =	vadd.f32 v9, v15  }
0x275: {  	[tilespmem:s18+$0x6A0] =	vst v1;
	v1 =	vmul.f32 v12, v31;
	v12 =	vld [tilespmem:s18+$0x45A0]  }
0x276: {  	[tilespmem:s18+$0x5D0] =	vst v9;
	v9 =	vld [tilespmem:$0x1FEC0]  }
0x277: {  	v46 =	vld [tilespmem:s18+$0x5C0];
	[tilespmem:s18+$0x640] =	vst v0;
	v0 =	vmul.f32 v44, v11;
	v14 =	vmul.f32 v14, v13  }
0x278: {  	[tilespmem:s18+$0x620] =	vst v10;
	v10 =	vld [tilespmem:s18+$0x4590]  }
0x279: {  	v0 =	vadd.f32 v0, v14;
	v14 =	vld [tilespmem:$0x1FEB0]  }
0x27a: {  	v47 =	vld [tilespmem:s18+$0x4580]  }
0x27b: {  	v49 =	vld [tilespmem:s18+$0x4570];
	v12 =	vmul.f32 v12, v11;
	v9 =	vmul.f32 v9, v13  }
0x27c: {  	[tilespmem:s18+$0x800] =	vst v16;
	v15 =	vld [tilespmem:$0x1FEA0]  }
0x27d: {  	[tilespmem:s18+$0x740] =	vst v51;
	v9 =	vadd.f32 v12, v9;
	v12 =	vld [tilespmem:s18+$0x570]  }
0x27e: {  	v63 =	vld [tilespmem:s18+$0x44B0];
	[tilespmem:s18+$0x680] =	vst v4;
	v10 =	vmul.f32 v10, v11;
	v14 =	vmul.f32 v14, v13  }
0x27f: {  	v48 =	vld [tilespmem:s18+$0x4560];
	[tilespmem:s18+$0x610] =	vst v5;
	v4 =	vmul.f32 v42, v11;
	v5 =	vmul.f32 v47, v11  }
0x280: {  	v52 =	vld [tilespmem:s18+$0x4530];
	v11 =	vbroadcast v8, $0x4;
	v10 =	vadd.f32 v10, v14;
	[tilespmem:s18+$0x5A0] =	vst v9;
	v9 =	vbroadcast v34, $0x4  }
0x281: {  	v53 =	vld [tilespmem:$0x1FE90];
	v1 =	vadd.f32 v6, v1;
	v6 =	vmul.f32 v46, v13;
	[tilespmem:s18+$0x5F0] =	vst v7;
	v13 =	vmul.f32 v15, v13  }
0x282: {  	v51 =	vld [tilespmem:s18+$0x4540];
	v7 =	vmul.f32 v49, v11;
	[tilespmem:s18+$0x590] =	vst v10;
	v10 =	vmul.f32 v12, v9  }
0x283: {  	v5 =	vadd.f32 v5, v13;
	v13 =	vld [tilespmem:s18+$0x540]  }
0x284: {  	v7 =	vadd.f32 v7, v10;
	v10 =	vld [tilespmem:$0x1FE80]  }
0x285: {  	v56 =	vld [tilespmem:s18+$0x44D0]  }
0x286: {  	v58 =	vld [tilespmem:$0x1FE70];
	v4 =	vadd.f32 v4, v6  }
0x287: {  	v61 =	vld [tilespmem:$0x1FE60]  }
0x288: {  	[tilespmem:s18+$0x5C0] =	vst v4;
	v6 =	vmul.f32 v50, v11;
	v4 =	vmul.f32 v51, v11;
	v14 =	vld [tilespmem:s18+$0x4520]  }
0x289: {  	v17 =	vld [tilespmem:$0x1FE50];
	v55 =	vmul.f32 v13, v9;
	v10 =	vmul.f32 v10, v9  }
0x28a: {  	[tilespmem:s18+$0x5B0] =	vst v0;
	v0 =	vmul.f32 v52, v11;
	v12 =	vld [tilespmem:s18+$0x4510]  }
0x28b: {  	v59 =	vld [tilespmem:s18+$0x44C0];
	v57 =	vadd.f32 v4, v55;
	v4 =	vmul.f32 v58, v9;
	v6 =	vadd.f32 v6, v10  }
0x28c: {  	v60 =	vld [tilespmem:s18+$0x4F0]  }
0x28d: {  	v19 =	vld [tilespmem:s18+$0x4480];
	v0 =	vadd.f32 v0, v4;
	v10 =	vmul.f32 v14, v11;
	[tilespmem:s18+$0x550] =	vst v6;
	v6 =	vmul.f32 v61, v9  }
0x28e: {  	v18 =	vld [tilespmem:s18+$0x4490]  }
0x28f: {  	v15 =	vld [tilespmem:s18+$0x4500];
	[tilespmem:s18+$0x530] =	vst v0;
	v0 =	vmul.f32 v17, v9;
	v6 =	vadd.f32 v10, v6;
	v10 =	vmul.f32 v12, v11  }
0x290: {  	v23 =	vld [tilespmem:s18+$0x4440]  }
0x291: {  	v21 =	vld [tilespmem:s18+$0x4450];
	v13 =	vbroadcast v34, $0x3;
	v0 =	vadd.f32 v10, v0;
	v10 =	vbroadcast v8, $0x3  }
0x292: {  	v27 =	vld [tilespmem:$0x1FDC0]  }
0x293: {  	v24 =	vld [tilespmem:s18+$0x4430];
	v4 =	vmul.f32 v60, v13;
	v14 =	vmul.f32 v54, v10  }
0x294: {  	[tilespmem:s18+$0x600] =	vst v1;
	v1 =	vmul.f32 v48, v11;
	v11 =	vmul.f32 v15, v11;
	v15 =	vld [tilespmem:$0x1FE30]  }
0x295: {  	v4 =	vadd.f32 v14, v4;
	v14 =	vld [tilespmem:$0x1FE20]  }
0x296: {  	v28 =	vld [tilespmem:s18+$0x43F0]  }
0x297: {  	[tilespmem:s18+$0x6C0] =	vst v22;
	v22 =	vld [tilespmem:$0x1FDF0]  }
0x298: {  	v12 =	vld [tilespmem:$0x1FE40]  }
0x299: {  	v30 =	vld [tilespmem:$0x1FDA0]  }
0x29a: {  	v37 =	vld [tilespmem:$0x1FD70];
	v15 =	vmul.f32 v15, v10;
	v14 =	vmul.f32 v14, v13  }
0x29b: {  	v33 =	vld [tilespmem:s18+$0x43B0]  }
0x29c: {  	v14 =	vadd.f32 v15, v14;
	v15 =	vld [tilespmem:$0x1FE10]  }
0x29d: {  	v35 =	vld [tilespmem:$0x1FD80];
	[tilespmem:s18+$0x580] =	vst v5;
	v5 =	vmul.f32 v53, v9;
	v9 =	vmul.f32 v12, v9  }
0x29e: {  	[tilespmem:s18+$0x4E0] =	vst v14;
	v14 =	vld [tilespmem:$0x1FE00]  }
0x29f: {  	v9 =	vadd.f32 v11, v9;
	v11 =	vld [tilespmem:s18+$0x4C0]  }
0x2a0: {  	v12 =	vld [tilespmem:s18+$0x44A0]  }
0x2a1: {  	v41 =	vld [tilespmem:s18+$0x370];
	v1 =	vadd.f32 v1, v5;
	[tilespmem:s18+$0x570] =	vst v7;
	v7 =	vmul.f32 v56, v10;
	v15 =	vmul.f32 v15, v13  }
0x2a2: {  	v31 =	vld [tilespmem:s18+$0x43C0]  }
0x2a3: {  	v32 =	vld [tilespmem:s18+$0x3F0];
	[tilespmem:s18+$0x560] =	vst v1;
	v1 =	vmul.f32 v63, v10;
	v7 =	vadd.f32 v7, v15;
	v14 =	vmul.f32 v14, v13  }
0x2a4: {  	v20 =	vmul.f32 v11, v13;
	v11 =	vld [tilespmem:s18+$0x4470]  }
0x2a5: {  	v12 =	vmul.f32 v12, v10;
	[tilespmem:s18+$0x4D0] =	vst v7;
	v1 =	vadd.f32 v1, v14;
	v7 =	vmul.f32 v22, v13;
	v14 =	vld [tilespmem:$0x1FDE0]  }
0x2a6: {  	[tilespmem:s18+$0x6B0] =	vst v25;
	v15 =	vld [tilespmem:$0x1FDD0]  }
0x2a7: {  	[tilespmem:s18+$0x650] =	vst v39;
	v7 =	vadd.f32 v12, v7;
	v12 =	vld [tilespmem:s18+$0x470]  }
0x2a8: {  	v25 =	vbroadcast v34, $0x2;
	v39 =	vld [tilespmem:$0x1FD40];
	[tilespmem:s18+$0x520] =	vst v6;
	v5 =	vmul.f32 v59, v10  }
0x2a9: {  	v43 =	vld [tilespmem:$0x1FD10];
	[tilespmem:s18+$0x510] =	vst v0;
	v6 =	vmul.f32 v18, v10;
	v0 =	vmul.f32 v19, v10  }
0x2aa: {  	v38 =	vld [tilespmem:$0x1FD50];
	v10 =	vbroadcast v8, $0x2;
	v14 =	vmul.f32 v14, v13  }
0x2ab: {  	v42 =	vld [tilespmem:$0x1FD20];
	v13 =	vmul.f32 v15, v13  }
0x2ac: {  	v47 =	vld [tilespmem:s18+$0xAE0];
	v11 =	vmul.f32 v11, v10;
	v6 =	vadd.f32 v6, v14;
	v26 =	vmul.f32 v12, v25  }
0x2ad: {  	v0 =	vadd.f32 v0, v13;
	v13 =	vld [tilespmem:s18+$0x440]  }
0x2ae: {  	[tilespmem:s18+$0x490] =	vst v6;
	v6 =	vadd.f32 v11, v26;
	v11 =	vld [tilespmem:$0x1FDB0]  }
0x2af: {  	[tilespmem:s18+$0x670] =	vst v36;
	v49 =	vld [tilespmem:s18+$0xA80]  }
0x2b0: {  	v50 =	vld [tilespmem:s18+$0x4AE0];
	[tilespmem:s18+$0x4F0] =	vst v4;
	v4 =	vadd.f32 v5, v20  }
0x2b1: {  	[tilespmem:s18+$0x500] =	vst v9;
	v9 =	vld [tilespmem:s18+$0x4460]  }
0x2b2: {  	v5 =	vmul.f32 v21, v10;
	[tilespmem:s18+$0x4C0] =	vst v4;
	v4 =	vmul.f32 v23, v10;
	v12 =	vld [tilespmem:s18+$0x4410]  }
0x2b3: {  	v15 =	vld [tilespmem:s18+$0x4400];
	v29 =	vmul.f32 v13, v25;
	v11 =	vmul.f32 v11, v25  }
0x2b4: {  	v14 =	vld [tilespmem:s18+$0x4420]  }
0x2b5: {  	[tilespmem:s18+$0x4B0] =	vst v1;
	v4 =	vadd.f32 v4, v29;
	v5 =	vadd.f32 v5, v11;
	v11 =	vld [tilespmem:$0x1FD90]  }
0x2b6: {  	v51 =	vld [tilespmem:s18+$0xAA0];
	v9 =	vmul.f32 v9, v10;
	[tilespmem:s18+$0x480] =	vst v0;
	v0 =	vmul.f32 v27, v25  }
0x2b7: {  	v52 =	vld [tilespmem:$0x1FC60];
	v12 =	vmul.f32 v12, v10;
	[tilespmem:s18+$0x440] =	vst v4;
	v4 =	vmul.f32 v35, v25  }
0x2b8: {  	v1 =	vmul.f32 v24, v10;
	[tilespmem:s18+$0x4A0] =	vst v7;
	v7 =	vmul.f32 v37, v25;
	v0 =	vadd.f32 v9, v0;
	v9 =	vld [tilespmem:s18+$0x43D0]  }
0x2b9: {  	v13 =	vmul.f32 v14, v10;
	v10 =	vmul.f32 v15, v10;
	v4 =	vadd.f32 v12, v4;
	v12 =	vld [tilespmem:s18+$0x3C0]  }
0x2ba: {  	v36 =	vbroadcast v34, $0x1;
	v14 =	vld [tilespmem:s18+$0x43A0];
	v11 =	vmul.f32 v11, v25  }
0x2bb: {  	[tilespmem:s18+$0x470] =	vst v6;
	v7 =	vadd.f32 v10, v7;
	v10 =	vld [tilespmem:$0x1FD60]  }
0x2bc: {  	v53 =	vld [tilespmem:$0x1FC70];
	v6 =	vmul.f32 v32, v36;
	[tilespmem:s18+$0x460] =	vst v0;
	v11 =	vadd.f32 v13, v11;
	v13 =	vbroadcast v8, $0x1  }
0x2bd: {  	v55 =	vld [tilespmem:$0x1FC50];
	v0 =	vmul.f32 v30, v25;
	[tilespmem:s18+$0x400] =	vst v7;
	v7 =	vmul.f32 v39, v36  }
0x2be: {  	v54 =	vld [tilespmem:$0x1FC40];
	v40 =	vmul.f32 v12, v36;
	[tilespmem:s18+$0x420] =	vst v11;
	v11 =	vmul.f32 v28, v13  }
0x2bf: {  	v9 =	vmul.f32 v9, v13;
	v12 =	vmul.f32 v14, v13;
	v14 =	vld [tilespmem:$0x1FD00]  }
0x2c0: {  	[tilespmem:s18+$0x410] =	vst v4;
	v4 =	vmul.f32 v38, v36;
	v10 =	vmul.f32 v10, v13;
	v6 =	vadd.f32 v11, v6;
	v11 =	vld [tilespmem:s18+$0x4380]  }
0x2c1: {  	v45 =	vbroadcast v34, $0x0;
	v7 =	vadd.f32 v9, v7;
	v9 =	vld [tilespmem:s18+$0x4370]  }
0x2c2: {  	v46 =	vbroadcast v8, $0x0;
	v0 =	vadd.f32 v1, v0;
	v4 =	vadd.f32 v10, v4;
	v10 =	vld [tilespmem:$0x1FD30]  }
0x2c3: {  	v16 =	vmul.f32 v52, v45;
	v15 =	vld [tilespmem:s18+$0x4390]  }
0x2c4: {  	v17 =	vmul.f32 v53, v46;
	v18 =	vmul.f32 v55, v46;
	[tilespmem:s18+$0x430] =	vst v0;
	v8 =	vld [tilespmem:$0x1FCE0]  }
0x2c5: {  	[tilespmem:s18+$0x3F0] =	vst v6;
	v6 =	vmul.f32 v42, v36;
	v0 =	vmul.f32 v14, v36;
	v14 =	vld [tilespmem:$0x1FC80]  }
0x2c6: {  	v16 =	vadd.f32 v17, v16;
	v11 =	vmul.f32 v11, v13;
	v48 =	vmul.f32 v9, v46;
	v9 =	vld [tilespmem:$0x1FCF0]  }
0x2c7: {  	v1 =	vmul.f32 v33, v13;
	v6 =	vadd.f32 v12, v6;
	v12 =	vld [tilespmem:$0x1FCA0];
	v10 =	vmul.f32 v10, v36  }
0x2c8: {  	v17 =	vmul.f32 v54, v45;
	[tilespmem:s18+$0x450] =	vst v5;
	v5 =	vmul.f32 v31, v13;
	v0 =	vadd.f32 v11, v0;
	v11 =	vld [tilespmem:$0x1FCD0]  }
0x2c9: {  	[tilespmem:s18+$0x3D0] =	vst v7;
	v7 =	vmul.f32 v43, v36;
	v1 =	vadd.f32 v1, v10;
	v10 =	vmul.f32 v15, v13;
	v13 =	vld [tilespmem:$0x1FCB0]  }
0x2ca: {  	[tilespmem:s18+$0x540] =	vst v57;
	v17 =	vadd.f32 v18, v17;
	v15 =	vld [tilespmem:$0x1FC90]  }
0x2cb: {  	[tilespmem:s18+$0x320] =	vst v16;
	v8 =	vmul.f32 v8, v45;
	v44 =	vadd.f32 v10, v7;
	v10 =	vld [tilespmem:$0x1FCC0];
	v9 =	vmul.f32 v9, v46  }
0x2cc: {  	v57 =	vld [tilespmem:s18+$0x4A80];
	[tilespmem:s18+$0x310] =	vst v17;
	v5 =	vadd.f32 v5, v40  }
0x2cd: {  	v56 =	vld [tilespmem:s18+$0xA90];
	[tilespmem:s18+$0x3E0] =	vst v4;
	v8 =	vadd.f32 v9, v8  }
0x2ce: {  	[tilespmem:s18+$0x3C0] =	vst v5;
	v12 =	vmul.f32 v12, v45;
	v9 =	vld [tilespmem:s18+$0x4AD0];
	v13 =	vmul.f32 v13, v46  }
0x2cf: {  	v14 =	vmul.f32 v14, v45;
	v15 =	vmul.f32 v15, v46;
	[tilespmem:s18+$0x360] =	vst v8;
	v8 =	vld [tilespmem:s18+$0x4AC0]  }
0x2d0: {  	[tilespmem:s18+$0x3A0] =	vst v6;
	v11 =	vmul.f32 v11, v46;
	v10 =	vmul.f32 v10, v45;
	v12 =	vadd.f32 v13, v12;
	v13 =	vld [tilespmem:s18+$0x300]  }
0x2d1: {  	[tilespmem:s18+$0x3B0] =	vst v1;
	v14 =	vadd.f32 v15, v14;
	v15 =	vld [tilespmem:s18+$0xAC0]  }
0x2d2: {  	v4 =	vmul.f32 v41, v45;
	[tilespmem:s18+$0x380] =	vst v0;
	v10 =	vadd.f32 v11, v10;
	v11 =	vld [tilespmem:s18+$0xAD0]  }
0x2d3: {  	v5 =	vmul.f32 v47, v2;
	v6 =	vmul.f32 v50, v3;
	[tilespmem:s18+$0x340] =	vst v12;
	v12 =	vld [tilespmem:s18+$0x4AA0]  }
0x2d4: {  	v4 =	vadd.f32 v48, v4;
	[tilespmem:s18+$0x330] =	vst v14;
	v14 =	vld [tilespmem:s18+$0xAB0]  }
0x2d5: {  	v61 =	vmul.f32 v57, v3;
	v5 =	vadd.f32 v6, v5;
	v0 =	vmul.f32 v49, v2;
	[tilespmem:s18+$0x350] =	vst v10;
	v10 =	vld [tilespmem:s18+$0x4AB0]  }
0x2d6: {  	[tilespmem:s18+$0x370] =	vst v4;
	v7 =	vmul.f32 v62, v46;
	v1 =	vmul.f32 v13, v45;
	v13 =	vld [tilespmem:s18+$0x4A90]  }
0x2d7: {  	[tilespmem:s18+$0xAE0] =	vst v5;
	v0 =	vadd.f32 v61, v0;
	v9 =	vmul.f32 v9, v3;
	v11 =	vmul.f32 v11, v2  }
0x2d8: {  	[tilespmem:s18+$0x390] =	vst v44;
	v58 =	vmul.f32 v15, v2;
	v8 =	vmul.f32 v8, v3;
	v1 =	vadd.f32 v7, v1  }
0x2d9: {  	v4 =	vmul.f32 v51, v2;
	[tilespmem:s18+$0xA80] =	vst v0;
	v60 =	vmul.f32 v12, v3;
	v9 =	vadd.f32 v9, v11  }
0x2da: {  	v59 =	vmul.f32 v14, v2;
	v6 =	vadd.f32 v8, v58;
	[tilespmem:s18+$0x300] =	vst v1;
	v10 =	vmul.f32 v10, v3  }
0x2db: {  	v8 =	vmul.f32 v56, v2;
	v62 =	vadd.f32 v60, v4;
	[tilespmem:s18+$0xAD0] =	vst v9;
	v9 =	vmul.f32 v13, v3  }
0x2dc: {  	[tilespmem:s18+$0xAC0] =	vst v6;
	v1 =	vadd.f32 v10, v59  }
0x2dd: {  	[tilespmem:s18+$0xAA0] =	vst v62;
	v63 =	vadd.f32 v9, v8  }
0x2de: {  	s19 =	sshll.u32 s17, $0xB;
	[tilespmem:s18+$0xAB0] =	vst v1  }
0x2df: {  	s17 =	sadd.s32 $0x1, s17;
	s31 =	sadd.s32 s19, s7;
	[tilespmem:s18+$0xA90] =	vst v63  }
0x2e0: {  	[hbm4b:s31+s3] =	stream.linear.scatter [tilespmem:s12], [sflag:$0x3], $0x4000, $0x38;
	[tilespmem:$0x8300] =	vst v63  }
0x2e1: {  	p0 =	sne.s32 s17, $0x8;
	_ =	swait.ge [sflag:s9], $0x4000  }
.Ltmp2:
0x2e2: {  	v11 =	vld [tilespmem:$0x1FFE0];
	(pc) =	sbr.rel @p0 .LBB2_2-.Ltmp2, $3  }
0x2e3: {  	_ =	sdelay $0x1  }
0x2e4: {  	[sflag:s9] =	ssyncset.done $0x0;
	v12 =	vld [tilespmem:$0x1FFF0]  }
0x2e5: {  	v13 =	vimm.s32 $0x0;
	v10 =	vld [tilespmem:$0x1FFD0];
	[sflag:s9] =	ssyncadd.s32 $0xFFFFC000  }
0x2e6: {  	s16 =	sadd.s32 $0x1, s16  }
0x2e7: {  	p0 =	sne.s32 s16, s8  }
.Ltmp3:
0x2e8: {  	_ = 	snop;
	(pc) =	sbr.rel @p0 .LBB2_1-.Ltmp3, $1  }
0x2e9: {  	_ =	sdelay $0x3  }
0x2ea: {  	_ =	sfence.sel $0x180000  }
0x2eb: {  	[bflag:$0x0] =	sbarrier.arrive $0xFFFF  }
0x2ec: {  	p0 =	sne.s32 s2, $0x0;
	_ =	strace $0x90000047  }
0x2ed: {  	s0 =	sadd.s32 @!p0 $0x100000, s0;
	[bflag:$0x2] =	sbarrier.arrive $0xFFFF  }
0x2ee: {  	[sflag:s0] =	ssyncadd.tile.s32 @!p0 $0x1;
	_ =	shalt  }
.Lfunc_end2:
_tile_overlayer_lowered:
.L_overlay_start_2:
0x2ef: {  	(tag) =	ssettag $0x2  }
0x2f0: {  	s0 =	rddreg [dreg:$0x0];
	s2 =	stileid.u32  }
0x2f1: {  	s1 =	rddreg [dreg:$0x1];
	p0 =	sne.s32 s2, $0x0  }
0x2f2: {  	s3 =	rddreg [dreg:$0x2];
	[bflag:$0x3] =	sbarrier.arrive $0xFFFF;
	s2 =	simm.s32 @!p0 $0x1C03  }
0x2f3: {  	[timem:s3], [sflag:s2] =	dma.local @!p0 [hbm:s0], s1  }
0x2f4: {  	s0 =	simm.s32 @!p0 $0x3  }
0x2f5: {  	_ =	swait.ge @!p0 [sflag:s0], s1  }
0x2f6: {  	s1 =	ssub.s32 @!p0 $0x0, s1;
	[sflag:s0] =	ssyncset.done @!p0 $0x0  }
0x2f7: {  	[sflag:s0] =	ssyncadd.s32 @!p0 s1  }
0x2f8: {  	[bflag:$0x3] =	sbarrier.arrive $0xFFFF  }
0x2f9: {  	_ =	shalt  }

</sc_bundles>
